<compile_context>
chip_gen: v7x
topology: tpu7x:2x2x1
jax: 0.10.2.dev20260603
libtpu: 0.0.44.dev20260713+nightly
codegen_flags: <defaults>
</compile_context>

<pallas_src>
import functools

import jax
import jax.numpy as jnp
from jax import lax
from jax.experimental import pallas as pl
from jax.experimental.pallas import tpu as pltpu
from jax.experimental.pallas import tpu_sc as plsc

_N = 10000
_E = 320000
_NPAD = 10112
_RPT = _NPAD // 16
_CH = 128
_NCHUNK = 80
_TILES = 32
_EPAD = _TILES * _NCHUNK * _CH
_DC = 8
_NR = 4

_mesh = plsc.VectorSubcoreMesh(
    core_axis_name="c", subcore_axis_name="s", num_cores=2, num_subcores=16)


def _make_agg(d):

  @functools.partial(
      pl.kernel,
      out_type=jax.ShapeDtypeStruct((2, _NPAD, d), jnp.float32),
      mesh=_mesh,
      compiler_params=pltpu.CompilerParams(use_tc_tiling_on_sc=False),
      scratch_types=[
          pltpu.VMEM((_NCHUNK, _CH), jnp.int32),
          pltpu.VMEM((_NR, _CH), jnp.int32),
          pltpu.VMEM((_NR, _CH, d), jnp.float32),
          pltpu.VMEM_SHARED((_NPAD, d), jnp.float32),
          pltpu.VMEM_SHARED((_NPAD, d), jnp.float32),
          pltpu.SemaphoreType.DMA,
          pltpu.SemaphoreType.DMA,
          pltpu.SemaphoreType.DMA,
      ],
  )
  def agg(g_hbm, src_hbm, dst_hbm, zeros_hbm, out_hbm,
          src_v, dring_v, rows_v, g_sh, acc_sh, gsem, ssem, isem):
    c = lax.axis_index("c")
    s = lax.axis_index("s")
    t = c * 16 + s
    row0 = s * _RPT
    pltpu.sync_copy(g_hbm.at[pl.ds(row0, _RPT)], g_sh.at[pl.ds(row0, _RPT)])
    pltpu.sync_copy(zeros_hbm, acc_sh.at[pl.ds(row0, _RPT)])
    pltpu.sync_copy(src_hbm.at[t], src_v)
    plsc.subcore_barrier()

    def issue(j, b):
      pltpu.async_copy(dst_hbm.at[t].at[j], dring_v.at[b], isem)
      pltpu.async_copy(g_sh.at[src_v.at[j]], rows_v.at[b], gsem)

    def scat(b):
      return pltpu.make_async_copy(
          rows_v.at[b], acc_sh.at[dring_v.at[b]], ssem)

    for b in range(2):
      issue(b, b)

    def outer(o, carry):
      for b4 in range(_NR):
        j = o * _NR + b4
        pltpu.make_async_copy(dst_hbm.at[t].at[j], dring_v.at[b4], isem).wait()
        pltpu.make_async_copy(g_sh.at[src_v.at[j]], rows_v.at[b4], gsem).wait()
        pltpu.async_copy(rows_v.at[b4], acc_sh.at[dring_v.at[b4]], ssem,
                         add=True)

        @pl.when(j >= 2)
        def _():
          scat((b4 - 2) % _NR).wait()

        @pl.when(j + 2 < _NCHUNK)
        def _():
          issue(j + 2, (b4 + 2) % _NR)

      return carry

    lax.fori_loop(0, _NCHUNK // _NR, outer, 0)
    scat((_NCHUNK - 2) % _NR).wait()
    scat((_NCHUNK - 1) % _NR).wait()
    plsc.subcore_barrier()
    pltpu.sync_copy(acc_sh.at[pl.ds(row0, _RPT)],
                    out_hbm.at[c].at[pl.ds(row0, _RPT)])

  return agg


@functools.partial(
    pl.kernel,
    out_type=jax.ShapeDtypeStruct((2, _NPAD, _DC), jnp.float32),
    mesh=_mesh,
    compiler_params=pltpu.CompilerParams(use_tc_tiling_on_sc=False),
    scratch_types=[
        pltpu.VMEM((_NCHUNK, _CH), jnp.int32),
        pltpu.VMEM((_CH, _DC), jnp.float32),
        pltpu.VMEM_SHARED((_NPAD, _DC), jnp.float32),
        pltpu.SemaphoreType.DMA,
    ],
)
def _deg_kernel(dst_hbm, ones_hbm, zeros_hbm, out_hbm,
                dst_v, ones_v, acc_sh, ssem):
  c = lax.axis_index("c")
  s = lax.axis_index("s")
  t = c * 16 + s
  row0 = s * _RPT
  pltpu.sync_copy(zeros_hbm, acc_sh.at[pl.ds(row0, _RPT)])
  pltpu.sync_copy(dst_hbm.at[t], dst_v)
  pltpu.sync_copy(ones_hbm, ones_v)
  plsc.subcore_barrier()

  def body(j, carry):
    pltpu.async_copy(ones_v, acc_sh.at[dst_v.at[j]], ssem, add=True)

    @pl.when(j >= 8)
    def _():
      pltpu.make_async_copy(ones_v, acc_sh.at[dst_v.at[j]], ssem).wait()

    return carry

  lax.fori_loop(0, _NCHUNK, body, 0)

  def drain(j, carry):
    pltpu.make_async_copy(ones_v, acc_sh.at[dst_v.at[j]], ssem).wait()
    return carry

  lax.fori_loop(0, 8, drain, 0)
  plsc.subcore_barrier()
  pltpu.sync_copy(acc_sh.at[pl.ds(row0, _RPT)],
                  out_hbm.at[c].at[pl.ds(row0, _RPT)])


_agg64 = _make_agg(64)
_agg16 = _make_agg(16)


def _mm1_body(x_ref, w1_ref, hw_ref):
  hw_ref[...] = jnp.dot(x_ref[...], w1_ref[...],
                        preferred_element_type=jnp.float32)


def _scale_body(cnt_ref, hw_ref, dis_ref, g_ref):
  cnt = cnt_ref[0, : _N, :] + cnt_ref[1, : _N, :]
  dis = jnp.max(lax.rsqrt(cnt + 1.0), axis=1, keepdims=True)
  dis_ref[...] = dis
  g_ref[: _N, :] = hw_ref[...] * dis
  g_ref[_N :, :] = jnp.zeros((_NPAD - _N, 64), jnp.float32)


def _layer_body(parts_ref, hw_ref, dis_ref, b_ref, wn_ref, hwn_ref, gn_ref, *,
                dn):
  dis = dis_ref[...]
  agg = parts_ref[0, : _N, :] + parts_ref[1, : _N, :]
  h = dis * agg + (dis * dis) * hw_ref[...] + b_ref[...]
  h = jnp.maximum(h, 0.0)
  hwn = jnp.dot(h, wn_ref[...], preferred_element_type=jnp.float32)
  hwn_ref[...] = hwn
  gn_ref[: _N, :] = hwn * dis
  gn_ref[_N :, :] = jnp.zeros((_NPAD - _N, dn), jnp.float32)


def _final_body(parts_ref, hw_ref, dis_ref, b_ref, out_ref):
  dis = dis_ref[...]
  agg = parts_ref[0, : _N, :] + parts_ref[1, : _N, :]
  o = dis * agg + (dis * dis) * hw_ref[...] + b_ref[...]
  col = lax.broadcasted_iota(jnp.int32, (_N, 16), 1)
  mask = col < 6
  om = jnp.where(mask, o, jnp.float32(-1e30))
  m = jnp.max(om, axis=1, keepdims=True)
  ex = jnp.where(mask, jnp.exp(o - m), 0.0)
  lse = m + jnp.log(jnp.sum(ex, axis=1, keepdims=True))
  res = o - lse
  out_ref[...] = res[:, :6]


_f32 = jnp.float32

_mm1_call = pl.pallas_call(
    _mm1_body,
    out_shape=jax.ShapeDtypeStruct((_N, 64), _f32),
)

_scale_call = pl.pallas_call(
    _scale_body,
    out_shape=(
        jax.ShapeDtypeStruct((_N, 1), _f32),
        jax.ShapeDtypeStruct((_NPAD, 64), _f32),
    ),
)

_layer64_call = pl.pallas_call(
    functools.partial(_layer_body, dn=64),
    out_shape=(
        jax.ShapeDtypeStruct((_N, 64), _f32),
        jax.ShapeDtypeStruct((_NPAD, 64), _f32),
    ),
)

_layer16_call = pl.pallas_call(
    functools.partial(_layer_body, dn=16),
    out_shape=(
        jax.ShapeDtypeStruct((_N, 16), _f32),
        jax.ShapeDtypeStruct((_NPAD, 16), _f32),
    ),
)

_final_call = pl.pallas_call(
    _final_body,
    out_shape=jax.ShapeDtypeStruct((_N, 6), _f32),
)


def kernel(x, edge_index, W1, b1, W2, b2, W3, b3):
  src = edge_index[0]
  dst = edge_index[1]
  pad = _EPAD - _E
  srcp = jnp.concatenate([src, jnp.zeros((pad,), jnp.int32)]).reshape(
      _TILES, _NCHUNK, _CH)
  dpad = _N + jnp.arange(pad, dtype=jnp.int32) % (_NPAD - _N)
  dstp = jnp.concatenate([dst, dpad]).reshape(_TILES, _NCHUNK, _CH)
  zeros64 = jnp.zeros((_RPT, 64), _f32)
  zeros16 = jnp.zeros((_RPT, 16), _f32)
  onesd = jnp.ones((_CH, _DC), _f32)
  zerosd = jnp.zeros((_RPT, _DC), _f32)
  W3p = jnp.pad(W3, ((0, 0), (0, 10)))
  b3p = jnp.pad(b3, (0, 10)).reshape(1, 16)

  cnt = _deg_kernel(dstp, onesd, zerosd)
  hw1 = _mm1_call(x, W1)
  dis, g1 = _scale_call(cnt, hw1)
  p1 = _agg64(g1, srcp, dstp, zeros64)
  hw2, g2 = _layer64_call(p1, hw1, dis, b1.reshape(1, 64), W2)
  p2 = _agg64(g2, srcp, dstp, zeros64)
  hw3, g3 = _layer16_call(p2, hw2, dis, b2.reshape(1, 64), W3p)
  p3 = _agg16(g3, srcp, dstp, zeros16)
  return _final_call(p3, hw3, dis, b3p)

# --- scband reference (transcript-rebuilt; emitter-appended) ---
"""Pipeline reference for scband-gcnnet-16552803958871 (READ-ONLY COPY).

The authoritative reference and input builder live on the scoring server;
editing this copy changes nothing except your own understanding.
"""

import jax, jax.numpy as jnp
import numpy as np

N = 10000
E = 320000
D_IN = 128
D_HID = 64
D_OUT = 6


def _glorot(key, shape):
    fan_in, fan_out = shape[0], shape[1]
    limit = np.sqrt(6.0 / (fan_in + fan_out))
    return jax.random.uniform(key, shape, dtype=jnp.float32, minval=-limit, maxval=limit)


def setup_inputs(seed: int = 0) -> dict:
    key = jax.random.key(seed)
    ks = jax.random.split(key, 8)
    x = jax.random.normal(ks[0], (N, D_IN), dtype=jnp.float32)
    edge_index = jax.random.randint(ks[1], (2, E), 0, N, dtype=jnp.int32)
    W1 = _glorot(ks[2], (D_IN, D_HID))
    b1 = jnp.zeros((D_HID,), dtype=jnp.float32)
    W2 = _glorot(ks[3], (D_HID, D_HID))
    b2 = jnp.zeros((D_HID,), dtype=jnp.float32)
    W3 = _glorot(ks[4], (D_HID, D_OUT))
    b3 = jnp.zeros((D_OUT,), dtype=jnp.float32)
    return {"x": x, "edge_index": edge_index, "W1": W1, "b1": b1, "W2": W2, "b2": b2, "W3": W3, "b3": b3}


def _gcn_layer(h, W, b, src, dst, norm, n):
    # GCNConv: linear transform, then normalized sum aggregation (aggr='add'), then bias
    h = h @ W
    msg = h[src] * norm[:, None]
    out = jax.ops.segment_sum(msg, dst, num_segments=n)
    return out + b


def reference(x, edge_index, W1, b1, W2, b2, W3, b3):
    n = x.shape[0]
    # add self-loops (torch_geometric GCNConv default)
    loop = jnp.arange(n, dtype=edge_index.dtype)
    src = jnp.concatenate([edge_index[0], loop])
    dst = jnp.concatenate([edge_index[1], loop])
    # symmetric normalization deg^{-1/2}[src] * deg^{-1/2}[dst]
    ones = jnp.ones(src.shape[0], dtype=x.dtype)
    deg = jax.ops.segment_sum(ones, dst, num_segments=n)
    dis = jax.lax.rsqrt(jnp.maximum(deg, 1e-12))
    norm = dis[src] * dis[dst]
    # dropout is identity in eval mode
    h = jax.nn.relu(_gcn_layer(x, W1, b1, src, dst, norm, n))
    h = jax.nn.relu(_gcn_layer(h, W2, b2, src, dst, norm, n))
    out = _gcn_layer(h, W3, b3, src, dst, norm, n)
    return jax.nn.log_softmax(out, axis=1)

if __name__ == "__main__":
    import jax
    _d = setup_inputs()
    print(jax.jit(kernel)(*tuple(_d.values())))

</pallas_src>

<mosaic_0001>
#map = affine_map<(d0, d1) -> (0, 0, 0)>
#map1 = affine_map<(d0, d1) -> (0, 0)>
module attributes {stable_mosaic.version = 14 : i64} {
  func.func @_deg_kernel(%arg0: i32, %arg1: i32, %arg2: memref<32x80x128xi32, #tpu.memory_space<hbm>>, %arg3: memref<128x8xf32, #tpu.memory_space<hbm>>, %arg4: memref<632x8xf32, #tpu.memory_space<hbm>>, %arg5: memref<2x10112x8xf32, #tpu.memory_space<hbm>>, %arg6: memref<80x128xi32, #tpu.memory_space<vmem>>, %arg7: memref<128x8xf32, #tpu.memory_space<vmem>>, %arg8: memref<10112x8xf32, #tpu.memory_space<vmem_shared>>, %arg9: memref<!tpu.dma_semaphore, #tpu.memory_space<semaphore_mem>>) attributes {dimension_semantics = [#tpu.dimension_semantics<core_parallel>, #tpu.dimension_semantics<subcore_parallel>], iteration_bounds = array<i64: 2, 16>, scalar_prefetch = 0 : i64, scratch_operands = 4 : i64, tpu.core_type = #tpu.core_type<sc_vector_subcore>, window_params = [{transform_indices = #map}, {transform_indices = #map1}, {transform_indices = #map1}, {transform_indices = #map}]} {
    %mul3A = arith.constant 16 : i32
    %mul3A_0 = arith.muli %arg0, %mul3A : i32
    %add3A = arith.addi %mul3A_0, %arg1 : i32
    %mul3A_1 = arith.constant 632 : i32
    %mul3A_2 = arith.muli %arg1, %mul3A_1 : i32
    "tpu.region"() ({
      %run_scoped3A = tpu.sem_alloc : memref<!tpu.dma_semaphore, #tpu.memory_space<semaphore_mem>>
      %dma_start3A = arith.constant 0 : i32
      %dma_start3A_15 = tpu.memref_slice %arg8[%mul3A_2, %dma_start3A] : memref<10112x8xf32, #tpu.memory_space<vmem_shared>> -> memref<632x8xf32, #tpu.memory_space<vmem_shared>>
      tpu.enqueue_dma source(%arg4 : memref<632x8xf32, #tpu.memory_space<hbm>>) target(%dma_start3A_15 : memref<632x8xf32, #tpu.memory_space<vmem_shared>>) target_semaphore(%run_scoped3A : memref<!tpu.dma_semaphore, #tpu.memory_space<semaphore_mem>>)
      %dma_wait3A = arith.constant 0 : i32
      %dma_wait3A_16 = tpu.memref_slice %arg8[%mul3A_2, %dma_wait3A] : memref<10112x8xf32, #tpu.memory_space<vmem_shared>> -> memref<632x8xf32, #tpu.memory_space<vmem_shared>>
      tpu.wait_dma2 semaphore(%run_scoped3A : memref<!tpu.dma_semaphore, #tpu.memory_space<semaphore_mem>>) src(%arg4 : memref<632x8xf32, #tpu.memory_space<hbm>>) dst(%dma_wait3A_16 : memref<632x8xf32, #tpu.memory_space<vmem_shared>>)
      tpu.yield
    }) : () -> ()
    "tpu.region"() ({
      %run_scoped3A = tpu.sem_alloc : memref<!tpu.dma_semaphore, #tpu.memory_space<semaphore_mem>>
      %dma_start3A = arith.constant 0 : i32
      %dma_start3A_15 = arith.constant 0 : i32
      %dma_start3A_16 = tpu.memref_slice %arg2[%add3A, %dma_start3A, %dma_start3A_15] : memref<32x80x128xi32, #tpu.memory_space<hbm>> -> memref<1x80x128xi32, #tpu.memory_space<hbm>>
      %dma_start3A_17 = tpu.memref_squeeze %dma_start3A_16 : memref<1x80x128xi32, #tpu.memory_space<hbm>> -> memref<80x128xi32, #tpu.memory_space<hbm>>
      %dma_start3A_18 = arith.constant 0 : i32
      %dma_start3A_19 = arith.constant 0 : i32
      %dma_start3A_20 = tpu.memref_slice %arg2[%add3A, %dma_start3A_18, %dma_start3A_19] : memref<32x80x128xi32, #tpu.memory_space<hbm>> -> memref<1x80x128xi32, #tpu.memory_space<hbm>>
      %dma_start3A_21 = tpu.memref_squeeze %dma_start3A_20 : memref<1x80x128xi32, #tpu.memory_space<hbm>> -> memref<80x128xi32, #tpu.memory_space<hbm>>
      tpu.enqueue_dma source(%dma_start3A_21 : memref<80x128xi32, #tpu.memory_space<hbm>>) target(%arg6 : memref<80x128xi32, #tpu.memory_space<vmem>>) target_semaphore(%run_scoped3A : memref<!tpu.dma_semaphore, #tpu.memory_space<semaphore_mem>>)
      %dma_wait3A = arith.constant 0 : i32
      %dma_wait3A_22 = arith.constant 0 : i32
      %dma_wait3A_23 = tpu.memref_slice %arg2[%add3A, %dma_wait3A, %dma_wait3A_22] : memref<32x80x128xi32, #tpu.memory_space<hbm>> -> memref<1x80x128xi32, #tpu.memory_space<hbm>>
      %dma_wait3A_24 = tpu.memref_squeeze %dma_wait3A_23 : memref<1x80x128xi32, #tpu.memory_space<hbm>> -> memref<80x128xi32, #tpu.memory_space<hbm>>
      %dma_wait3A_25 = arith.constant 0 : i32
      %dma_wait3A_26 = arith.constant 0 : i32
      %dma_wait3A_27 = tpu.memref_slice %arg2[%add3A, %dma_wait3A_25, %dma_wait3A_26] : memref<32x80x128xi32, #tpu.memory_space<hbm>> -> memref<1x80x128xi32, #tpu.memory_space<hbm>>
      %dma_wait3A_28 = tpu.memref_squeeze %dma_wait3A_27 : memref<1x80x128xi32, #tpu.memory_space<hbm>> -> memref<80x128xi32, #tpu.memory_space<hbm>>
      tpu.wait_dma2 semaphore(%run_scoped3A : memref<!tpu.dma_semaphore, #tpu.memory_space<semaphore_mem>>) src(%dma_wait3A_28 : memref<80x128xi32, #tpu.memory_space<hbm>>) dst(%arg6 : memref<80x128xi32, #tpu.memory_space<vmem>>)
      tpu.yield
    }) : () -> ()
    "tpu.region"() ({
      %run_scoped3A = tpu.sem_alloc : memref<!tpu.dma_semaphore, #tpu.memory_space<semaphore_mem>>
      tpu.enqueue_dma source(%arg3 : memref<128x8xf32, #tpu.memory_space<hbm>>) target(%arg7 : memref<128x8xf32, #tpu.memory_space<vmem>>) target_semaphore(%run_scoped3A : memref<!tpu.dma_semaphore, #tpu.memory_space<semaphore_mem>>)
      tpu.wait_dma2 semaphore(%run_scoped3A : memref<!tpu.dma_semaphore, #tpu.memory_space<semaphore_mem>>) src(%arg3 : memref<128x8xf32, #tpu.memory_space<hbm>>) dst(%arg7 : memref<128x8xf32, #tpu.memory_space<vmem>>)
      tpu.yield
    }) : () -> ()
    %barrier3A = arith.constant 0 : index
    tpu.barrier barrier_id(%barrier3A)
    %scan3A = arith.constant 0 : i32
    %scan3A_3 = arith.constant 0 : i32
    %scan3A_4 = arith.constant 80 : i32
    %scan3A_5 = arith.addi %scan3A_3, %scan3A_4 : i32
    %scan3A_6 = arith.constant 1 : i32
    scf.for %scan3A_15 = %scan3A_3 to %scan3A_5 step %scan3A_6  : i32 {
      %dma_start3A = arith.constant 0 : i32
      %dma_start3A_16 = tpu.memref_slice %arg6[%scan3A_15, %dma_start3A] : memref<80x128xi32, #tpu.memory_space<vmem>> -> memref<1x128xi32, #tpu.memory_space<vmem>>
      %dma_start3A_17 = tpu.memref_squeeze %dma_start3A_16 : memref<1x128xi32, #tpu.memory_space<vmem>> -> memref<128xi32, #tpu.memory_space<vmem>>
      %dma_start3A_18 = arith.constant 0 : i32
      %dma_start3A_19 = arith.constant 0 : i32
      %dma_start3A_20 = tpu.memref_slice %arg8[%dma_start3A_18, %dma_start3A_19] : memref<10112x8xf32, #tpu.memory_space<vmem_shared>> -> memref<10112x8xf32, #tpu.memory_space<vmem_shared>>
      tpu.enqueue_indirect_dma source(%arg7 : memref<128x8xf32, #tpu.memory_space<vmem>>) target(%dma_start3A_20 : memref<10112x8xf32, #tpu.memory_space<vmem_shared>>) offsets(%dma_start3A_17 : memref<128xi32, #tpu.memory_space<vmem>>) semaphore(%arg9 : memref<!tpu.dma_semaphore, #tpu.memory_space<semaphore_mem>>) {add = true}
      %ge3A = arith.constant 8 : i32
      %ge3A_21 = arith.cmpi sge, %scan3A_15, %ge3A : i32
      %convert_element_type3A = arith.extui %ge3A_21 : i1 to i32
      %cond3A = arith.constant 0 : i32
      %cond3A_22 = arith.cmpi ne, %convert_element_type3A, %cond3A : i32
      scf.if %cond3A_22 {
        %dma_wait3A = arith.constant 0 : i32
        %dma_wait3A_23 = tpu.memref_slice %arg6[%scan3A_15, %dma_wait3A] : memref<80x128xi32, #tpu.memory_space<vmem>> -> memref<1x128xi32, #tpu.memory_space<vmem>>
        %dma_wait3A_24 = tpu.memref_squeeze %dma_wait3A_23 : memref<1x128xi32, #tpu.memory_space<vmem>> -> memref<128xi32, #tpu.memory_space<vmem>>
        %dma_wait3A_25 = arith.constant 0 : i32
        %dma_wait3A_26 = arith.constant 0 : i32
        %dma_wait3A_27 = tpu.memref_slice %arg8[%dma_wait3A_25, %dma_wait3A_26] : memref<10112x8xf32, #tpu.memory_space<vmem_shared>> -> memref<10112x8xf32, #tpu.memory_space<vmem_shared>>
        tpu.wait_indirect_dma semaphore(%arg9 : memref<!tpu.dma_semaphore, #tpu.memory_space<semaphore_mem>>) src(%arg7 : memref<128x8xf32, #tpu.memory_space<vmem>>) dst(%dma_wait3A_27 : memref<10112x8xf32, #tpu.memory_space<vmem_shared>>)
      } else {
      }
    }
    %scan3A_7 = arith.constant 80 : i32
    %scan3A_8 = arith.constant 0 : i32
    %scan3A_9 = arith.constant 0 : i32
    %scan3A_10 = arith.constant 8 : i32
    %scan3A_11 = arith.addi %scan3A_9, %scan3A_10 : i32
    %scan3A_12 = arith.constant 1 : i32
    scf.for %scan3A_15 = %scan3A_9 to %scan3A_11 step %scan3A_12  : i32 {
      %dma_wait3A = arith.constant 0 : i32
      %dma_wait3A_16 = tpu.memref_slice %arg6[%scan3A_15, %dma_wait3A] : memref<80x128xi32, #tpu.memory_space<vmem>> -> memref<1x128xi32, #tpu.memory_space<vmem>>
      %dma_wait3A_17 = tpu.memref_squeeze %dma_wait3A_16 : memref<1x128xi32, #tpu.memory_space<vmem>> -> memref<128xi32, #tpu.memory_space<vmem>>
      %dma_wait3A_18 = arith.constant 0 : i32
      %dma_wait3A_19 = arith.constant 0 : i32
      %dma_wait3A_20 = tpu.memref_slice %arg8[%dma_wait3A_18, %dma_wait3A_19] : memref<10112x8xf32, #tpu.memory_space<vmem_shared>> -> memref<10112x8xf32, #tpu.memory_space<vmem_shared>>
      tpu.wait_indirect_dma semaphore(%arg9 : memref<!tpu.dma_semaphore, #tpu.memory_space<semaphore_mem>>) src(%arg7 : memref<128x8xf32, #tpu.memory_space<vmem>>) dst(%dma_wait3A_20 : memref<10112x8xf32, #tpu.memory_space<vmem_shared>>)
    }
    %scan3A_13 = arith.constant 8 : i32
    %barrier3A_14 = arith.constant 0 : index
    tpu.barrier barrier_id(%barrier3A_14)
    "tpu.region"() ({
      %run_scoped3A = tpu.sem_alloc : memref<!tpu.dma_semaphore, #tpu.memory_space<semaphore_mem>>
      %dma_start3A = arith.constant 0 : i32
      %dma_start3A_15 = arith.constant 0 : i32
      %dma_start3A_16 = tpu.memref_slice %arg5[%arg0, %dma_start3A, %dma_start3A_15] : memref<2x10112x8xf32, #tpu.memory_space<hbm>> -> memref<1x10112x8xf32, #tpu.memory_space<hbm>>
      %dma_start3A_17 = tpu.memref_squeeze %dma_start3A_16 : memref<1x10112x8xf32, #tpu.memory_space<hbm>> -> memref<10112x8xf32, #tpu.memory_space<hbm>>
      %dma_start3A_18 = arith.constant 0 : i32
      %dma_start3A_19 = tpu.memref_slice %dma_start3A_17[%mul3A_2, %dma_start3A_18] : memref<10112x8xf32, #tpu.memory_space<hbm>> -> memref<632x8xf32, #tpu.memory_space<hbm>>
      %dma_start3A_20 = arith.constant 0 : i32
      %dma_start3A_21 = tpu.memref_slice %arg8[%mul3A_2, %dma_start3A_20] : memref<10112x8xf32, #tpu.memory_space<vmem_shared>> -> memref<632x8xf32, #tpu.memory_space<vmem_shared>>
      tpu.enqueue_dma source(%dma_start3A_21 : memref<632x8xf32, #tpu.memory_space<vmem_shared>>) target(%dma_start3A_19 : memref<632x8xf32, #tpu.memory_space<hbm>>) target_semaphore(%run_scoped3A : memref<!tpu.dma_semaphore, #tpu.memory_space<semaphore_mem>>)
      %dma_wait3A = arith.constant 0 : i32
      %dma_wait3A_22 = arith.constant 0 : i32
      %dma_wait3A_23 = tpu.memref_slice %arg5[%arg0, %dma_wait3A, %dma_wait3A_22] : memref<2x10112x8xf32, #tpu.memory_space<hbm>> -> memref<1x10112x8xf32, #tpu.memory_space<hbm>>
      %dma_wait3A_24 = tpu.memref_squeeze %dma_wait3A_23 : memref<1x10112x8xf32, #tpu.memory_space<hbm>> -> memref<10112x8xf32, #tpu.memory_space<hbm>>
      %dma_wait3A_25 = arith.constant 0 : i32
      %dma_wait3A_26 = tpu.memref_slice %dma_wait3A_24[%mul3A_2, %dma_wait3A_25] : memref<10112x8xf32, #tpu.memory_space<hbm>> -> memref<632x8xf32, #tpu.memory_space<hbm>>
      %dma_wait3A_27 = arith.constant 0 : i32
      %dma_wait3A_28 = tpu.memref_slice %arg8[%mul3A_2, %dma_wait3A_27] : memref<10112x8xf32, #tpu.memory_space<vmem_shared>> -> memref<632x8xf32, #tpu.memory_space<vmem_shared>>
      tpu.wait_dma2 semaphore(%run_scoped3A : memref<!tpu.dma_semaphore, #tpu.memory_space<semaphore_mem>>) src(%dma_wait3A_28 : memref<632x8xf32, #tpu.memory_space<vmem_shared>>) dst(%dma_wait3A_26 : memref<632x8xf32, #tpu.memory_space<hbm>>)
      tpu.yield
    }) : () -> ()
    return
  }
}

#map = affine_map<(d0, d1) -> (0, 0)>
#map1 = affine_map<(d0, d1) -> (0, 0, 0)>
module attributes {stable_mosaic.version = 14 : i64} {
  func.func @agg(%arg0: i32, %arg1: i32, %arg2: memref<10112x64xf32, #tpu.memory_space<hbm>>, %arg3: memref<32x80x128xi32, #tpu.memory_space<hbm>>, %arg4: memref<32x80x128xi32, #tpu.memory_space<hbm>>, %arg5: memref<632x64xf32, #tpu.memory_space<hbm>>, %arg6: memref<2x10112x64xf32, #tpu.memory_space<hbm>>, %arg7: memref<80x128xi32, #tpu.memory_space<vmem>>, %arg8: memref<4x128xi32, #tpu.memory_space<vmem>>, %arg9: memref<4x128x64xf32, #tpu.memory_space<vmem>>, %arg10: memref<10112x64xf32, #tpu.memory_space<vmem_shared>>, %arg11: memref<10112x64xf32, #tpu.memory_space<vmem_shared>>, %arg12: memref<!tpu.dma_semaphore, #tpu.memory_space<semaphore_mem>>, %arg13: memref<!tpu.dma_semaphore, #tpu.memory_space<semaphore_mem>>, %arg14: memref<!tpu.dma_semaphore, #tpu.memory_space<semaphore_mem>>) attributes {dimension_semantics = [#tpu.dimension_semantics<core_parallel>, #tpu.dimension_semantics<subcore_parallel>], iteration_bounds = array<i64: 2, 16>, scalar_prefetch = 0 : i64, scratch_operands = 8 : i64, tpu.core_type = #tpu.core_type<sc_vector_subcore>, window_params = [{transform_indices = #map}, {transform_indices = #map1}, {transform_indices = #map1}, {transform_indices = #map}, {transform_indices = #map1}]} {
    %mul3A = arith.constant 16 : i32
    %mul3A_0 = arith.muli %arg0, %mul3A : i32
    %add3A = arith.addi %mul3A_0, %arg1 : i32
    %mul3A_1 = arith.constant 632 : i32
    %mul3A_2 = arith.muli %arg1, %mul3A_1 : i32
    "tpu.region"() ({
      %run_scoped3A = tpu.sem_alloc : memref<!tpu.dma_semaphore, #tpu.memory_space<semaphore_mem>>
      %dma_start3A_99 = arith.constant 0 : i32
      %dma_start3A_100 = tpu.memref_slice %arg10[%mul3A_2, %dma_start3A_99] : memref<10112x64xf32, #tpu.memory_space<vmem_shared>> -> memref<632x64xf32, #tpu.memory_space<vmem_shared>>
      %dma_start3A_101 = arith.constant 0 : i32
      %dma_start3A_102 = tpu.memref_slice %arg2[%mul3A_2, %dma_start3A_101] : memref<10112x64xf32, #tpu.memory_space<hbm>> -> memref<632x64xf32, #tpu.memory_space<hbm>>
      tpu.enqueue_dma source(%dma_start3A_102 : memref<632x64xf32, #tpu.memory_space<hbm>>) target(%dma_start3A_100 : memref<632x64xf32, #tpu.memory_space<vmem_shared>>) target_semaphore(%run_scoped3A : memref<!tpu.dma_semaphore, #tpu.memory_space<semaphore_mem>>)
      %dma_wait3A_103 = arith.constant 0 : i32
      %dma_wait3A_104 = tpu.memref_slice %arg10[%mul3A_2, %dma_wait3A_103] : memref<10112x64xf32, #tpu.memory_space<vmem_shared>> -> memref<632x64xf32, #tpu.memory_space<vmem_shared>>
      %dma_wait3A_105 = arith.constant 0 : i32
      %dma_wait3A_106 = tpu.memref_slice %arg2[%mul3A_2, %dma_wait3A_105] : memref<10112x64xf32, #tpu.memory_space<hbm>> -> memref<632x64xf32, #tpu.memory_space<hbm>>
      tpu.wait_dma2 semaphore(%run_scoped3A : memref<!tpu.dma_semaphore, #tpu.memory_space<semaphore_mem>>) src(%dma_wait3A_106 : memref<632x64xf32, #tpu.memory_space<hbm>>) dst(%dma_wait3A_104 : memref<632x64xf32, #tpu.memory_space<vmem_shared>>)
      tpu.yield
    }) : () -> ()
    "tpu.region"() ({
      %run_scoped3A = tpu.sem_alloc : memref<!tpu.dma_semaphore, #tpu.memory_space<semaphore_mem>>
      %dma_start3A_99 = arith.constant 0 : i32
      %dma_start3A_100 = tpu.memref_slice %arg11[%mul3A_2, %dma_start3A_99] : memref<10112x64xf32, #tpu.memory_space<vmem_shared>> -> memref<632x64xf32, #tpu.memory_space<vmem_shared>>
      tpu.enqueue_dma source(%arg5 : memref<632x64xf32, #tpu.memory_space<hbm>>) target(%dma_start3A_100 : memref<632x64xf32, #tpu.memory_space<vmem_shared>>) target_semaphore(%run_scoped3A : memref<!tpu.dma_semaphore, #tpu.memory_space<semaphore_mem>>)
      %dma_wait3A_101 = arith.constant 0 : i32
      %dma_wait3A_102 = tpu.memref_slice %arg11[%mul3A_2, %dma_wait3A_101] : memref<10112x64xf32, #tpu.memory_space<vmem_shared>> -> memref<632x64xf32, #tpu.memory_space<vmem_shared>>
      tpu.wait_dma2 semaphore(%run_scoped3A : memref<!tpu.dma_semaphore, #tpu.memory_space<semaphore_mem>>) src(%arg5 : memref<632x64xf32, #tpu.memory_space<hbm>>) dst(%dma_wait3A_102 : memref<632x64xf32, #tpu.memory_space<vmem_shared>>)
      tpu.yield
    }) : () -> ()
    "tpu.region"() ({
      %run_scoped3A = tpu.sem_alloc : memref<!tpu.dma_semaphore, #tpu.memory_space<semaphore_mem>>
      %dma_start3A_99 = arith.constant 0 : i32
      %dma_start3A_100 = arith.constant 0 : i32
      %dma_start3A_101 = tpu.memref_slice %arg3[%add3A, %dma_start3A_99, %dma_start3A_100] : memref<32x80x128xi32, #tpu.memory_space<hbm>> -> memref<1x80x128xi32, #tpu.memory_space<hbm>>
      %dma_start3A_102 = tpu.memref_squeeze %dma_start3A_101 : memref<1x80x128xi32, #tpu.memory_space<hbm>> -> memref<80x128xi32, #tpu.memory_space<hbm>>
      %dma_start3A_103 = arith.constant 0 : i32
      %dma_start3A_104 = arith.constant 0 : i32
      %dma_start3A_105 = tpu.memref_slice %arg3[%add3A, %dma_start3A_103, %dma_start3A_104] : memref<32x80x128xi32, #tpu.memory_space<hbm>> -> memref<1x80x128xi32, #tpu.memory_space<hbm>>
      %dma_start3A_106 = tpu.memref_squeeze %dma_start3A_105 : memref<1x80x128xi32, #tpu.memory_space<hbm>> -> memref<80x128xi32, #tpu.memory_space<hbm>>
      tpu.enqueue_dma source(%dma_start3A_106 : memref<80x128xi32, #tpu.memory_space<hbm>>) target(%arg7 : memref<80x128xi32, #tpu.memory_space<vmem>>) target_semaphore(%run_scoped3A : memref<!tpu.dma_semaphore, #tpu.memory_space<semaphore_mem>>)
      %dma_wait3A_107 = arith.constant 0 : i32
      %dma_wait3A_108 = arith.constant 0 : i32
      %dma_wait3A_109 = tpu.memref_slice %arg3[%add3A, %dma_wait3A_107, %dma_wait3A_108] : memref<32x80x128xi32, #tpu.memory_space<hbm>> -> memref<1x80x128xi32, #tpu.memory_space<hbm>>
      %dma_wait3A_110 = tpu.memref_squeeze %dma_wait3A_109 : memref<1x80x128xi32, #tpu.memory_space<hbm>> -> memref<80x128xi32, #tpu.memory_space<hbm>>
      %dma_wait3A_111 = arith.constant 0 : i32
      %dma_wait3A_112 = arith.constant 0 : i32
      %dma_wait3A_113 = tpu.memref_slice %arg3[%add3A, %dma_wait3A_111, %dma_wait3A_112] : memref<32x80x128xi32, #tpu.memory_space<hbm>> -> memref<1x80x128xi32, #tpu.memory_space<hbm>>
      %dma_wait3A_114 = tpu.memref_squeeze %dma_wait3A_113 : memref<1x80x128xi32, #tpu.memory_space<hbm>> -> memref<80x128xi32, #tpu.memory_space<hbm>>
      tpu.wait_dma2 semaphore(%run_scoped3A : memref<!tpu.dma_semaphore, #tpu.memory_space<semaphore_mem>>) src(%dma_wait3A_114 : memref<80x128xi32, #tpu.memory_space<hbm>>) dst(%arg7 : memref<80x128xi32, #tpu.memory_space<vmem>>)
      tpu.yield
    }) : () -> ()
    %barrier3A = arith.constant 0 : index
    tpu.barrier barrier_id(%barrier3A)
    %dma_start3A = arith.constant 0 : i32
    %dma_start3A_3 = arith.constant 0 : i32
    %dma_start3A_4 = arith.constant 0 : i32
    %dma_start3A_5 = tpu.memref_slice %arg8[%dma_start3A_3, %dma_start3A_4] : memref<4x128xi32, #tpu.memory_space<vmem>> -> memref<1x128xi32, #tpu.memory_space<vmem>>
    %dma_start3A_6 = tpu.memref_squeeze %dma_start3A_5 : memref<1x128xi32, #tpu.memory_space<vmem>> -> memref<128xi32, #tpu.memory_space<vmem>>
    %dma_start3A_7 = arith.constant 0 : i32
    %dma_start3A_8 = arith.constant 0 : i32
    %dma_start3A_9 = tpu.memref_slice %arg4[%add3A, %dma_start3A_7, %dma_start3A_8] : memref<32x80x128xi32, #tpu.memory_space<hbm>> -> memref<1x80x128xi32, #tpu.memory_space<hbm>>
    %dma_start3A_10 = tpu.memref_squeeze %dma_start3A_9 : memref<1x80x128xi32, #tpu.memory_space<hbm>> -> memref<80x128xi32, #tpu.memory_space<hbm>>
    %dma_start3A_11 = arith.constant 0 : i32
    %dma_start3A_12 = tpu.memref_slice %dma_start3A_10[%dma_start3A, %dma_start3A_11] : memref<80x128xi32, #tpu.memory_space<hbm>> -> memref<1x128xi32, #tpu.memory_space<hbm>>
    %dma_start3A_13 = tpu.memref_squeeze %dma_start3A_12 : memref<1x128xi32, #tpu.memory_space<hbm>> -> memref<128xi32, #tpu.memory_space<hbm>>
    %dma_start3A_14 = arith.constant 0 : i32
    %dma_start3A_15 = tpu.memref_slice %arg8[%dma_start3A_3, %dma_start3A_14] : memref<4x128xi32, #tpu.memory_space<vmem>> -> memref<1x128xi32, #tpu.memory_space<vmem>>
    %dma_start3A_16 = tpu.memref_squeeze %dma_start3A_15 : memref<1x128xi32, #tpu.memory_space<vmem>> -> memref<128xi32, #tpu.memory_space<vmem>>
    %dma_start3A_17 = arith.constant 0 : i32
    %dma_start3A_18 = arith.constant 0 : i32
    %dma_start3A_19 = tpu.memref_slice %arg4[%add3A, %dma_start3A_17, %dma_start3A_18] : memref<32x80x128xi32, #tpu.memory_space<hbm>> -> memref<1x80x128xi32, #tpu.memory_space<hbm>>
    %dma_start3A_20 = tpu.memref_squeeze %dma_start3A_19 : memref<1x80x128xi32, #tpu.memory_space<hbm>> -> memref<80x128xi32, #tpu.memory_space<hbm>>
    %dma_start3A_21 = arith.constant 0 : i32
    %dma_start3A_22 = tpu.memref_slice %dma_start3A_20[%dma_start3A, %dma_start3A_21] : memref<80x128xi32, #tpu.memory_space<hbm>> -> memref<1x128xi32, #tpu.memory_space<hbm>>
    %dma_start3A_23 = tpu.memref_squeeze %dma_start3A_22 : memref<1x128xi32, #tpu.memory_space<hbm>> -> memref<128xi32, #tpu.memory_space<hbm>>
    tpu.enqueue_dma source(%dma_start3A_23 : memref<128xi32, #tpu.memory_space<hbm>>) target(%dma_start3A_16 : memref<128xi32, #tpu.memory_space<vmem>>) target_semaphore(%arg14 : memref<!tpu.dma_semaphore, #tpu.memory_space<semaphore_mem>>)
    %dma_start3A_24 = arith.constant 0 : i32
    %dma_start3A_25 = arith.constant 0 : i32
    %dma_start3A_26 = arith.constant 0 : i32
    %dma_start3A_27 = arith.constant 0 : i32
    %dma_start3A_28 = tpu.memref_slice %arg9[%dma_start3A_25, %dma_start3A_26, %dma_start3A_27] : memref<4x128x64xf32, #tpu.memory_space<vmem>> -> memref<1x128x64xf32, #tpu.memory_space<vmem>>
    %dma_start3A_29 = tpu.memref_squeeze %dma_start3A_28 : memref<1x128x64xf32, #tpu.memory_space<vmem>> -> memref<128x64xf32, #tpu.memory_space<vmem>>
    %dma_start3A_30 = arith.constant 0 : i32
    %dma_start3A_31 = tpu.memref_slice %arg7[%dma_start3A_24, %dma_start3A_30] : memref<80x128xi32, #tpu.memory_space<vmem>> -> memref<1x128xi32, #tpu.memory_space<vmem>>
    %dma_start3A_32 = tpu.memref_squeeze %dma_start3A_31 : memref<1x128xi32, #tpu.memory_space<vmem>> -> memref<128xi32, #tpu.memory_space<vmem>>
    %dma_start3A_33 = arith.constant 0 : i32
    %dma_start3A_34 = arith.constant 0 : i32
    %dma_start3A_35 = tpu.memref_slice %arg10[%dma_start3A_33, %dma_start3A_34] : memref<10112x64xf32, #tpu.memory_space<vmem_shared>> -> memref<10112x64xf32, #tpu.memory_space<vmem_shared>>
    tpu.enqueue_indirect_dma source(%dma_start3A_35 : memref<10112x64xf32, #tpu.memory_space<vmem_shared>>) target(%dma_start3A_29 : memref<128x64xf32, #tpu.memory_space<vmem>>) offsets(%dma_start3A_32 : memref<128xi32, #tpu.memory_space<vmem>>) semaphore(%arg12 : memref<!tpu.dma_semaphore, #tpu.memory_space<semaphore_mem>>)
    %dma_start3A_36 = arith.constant 1 : i32
    %dma_start3A_37 = arith.constant 1 : i32
    %dma_start3A_38 = arith.constant 0 : i32
    %dma_start3A_39 = tpu.memref_slice %arg8[%dma_start3A_37, %dma_start3A_38] : memref<4x128xi32, #tpu.memory_space<vmem>> -> memref<1x128xi32, #tpu.memory_space<vmem>>
    %dma_start3A_40 = tpu.memref_squeeze %dma_start3A_39 : memref<1x128xi32, #tpu.memory_space<vmem>> -> memref<128xi32, #tpu.memory_space<vmem>>
    %dma_start3A_41 = arith.constant 0 : i32
    %dma_start3A_42 = arith.constant 0 : i32
    %dma_start3A_43 = tpu.memref_slice %arg4[%add3A, %dma_start3A_41, %dma_start3A_42] : memref<32x80x128xi32, #tpu.memory_space<hbm>> -> memref<1x80x128xi32, #tpu.memory_space<hbm>>
    %dma_start3A_44 = tpu.memref_squeeze %dma_start3A_43 : memref<1x80x128xi32, #tpu.memory_space<hbm>> -> memref<80x128xi32, #tpu.memory_space<hbm>>
    %dma_start3A_45 = arith.constant 0 : i32
    %dma_start3A_46 = tpu.memref_slice %dma_start3A_44[%dma_start3A_36, %dma_start3A_45] : memref<80x128xi32, #tpu.memory_space<hbm>> -> memref<1x128xi32, #tpu.memory_space<hbm>>
    %dma_start3A_47 = tpu.memref_squeeze %dma_start3A_46 : memref<1x128xi32, #tpu.memory_space<hbm>> -> memref<128xi32, #tpu.memory_space<hbm>>
    %dma_start3A_48 = arith.constant 0 : i32
    %dma_start3A_49 = tpu.memref_slice %arg8[%dma_start3A_37, %dma_start3A_48] : memref<4x128xi32, #tpu.memory_space<vmem>> -> memref<1x128xi32, #tpu.memory_space<vmem>>
    %dma_start3A_50 = tpu.memref_squeeze %dma_start3A_49 : memref<1x128xi32, #tpu.memory_space<vmem>> -> memref<128xi32, #tpu.memory_space<vmem>>
    %dma_start3A_51 = arith.constant 0 : i32
    %dma_start3A_52 = arith.constant 0 : i32
    %dma_start3A_53 = tpu.memref_slice %arg4[%add3A, %dma_start3A_51, %dma_start3A_52] : memref<32x80x128xi32, #tpu.memory_space<hbm>> -> memref<1x80x128xi32, #tpu.memory_space<hbm>>
    %dma_start3A_54 = tpu.memref_squeeze %dma_start3A_53 : memref<1x80x128xi32, #tpu.memory_space<hbm>> -> memref<80x128xi32, #tpu.memory_space<hbm>>
    %dma_start3A_55 = arith.constant 0 : i32
    %dma_start3A_56 = tpu.memref_slice %dma_start3A_54[%dma_start3A_36, %dma_start3A_55] : memref<80x128xi32, #tpu.memory_space<hbm>> -> memref<1x128xi32, #tpu.memory_space<hbm>>
    %dma_start3A_57 = tpu.memref_squeeze %dma_start3A_56 : memref<1x128xi32, #tpu.memory_space<hbm>> -> memref<128xi32, #tpu.memory_space<hbm>>
    tpu.enqueue_dma source(%dma_start3A_57 : memref<128xi32, #tpu.memory_space<hbm>>) target(%dma_start3A_50 : memref<128xi32, #tpu.memory_space<vmem>>) target_semaphore(%arg14 : memref<!tpu.dma_semaphore, #tpu.memory_space<semaphore_mem>>)
    %dma_start3A_58 = arith.constant 1 : i32
    %dma_start3A_59 = arith.constant 1 : i32
    %dma_start3A_60 = arith.constant 0 : i32
    %dma_start3A_61 = arith.constant 0 : i32
    %dma_start3A_62 = tpu.memref_slice %arg9[%dma_start3A_59, %dma_start3A_60, %dma_start3A_61] : memref<4x128x64xf32, #tpu.memory_space<vmem>> -> memref<1x128x64xf32, #tpu.memory_space<vmem>>
    %dma_start3A_63 = tpu.memref_squeeze %dma_start3A_62 : memref<1x128x64xf32, #tpu.memory_space<vmem>> -> memref<128x64xf32, #tpu.memory_space<vmem>>
    %dma_start3A_64 = arith.constant 0 : i32
    %dma_start3A_65 = tpu.memref_slice %arg7[%dma_start3A_58, %dma_start3A_64] : memref<80x128xi32, #tpu.memory_space<vmem>> -> memref<1x128xi32, #tpu.memory_space<vmem>>
    %dma_start3A_66 = tpu.memref_squeeze %dma_start3A_65 : memref<1x128xi32, #tpu.memory_space<vmem>> -> memref<128xi32, #tpu.memory_space<vmem>>
    %dma_start3A_67 = arith.constant 0 : i32
    %dma_start3A_68 = arith.constant 0 : i32
    %dma_start3A_69 = tpu.memref_slice %arg10[%dma_start3A_67, %dma_start3A_68] : memref<10112x64xf32, #tpu.memory_space<vmem_shared>> -> memref<10112x64xf32, #tpu.memory_space<vmem_shared>>
    tpu.enqueue_indirect_dma source(%dma_start3A_69 : memref<10112x64xf32, #tpu.memory_space<vmem_shared>>) target(%dma_start3A_63 : memref<128x64xf32, #tpu.memory_space<vmem>>) offsets(%dma_start3A_66 : memref<128xi32, #tpu.memory_space<vmem>>) semaphore(%arg12 : memref<!tpu.dma_semaphore, #tpu.memory_space<semaphore_mem>>)
    %scan3A = arith.constant 0 : i32
    %scan3A_70 = arith.constant 0 : i32
    %scan3A_71 = arith.constant 20 : i32
    %scan3A_72 = arith.addi %scan3A_70, %scan3A_71 : i32
    %scan3A_73 = arith.constant 1 : i32
    scf.for %scan3A_99 = %scan3A_70 to %scan3A_72 step %scan3A_73  : i32 {
      %mul3A_100 = arith.constant 4 : i32
      %mul3A_101 = arith.muli %scan3A_99, %mul3A_100 : i32
      %add3A_102 = arith.constant 0 : i32
      %add3A_103 = arith.addi %mul3A_101, %add3A_102 : i32
      %dma_wait3A_104 = arith.constant 0 : i32
      %dma_wait3A_105 = arith.constant 0 : i32
      %dma_wait3A_106 = tpu.memref_slice %arg8[%dma_wait3A_104, %dma_wait3A_105] : memref<4x128xi32, #tpu.memory_space<vmem>> -> memref<1x128xi32, #tpu.memory_space<vmem>>
      %dma_wait3A_107 = tpu.memref_squeeze %dma_wait3A_106 : memref<1x128xi32, #tpu.memory_space<vmem>> -> memref<128xi32, #tpu.memory_space<vmem>>
      %dma_wait3A_108 = arith.constant 0 : i32
      %dma_wait3A_109 = arith.constant 0 : i32
      %dma_wait3A_110 = tpu.memref_slice %arg4[%add3A, %dma_wait3A_108, %dma_wait3A_109] : memref<32x80x128xi32, #tpu.memory_space<hbm>> -> memref<1x80x128xi32, #tpu.memory_space<hbm>>
      %dma_wait3A_111 = tpu.memref_squeeze %dma_wait3A_110 : memref<1x80x128xi32, #tpu.memory_space<hbm>> -> memref<80x128xi32, #tpu.memory_space<hbm>>
      %dma_wait3A_112 = arith.constant 0 : i32
      %dma_wait3A_113 = tpu.memref_slice %dma_wait3A_111[%add3A_103, %dma_wait3A_112] : memref<80x128xi32, #tpu.memory_space<hbm>> -> memref<1x128xi32, #tpu.memory_space<hbm>>
      %dma_wait3A_114 = tpu.memref_squeeze %dma_wait3A_113 : memref<1x128xi32, #tpu.memory_space<hbm>> -> memref<128xi32, #tpu.memory_space<hbm>>
      %dma_wait3A_115 = arith.constant 0 : i32
      %dma_wait3A_116 = tpu.memref_slice %arg8[%dma_wait3A_104, %dma_wait3A_115] : memref<4x128xi32, #tpu.memory_space<vmem>> -> memref<1x128xi32, #tpu.memory_space<vmem>>
      %dma_wait3A_117 = tpu.memref_squeeze %dma_wait3A_116 : memref<1x128xi32, #tpu.memory_space<vmem>> -> memref<128xi32, #tpu.memory_space<vmem>>
      %dma_wait3A_118 = arith.constant 0 : i32
      %dma_wait3A_119 = arith.constant 0 : i32
      %dma_wait3A_120 = tpu.memref_slice %arg4[%add3A, %dma_wait3A_118, %dma_wait3A_119] : memref<32x80x128xi32, #tpu.memory_space<hbm>> -> memref<1x80x128xi32, #tpu.memory_space<hbm>>
      %dma_wait3A_121 = tpu.memref_squeeze %dma_wait3A_120 : memref<1x80x128xi32, #tpu.memory_space<hbm>> -> memref<80x128xi32, #tpu.memory_space<hbm>>
      %dma_wait3A_122 = arith.constant 0 : i32
      %dma_wait3A_123 = tpu.memref_slice %dma_wait3A_121[%add3A_103, %dma_wait3A_122] : memref<80x128xi32, #tpu.memory_space<hbm>> -> memref<1x128xi32, #tpu.memory_space<hbm>>
      %dma_wait3A_124 = tpu.memref_squeeze %dma_wait3A_123 : memref<1x128xi32, #tpu.memory_space<hbm>> -> memref<128xi32, #tpu.memory_space<hbm>>
      tpu.wait_dma2 semaphore(%arg14 : memref<!tpu.dma_semaphore, #tpu.memory_space<semaphore_mem>>) src(%dma_wait3A_124 : memref<128xi32, #tpu.memory_space<hbm>>) dst(%dma_wait3A_117 : memref<128xi32, #tpu.memory_space<vmem>>)
      %dma_wait3A_125 = arith.constant 0 : i32
      %dma_wait3A_126 = arith.constant 0 : i32
      %dma_wait3A_127 = arith.constant 0 : i32
      %dma_wait3A_128 = tpu.memref_slice %arg9[%dma_wait3A_125, %dma_wait3A_126, %dma_wait3A_127] : memref<4x128x64xf32, #tpu.memory_space<vmem>> -> memref<1x128x64xf32, #tpu.memory_space<vmem>>
      %dma_wait3A_129 = tpu.memref_squeeze %dma_wait3A_128 : memref<1x128x64xf32, #tpu.memory_space<vmem>> -> memref<128x64xf32, #tpu.memory_space<vmem>>
      %dma_wait3A_130 = arith.constant 0 : i32
      %dma_wait3A_131 = tpu.memref_slice %arg7[%add3A_103, %dma_wait3A_130] : memref<80x128xi32, #tpu.memory_space<vmem>> -> memref<1x128xi32, #tpu.memory_space<vmem>>
      %dma_wait3A_132 = tpu.memref_squeeze %dma_wait3A_131 : memref<1x128xi32, #tpu.memory_space<vmem>> -> memref<128xi32, #tpu.memory_space<vmem>>
      %dma_wait3A_133 = arith.constant 0 : i32
      %dma_wait3A_134 = arith.constant 0 : i32
      %dma_wait3A_135 = tpu.memref_slice %arg10[%dma_wait3A_133, %dma_wait3A_134] : memref<10112x64xf32, #tpu.memory_space<vmem_shared>> -> memref<10112x64xf32, #tpu.memory_space<vmem_shared>>
      tpu.wait_indirect_dma semaphore(%arg12 : memref<!tpu.dma_semaphore, #tpu.memory_space<semaphore_mem>>) src(%dma_wait3A_135 : memref<10112x64xf32, #tpu.memory_space<vmem_shared>>) dst(%dma_wait3A_129 : memref<128x64xf32, #tpu.memory_space<vmem>>)
      %dma_start3A_136 = arith.constant 0 : i32
      %dma_start3A_137 = arith.constant 0 : i32
      %dma_start3A_138 = arith.constant 0 : i32
      %dma_start3A_139 = arith.constant 0 : i32
      %dma_start3A_140 = tpu.memref_slice %arg9[%dma_start3A_136, %dma_start3A_138, %dma_start3A_139] : memref<4x128x64xf32, #tpu.memory_space<vmem>> -> memref<1x128x64xf32, #tpu.memory_space<vmem>>
      %dma_start3A_141 = tpu.memref_squeeze %dma_start3A_140 : memref<1x128x64xf32, #tpu.memory_space<vmem>> -> memref<128x64xf32, #tpu.memory_space<vmem>>
      %dma_start3A_142 = arith.constant 0 : i32
      %dma_start3A_143 = tpu.memref_slice %arg8[%dma_start3A_137, %dma_start3A_142] : memref<4x128xi32, #tpu.memory_space<vmem>> -> memref<1x128xi32, #tpu.memory_space<vmem>>
      %dma_start3A_144 = tpu.memref_squeeze %dma_start3A_143 : memref<1x128xi32, #tpu.memory_space<vmem>> -> memref<128xi32, #tpu.memory_space<vmem>>
      %dma_start3A_145 = arith.constant 0 : i32
      %dma_start3A_146 = arith.constant 0 : i32
      %dma_start3A_147 = tpu.memref_slice %arg11[%dma_start3A_145, %dma_start3A_146] : memref<10112x64xf32, #tpu.memory_space<vmem_shared>> -> memref<10112x64xf32, #tpu.memory_space<vmem_shared>>
      tpu.enqueue_indirect_dma source(%dma_start3A_141 : memref<128x64xf32, #tpu.memory_space<vmem>>) target(%dma_start3A_147 : memref<10112x64xf32, #tpu.memory_space<vmem_shared>>) offsets(%dma_start3A_144 : memref<128xi32, #tpu.memory_space<vmem>>) semaphore(%arg13 : memref<!tpu.dma_semaphore, #tpu.memory_space<semaphore_mem>>) {add = true}
      %ge3A = arith.constant 2 : i32
      %ge3A_148 = arith.cmpi sge, %add3A_103, %ge3A : i32
      %convert_element_type3A = arith.extui %ge3A_148 : i1 to i32
      %cond3A = arith.constant 0 : i32
      %cond3A_149 = arith.cmpi ne, %convert_element_type3A, %cond3A : i32
      scf.if %cond3A_149 {
        %dma_wait3A_336 = arith.constant 2 : i32
        %dma_wait3A_337 = arith.constant 2 : i32
        %dma_wait3A_338 = arith.constant 0 : i32
        %dma_wait3A_339 = arith.constant 0 : i32
        %dma_wait3A_340 = tpu.memref_slice %arg9[%dma_wait3A_336, %dma_wait3A_338, %dma_wait3A_339] : memref<4x128x64xf32, #tpu.memory_space<vmem>> -> memref<1x128x64xf32, #tpu.memory_space<vmem>>
        %dma_wait3A_341 = tpu.memref_squeeze %dma_wait3A_340 : memref<1x128x64xf32, #tpu.memory_space<vmem>> -> memref<128x64xf32, #tpu.memory_space<vmem>>
        %dma_wait3A_342 = arith.constant 0 : i32
        %dma_wait3A_343 = tpu.memref_slice %arg8[%dma_wait3A_337, %dma_wait3A_342] : memref<4x128xi32, #tpu.memory_space<vmem>> -> memref<1x128xi32, #tpu.memory_space<vmem>>
        %dma_wait3A_344 = tpu.memref_squeeze %dma_wait3A_343 : memref<1x128xi32, #tpu.memory_space<vmem>> -> memref<128xi32, #tpu.memory_space<vmem>>
        %dma_wait3A_345 = arith.constant 0 : i32
        %dma_wait3A_346 = arith.constant 0 : i32
        %dma_wait3A_347 = tpu.memref_slice %arg11[%dma_wait3A_345, %dma_wait3A_346] : memref<10112x64xf32, #tpu.memory_space<vmem_shared>> -> memref<10112x64xf32, #tpu.memory_space<vmem_shared>>
        tpu.wait_indirect_dma semaphore(%arg13 : memref<!tpu.dma_semaphore, #tpu.memory_space<semaphore_mem>>) src(%dma_wait3A_341 : memref<128x64xf32, #tpu.memory_space<vmem>>) dst(%dma_wait3A_347 : memref<10112x64xf32, #tpu.memory_space<vmem_shared>>)
      } else {
      }
      %add3A_150 = arith.constant 2 : i32
      %add3A_151 = arith.addi %add3A_103, %add3A_150 : i32
      %lt3A = arith.constant 80 : i32
      %lt3A_152 = arith.cmpi slt, %add3A_151, %lt3A : i32
      %convert_element_type3A_153 = arith.extui %lt3A_152 : i1 to i32
      %cond3A_154 = arith.constant 0 : i32
      %cond3A_155 = arith.cmpi ne, %convert_element_type3A_153, %cond3A_154 : i32
      scf.if %cond3A_155 {
        %add3A_336 = arith.constant 2 : i32
        %add3A_337 = arith.addi %add3A_103, %add3A_336 : i32
        %dma_start3A_338 = arith.constant 2 : i32
        %dma_start3A_339 = arith.constant 0 : i32
        %dma_start3A_340 = tpu.memref_slice %arg8[%dma_start3A_338, %dma_start3A_339] : memref<4x128xi32, #tpu.memory_space<vmem>> -> memref<1x128xi32, #tpu.memory_space<vmem>>
        %dma_start3A_341 = tpu.memref_squeeze %dma_start3A_340 : memref<1x128xi32, #tpu.memory_space<vmem>> -> memref<128xi32, #tpu.memory_space<vmem>>
        %dma_start3A_342 = arith.constant 0 : i32
        %dma_start3A_343 = arith.constant 0 : i32
        %dma_start3A_344 = tpu.memref_slice %arg4[%add3A, %dma_start3A_342, %dma_start3A_343] : memref<32x80x128xi32, #tpu.memory_space<hbm>> -> memref<1x80x128xi32, #tpu.memory_space<hbm>>
        %dma_start3A_345 = tpu.memref_squeeze %dma_start3A_344 : memref<1x80x128xi32, #tpu.memory_space<hbm>> -> memref<80x128xi32, #tpu.memory_space<hbm>>
        %dma_start3A_346 = arith.constant 0 : i32
        %dma_start3A_347 = tpu.memref_slice %dma_start3A_345[%add3A_337, %dma_start3A_346] : memref<80x128xi32, #tpu.memory_space<hbm>> -> memref<1x128xi32, #tpu.memory_space<hbm>>
        %dma_start3A_348 = tpu.memref_squeeze %dma_start3A_347 : memref<1x128xi32, #tpu.memory_space<hbm>> -> memref<128xi32, #tpu.memory_space<hbm>>
        %dma_start3A_349 = arith.constant 0 : i32
        %dma_start3A_350 = tpu.memref_slice %arg8[%dma_start3A_338, %dma_start3A_349] : memref<4x128xi32, #tpu.memory_space<vmem>> -> memref<1x128xi32, #tpu.memory_space<vmem>>
        %dma_start3A_351 = tpu.memref_squeeze %dma_start3A_350 : memref<1x128xi32, #tpu.memory_space<vmem>> -> memref<128xi32, #tpu.memory_space<vmem>>
        %dma_start3A_352 = arith.constant 0 : i32
        %dma_start3A_353 = arith.constant 0 : i32
        %dma_start3A_354 = tpu.memref_slice %arg4[%add3A, %dma_start3A_352, %dma_start3A_353] : memref<32x80x128xi32, #tpu.memory_space<hbm>> -> memref<1x80x128xi32, #tpu.memory_space<hbm>>
        %dma_start3A_355 = tpu.memref_squeeze %dma_start3A_354 : memref<1x80x128xi32, #tpu.memory_space<hbm>> -> memref<80x128xi32, #tpu.memory_space<hbm>>
        %dma_start3A_356 = arith.constant 0 : i32
        %dma_start3A_357 = tpu.memref_slice %dma_start3A_355[%add3A_337, %dma_start3A_356] : memref<80x128xi32, #tpu.memory_space<hbm>> -> memref<1x128xi32, #tpu.memory_space<hbm>>
        %dma_start3A_358 = tpu.memref_squeeze %dma_start3A_357 : memref<1x128xi32, #tpu.memory_space<hbm>> -> memref<128xi32, #tpu.memory_space<hbm>>
        tpu.enqueue_dma source(%dma_start3A_358 : memref<128xi32, #tpu.memory_space<hbm>>) target(%dma_start3A_351 : memref<128xi32, #tpu.memory_space<vmem>>) target_semaphore(%arg14 : memref<!tpu.dma_semaphore, #tpu.memory_space<semaphore_mem>>)
        %dma_start3A_359 = arith.constant 2 : i32
        %dma_start3A_360 = arith.constant 0 : i32
        %dma_start3A_361 = arith.constant 0 : i32
        %dma_start3A_362 = tpu.memref_slice %arg9[%dma_start3A_359, %dma_start3A_360, %dma_start3A_361] : memref<4x128x64xf32, #tpu.memory_space<vmem>> -> memref<1x128x64xf32, #tpu.memory_space<vmem>>
        %dma_start3A_363 = tpu.memref_squeeze %dma_start3A_362 : memref<1x128x64xf32, #tpu.memory_space<vmem>> -> memref<128x64xf32, #tpu.memory_space<vmem>>
        %dma_start3A_364 = arith.constant 0 : i32
        %dma_start3A_365 = tpu.memref_slice %arg7[%add3A_337, %dma_start3A_364] : memref<80x128xi32, #tpu.memory_space<vmem>> -> memref<1x128xi32, #tpu.memory_space<vmem>>
        %dma_start3A_366 = tpu.memref_squeeze %dma_start3A_365 : memref<1x128xi32, #tpu.memory_space<vmem>> -> memref<128xi32, #tpu.memory_space<vmem>>
        %dma_start3A_367 = arith.constant 0 : i32
        %dma_start3A_368 = arith.constant 0 : i32
        %dma_start3A_369 = tpu.memref_slice %arg10[%dma_start3A_367, %dma_start3A_368] : memref<10112x64xf32, #tpu.memory_space<vmem_shared>> -> memref<10112x64xf32, #tpu.memory_space<vmem_shared>>
        tpu.enqueue_indirect_dma source(%dma_start3A_369 : memref<10112x64xf32, #tpu.memory_space<vmem_shared>>) target(%dma_start3A_363 : memref<128x64xf32, #tpu.memory_space<vmem>>) offsets(%dma_start3A_366 : memref<128xi32, #tpu.memory_space<vmem>>) semaphore(%arg12 : memref<!tpu.dma_semaphore, #tpu.memory_space<semaphore_mem>>)
      } else {
      }
      %mul3A_156 = arith.constant 4 : i32
      %mul3A_157 = arith.muli %scan3A_99, %mul3A_156 : i32
      %add3A_158 = arith.constant 1 : i32
      %add3A_159 = arith.addi %mul3A_157, %add3A_158 : i32
      %dma_wait3A_160 = arith.constant 1 : i32
      %dma_wait3A_161 = arith.constant 0 : i32
      %dma_wait3A_162 = tpu.memref_slice %arg8[%dma_wait3A_160, %dma_wait3A_161] : memref<4x128xi32, #tpu.memory_space<vmem>> -> memref<1x128xi32, #tpu.memory_space<vmem>>
      %dma_wait3A_163 = tpu.memref_squeeze %dma_wait3A_162 : memref<1x128xi32, #tpu.memory_space<vmem>> -> memref<128xi32, #tpu.memory_space<vmem>>
      %dma_wait3A_164 = arith.constant 0 : i32
      %dma_wait3A_165 = arith.constant 0 : i32
      %dma_wait3A_166 = tpu.memref_slice %arg4[%add3A, %dma_wait3A_164, %dma_wait3A_165] : memref<32x80x128xi32, #tpu.memory_space<hbm>> -> memref<1x80x128xi32, #tpu.memory_space<hbm>>
      %dma_wait3A_167 = tpu.memref_squeeze %dma_wait3A_166 : memref<1x80x128xi32, #tpu.memory_space<hbm>> -> memref<80x128xi32, #tpu.memory_space<hbm>>
      %dma_wait3A_168 = arith.constant 0 : i32
      %dma_wait3A_169 = tpu.memref_slice %dma_wait3A_167[%add3A_159, %dma_wait3A_168] : memref<80x128xi32, #tpu.memory_space<hbm>> -> memref<1x128xi32, #tpu.memory_space<hbm>>
      %dma_wait3A_170 = tpu.memref_squeeze %dma_wait3A_169 : memref<1x128xi32, #tpu.memory_space<hbm>> -> memref<128xi32, #tpu.memory_space<hbm>>
      %dma_wait3A_171 = arith.constant 0 : i32
      %dma_wait3A_172 = tpu.memref_slice %arg8[%dma_wait3A_160, %dma_wait3A_171] : memref<4x128xi32, #tpu.memory_space<vmem>> -> memref<1x128xi32, #tpu.memory_space<vmem>>
      %dma_wait3A_173 = tpu.memref_squeeze %dma_wait3A_172 : memref<1x128xi32, #tpu.memory_space<vmem>> -> memref<128xi32, #tpu.memory_space<vmem>>
      %dma_wait3A_174 = arith.constant 0 : i32
      %dma_wait3A_175 = arith.constant 0 : i32
      %dma_wait3A_176 = tpu.memref_slice %arg4[%add3A, %dma_wait3A_174, %dma_wait3A_175] : memref<32x80x128xi32, #tpu.memory_space<hbm>> -> memref<1x80x128xi32, #tpu.memory_space<hbm>>
      %dma_wait3A_177 = tpu.memref_squeeze %dma_wait3A_176 : memref<1x80x128xi32, #tpu.memory_space<hbm>> -> memref<80x128xi32, #tpu.memory_space<hbm>>
      %dma_wait3A_178 = arith.constant 0 : i32
      %dma_wait3A_179 = tpu.memref_slice %dma_wait3A_177[%add3A_159, %dma_wait3A_178] : memref<80x128xi32, #tpu.memory_space<hbm>> -> memref<1x128xi32, #tpu.memory_space<hbm>>
      %dma_wait3A_180 = tpu.memref_squeeze %dma_wait3A_179 : memref<1x128xi32, #tpu.memory_space<hbm>> -> memref<128xi32, #tpu.memory_space<hbm>>
      tpu.wait_dma2 semaphore(%arg14 : memref<!tpu.dma_semaphore, #tpu.memory_space<semaphore_mem>>) src(%dma_wait3A_180 : memref<128xi32, #tpu.memory_space<hbm>>) dst(%dma_wait3A_173 : memref<128xi32, #tpu.memory_space<vmem>>)
      %dma_wait3A_181 = arith.constant 1 : i32
      %dma_wait3A_182 = arith.constant 0 : i32
      %dma_wait3A_183 = arith.constant 0 : i32
      %dma_wait3A_184 = tpu.memref_slice %arg9[%dma_wait3A_181, %dma_wait3A_182, %dma_wait3A_183] : memref<4x128x64xf32, #tpu.memory_space<vmem>> -> memref<1x128x64xf32, #tpu.memory_space<vmem>>
      %dma_wait3A_185 = tpu.memref_squeeze %dma_wait3A_184 : memref<1x128x64xf32, #tpu.memory_space<vmem>> -> memref<128x64xf32, #tpu.memory_space<vmem>>
      %dma_wait3A_186 = arith.constant 0 : i32
      %dma_wait3A_187 = tpu.memref_slice %arg7[%add3A_159, %dma_wait3A_186] : memref<80x128xi32, #tpu.memory_space<vmem>> -> memref<1x128xi32, #tpu.memory_space<vmem>>
      %dma_wait3A_188 = tpu.memref_squeeze %dma_wait3A_187 : memref<1x128xi32, #tpu.memory_space<vmem>> -> memref<128xi32, #tpu.memory_space<vmem>>
      %dma_wait3A_189 = arith.constant 0 : i32
      %dma_wait3A_190 = arith.constant 0 : i32
      %dma_wait3A_191 = tpu.memref_slice %arg10[%dma_wait3A_189, %dma_wait3A_190] : memref<10112x64xf32, #tpu.memory_space<vmem_shared>> -> memref<10112x64xf32, #tpu.memory_space<vmem_shared>>
      tpu.wait_indirect_dma semaphore(%arg12 : memref<!tpu.dma_semaphore, #tpu.memory_space<semaphore_mem>>) src(%dma_wait3A_191 : memref<10112x64xf32, #tpu.memory_space<vmem_shared>>) dst(%dma_wait3A_185 : memref<128x64xf32, #tpu.memory_space<vmem>>)
      %dma_start3A_192 = arith.constant 1 : i32
      %dma_start3A_193 = arith.constant 1 : i32
      %dma_start3A_194 = arith.constant 0 : i32
      %dma_start3A_195 = arith.constant 0 : i32
      %dma_start3A_196 = tpu.memref_slice %arg9[%dma_start3A_192, %dma_start3A_194, %dma_start3A_195] : memref<4x128x64xf32, #tpu.memory_space<vmem>> -> memref<1x128x64xf32, #tpu.memory_space<vmem>>
      %dma_start3A_197 = tpu.memref_squeeze %dma_start3A_196 : memref<1x128x64xf32, #tpu.memory_space<vmem>> -> memref<128x64xf32, #tpu.memory_space<vmem>>
      %dma_start3A_198 = arith.constant 0 : i32
      %dma_start3A_199 = tpu.memref_slice %arg8[%dma_start3A_193, %dma_start3A_198] : memref<4x128xi32, #tpu.memory_space<vmem>> -> memref<1x128xi32, #tpu.memory_space<vmem>>
      %dma_start3A_200 = tpu.memref_squeeze %dma_start3A_199 : memref<1x128xi32, #tpu.memory_space<vmem>> -> memref<128xi32, #tpu.memory_space<vmem>>
      %dma_start3A_201 = arith.constant 0 : i32
      %dma_start3A_202 = arith.constant 0 : i32
      %dma_start3A_203 = tpu.memref_slice %arg11[%dma_start3A_201, %dma_start3A_202] : memref<10112x64xf32, #tpu.memory_space<vmem_shared>> -> memref<10112x64xf32, #tpu.memory_space<vmem_shared>>
      tpu.enqueue_indirect_dma source(%dma_start3A_197 : memref<128x64xf32, #tpu.memory_space<vmem>>) target(%dma_start3A_203 : memref<10112x64xf32, #tpu.memory_space<vmem_shared>>) offsets(%dma_start3A_200 : memref<128xi32, #tpu.memory_space<vmem>>) semaphore(%arg13 : memref<!tpu.dma_semaphore, #tpu.memory_space<semaphore_mem>>) {add = true}
      %ge3A_204 = arith.constant 2 : i32
      %ge3A_205 = arith.cmpi sge, %add3A_159, %ge3A_204 : i32
      %convert_element_type3A_206 = arith.extui %ge3A_205 : i1 to i32
      %cond3A_207 = arith.constant 0 : i32
      %cond3A_208 = arith.cmpi ne, %convert_element_type3A_206, %cond3A_207 : i32
      scf.if %cond3A_208 {
        %dma_wait3A_336 = arith.constant 3 : i32
        %dma_wait3A_337 = arith.constant 3 : i32
        %dma_wait3A_338 = arith.constant 0 : i32
        %dma_wait3A_339 = arith.constant 0 : i32
        %dma_wait3A_340 = tpu.memref_slice %arg9[%dma_wait3A_336, %dma_wait3A_338, %dma_wait3A_339] : memref<4x128x64xf32, #tpu.memory_space<vmem>> -> memref<1x128x64xf32, #tpu.memory_space<vmem>>
        %dma_wait3A_341 = tpu.memref_squeeze %dma_wait3A_340 : memref<1x128x64xf32, #tpu.memory_space<vmem>> -> memref<128x64xf32, #tpu.memory_space<vmem>>
        %dma_wait3A_342 = arith.constant 0 : i32
        %dma_wait3A_343 = tpu.memref_slice %arg8[%dma_wait3A_337, %dma_wait3A_342] : memref<4x128xi32, #tpu.memory_space<vmem>> -> memref<1x128xi32, #tpu.memory_space<vmem>>
        %dma_wait3A_344 = tpu.memref_squeeze %dma_wait3A_343 : memref<1x128xi32, #tpu.memory_space<vmem>> -> memref<128xi32, #tpu.memory_space<vmem>>
        %dma_wait3A_345 = arith.constant 0 : i32
        %dma_wait3A_346 = arith.constant 0 : i32
        %dma_wait3A_347 = tpu.memref_slice %arg11[%dma_wait3A_345, %dma_wait3A_346] : memref<10112x64xf32, #tpu.memory_space<vmem_shared>> -> memref<10112x64xf32, #tpu.memory_space<vmem_shared>>
        tpu.wait_indirect_dma semaphore(%arg13 : memref<!tpu.dma_semaphore, #tpu.memory_space<semaphore_mem>>) src(%dma_wait3A_341 : memref<128x64xf32, #tpu.memory_space<vmem>>) dst(%dma_wait3A_347 : memref<10112x64xf32, #tpu.memory_space<vmem_shared>>)
      } else {
      }
      %add3A_209 = arith.constant 2 : i32
      %add3A_210 = arith.addi %add3A_159, %add3A_209 : i32
      %lt3A_211 = arith.constant 80 : i32
      %lt3A_212 = arith.cmpi slt, %add3A_210, %lt3A_211 : i32
      %convert_element_type3A_213 = arith.extui %lt3A_212 : i1 to i32
      %cond3A_214 = arith.constant 0 : i32
      %cond3A_215 = arith.cmpi ne, %convert_element_type3A_213, %cond3A_214 : i32
      scf.if %cond3A_215 {
        %add3A_336 = arith.constant 2 : i32
        %add3A_337 = arith.addi %add3A_159, %add3A_336 : i32
        %dma_start3A_338 = arith.constant 3 : i32
        %dma_start3A_339 = arith.constant 0 : i32
        %dma_start3A_340 = tpu.memref_slice %arg8[%dma_start3A_338, %dma_start3A_339] : memref<4x128xi32, #tpu.memory_space<vmem>> -> memref<1x128xi32, #tpu.memory_space<vmem>>
        %dma_start3A_341 = tpu.memref_squeeze %dma_start3A_340 : memref<1x128xi32, #tpu.memory_space<vmem>> -> memref<128xi32, #tpu.memory_space<vmem>>
        %dma_start3A_342 = arith.constant 0 : i32
        %dma_start3A_343 = arith.constant 0 : i32
        %dma_start3A_344 = tpu.memref_slice %arg4[%add3A, %dma_start3A_342, %dma_start3A_343] : memref<32x80x128xi32, #tpu.memory_space<hbm>> -> memref<1x80x128xi32, #tpu.memory_space<hbm>>
        %dma_start3A_345 = tpu.memref_squeeze %dma_start3A_344 : memref<1x80x128xi32, #tpu.memory_space<hbm>> -> memref<80x128xi32, #tpu.memory_space<hbm>>
        %dma_start3A_346 = arith.constant 0 : i32
        %dma_start3A_347 = tpu.memref_slice %dma_start3A_345[%add3A_337, %dma_start3A_346] : memref<80x128xi32, #tpu.memory_space<hbm>> -> memref<1x128xi32, #tpu.memory_space<hbm>>
        %dma_start3A_348 = tpu.memref_squeeze %dma_start3A_347 : memref<1x128xi32, #tpu.memory_space<hbm>> -> memref<128xi32, #tpu.memory_space<hbm>>
        %dma_start3A_349 = arith.constant 0 : i32
        %dma_start3A_350 = tpu.memref_slice %arg8[%dma_start3A_338, %dma_start3A_349] : memref<4x128xi32, #tpu.memory_space<vmem>> -> memref<1x128xi32, #tpu.memory_space<vmem>>
        %dma_start3A_351 = tpu.memref_squeeze %dma_start3A_350 : memref<1x128xi32, #tpu.memory_space<vmem>> -> memref<128xi32, #tpu.memory_space<vmem>>
        %dma_start3A_352 = arith.constant 0 : i32
        %dma_start3A_353 = arith.constant 0 : i32
        %dma_start3A_354 = tpu.memref_slice %arg4[%add3A, %dma_start3A_352, %dma_start3A_353] : memref<32x80x128xi32, #tpu.memory_space<hbm>> -> memref<1x80x128xi32, #tpu.memory_space<hbm>>
        %dma_start3A_355 = tpu.memref_squeeze %dma_start3A_354 : memref<1x80x128xi32, #tpu.memory_space<hbm>> -> memref<80x128xi32, #tpu.memory_space<hbm>>
        %dma_start3A_356 = arith.constant 0 : i32
        %dma_start3A_357 = tpu.memref_slice %dma_start3A_355[%add3A_337, %dma_start3A_356] : memref<80x128xi32, #tpu.memory_space<hbm>> -> memref<1x128xi32, #tpu.memory_space<hbm>>
        %dma_start3A_358 = tpu.memref_squeeze %dma_start3A_357 : memref<1x128xi32, #tpu.memory_space<hbm>> -> memref<128xi32, #tpu.memory_space<hbm>>
        tpu.enqueue_dma source(%dma_start3A_358 : memref<128xi32, #tpu.memory_space<hbm>>) target(%dma_start3A_351 : memref<128xi32, #tpu.memory_space<vmem>>) target_semaphore(%arg14 : memref<!tpu.dma_semaphore, #tpu.memory_space<semaphore_mem>>)
        %dma_start3A_359 = arith.constant 3 : i32
        %dma_start3A_360 = arith.constant 0 : i32
        %dma_start3A_361 = arith.constant 0 : i32
        %dma_start3A_362 = tpu.memref_slice %arg9[%dma_start3A_359, %dma_start3A_360, %dma_start3A_361] : memref<4x128x64xf32, #tpu.memory_space<vmem>> -> memref<1x128x64xf32, #tpu.memory_space<vmem>>
        %dma_start3A_363 = tpu.memref_squeeze %dma_start3A_362 : memref<1x128x64xf32, #tpu.memory_space<vmem>> -> memref<128x64xf32, #tpu.memory_space<vmem>>
        %dma_start3A_364 = arith.constant 0 : i32
        %dma_start3A_365 = tpu.memref_slice %arg7[%add3A_337, %dma_start3A_364] : memref<80x128xi32, #tpu.memory_space<vmem>> -> memref<1x128xi32, #tpu.memory_space<vmem>>
        %dma_start3A_366 = tpu.memref_squeeze %dma_start3A_365 : memref<1x128xi32, #tpu.memory_space<vmem>> -> memref<128xi32, #tpu.memory_space<vmem>>
        %dma_start3A_367 = arith.constant 0 : i32
        %dma_start3A_368 = arith.constant 0 : i32
        %dma_start3A_369 = tpu.memref_slice %arg10[%dma_start3A_367, %dma_start3A_368] : memref<10112x64xf32, #tpu.memory_space<vmem_shared>> -> memref<10112x64xf32, #tpu.memory_space<vmem_shared>>
        tpu.enqueue_indirect_dma source(%dma_start3A_369 : memref<10112x64xf32, #tpu.memory_space<vmem_shared>>) target(%dma_start3A_363 : memref<128x64xf32, #tpu.memory_space<vmem>>) offsets(%dma_start3A_366 : memref<128xi32, #tpu.memory_space<vmem>>) semaphore(%arg12 : memref<!tpu.dma_semaphore, #tpu.memory_space<semaphore_mem>>)
      } else {
      }
      %mul3A_216 = arith.constant 4 : i32
      %mul3A_217 = arith.muli %scan3A_99, %mul3A_216 : i32
      %add3A_218 = arith.constant 2 : i32
      %add3A_219 = arith.addi %mul3A_217, %add3A_218 : i32
      %dma_wait3A_220 = arith.constant 2 : i32
      %dma_wait3A_221 = arith.constant 0 : i32
      %dma_wait3A_222 = tpu.memref_slice %arg8[%dma_wait3A_220, %dma_wait3A_221] : memref<4x128xi32, #tpu.memory_space<vmem>> -> memref<1x128xi32, #tpu.memory_space<vmem>>
      %dma_wait3A_223 = tpu.memref_squeeze %dma_wait3A_222 : memref<1x128xi32, #tpu.memory_space<vmem>> -> memref<128xi32, #tpu.memory_space<vmem>>
      %dma_wait3A_224 = arith.constant 0 : i32
      %dma_wait3A_225 = arith.constant 0 : i32
      %dma_wait3A_226 = tpu.memref_slice %arg4[%add3A, %dma_wait3A_224, %dma_wait3A_225] : memref<32x80x128xi32, #tpu.memory_space<hbm>> -> memref<1x80x128xi32, #tpu.memory_space<hbm>>
      %dma_wait3A_227 = tpu.memref_squeeze %dma_wait3A_226 : memref<1x80x128xi32, #tpu.memory_space<hbm>> -> memref<80x128xi32, #tpu.memory_space<hbm>>
      %dma_wait3A_228 = arith.constant 0 : i32
      %dma_wait3A_229 = tpu.memref_slice %dma_wait3A_227[%add3A_219, %dma_wait3A_228] : memref<80x128xi32, #tpu.memory_space<hbm>> -> memref<1x128xi32, #tpu.memory_space<hbm>>
      %dma_wait3A_230 = tpu.memref_squeeze %dma_wait3A_229 : memref<1x128xi32, #tpu.memory_space<hbm>> -> memref<128xi32, #tpu.memory_space<hbm>>
      %dma_wait3A_231 = arith.constant 0 : i32
      %dma_wait3A_232 = tpu.memref_slice %arg8[%dma_wait3A_220, %dma_wait3A_231] : memref<4x128xi32, #tpu.memory_space<vmem>> -> memref<1x128xi32, #tpu.memory_space<vmem>>
      %dma_wait3A_233 = tpu.memref_squeeze %dma_wait3A_232 : memref<1x128xi32, #tpu.memory_space<vmem>> -> memref<128xi32, #tpu.memory_space<vmem>>
      %dma_wait3A_234 = arith.constant 0 : i32
      %dma_wait3A_235 = arith.constant 0 : i32
      %dma_wait3A_236 = tpu.memref_slice %arg4[%add3A, %dma_wait3A_234, %dma_wait3A_235] : memref<32x80x128xi32, #tpu.memory_space<hbm>> -> memref<1x80x128xi32, #tpu.memory_space<hbm>>
      %dma_wait3A_237 = tpu.memref_squeeze %dma_wait3A_236 : memref<1x80x128xi32, #tpu.memory_space<hbm>> -> memref<80x128xi32, #tpu.memory_space<hbm>>
      %dma_wait3A_238 = arith.constant 0 : i32
      %dma_wait3A_239 = tpu.memref_slice %dma_wait3A_237[%add3A_219, %dma_wait3A_238] : memref<80x128xi32, #tpu.memory_space<hbm>> -> memref<1x128xi32, #tpu.memory_space<hbm>>
      %dma_wait3A_240 = tpu.memref_squeeze %dma_wait3A_239 : memref<1x128xi32, #tpu.memory_space<hbm>> -> memref<128xi32, #tpu.memory_space<hbm>>
      tpu.wait_dma2 semaphore(%arg14 : memref<!tpu.dma_semaphore, #tpu.memory_space<semaphore_mem>>) src(%dma_wait3A_240 : memref<128xi32, #tpu.memory_space<hbm>>) dst(%dma_wait3A_233 : memref<128xi32, #tpu.memory_space<vmem>>)
      %dma_wait3A_241 = arith.constant 2 : i32
      %dma_wait3A_242 = arith.constant 0 : i32
      %dma_wait3A_243 = arith.constant 0 : i32
      %dma_wait3A_244 = tpu.memref_slice %arg9[%dma_wait3A_241, %dma_wait3A_242, %dma_wait3A_243] : memref<4x128x64xf32, #tpu.memory_space<vmem>> -> memref<1x128x64xf32, #tpu.memory_space<vmem>>
      %dma_wait3A_245 = tpu.memref_squeeze %dma_wait3A_244 : memref<1x128x64xf32, #tpu.memory_space<vmem>> -> memref<128x64xf32, #tpu.memory_space<vmem>>
      %dma_wait3A_246 = arith.constant 0 : i32
      %dma_wait3A_247 = tpu.memref_slice %arg7[%add3A_219, %dma_wait3A_246] : memref<80x128xi32, #tpu.memory_space<vmem>> -> memref<1x128xi32, #tpu.memory_space<vmem>>
      %dma_wait3A_248 = tpu.memref_squeeze %dma_wait3A_247 : memref<1x128xi32, #tpu.memory_space<vmem>> -> memref<128xi32, #tpu.memory_space<vmem>>
      %dma_wait3A_249 = arith.constant 0 : i32
      %dma_wait3A_250 = arith.constant 0 : i32
      %dma_wait3A_251 = tpu.memref_slice %arg10[%dma_wait3A_249, %dma_wait3A_250] : memref<10112x64xf32, #tpu.memory_space<vmem_shared>> -> memref<10112x64xf32, #tpu.memory_space<vmem_shared>>
      tpu.wait_indirect_dma semaphore(%arg12 : memref<!tpu.dma_semaphore, #tpu.memory_space<semaphore_mem>>) src(%dma_wait3A_251 : memref<10112x64xf32, #tpu.memory_space<vmem_shared>>) dst(%dma_wait3A_245 : memref<128x64xf32, #tpu.memory_space<vmem>>)
      %dma_start3A_252 = arith.constant 2 : i32
      %dma_start3A_253 = arith.constant 2 : i32
      %dma_start3A_254 = arith.constant 0 : i32
      %dma_start3A_255 = arith.constant 0 : i32
      %dma_start3A_256 = tpu.memref_slice %arg9[%dma_start3A_252, %dma_start3A_254, %dma_start3A_255] : memref<4x128x64xf32, #tpu.memory_space<vmem>> -> memref<1x128x64xf32, #tpu.memory_space<vmem>>
      %dma_start3A_257 = tpu.memref_squeeze %dma_start3A_256 : memref<1x128x64xf32, #tpu.memory_space<vmem>> -> memref<128x64xf32, #tpu.memory_space<vmem>>
      %dma_start3A_258 = arith.constant 0 : i32
      %dma_start3A_259 = tpu.memref_slice %arg8[%dma_start3A_253, %dma_start3A_258] : memref<4x128xi32, #tpu.memory_space<vmem>> -> memref<1x128xi32, #tpu.memory_space<vmem>>
      %dma_start3A_260 = tpu.memref_squeeze %dma_start3A_259 : memref<1x128xi32, #tpu.memory_space<vmem>> -> memref<128xi32, #tpu.memory_space<vmem>>
      %dma_start3A_261 = arith.constant 0 : i32
      %dma_start3A_262 = arith.constant 0 : i32
      %dma_start3A_263 = tpu.memref_slice %arg11[%dma_start3A_261, %dma_start3A_262] : memref<10112x64xf32, #tpu.memory_space<vmem_shared>> -> memref<10112x64xf32, #tpu.memory_space<vmem_shared>>
      tpu.enqueue_indirect_dma source(%dma_start3A_257 : memref<128x64xf32, #tpu.memory_space<vmem>>) target(%dma_start3A_263 : memref<10112x64xf32, #tpu.memory_space<vmem_shared>>) offsets(%dma_start3A_260 : memref<128xi32, #tpu.memory_space<vmem>>) semaphore(%arg13 : memref<!tpu.dma_semaphore, #tpu.memory_space<semaphore_mem>>) {add = true}
      %ge3A_264 = arith.constant 2 : i32
      %ge3A_265 = arith.cmpi sge, %add3A_219, %ge3A_264 : i32
      %convert_element_type3A_266 = arith.extui %ge3A_265 : i1 to i32
      %cond3A_267 = arith.constant 0 : i32
      %cond3A_268 = arith.cmpi ne, %convert_element_type3A_266, %cond3A_267 : i32
      scf.if %cond3A_268 {
        %dma_wait3A_336 = arith.constant 0 : i32
        %dma_wait3A_337 = arith.constant 0 : i32
        %dma_wait3A_338 = arith.constant 0 : i32
        %dma_wait3A_339 = arith.constant 0 : i32
        %dma_wait3A_340 = tpu.memref_slice %arg9[%dma_wait3A_336, %dma_wait3A_338, %dma_wait3A_339] : memref<4x128x64xf32, #tpu.memory_space<vmem>> -> memref<1x128x64xf32, #tpu.memory_space<vmem>>
        %dma_wait3A_341 = tpu.memref_squeeze %dma_wait3A_340 : memref<1x128x64xf32, #tpu.memory_space<vmem>> -> memref<128x64xf32, #tpu.memory_space<vmem>>
        %dma_wait3A_342 = arith.constant 0 : i32
        %dma_wait3A_343 = tpu.memref_slice %arg8[%dma_wait3A_337, %dma_wait3A_342] : memref<4x128xi32, #tpu.memory_space<vmem>> -> memref<1x128xi32, #tpu.memory_space<vmem>>
        %dma_wait3A_344 = tpu.memref_squeeze %dma_wait3A_343 : memref<1x128xi32, #tpu.memory_space<vmem>> -> memref<128xi32, #tpu.memory_space<vmem>>
        %dma_wait3A_345 = arith.constant 0 : i32
        %dma_wait3A_346 = arith.constant 0 : i32
        %dma_wait3A_347 = tpu.memref_slice %arg11[%dma_wait3A_345, %dma_wait3A_346] : memref<10112x64xf32, #tpu.memory_space<vmem_shared>> -> memref<10112x64xf32, #tpu.memory_space<vmem_shared>>
        tpu.wait_indirect_dma semaphore(%arg13 : memref<!tpu.dma_semaphore, #tpu.memory_space<semaphore_mem>>) src(%dma_wait3A_341 : memref<128x64xf32, #tpu.memory_space<vmem>>) dst(%dma_wait3A_347 : memref<10112x64xf32, #tpu.memory_space<vmem_shared>>)
      } else {
      }
      %add3A_269 = arith.constant 2 : i32
      %add3A_270 = arith.addi %add3A_219, %add3A_269 : i32
      %lt3A_271 = arith.constant 80 : i32
      %lt3A_272 = arith.cmpi slt, %add3A_270, %lt3A_271 : i32
      %convert_element_type3A_273 = arith.extui %lt3A_272 : i1 to i32
      %cond3A_274 = arith.constant 0 : i32
      %cond3A_275 = arith.cmpi ne, %convert_element_type3A_273, %cond3A_274 : i32
      scf.if %cond3A_275 {
        %add3A_336 = arith.constant 2 : i32
        %add3A_337 = arith.addi %add3A_219, %add3A_336 : i32
        %dma_start3A_338 = arith.constant 0 : i32
        %dma_start3A_339 = arith.constant 0 : i32
        %dma_start3A_340 = tpu.memref_slice %arg8[%dma_start3A_338, %dma_start3A_339] : memref<4x128xi32, #tpu.memory_space<vmem>> -> memref<1x128xi32, #tpu.memory_space<vmem>>
        %dma_start3A_341 = tpu.memref_squeeze %dma_start3A_340 : memref<1x128xi32, #tpu.memory_space<vmem>> -> memref<128xi32, #tpu.memory_space<vmem>>
        %dma_start3A_342 = arith.constant 0 : i32
        %dma_start3A_343 = arith.constant 0 : i32
        %dma_start3A_344 = tpu.memref_slice %arg4[%add3A, %dma_start3A_342, %dma_start3A_343] : memref<32x80x128xi32, #tpu.memory_space<hbm>> -> memref<1x80x128xi32, #tpu.memory_space<hbm>>
        %dma_start3A_345 = tpu.memref_squeeze %dma_start3A_344 : memref<1x80x128xi32, #tpu.memory_space<hbm>> -> memref<80x128xi32, #tpu.memory_space<hbm>>
        %dma_start3A_346 = arith.constant 0 : i32
        %dma_start3A_347 = tpu.memref_slice %dma_start3A_345[%add3A_337, %dma_start3A_346] : memref<80x128xi32, #tpu.memory_space<hbm>> -> memref<1x128xi32, #tpu.memory_space<hbm>>
        %dma_start3A_348 = tpu.memref_squeeze %dma_start3A_347 : memref<1x128xi32, #tpu.memory_space<hbm>> -> memref<128xi32, #tpu.memory_space<hbm>>
        %dma_start3A_349 = arith.constant 0 : i32
        %dma_start3A_350 = tpu.memref_slice %arg8[%dma_start3A_338, %dma_start3A_349] : memref<4x128xi32, #tpu.memory_space<vmem>> -> memref<1x128xi32, #tpu.memory_space<vmem>>
        %dma_start3A_351 = tpu.memref_squeeze %dma_start3A_350 : memref<1x128xi32, #tpu.memory_space<vmem>> -> memref<128xi32, #tpu.memory_space<vmem>>
        %dma_start3A_352 = arith.constant 0 : i32
        %dma_start3A_353 = arith.constant 0 : i32
        %dma_start3A_354 = tpu.memref_slice %arg4[%add3A, %dma_start3A_352, %dma_start3A_353] : memref<32x80x128xi32, #tpu.memory_space<hbm>> -> memref<1x80x128xi32, #tpu.memory_space<hbm>>
        %dma_start3A_355 = tpu.memref_squeeze %dma_start3A_354 : memref<1x80x128xi32, #tpu.memory_space<hbm>> -> memref<80x128xi32, #tpu.memory_space<hbm>>
        %dma_start3A_356 = arith.constant 0 : i32
        %dma_start3A_357 = tpu.memref_slice %dma_start3A_355[%add3A_337, %dma_start3A_356] : memref<80x128xi32, #tpu.memory_space<hbm>> -> memref<1x128xi32, #tpu.memory_space<hbm>>
        %dma_start3A_358 = tpu.memref_squeeze %dma_start3A_357 : memref<1x128xi32, #tpu.memory_space<hbm>> -> memref<128xi32, #tpu.memory_space<hbm>>
        tpu.enqueue_dma source(%dma_start3A_358 : memref<128xi32, #tpu.memory_space<hbm>>) target(%dma_start3A_351 : memref<128xi32, #tpu.memory_space<vmem>>) target_semaphore(%arg14 : memref<!tpu.dma_semaphore, #tpu.memory_space<semaphore_mem>>)
        %dma_start3A_359 = arith.constant 0 : i32
        %dma_start3A_360 = arith.constant 0 : i32
        %dma_start3A_361 = arith.constant 0 : i32
        %dma_start3A_362 = tpu.memref_slice %arg9[%dma_start3A_359, %dma_start3A_360, %dma_start3A_361] : memref<4x128x64xf32, #tpu.memory_space<vmem>> -> memref<1x128x64xf32, #tpu.memory_space<vmem>>
        %dma_start3A_363 = tpu.memref_squeeze %dma_start3A_362 : memref<1x128x64xf32, #tpu.memory_space<vmem>> -> memref<128x64xf32, #tpu.memory_space<vmem>>
        %dma_start3A_364 = arith.constant 0 : i32
        %dma_start3A_365 = tpu.memref_slice %arg7[%add3A_337, %dma_start3A_364] : memref<80x128xi32, #tpu.memory_space<vmem>> -> memref<1x128xi32, #tpu.memory_space<vmem>>
        %dma_start3A_366 = tpu.memref_squeeze %dma_start3A_365 : memref<1x128xi32, #tpu.memory_space<vmem>> -> memref<128xi32, #tpu.memory_space<vmem>>
        %dma_start3A_367 = arith.constant 0 : i32
        %dma_start3A_368 = arith.constant 0 : i32
        %dma_start3A_369 = tpu.memref_slice %arg10[%dma_start3A_367, %dma_start3A_368] : memref<10112x64xf32, #tpu.memory_space<vmem_shared>> -> memref<10112x64xf32, #tpu.memory_space<vmem_shared>>
        tpu.enqueue_indirect_dma source(%dma_start3A_369 : memref<10112x64xf32, #tpu.memory_space<vmem_shared>>) target(%dma_start3A_363 : memref<128x64xf32, #tpu.memory_space<vmem>>) offsets(%dma_start3A_366 : memref<128xi32, #tpu.memory_space<vmem>>) semaphore(%arg12 : memref<!tpu.dma_semaphore, #tpu.memory_space<semaphore_mem>>)
      } else {
      }
      %mul3A_276 = arith.constant 4 : i32
      %mul3A_277 = arith.muli %scan3A_99, %mul3A_276 : i32
      %add3A_278 = arith.constant 3 : i32
      %add3A_279 = arith.addi %mul3A_277, %add3A_278 : i32
      %dma_wait3A_280 = arith.constant 3 : i32
      %dma_wait3A_281 = arith.constant 0 : i32
      %dma_wait3A_282 = tpu.memref_slice %arg8[%dma_wait3A_280, %dma_wait3A_281] : memref<4x128xi32, #tpu.memory_space<vmem>> -> memref<1x128xi32, #tpu.memory_space<vmem>>
      %dma_wait3A_283 = tpu.memref_squeeze %dma_wait3A_282 : memref<1x128xi32, #tpu.memory_space<vmem>> -> memref<128xi32, #tpu.memory_space<vmem>>
      %dma_wait3A_284 = arith.constant 0 : i32
      %dma_wait3A_285 = arith.constant 0 : i32
      %dma_wait3A_286 = tpu.memref_slice %arg4[%add3A, %dma_wait3A_284, %dma_wait3A_285] : memref<32x80x128xi32, #tpu.memory_space<hbm>> -> memref<1x80x128xi32, #tpu.memory_space<hbm>>
      %dma_wait3A_287 = tpu.memref_squeeze %dma_wait3A_286 : memref<1x80x128xi32, #tpu.memory_space<hbm>> -> memref<80x128xi32, #tpu.memory_space<hbm>>
      %dma_wait3A_288 = arith.constant 0 : i32
      %dma_wait3A_289 = tpu.memref_slice %dma_wait3A_287[%add3A_279, %dma_wait3A_288] : memref<80x128xi32, #tpu.memory_space<hbm>> -> memref<1x128xi32, #tpu.memory_space<hbm>>
      %dma_wait3A_290 = tpu.memref_squeeze %dma_wait3A_289 : memref<1x128xi32, #tpu.memory_space<hbm>> -> memref<128xi32, #tpu.memory_space<hbm>>
      %dma_wait3A_291 = arith.constant 0 : i32
      %dma_wait3A_292 = tpu.memref_slice %arg8[%dma_wait3A_280, %dma_wait3A_291] : memref<4x128xi32, #tpu.memory_space<vmem>> -> memref<1x128xi32, #tpu.memory_space<vmem>>
      %dma_wait3A_293 = tpu.memref_squeeze %dma_wait3A_292 : memref<1x128xi32, #tpu.memory_space<vmem>> -> memref<128xi32, #tpu.memory_space<vmem>>
      %dma_wait3A_294 = arith.constant 0 : i32
      %dma_wait3A_295 = arith.constant 0 : i32
      %dma_wait3A_296 = tpu.memref_slice %arg4[%add3A, %dma_wait3A_294, %dma_wait3A_295] : memref<32x80x128xi32, #tpu.memory_space<hbm>> -> memref<1x80x128xi32, #tpu.memory_space<hbm>>
      %dma_wait3A_297 = tpu.memref_squeeze %dma_wait3A_296 : memref<1x80x128xi32, #tpu.memory_space<hbm>> -> memref<80x128xi32, #tpu.memory_space<hbm>>
      %dma_wait3A_298 = arith.constant 0 : i32
      %dma_wait3A_299 = tpu.memref_slice %dma_wait3A_297[%add3A_279, %dma_wait3A_298] : memref<80x128xi32, #tpu.memory_space<hbm>> -> memref<1x128xi32, #tpu.memory_space<hbm>>
      %dma_wait3A_300 = tpu.memref_squeeze %dma_wait3A_299 : memref<1x128xi32, #tpu.memory_space<hbm>> -> memref<128xi32, #tpu.memory_space<hbm>>
      tpu.wait_dma2 semaphore(%arg14 : memref<!tpu.dma_semaphore, #tpu.memory_space<semaphore_mem>>) src(%dma_wait3A_300 : memref<128xi32, #tpu.memory_space<hbm>>) dst(%dma_wait3A_293 : memref<128xi32, #tpu.memory_space<vmem>>)
      %dma_wait3A_301 = arith.constant 3 : i32
      %dma_wait3A_302 = arith.constant 0 : i32
      %dma_wait3A_303 = arith.constant 0 : i32
      %dma_wait3A_304 = tpu.memref_slice %arg9[%dma_wait3A_301, %dma_wait3A_302, %dma_wait3A_303] : memref<4x128x64xf32, #tpu.memory_space<vmem>> -> memref<1x128x64xf32, #tpu.memory_space<vmem>>
      %dma_wait3A_305 = tpu.memref_squeeze %dma_wait3A_304 : memref<1x128x64xf32, #tpu.memory_space<vmem>> -> memref<128x64xf32, #tpu.memory_space<vmem>>
      %dma_wait3A_306 = arith.constant 0 : i32
      %dma_wait3A_307 = tpu.memref_slice %arg7[%add3A_279, %dma_wait3A_306] : memref<80x128xi32, #tpu.memory_space<vmem>> -> memref<1x128xi32, #tpu.memory_space<vmem>>
      %dma_wait3A_308 = tpu.memref_squeeze %dma_wait3A_307 : memref<1x128xi32, #tpu.memory_space<vmem>> -> memref<128xi32, #tpu.memory_space<vmem>>
      %dma_wait3A_309 = arith.constant 0 : i32
      %dma_wait3A_310 = arith.constant 0 : i32
      %dma_wait3A_311 = tpu.memref_slice %arg10[%dma_wait3A_309, %dma_wait3A_310] : memref<10112x64xf32, #tpu.memory_space<vmem_shared>> -> memref<10112x64xf32, #tpu.memory_space<vmem_shared>>
      tpu.wait_indirect_dma semaphore(%arg12 : memref<!tpu.dma_semaphore, #tpu.memory_space<semaphore_mem>>) src(%dma_wait3A_311 : memref<10112x64xf32, #tpu.memory_space<vmem_shared>>) dst(%dma_wait3A_305 : memref<128x64xf32, #tpu.memory_space<vmem>>)
      %dma_start3A_312 = arith.constant 3 : i32
      %dma_start3A_313 = arith.constant 3 : i32
      %dma_start3A_314 = arith.constant 0 : i32
      %dma_start3A_315 = arith.constant 0 : i32
      %dma_start3A_316 = tpu.memref_slice %arg9[%dma_start3A_312, %dma_start3A_314, %dma_start3A_315] : memref<4x128x64xf32, #tpu.memory_space<vmem>> -> memref<1x128x64xf32, #tpu.memory_space<vmem>>
      %dma_start3A_317 = tpu.memref_squeeze %dma_start3A_316 : memref<1x128x64xf32, #tpu.memory_space<vmem>> -> memref<128x64xf32, #tpu.memory_space<vmem>>
      %dma_start3A_318 = arith.constant 0 : i32
      %dma_start3A_319 = tpu.memref_slice %arg8[%dma_start3A_313, %dma_start3A_318] : memref<4x128xi32, #tpu.memory_space<vmem>> -> memref<1x128xi32, #tpu.memory_space<vmem>>
      %dma_start3A_320 = tpu.memref_squeeze %dma_start3A_319 : memref<1x128xi32, #tpu.memory_space<vmem>> -> memref<128xi32, #tpu.memory_space<vmem>>
      %dma_start3A_321 = arith.constant 0 : i32
      %dma_start3A_322 = arith.constant 0 : i32
      %dma_start3A_323 = tpu.memref_slice %arg11[%dma_start3A_321, %dma_start3A_322] : memref<10112x64xf32, #tpu.memory_space<vmem_shared>> -> memref<10112x64xf32, #tpu.memory_space<vmem_shared>>
      tpu.enqueue_indirect_dma source(%dma_start3A_317 : memref<128x64xf32, #tpu.memory_space<vmem>>) target(%dma_start3A_323 : memref<10112x64xf32, #tpu.memory_space<vmem_shared>>) offsets(%dma_start3A_320 : memref<128xi32, #tpu.memory_space<vmem>>) semaphore(%arg13 : memref<!tpu.dma_semaphore, #tpu.memory_space<semaphore_mem>>) {add = true}
      %ge3A_324 = arith.constant 2 : i32
      %ge3A_325 = arith.cmpi sge, %add3A_279, %ge3A_324 : i32
      %convert_element_type3A_326 = arith.extui %ge3A_325 : i1 to i32
      %cond3A_327 = arith.constant 0 : i32
      %cond3A_328 = arith.cmpi ne, %convert_element_type3A_326, %cond3A_327 : i32
      scf.if %cond3A_328 {
        %dma_wait3A_336 = arith.constant 1 : i32
        %dma_wait3A_337 = arith.constant 1 : i32
        %dma_wait3A_338 = arith.constant 0 : i32
        %dma_wait3A_339 = arith.constant 0 : i32
        %dma_wait3A_340 = tpu.memref_slice %arg9[%dma_wait3A_336, %dma_wait3A_338, %dma_wait3A_339] : memref<4x128x64xf32, #tpu.memory_space<vmem>> -> memref<1x128x64xf32, #tpu.memory_space<vmem>>
        %dma_wait3A_341 = tpu.memref_squeeze %dma_wait3A_340 : memref<1x128x64xf32, #tpu.memory_space<vmem>> -> memref<128x64xf32, #tpu.memory_space<vmem>>
        %dma_wait3A_342 = arith.constant 0 : i32
        %dma_wait3A_343 = tpu.memref_slice %arg8[%dma_wait3A_337, %dma_wait3A_342] : memref<4x128xi32, #tpu.memory_space<vmem>> -> memref<1x128xi32, #tpu.memory_space<vmem>>
        %dma_wait3A_344 = tpu.memref_squeeze %dma_wait3A_343 : memref<1x128xi32, #tpu.memory_space<vmem>> -> memref<128xi32, #tpu.memory_space<vmem>>
        %dma_wait3A_345 = arith.constant 0 : i32
        %dma_wait3A_346 = arith.constant 0 : i32
        %dma_wait3A_347 = tpu.memref_slice %arg11[%dma_wait3A_345, %dma_wait3A_346] : memref<10112x64xf32, #tpu.memory_space<vmem_shared>> -> memref<10112x64xf32, #tpu.memory_space<vmem_shared>>
        tpu.wait_indirect_dma semaphore(%arg13 : memref<!tpu.dma_semaphore, #tpu.memory_space<semaphore_mem>>) src(%dma_wait3A_341 : memref<128x64xf32, #tpu.memory_space<vmem>>) dst(%dma_wait3A_347 : memref<10112x64xf32, #tpu.memory_space<vmem_shared>>)
      } else {
      }
      %add3A_329 = arith.constant 2 : i32
      %add3A_330 = arith.addi %add3A_279, %add3A_329 : i32
      %lt3A_331 = arith.constant 80 : i32
      %lt3A_332 = arith.cmpi slt, %add3A_330, %lt3A_331 : i32
      %convert_element_type3A_333 = arith.extui %lt3A_332 : i1 to i32
      %cond3A_334 = arith.constant 0 : i32
      %cond3A_335 = arith.cmpi ne, %convert_element_type3A_333, %cond3A_334 : i32
      scf.if %cond3A_335 {
        %add3A_336 = arith.constant 2 : i32
        %add3A_337 = arith.addi %add3A_279, %add3A_336 : i32
        %dma_start3A_338 = arith.constant 1 : i32
        %dma_start3A_339 = arith.constant 0 : i32
        %dma_start3A_340 = tpu.memref_slice %arg8[%dma_start3A_338, %dma_start3A_339] : memref<4x128xi32, #tpu.memory_space<vmem>> -> memref<1x128xi32, #tpu.memory_space<vmem>>
        %dma_start3A_341 = tpu.memref_squeeze %dma_start3A_340 : memref<1x128xi32, #tpu.memory_space<vmem>> -> memref<128xi32, #tpu.memory_space<vmem>>
        %dma_start3A_342 = arith.constant 0 : i32
        %dma_start3A_343 = arith.constant 0 : i32
        %dma_start3A_344 = tpu.memref_slice %arg4[%add3A, %dma_start3A_342, %dma_start3A_343] : memref<32x80x128xi32, #tpu.memory_space<hbm>> -> memref<1x80x128xi32, #tpu.memory_space<hbm>>
        %dma_start3A_345 = tpu.memref_squeeze %dma_start3A_344 : memref<1x80x128xi32, #tpu.memory_space<hbm>> -> memref<80x128xi32, #tpu.memory_space<hbm>>
        %dma_start3A_346 = arith.constant 0 : i32
        %dma_start3A_347 = tpu.memref_slice %dma_start3A_345[%add3A_337, %dma_start3A_346] : memref<80x128xi32, #tpu.memory_space<hbm>> -> memref<1x128xi32, #tpu.memory_space<hbm>>
        %dma_start3A_348 = tpu.memref_squeeze %dma_start3A_347 : memref<1x128xi32, #tpu.memory_space<hbm>> -> memref<128xi32, #tpu.memory_space<hbm>>
        %dma_start3A_349 = arith.constant 0 : i32
        %dma_start3A_350 = tpu.memref_slice %arg8[%dma_start3A_338, %dma_start3A_349] : memref<4x128xi32, #tpu.memory_space<vmem>> -> memref<1x128xi32, #tpu.memory_space<vmem>>
        %dma_start3A_351 = tpu.memref_squeeze %dma_start3A_350 : memref<1x128xi32, #tpu.memory_space<vmem>> -> memref<128xi32, #tpu.memory_space<vmem>>
        %dma_start3A_352 = arith.constant 0 : i32
        %dma_start3A_353 = arith.constant 0 : i32
        %dma_start3A_354 = tpu.memref_slice %arg4[%add3A, %dma_start3A_352, %dma_start3A_353] : memref<32x80x128xi32, #tpu.memory_space<hbm>> -> memref<1x80x128xi32, #tpu.memory_space<hbm>>
        %dma_start3A_355 = tpu.memref_squeeze %dma_start3A_354 : memref<1x80x128xi32, #tpu.memory_space<hbm>> -> memref<80x128xi32, #tpu.memory_space<hbm>>
        %dma_start3A_356 = arith.constant 0 : i32
        %dma_start3A_357 = tpu.memref_slice %dma_start3A_355[%add3A_337, %dma_start3A_356] : memref<80x128xi32, #tpu.memory_space<hbm>> -> memref<1x128xi32, #tpu.memory_space<hbm>>
        %dma_start3A_358 = tpu.memref_squeeze %dma_start3A_357 : memref<1x128xi32, #tpu.memory_space<hbm>> -> memref<128xi32, #tpu.memory_space<hbm>>
        tpu.enqueue_dma source(%dma_start3A_358 : memref<128xi32, #tpu.memory_space<hbm>>) target(%dma_start3A_351 : memref<128xi32, #tpu.memory_space<vmem>>) target_semaphore(%arg14 : memref<!tpu.dma_semaphore, #tpu.memory_space<semaphore_mem>>)
        %dma_start3A_359 = arith.constant 1 : i32
        %dma_start3A_360 = arith.constant 0 : i32
        %dma_start3A_361 = arith.constant 0 : i32
        %dma_start3A_362 = tpu.memref_slice %arg9[%dma_start3A_359, %dma_start3A_360, %dma_start3A_361] : memref<4x128x64xf32, #tpu.memory_space<vmem>> -> memref<1x128x64xf32, #tpu.memory_space<vmem>>
        %dma_start3A_363 = tpu.memref_squeeze %dma_start3A_362 : memref<1x128x64xf32, #tpu.memory_space<vmem>> -> memref<128x64xf32, #tpu.memory_space<vmem>>
        %dma_start3A_364 = arith.constant 0 : i32
        %dma_start3A_365 = tpu.memref_slice %arg7[%add3A_337, %dma_start3A_364] : memref<80x128xi32, #tpu.memory_space<vmem>> -> memref<1x128xi32, #tpu.memory_space<vmem>>
        %dma_start3A_366 = tpu.memref_squeeze %dma_start3A_365 : memref<1x128xi32, #tpu.memory_space<vmem>> -> memref<128xi32, #tpu.memory_space<vmem>>
        %dma_start3A_367 = arith.constant 0 : i32
        %dma_start3A_368 = arith.constant 0 : i32
        %dma_start3A_369 = tpu.memref_slice %arg10[%dma_start3A_367, %dma_start3A_368] : memref<10112x64xf32, #tpu.memory_space<vmem_shared>> -> memref<10112x64xf32, #tpu.memory_space<vmem_shared>>
        tpu.enqueue_indirect_dma source(%dma_start3A_369 : memref<10112x64xf32, #tpu.memory_space<vmem_shared>>) target(%dma_start3A_363 : memref<128x64xf32, #tpu.memory_space<vmem>>) offsets(%dma_start3A_366 : memref<128xi32, #tpu.memory_space<vmem>>) semaphore(%arg12 : memref<!tpu.dma_semaphore, #tpu.memory_space<semaphore_mem>>)
      } else {
      }
    }
    %scan3A_74 = arith.constant 20 : i32
    %dma_wait3A = arith.constant 2 : i32
    %dma_wait3A_75 = arith.constant 2 : i32
    %dma_wait3A_76 = arith.constant 0 : i32
    %dma_wait3A_77 = arith.constant 0 : i32
    %dma_wait3A_78 = tpu.memref_slice %arg9[%dma_wait3A, %dma_wait3A_76, %dma_wait3A_77] : memref<4x128x64xf32, #tpu.memory_space<vmem>> -> memref<1x128x64xf32, #tpu.memory_space<vmem>>
    %dma_wait3A_79 = tpu.memref_squeeze %dma_wait3A_78 : memref<1x128x64xf32, #tpu.memory_space<vmem>> -> memref<128x64xf32, #tpu.memory_space<vmem>>
    %dma_wait3A_80 = arith.constant 0 : i32
    %dma_wait3A_81 = tpu.memref_slice %arg8[%dma_wait3A_75, %dma_wait3A_80] : memref<4x128xi32, #tpu.memory_space<vmem>> -> memref<1x128xi32, #tpu.memory_space<vmem>>
    %dma_wait3A_82 = tpu.memref_squeeze %dma_wait3A_81 : memref<1x128xi32, #tpu.memory_space<vmem>> -> memref<128xi32, #tpu.memory_space<vmem>>
    %dma_wait3A_83 = arith.constant 0 : i32
    %dma_wait3A_84 = arith.constant 0 : i32
    %dma_wait3A_85 = tpu.memref_slice %arg11[%dma_wait3A_83, %dma_wait3A_84] : memref<10112x64xf32, #tpu.memory_space<vmem_shared>> -> memref<10112x64xf32, #tpu.memory_space<vmem_shared>>
    tpu.wait_indirect_dma semaphore(%arg13 : memref<!tpu.dma_semaphore, #tpu.memory_space<semaphore_mem>>) src(%dma_wait3A_79 : memref<128x64xf32, #tpu.memory_space<vmem>>) dst(%dma_wait3A_85 : memref<10112x64xf32, #tpu.memory_space<vmem_shared>>)
    %dma_wait3A_86 = arith.constant 3 : i32
    %dma_wait3A_87 = arith.constant 3 : i32
    %dma_wait3A_88 = arith.constant 0 : i32
    %dma_wait3A_89 = arith.constant 0 : i32
    %dma_wait3A_90 = tpu.memref_slice %arg9[%dma_wait3A_86, %dma_wait3A_88, %dma_wait3A_89] : memref<4x128x64xf32, #tpu.memory_space<vmem>> -> memref<1x128x64xf32, #tpu.memory_space<vmem>>
    %dma_wait3A_91 = tpu.memref_squeeze %dma_wait3A_90 : memref<1x128x64xf32, #tpu.memory_space<vmem>> -> memref<128x64xf32, #tpu.memory_space<vmem>>
    %dma_wait3A_92 = arith.constant 0 : i32
    %dma_wait3A_93 = tpu.memref_slice %arg8[%dma_wait3A_87, %dma_wait3A_92] : memref<4x128xi32, #tpu.memory_space<vmem>> -> memref<1x128xi32, #tpu.memory_space<vmem>>
    %dma_wait3A_94 = tpu.memref_squeeze %dma_wait3A_93 : memref<1x128xi32, #tpu.memory_space<vmem>> -> memref<128xi32, #tpu.memory_space<vmem>>
    %dma_wait3A_95 = arith.constant 0 : i32
    %dma_wait3A_96 = arith.constant 0 : i32
    %dma_wait3A_97 = tpu.memref_slice %arg11[%dma_wait3A_95, %dma_wait3A_96] : memref<10112x64xf32, #tpu.memory_space<vmem_shared>> -> memref<10112x64xf32, #tpu.memory_space<vmem_shared>>
    tpu.wait_indirect_dma semaphore(%arg13 : memref<!tpu.dma_semaphore, #tpu.memory_space<semaphore_mem>>) src(%dma_wait3A_91 : memref<128x64xf32, #tpu.memory_space<vmem>>) dst(%dma_wait3A_97 : memref<10112x64xf32, #tpu.memory_space<vmem_shared>>)
    %barrier3A_98 = arith.constant 0 : index
    tpu.barrier barrier_id(%barrier3A_98)
    "tpu.region"() ({
      %run_scoped3A = tpu.sem_alloc : memref<!tpu.dma_semaphore, #tpu.memory_space<semaphore_mem>>
      %dma_start3A_99 = arith.constant 0 : i32
      %dma_start3A_100 = arith.constant 0 : i32
      %dma_start3A_101 = tpu.memref_slice %arg6[%arg0, %dma_start3A_99, %dma_start3A_100] : memref<2x10112x64xf32, #tpu.memory_space<hbm>> -> memref<1x10112x64xf32, #tpu.memory_space<hbm>>
      %dma_start3A_102 = tpu.memref_squeeze %dma_start3A_101 : memref<1x10112x64xf32, #tpu.memory_space<hbm>> -> memref<10112x64xf32, #tpu.memory_space<hbm>>
      %dma_start3A_103 = arith.constant 0 : i32
      %dma_start3A_104 = tpu.memref_slice %dma_start3A_102[%mul3A_2, %dma_start3A_103] : memref<10112x64xf32, #tpu.memory_space<hbm>> -> memref<632x64xf32, #tpu.memory_space<hbm>>
      %dma_start3A_105 = arith.constant 0 : i32
      %dma_start3A_106 = tpu.memref_slice %arg11[%mul3A_2, %dma_start3A_105] : memref<10112x64xf32, #tpu.memory_space<vmem_shared>> -> memref<632x64xf32, #tpu.memory_space<vmem_shared>>
      tpu.enqueue_dma source(%dma_start3A_106 : memref<632x64xf32, #tpu.memory_space<vmem_shared>>) target(%dma_start3A_104 : memref<632x64xf32, #tpu.memory_space<hbm>>) target_semaphore(%run_scoped3A : memref<!tpu.dma_semaphore, #tpu.memory_space<semaphore_mem>>)
      %dma_wait3A_107 = arith.constant 0 : i32
      %dma_wait3A_108 = arith.constant 0 : i32
      %dma_wait3A_109 = tpu.memref_slice %arg6[%arg0, %dma_wait3A_107, %dma_wait3A_108] : memref<2x10112x64xf32, #tpu.memory_space<hbm>> -> memref<1x10112x64xf32, #tpu.memory_space<hbm>>
      %dma_wait3A_110 = tpu.memref_squeeze %dma_wait3A_109 : memref<1x10112x64xf32, #tpu.memory_space<hbm>> -> memref<10112x64xf32, #tpu.memory_space<hbm>>
      %dma_wait3A_111 = arith.constant 0 : i32
      %dma_wait3A_112 = tpu.memref_slice %dma_wait3A_110[%mul3A_2, %dma_wait3A_111] : memref<10112x64xf32, #tpu.memory_space<hbm>> -> memref<632x64xf32, #tpu.memory_space<hbm>>
      %dma_wait3A_113 = arith.constant 0 : i32
      %dma_wait3A_114 = tpu.memref_slice %arg11[%mul3A_2, %dma_wait3A_113] : memref<10112x64xf32, #tpu.memory_space<vmem_shared>> -> memref<632x64xf32, #tpu.memory_space<vmem_shared>>
      tpu.wait_dma2 semaphore(%run_scoped3A : memref<!tpu.dma_semaphore, #tpu.memory_space<semaphore_mem>>) src(%dma_wait3A_114 : memref<632x64xf32, #tpu.memory_space<vmem_shared>>) dst(%dma_wait3A_112 : memref<632x64xf32, #tpu.memory_space<hbm>>)
      tpu.yield
    }) : () -> ()
    return
  }
}

#map = affine_map<(d0, d1) -> (0, 0)>
#map1 = affine_map<(d0, d1) -> (0, 0, 0)>
module attributes {stable_mosaic.version = 14 : i64} {
  func.func @agg(%arg0: i32, %arg1: i32, %arg2: memref<10112x16xf32, #tpu.memory_space<hbm>>, %arg3: memref<32x80x128xi32, #tpu.memory_space<hbm>>, %arg4: memref<32x80x128xi32, #tpu.memory_space<hbm>>, %arg5: memref<632x16xf32, #tpu.memory_space<hbm>>, %arg6: memref<2x10112x16xf32, #tpu.memory_space<hbm>>, %arg7: memref<80x128xi32, #tpu.memory_space<vmem>>, %arg8: memref<4x128xi32, #tpu.memory_space<vmem>>, %arg9: memref<4x128x16xf32, #tpu.memory_space<vmem>>, %arg10: memref<10112x16xf32, #tpu.memory_space<vmem_shared>>, %arg11: memref<10112x16xf32, #tpu.memory_space<vmem_shared>>, %arg12: memref<!tpu.dma_semaphore, #tpu.memory_space<semaphore_mem>>, %arg13: memref<!tpu.dma_semaphore, #tpu.memory_space<semaphore_mem>>, %arg14: memref<!tpu.dma_semaphore, #tpu.memory_space<semaphore_mem>>) attributes {dimension_semantics = [#tpu.dimension_semantics<core_parallel>, #tpu.dimension_semantics<subcore_parallel>], iteration_bounds = array<i64: 2, 16>, scalar_prefetch = 0 : i64, scratch_operands = 8 : i64, tpu.core_type = #tpu.core_type<sc_vector_subcore>, window_params = [{transform_indices = #map}, {transform_indices = #map1}, {transform_indices = #map1}, {transform_indices = #map}, {transform_indices = #map1}]} {
    %mul3A = arith.constant 16 : i32
    %mul3A_0 = arith.muli %arg0, %mul3A : i32
    %add3A = arith.addi %mul3A_0, %arg1 : i32
    %mul3A_1 = arith.constant 632 : i32
    %mul3A_2 = arith.muli %arg1, %mul3A_1 : i32
    "tpu.region"() ({
      %run_scoped3A = tpu.sem_alloc : memref<!tpu.dma_semaphore, #tpu.memory_space<semaphore_mem>>
      %dma_start3A_99 = arith.constant 0 : i32
      %dma_start3A_100 = tpu.memref_slice %arg10[%mul3A_2, %dma_start3A_99] : memref<10112x16xf32, #tpu.memory_space<vmem_shared>> -> memref<632x16xf32, #tpu.memory_space<vmem_shared>>
      %dma_start3A_101 = arith.constant 0 : i32
      %dma_start3A_102 = tpu.memref_slice %arg2[%mul3A_2, %dma_start3A_101] : memref<10112x16xf32, #tpu.memory_space<hbm>> -> memref<632x16xf32, #tpu.memory_space<hbm>>
      tpu.enqueue_dma source(%dma_start3A_102 : memref<632x16xf32, #tpu.memory_space<hbm>>) target(%dma_start3A_100 : memref<632x16xf32, #tpu.memory_space<vmem_shared>>) target_semaphore(%run_scoped3A : memref<!tpu.dma_semaphore, #tpu.memory_space<semaphore_mem>>)
      %dma_wait3A_103 = arith.constant 0 : i32
      %dma_wait3A_104 = tpu.memref_slice %arg10[%mul3A_2, %dma_wait3A_103] : memref<10112x16xf32, #tpu.memory_space<vmem_shared>> -> memref<632x16xf32, #tpu.memory_space<vmem_shared>>
      %dma_wait3A_105 = arith.constant 0 : i32
      %dma_wait3A_106 = tpu.memref_slice %arg2[%mul3A_2, %dma_wait3A_105] : memref<10112x16xf32, #tpu.memory_space<hbm>> -> memref<632x16xf32, #tpu.memory_space<hbm>>
      tpu.wait_dma2 semaphore(%run_scoped3A : memref<!tpu.dma_semaphore, #tpu.memory_space<semaphore_mem>>) src(%dma_wait3A_106 : memref<632x16xf32, #tpu.memory_space<hbm>>) dst(%dma_wait3A_104 : memref<632x16xf32, #tpu.memory_space<vmem_shared>>)
      tpu.yield
    }) : () -> ()
    "tpu.region"() ({
      %run_scoped3A = tpu.sem_alloc : memref<!tpu.dma_semaphore, #tpu.memory_space<semaphore_mem>>
      %dma_start3A_99 = arith.constant 0 : i32
      %dma_start3A_100 = tpu.memref_slice %arg11[%mul3A_2, %dma_start3A_99] : memref<10112x16xf32, #tpu.memory_space<vmem_shared>> -> memref<632x16xf32, #tpu.memory_space<vmem_shared>>
      tpu.enqueue_dma source(%arg5 : memref<632x16xf32, #tpu.memory_space<hbm>>) target(%dma_start3A_100 : memref<632x16xf32, #tpu.memory_space<vmem_shared>>) target_semaphore(%run_scoped3A : memref<!tpu.dma_semaphore, #tpu.memory_space<semaphore_mem>>)
      %dma_wait3A_101 = arith.constant 0 : i32
      %dma_wait3A_102 = tpu.memref_slice %arg11[%mul3A_2, %dma_wait3A_101] : memref<10112x16xf32, #tpu.memory_space<vmem_shared>> -> memref<632x16xf32, #tpu.memory_space<vmem_shared>>
      tpu.wait_dma2 semaphore(%run_scoped3A : memref<!tpu.dma_semaphore, #tpu.memory_space<semaphore_mem>>) src(%arg5 : memref<632x16xf32, #tpu.memory_space<hbm>>) dst(%dma_wait3A_102 : memref<632x16xf32, #tpu.memory_space<vmem_shared>>)
      tpu.yield
    }) : () -> ()
    "tpu.region"() ({
      %run_scoped3A = tpu.sem_alloc : memref<!tpu.dma_semaphore, #tpu.memory_space<semaphore_mem>>
      %dma_start3A_99 = arith.constant 0 : i32
      %dma_start3A_100 = arith.constant 0 : i32
      %dma_start3A_101 = tpu.memref_slice %arg3[%add3A, %dma_start3A_99, %dma_start3A_100] : memref<32x80x128xi32, #tpu.memory_space<hbm>> -> memref<1x80x128xi32, #tpu.memory_space<hbm>>
      %dma_start3A_102 = tpu.memref_squeeze %dma_start3A_101 : memref<1x80x128xi32, #tpu.memory_space<hbm>> -> memref<80x128xi32, #tpu.memory_space<hbm>>
      %dma_start3A_103 = arith.constant 0 : i32
      %dma_start3A_104 = arith.constant 0 : i32
      %dma_start3A_105 = tpu.memref_slice %arg3[%add3A, %dma_start3A_103, %dma_start3A_104] : memref<32x80x128xi32, #tpu.memory_space<hbm>> -> memref<1x80x128xi32, #tpu.memory_space<hbm>>
      %dma_start3A_106 = tpu.memref_squeeze %dma_start3A_105 : memref<1x80x128xi32, #tpu.memory_space<hbm>> -> memref<80x128xi32, #tpu.memory_space<hbm>>
      tpu.enqueue_dma source(%dma_start3A_106 : memref<80x128xi32, #tpu.memory_space<hbm>>) target(%arg7 : memref<80x128xi32, #tpu.memory_space<vmem>>) target_semaphore(%run_scoped3A : memref<!tpu.dma_semaphore, #tpu.memory_space<semaphore_mem>>)
      %dma_wait3A_107 = arith.constant 0 : i32
      %dma_wait3A_108 = arith.constant 0 : i32
      %dma_wait3A_109 = tpu.memref_slice %arg3[%add3A, %dma_wait3A_107, %dma_wait3A_108] : memref<32x80x128xi32, #tpu.memory_space<hbm>> -> memref<1x80x128xi32, #tpu.memory_space<hbm>>
      %dma_wait3A_110 = tpu.memref_squeeze %dma_wait3A_109 : memref<1x80x128xi32, #tpu.memory_space<hbm>> -> memref<80x128xi32, #tpu.memory_space<hbm>>
      %dma_wait3A_111 = arith.constant 0 : i32
      %dma_wait3A_112 = arith.constant 0 : i32
      %dma_wait3A_113 = tpu.memref_slice %arg3[%add3A, %dma_wait3A_111, %dma_wait3A_112] : memref<32x80x128xi32, #tpu.memory_space<hbm>> -> memref<1x80x128xi32, #tpu.memory_space<hbm>>
      %dma_wait3A_114 = tpu.memref_squeeze %dma_wait3A_113 : memref<1x80x128xi32, #tpu.memory_space<hbm>> -> memref<80x128xi32, #tpu.memory_space<hbm>>
      tpu.wait_dma2 semaphore(%run_scoped3A : memref<!tpu.dma_semaphore, #tpu.memory_space<semaphore_mem>>) src(%dma_wait3A_114 : memref<80x128xi32, #tpu.memory_space<hbm>>) dst(%arg7 : memref<80x128xi32, #tpu.memory_space<vmem>>)
      tpu.yield
    }) : () -> ()
    %barrier3A = arith.constant 0 : index
    tpu.barrier barrier_id(%barrier3A)
    %dma_start3A = arith.constant 0 : i32
    %dma_start3A_3 = arith.constant 0 : i32
    %dma_start3A_4 = arith.constant 0 : i32
    %dma_start3A_5 = tpu.memref_slice %arg8[%dma_start3A_3, %dma_start3A_4] : memref<4x128xi32, #tpu.memory_space<vmem>> -> memref<1x128xi32, #tpu.memory_space<vmem>>
    %dma_start3A_6 = tpu.memref_squeeze %dma_start3A_5 : memref<1x128xi32, #tpu.memory_space<vmem>> -> memref<128xi32, #tpu.memory_space<vmem>>
    %dma_start3A_7 = arith.constant 0 : i32
    %dma_start3A_8 = arith.constant 0 : i32
    %dma_start3A_9 = tpu.memref_slice %arg4[%add3A, %dma_start3A_7, %dma_start3A_8] : memref<32x80x128xi32, #tpu.memory_space<hbm>> -> memref<1x80x128xi32, #tpu.memory_space<hbm>>
    %dma_start3A_10 = tpu.memref_squeeze %dma_start3A_9 : memref<1x80x128xi32, #tpu.memory_space<hbm>> -> memref<80x128xi32, #tpu.memory_space<hbm>>
    %dma_start3A_11 = arith.constant 0 : i32
    %dma_start3A_12 = tpu.memref_slice %dma_start3A_10[%dma_start3A, %dma_start3A_11] : memref<80x128xi32, #tpu.memory_space<hbm>> -> memref<1x128xi32, #tpu.memory_space<hbm>>
    %dma_start3A_13 = tpu.memref_squeeze %dma_start3A_12 : memref<1x128xi32, #tpu.memory_space<hbm>> -> memref<128xi32, #tpu.memory_space<hbm>>
    %dma_start3A_14 = arith.constant 0 : i32
    %dma_start3A_15 = tpu.memref_slice %arg8[%dma_start3A_3, %dma_start3A_14] : memref<4x128xi32, #tpu.memory_space<vmem>> -> memref<1x128xi32, #tpu.memory_space<vmem>>
    %dma_start3A_16 = tpu.memref_squeeze %dma_start3A_15 : memref<1x128xi32, #tpu.memory_space<vmem>> -> memref<128xi32, #tpu.memory_space<vmem>>
    %dma_start3A_17 = arith.constant 0 : i32
    %dma_start3A_18 = arith.constant 0 : i32
    %dma_start3A_19 = tpu.memref_slice %arg4[%add3A, %dma_start3A_17, %dma_start3A_18] : memref<32x80x128xi32, #tpu.memory_space<hbm>> -> memref<1x80x128xi32, #tpu.memory_space<hbm>>
    %dma_start3A_20 = tpu.memref_squeeze %dma_start3A_19 : memref<1x80x128xi32, #tpu.memory_space<hbm>> -> memref<80x128xi32, #tpu.memory_space<hbm>>
    %dma_start3A_21 = arith.constant 0 : i32
    %dma_start3A_22 = tpu.memref_slice %dma_start3A_20[%dma_start3A, %dma_start3A_21] : memref<80x128xi32, #tpu.memory_space<hbm>> -> memref<1x128xi32, #tpu.memory_space<hbm>>
    %dma_start3A_23 = tpu.memref_squeeze %dma_start3A_22 : memref<1x128xi32, #tpu.memory_space<hbm>> -> memref<128xi32, #tpu.memory_space<hbm>>
    tpu.enqueue_dma source(%dma_start3A_23 : memref<128xi32, #tpu.memory_space<hbm>>) target(%dma_start3A_16 : memref<128xi32, #tpu.memory_space<vmem>>) target_semaphore(%arg14 : memref<!tpu.dma_semaphore, #tpu.memory_space<semaphore_mem>>)
    %dma_start3A_24 = arith.constant 0 : i32
    %dma_start3A_25 = arith.constant 0 : i32
    %dma_start3A_26 = arith.constant 0 : i32
    %dma_start3A_27 = arith.constant 0 : i32
    %dma_start3A_28 = tpu.memref_slice %arg9[%dma_start3A_25, %dma_start3A_26, %dma_start3A_27] : memref<4x128x16xf32, #tpu.memory_space<vmem>> -> memref<1x128x16xf32, #tpu.memory_space<vmem>>
    %dma_start3A_29 = tpu.memref_squeeze %dma_start3A_28 : memref<1x128x16xf32, #tpu.memory_space<vmem>> -> memref<128x16xf32, #tpu.memory_space<vmem>>
    %dma_start3A_30 = arith.constant 0 : i32
    %dma_start3A_31 = tpu.memref_slice %arg7[%dma_start3A_24, %dma_start3A_30] : memref<80x128xi32, #tpu.memory_space<vmem>> -> memref<1x128xi32, #tpu.memory_space<vmem>>
    %dma_start3A_32 = tpu.memref_squeeze %dma_start3A_31 : memref<1x128xi32, #tpu.memory_space<vmem>> -> memref<128xi32, #tpu.memory_space<vmem>>
    %dma_start3A_33 = arith.constant 0 : i32
    %dma_start3A_34 = arith.constant 0 : i32
    %dma_start3A_35 = tpu.memref_slice %arg10[%dma_start3A_33, %dma_start3A_34] : memref<10112x16xf32, #tpu.memory_space<vmem_shared>> -> memref<10112x16xf32, #tpu.memory_space<vmem_shared>>
    tpu.enqueue_indirect_dma source(%dma_start3A_35 : memref<10112x16xf32, #tpu.memory_space<vmem_shared>>) target(%dma_start3A_29 : memref<128x16xf32, #tpu.memory_space<vmem>>) offsets(%dma_start3A_32 : memref<128xi32, #tpu.memory_space<vmem>>) semaphore(%arg12 : memref<!tpu.dma_semaphore, #tpu.memory_space<semaphore_mem>>)
    %dma_start3A_36 = arith.constant 1 : i32
    %dma_start3A_37 = arith.constant 1 : i32
    %dma_start3A_38 = arith.constant 0 : i32
    %dma_start3A_39 = tpu.memref_slice %arg8[%dma_start3A_37, %dma_start3A_38] : memref<4x128xi32, #tpu.memory_space<vmem>> -> memref<1x128xi32, #tpu.memory_space<vmem>>
    %dma_start3A_40 = tpu.memref_squeeze %dma_start3A_39 : memref<1x128xi32, #tpu.memory_space<vmem>> -> memref<128xi32, #tpu.memory_space<vmem>>
    %dma_start3A_41 = arith.constant 0 : i32
    %dma_start3A_42 = arith.constant 0 : i32
    %dma_start3A_43 = tpu.memref_slice %arg4[%add3A, %dma_start3A_41, %dma_start3A_42] : memref<32x80x128xi32, #tpu.memory_space<hbm>> -> memref<1x80x128xi32, #tpu.memory_space<hbm>>
    %dma_start3A_44 = tpu.memref_squeeze %dma_start3A_43 : memref<1x80x128xi32, #tpu.memory_space<hbm>> -> memref<80x128xi32, #tpu.memory_space<hbm>>
    %dma_start3A_45 = arith.constant 0 : i32
    %dma_start3A_46 = tpu.memref_slice %dma_start3A_44[%dma_start3A_36, %dma_start3A_45] : memref<80x128xi32, #tpu.memory_space<hbm>> -> memref<1x128xi32, #tpu.memory_space<hbm>>
    %dma_start3A_47 = tpu.memref_squeeze %dma_start3A_46 : memref<1x128xi32, #tpu.memory_space<hbm>> -> memref<128xi32, #tpu.memory_space<hbm>>
    %dma_start3A_48 = arith.constant 0 : i32
    %dma_start3A_49 = tpu.memref_slice %arg8[%dma_start3A_37, %dma_start3A_48] : memref<4x128xi32, #tpu.memory_space<vmem>> -> memref<1x128xi32, #tpu.memory_space<vmem>>
    %dma_start3A_50 = tpu.memref_squeeze %dma_start3A_49 : memref<1x128xi32, #tpu.memory_space<vmem>> -> memref<128xi32, #tpu.memory_space<vmem>>
    %dma_start3A_51 = arith.constant 0 : i32
    %dma_start3A_52 = arith.constant 0 : i32
    %dma_start3A_53 = tpu.memref_slice %arg4[%add3A, %dma_start3A_51, %dma_start3A_52] : memref<32x80x128xi32, #tpu.memory_space<hbm>> -> memref<1x80x128xi32, #tpu.memory_space<hbm>>
    %dma_start3A_54 = tpu.memref_squeeze %dma_start3A_53 : memref<1x80x128xi32, #tpu.memory_space<hbm>> -> memref<80x128xi32, #tpu.memory_space<hbm>>
    %dma_start3A_55 = arith.constant 0 : i32
    %dma_start3A_56 = tpu.memref_slice %dma_start3A_54[%dma_start3A_36, %dma_start3A_55] : memref<80x128xi32, #tpu.memory_space<hbm>> -> memref<1x128xi32, #tpu.memory_space<hbm>>
    %dma_start3A_57 = tpu.memref_squeeze %dma_start3A_56 : memref<1x128xi32, #tpu.memory_space<hbm>> -> memref<128xi32, #tpu.memory_space<hbm>>
    tpu.enqueue_dma source(%dma_start3A_57 : memref<128xi32, #tpu.memory_space<hbm>>) target(%dma_start3A_50 : memref<128xi32, #tpu.memory_space<vmem>>) target_semaphore(%arg14 : memref<!tpu.dma_semaphore, #tpu.memory_space<semaphore_mem>>)
    %dma_start3A_58 = arith.constant 1 : i32
    %dma_start3A_59 = arith.constant 1 : i32
    %dma_start3A_60 = arith.constant 0 : i32
    %dma_start3A_61 = arith.constant 0 : i32
    %dma_start3A_62 = tpu.memref_slice %arg9[%dma_start3A_59, %dma_start3A_60, %dma_start3A_61] : memref<4x128x16xf32, #tpu.memory_space<vmem>> -> memref<1x128x16xf32, #tpu.memory_space<vmem>>
    %dma_start3A_63 = tpu.memref_squeeze %dma_start3A_62 : memref<1x128x16xf32, #tpu.memory_space<vmem>> -> memref<128x16xf32, #tpu.memory_space<vmem>>
    %dma_start3A_64 = arith.constant 0 : i32
    %dma_start3A_65 = tpu.memref_slice %arg7[%dma_start3A_58, %dma_start3A_64] : memref<80x128xi32, #tpu.memory_space<vmem>> -> memref<1x128xi32, #tpu.memory_space<vmem>>
    %dma_start3A_66 = tpu.memref_squeeze %dma_start3A_65 : memref<1x128xi32, #tpu.memory_space<vmem>> -> memref<128xi32, #tpu.memory_space<vmem>>
    %dma_start3A_67 = arith.constant 0 : i32
    %dma_start3A_68 = arith.constant 0 : i32
    %dma_start3A_69 = tpu.memref_slice %arg10[%dma_start3A_67, %dma_start3A_68] : memref<10112x16xf32, #tpu.memory_space<vmem_shared>> -> memref<10112x16xf32, #tpu.memory_space<vmem_shared>>
    tpu.enqueue_indirect_dma source(%dma_start3A_69 : memref<10112x16xf32, #tpu.memory_space<vmem_shared>>) target(%dma_start3A_63 : memref<128x16xf32, #tpu.memory_space<vmem>>) offsets(%dma_start3A_66 : memref<128xi32, #tpu.memory_space<vmem>>) semaphore(%arg12 : memref<!tpu.dma_semaphore, #tpu.memory_space<semaphore_mem>>)
    %scan3A = arith.constant 0 : i32
    %scan3A_70 = arith.constant 0 : i32
    %scan3A_71 = arith.constant 20 : i32
    %scan3A_72 = arith.addi %scan3A_70, %scan3A_71 : i32
    %scan3A_73 = arith.constant 1 : i32
    scf.for %scan3A_99 = %scan3A_70 to %scan3A_72 step %scan3A_73  : i32 {
      %mul3A_100 = arith.constant 4 : i32
      %mul3A_101 = arith.muli %scan3A_99, %mul3A_100 : i32
      %add3A_102 = arith.constant 0 : i32
      %add3A_103 = arith.addi %mul3A_101, %add3A_102 : i32
      %dma_wait3A_104 = arith.constant 0 : i32
      %dma_wait3A_105 = arith.constant 0 : i32
      %dma_wait3A_106 = tpu.memref_slice %arg8[%dma_wait3A_104, %dma_wait3A_105] : memref<4x128xi32, #tpu.memory_space<vmem>> -> memref<1x128xi32, #tpu.memory_space<vmem>>
      %dma_wait3A_107 = tpu.memref_squeeze %dma_wait3A_106 : memref<1x128xi32, #tpu.memory_space<vmem>> -> memref<128xi32, #tpu.memory_space<vmem>>
      %dma_wait3A_108 = arith.constant 0 : i32
      %dma_wait3A_109 = arith.constant 0 : i32
      %dma_wait3A_110 = tpu.memref_slice %arg4[%add3A, %dma_wait3A_108, %dma_wait3A_109] : memref<32x80x128xi32, #tpu.memory_space<hbm>> -> memref<1x80x128xi32, #tpu.memory_space<hbm>>
      %dma_wait3A_111 = tpu.memref_squeeze %dma_wait3A_110 : memref<1x80x128xi32, #tpu.memory_space<hbm>> -> memref<80x128xi32, #tpu.memory_space<hbm>>
      %dma_wait3A_112 = arith.constant 0 : i32
      %dma_wait3A_113 = tpu.memref_slice %dma_wait3A_111[%add3A_103, %dma_wait3A_112] : memref<80x128xi32, #tpu.memory_space<hbm>> -> memref<1x128xi32, #tpu.memory_space<hbm>>
      %dma_wait3A_114 = tpu.memref_squeeze %dma_wait3A_113 : memref<1x128xi32, #tpu.memory_space<hbm>> -> memref<128xi32, #tpu.memory_space<hbm>>
      %dma_wait3A_115 = arith.constant 0 : i32
      %dma_wait3A_116 = tpu.memref_slice %arg8[%dma_wait3A_104, %dma_wait3A_115] : memref<4x128xi32, #tpu.memory_space<vmem>> -> memref<1x128xi32, #tpu.memory_space<vmem>>
      %dma_wait3A_117 = tpu.memref_squeeze %dma_wait3A_116 : memref<1x128xi32, #tpu.memory_space<vmem>> -> memref<128xi32, #tpu.memory_space<vmem>>
      %dma_wait3A_118 = arith.constant 0 : i32
      %dma_wait3A_119 = arith.constant 0 : i32
      %dma_wait3A_120 = tpu.memref_slice %arg4[%add3A, %dma_wait3A_118, %dma_wait3A_119] : memref<32x80x128xi32, #tpu.memory_space<hbm>> -> memref<1x80x128xi32, #tpu.memory_space<hbm>>
      %dma_wait3A_121 = tpu.memref_squeeze %dma_wait3A_120 : memref<1x80x128xi32, #tpu.memory_space<hbm>> -> memref<80x128xi32, #tpu.memory_space<hbm>>
      %dma_wait3A_122 = arith.constant 0 : i32
      %dma_wait3A_123 = tpu.memref_slice %dma_wait3A_121[%add3A_103, %dma_wait3A_122] : memref<80x128xi32, #tpu.memory_space<hbm>> -> memref<1x128xi32, #tpu.memory_space<hbm>>
      %dma_wait3A_124 = tpu.memref_squeeze %dma_wait3A_123 : memref<1x128xi32, #tpu.memory_space<hbm>> -> memref<128xi32, #tpu.memory_space<hbm>>
      tpu.wait_dma2 semaphore(%arg14 : memref<!tpu.dma_semaphore, #tpu.memory_space<semaphore_mem>>) src(%dma_wait3A_124 : memref<128xi32, #tpu.memory_space<hbm>>) dst(%dma_wait3A_117 : memref<128xi32, #tpu.memory_space<vmem>>)
      %dma_wait3A_125 = arith.constant 0 : i32
      %dma_wait3A_126 = arith.constant 0 : i32
      %dma_wait3A_127 = arith.constant 0 : i32
      %dma_wait3A_128 = tpu.memref_slice %arg9[%dma_wait3A_125, %dma_wait3A_126, %dma_wait3A_127] : memref<4x128x16xf32, #tpu.memory_space<vmem>> -> memref<1x128x16xf32, #tpu.memory_space<vmem>>
      %dma_wait3A_129 = tpu.memref_squeeze %dma_wait3A_128 : memref<1x128x16xf32, #tpu.memory_space<vmem>> -> memref<128x16xf32, #tpu.memory_space<vmem>>
      %dma_wait3A_130 = arith.constant 0 : i32
      %dma_wait3A_131 = tpu.memref_slice %arg7[%add3A_103, %dma_wait3A_130] : memref<80x128xi32, #tpu.memory_space<vmem>> -> memref<1x128xi32, #tpu.memory_space<vmem>>
      %dma_wait3A_132 = tpu.memref_squeeze %dma_wait3A_131 : memref<1x128xi32, #tpu.memory_space<vmem>> -> memref<128xi32, #tpu.memory_space<vmem>>
      %dma_wait3A_133 = arith.constant 0 : i32
      %dma_wait3A_134 = arith.constant 0 : i32
      %dma_wait3A_135 = tpu.memref_slice %arg10[%dma_wait3A_133, %dma_wait3A_134] : memref<10112x16xf32, #tpu.memory_space<vmem_shared>> -> memref<10112x16xf32, #tpu.memory_space<vmem_shared>>
      tpu.wait_indirect_dma semaphore(%arg12 : memref<!tpu.dma_semaphore, #tpu.memory_space<semaphore_mem>>) src(%dma_wait3A_135 : memref<10112x16xf32, #tpu.memory_space<vmem_shared>>) dst(%dma_wait3A_129 : memref<128x16xf32, #tpu.memory_space<vmem>>)
      %dma_start3A_136 = arith.constant 0 : i32
      %dma_start3A_137 = arith.constant 0 : i32
      %dma_start3A_138 = arith.constant 0 : i32
      %dma_start3A_139 = arith.constant 0 : i32
      %dma_start3A_140 = tpu.memref_slice %arg9[%dma_start3A_136, %dma_start3A_138, %dma_start3A_139] : memref<4x128x16xf32, #tpu.memory_space<vmem>> -> memref<1x128x16xf32, #tpu.memory_space<vmem>>
      %dma_start3A_141 = tpu.memref_squeeze %dma_start3A_140 : memref<1x128x16xf32, #tpu.memory_space<vmem>> -> memref<128x16xf32, #tpu.memory_space<vmem>>
      %dma_start3A_142 = arith.constant 0 : i32
      %dma_start3A_143 = tpu.memref_slice %arg8[%dma_start3A_137, %dma_start3A_142] : memref<4x128xi32, #tpu.memory_space<vmem>> -> memref<1x128xi32, #tpu.memory_space<vmem>>
      %dma_start3A_144 = tpu.memref_squeeze %dma_start3A_143 : memref<1x128xi32, #tpu.memory_space<vmem>> -> memref<128xi32, #tpu.memory_space<vmem>>
      %dma_start3A_145 = arith.constant 0 : i32
      %dma_start3A_146 = arith.constant 0 : i32
      %dma_start3A_147 = tpu.memref_slice %arg11[%dma_start3A_145, %dma_start3A_146] : memref<10112x16xf32, #tpu.memory_space<vmem_shared>> -> memref<10112x16xf32, #tpu.memory_space<vmem_shared>>
      tpu.enqueue_indirect_dma source(%dma_start3A_141 : memref<128x16xf32, #tpu.memory_space<vmem>>) target(%dma_start3A_147 : memref<10112x16xf32, #tpu.memory_space<vmem_shared>>) offsets(%dma_start3A_144 : memref<128xi32, #tpu.memory_space<vmem>>) semaphore(%arg13 : memref<!tpu.dma_semaphore, #tpu.memory_space<semaphore_mem>>) {add = true}
      %ge3A = arith.constant 2 : i32
      %ge3A_148 = arith.cmpi sge, %add3A_103, %ge3A : i32
      %convert_element_type3A = arith.extui %ge3A_148 : i1 to i32
      %cond3A = arith.constant 0 : i32
      %cond3A_149 = arith.cmpi ne, %convert_element_type3A, %cond3A : i32
      scf.if %cond3A_149 {
        %dma_wait3A_336 = arith.constant 2 : i32
        %dma_wait3A_337 = arith.constant 2 : i32
        %dma_wait3A_338 = arith.constant 0 : i32
        %dma_wait3A_339 = arith.constant 0 : i32
        %dma_wait3A_340 = tpu.memref_slice %arg9[%dma_wait3A_336, %dma_wait3A_338, %dma_wait3A_339] : memref<4x128x16xf32, #tpu.memory_space<vmem>> -> memref<1x128x16xf32, #tpu.memory_space<vmem>>
        %dma_wait3A_341 = tpu.memref_squeeze %dma_wait3A_340 : memref<1x128x16xf32, #tpu.memory_space<vmem>> -> memref<128x16xf32, #tpu.memory_space<vmem>>
        %dma_wait3A_342 = arith.constant 0 : i32
        %dma_wait3A_343 = tpu.memref_slice %arg8[%dma_wait3A_337, %dma_wait3A_342] : memref<4x128xi32, #tpu.memory_space<vmem>> -> memref<1x128xi32, #tpu.memory_space<vmem>>
        %dma_wait3A_344 = tpu.memref_squeeze %dma_wait3A_343 : memref<1x128xi32, #tpu.memory_space<vmem>> -> memref<128xi32, #tpu.memory_space<vmem>>
        %dma_wait3A_345 = arith.constant 0 : i32
        %dma_wait3A_346 = arith.constant 0 : i32
        %dma_wait3A_347 = tpu.memref_slice %arg11[%dma_wait3A_345, %dma_wait3A_346] : memref<10112x16xf32, #tpu.memory_space<vmem_shared>> -> memref<10112x16xf32, #tpu.memory_space<vmem_shared>>
        tpu.wait_indirect_dma semaphore(%arg13 : memref<!tpu.dma_semaphore, #tpu.memory_space<semaphore_mem>>) src(%dma_wait3A_341 : memref<128x16xf32, #tpu.memory_space<vmem>>) dst(%dma_wait3A_347 : memref<10112x16xf32, #tpu.memory_space<vmem_shared>>)
      } else {
      }
      %add3A_150 = arith.constant 2 : i32
      %add3A_151 = arith.addi %add3A_103, %add3A_150 : i32
      %lt3A = arith.constant 80 : i32
      %lt3A_152 = arith.cmpi slt, %add3A_151, %lt3A : i32
      %convert_element_type3A_153 = arith.extui %lt3A_152 : i1 to i32
      %cond3A_154 = arith.constant 0 : i32
      %cond3A_155 = arith.cmpi ne, %convert_element_type3A_153, %cond3A_154 : i32
      scf.if %cond3A_155 {
        %add3A_336 = arith.constant 2 : i32
        %add3A_337 = arith.addi %add3A_103, %add3A_336 : i32
        %dma_start3A_338 = arith.constant 2 : i32
        %dma_start3A_339 = arith.constant 0 : i32
        %dma_start3A_340 = tpu.memref_slice %arg8[%dma_start3A_338, %dma_start3A_339] : memref<4x128xi32, #tpu.memory_space<vmem>> -> memref<1x128xi32, #tpu.memory_space<vmem>>
        %dma_start3A_341 = tpu.memref_squeeze %dma_start3A_340 : memref<1x128xi32, #tpu.memory_space<vmem>> -> memref<128xi32, #tpu.memory_space<vmem>>
        %dma_start3A_342 = arith.constant 0 : i32
        %dma_start3A_343 = arith.constant 0 : i32
        %dma_start3A_344 = tpu.memref_slice %arg4[%add3A, %dma_start3A_342, %dma_start3A_343] : memref<32x80x128xi32, #tpu.memory_space<hbm>> -> memref<1x80x128xi32, #tpu.memory_space<hbm>>
        %dma_start3A_345 = tpu.memref_squeeze %dma_start3A_344 : memref<1x80x128xi32, #tpu.memory_space<hbm>> -> memref<80x128xi32, #tpu.memory_space<hbm>>
        %dma_start3A_346 = arith.constant 0 : i32
        %dma_start3A_347 = tpu.memref_slice %dma_start3A_345[%add3A_337, %dma_start3A_346] : memref<80x128xi32, #tpu.memory_space<hbm>> -> memref<1x128xi32, #tpu.memory_space<hbm>>
        %dma_start3A_348 = tpu.memref_squeeze %dma_start3A_347 : memref<1x128xi32, #tpu.memory_space<hbm>> -> memref<128xi32, #tpu.memory_space<hbm>>
        %dma_start3A_349 = arith.constant 0 : i32
        %dma_start3A_350 = tpu.memref_slice %arg8[%dma_start3A_338, %dma_start3A_349] : memref<4x128xi32, #tpu.memory_space<vmem>> -> memref<1x128xi32, #tpu.memory_space<vmem>>
        %dma_start3A_351 = tpu.memref_squeeze %dma_start3A_350 : memref<1x128xi32, #tpu.memory_space<vmem>> -> memref<128xi32, #tpu.memory_space<vmem>>
        %dma_start3A_352 = arith.constant 0 : i32
        %dma_start3A_353 = arith.constant 0 : i32
        %dma_start3A_354 = tpu.memref_slice %arg4[%add3A, %dma_start3A_352, %dma_start3A_353] : memref<32x80x128xi32, #tpu.memory_space<hbm>> -> memref<1x80x128xi32, #tpu.memory_space<hbm>>
        %dma_start3A_355 = tpu.memref_squeeze %dma_start3A_354 : memref<1x80x128xi32, #tpu.memory_space<hbm>> -> memref<80x128xi32, #tpu.memory_space<hbm>>
        %dma_start3A_356 = arith.constant 0 : i32
        %dma_start3A_357 = tpu.memref_slice %dma_start3A_355[%add3A_337, %dma_start3A_356] : memref<80x128xi32, #tpu.memory_space<hbm>> -> memref<1x128xi32, #tpu.memory_space<hbm>>
        %dma_start3A_358 = tpu.memref_squeeze %dma_start3A_357 : memref<1x128xi32, #tpu.memory_space<hbm>> -> memref<128xi32, #tpu.memory_space<hbm>>
        tpu.enqueue_dma source(%dma_start3A_358 : memref<128xi32, #tpu.memory_space<hbm>>) target(%dma_start3A_351 : memref<128xi32, #tpu.memory_space<vmem>>) target_semaphore(%arg14 : memref<!tpu.dma_semaphore, #tpu.memory_space<semaphore_mem>>)
        %dma_start3A_359 = arith.constant 2 : i32
        %dma_start3A_360 = arith.constant 0 : i32
        %dma_start3A_361 = arith.constant 0 : i32
        %dma_start3A_362 = tpu.memref_slice %arg9[%dma_start3A_359, %dma_start3A_360, %dma_start3A_361] : memref<4x128x16xf32, #tpu.memory_space<vmem>> -> memref<1x128x16xf32, #tpu.memory_space<vmem>>
        %dma_start3A_363 = tpu.memref_squeeze %dma_start3A_362 : memref<1x128x16xf32, #tpu.memory_space<vmem>> -> memref<128x16xf32, #tpu.memory_space<vmem>>
        %dma_start3A_364 = arith.constant 0 : i32
        %dma_start3A_365 = tpu.memref_slice %arg7[%add3A_337, %dma_start3A_364] : memref<80x128xi32, #tpu.memory_space<vmem>> -> memref<1x128xi32, #tpu.memory_space<vmem>>
        %dma_start3A_366 = tpu.memref_squeeze %dma_start3A_365 : memref<1x128xi32, #tpu.memory_space<vmem>> -> memref<128xi32, #tpu.memory_space<vmem>>
        %dma_start3A_367 = arith.constant 0 : i32
        %dma_start3A_368 = arith.constant 0 : i32
        %dma_start3A_369 = tpu.memref_slice %arg10[%dma_start3A_367, %dma_start3A_368] : memref<10112x16xf32, #tpu.memory_space<vmem_shared>> -> memref<10112x16xf32, #tpu.memory_space<vmem_shared>>
        tpu.enqueue_indirect_dma source(%dma_start3A_369 : memref<10112x16xf32, #tpu.memory_space<vmem_shared>>) target(%dma_start3A_363 : memref<128x16xf32, #tpu.memory_space<vmem>>) offsets(%dma_start3A_366 : memref<128xi32, #tpu.memory_space<vmem>>) semaphore(%arg12 : memref<!tpu.dma_semaphore, #tpu.memory_space<semaphore_mem>>)
      } else {
      }
      %mul3A_156 = arith.constant 4 : i32
      %mul3A_157 = arith.muli %scan3A_99, %mul3A_156 : i32
      %add3A_158 = arith.constant 1 : i32
      %add3A_159 = arith.addi %mul3A_157, %add3A_158 : i32
      %dma_wait3A_160 = arith.constant 1 : i32
      %dma_wait3A_161 = arith.constant 0 : i32
      %dma_wait3A_162 = tpu.memref_slice %arg8[%dma_wait3A_160, %dma_wait3A_161] : memref<4x128xi32, #tpu.memory_space<vmem>> -> memref<1x128xi32, #tpu.memory_space<vmem>>
      %dma_wait3A_163 = tpu.memref_squeeze %dma_wait3A_162 : memref<1x128xi32, #tpu.memory_space<vmem>> -> memref<128xi32, #tpu.memory_space<vmem>>
      %dma_wait3A_164 = arith.constant 0 : i32
      %dma_wait3A_165 = arith.constant 0 : i32
      %dma_wait3A_166 = tpu.memref_slice %arg4[%add3A, %dma_wait3A_164, %dma_wait3A_165] : memref<32x80x128xi32, #tpu.memory_space<hbm>> -> memref<1x80x128xi32, #tpu.memory_space<hbm>>
      %dma_wait3A_167 = tpu.memref_squeeze %dma_wait3A_166 : memref<1x80x128xi32, #tpu.memory_space<hbm>> -> memref<80x128xi32, #tpu.memory_space<hbm>>
      %dma_wait3A_168 = arith.constant 0 : i32
      %dma_wait3A_169 = tpu.memref_slice %dma_wait3A_167[%add3A_159, %dma_wait3A_168] : memref<80x128xi32, #tpu.memory_space<hbm>> -> memref<1x128xi32, #tpu.memory_space<hbm>>
      %dma_wait3A_170 = tpu.memref_squeeze %dma_wait3A_169 : memref<1x128xi32, #tpu.memory_space<hbm>> -> memref<128xi32, #tpu.memory_space<hbm>>
      %dma_wait3A_171 = arith.constant 0 : i32
      %dma_wait3A_172 = tpu.memref_slice %arg8[%dma_wait3A_160, %dma_wait3A_171] : memref<4x128xi32, #tpu.memory_space<vmem>> -> memref<1x128xi32, #tpu.memory_space<vmem>>
      %dma_wait3A_173 = tpu.memref_squeeze %dma_wait3A_172 : memref<1x128xi32, #tpu.memory_space<vmem>> -> memref<128xi32, #tpu.memory_space<vmem>>
      %dma_wait3A_174 = arith.constant 0 : i32
      %dma_wait3A_175 = arith.constant 0 : i32
      %dma_wait3A_176 = tpu.memref_slice %arg4[%add3A, %dma_wait3A_174, %dma_wait3A_175] : memref<32x80x128xi32, #tpu.memory_space<hbm>> -> memref<1x80x128xi32, #tpu.memory_space<hbm>>
      %dma_wait3A_177 = tpu.memref_squeeze %dma_wait3A_176 : memref<1x80x128xi32, #tpu.memory_space<hbm>> -> memref<80x128xi32, #tpu.memory_space<hbm>>
      %dma_wait3A_178 = arith.constant 0 : i32
      %dma_wait3A_179 = tpu.memref_slice %dma_wait3A_177[%add3A_159, %dma_wait3A_178] : memref<80x128xi32, #tpu.memory_space<hbm>> -> memref<1x128xi32, #tpu.memory_space<hbm>>
      %dma_wait3A_180 = tpu.memref_squeeze %dma_wait3A_179 : memref<1x128xi32, #tpu.memory_space<hbm>> -> memref<128xi32, #tpu.memory_space<hbm>>
      tpu.wait_dma2 semaphore(%arg14 : memref<!tpu.dma_semaphore, #tpu.memory_space<semaphore_mem>>) src(%dma_wait3A_180 : memref<128xi32, #tpu.memory_space<hbm>>) dst(%dma_wait3A_173 : memref<128xi32, #tpu.memory_space<vmem>>)
      %dma_wait3A_181 = arith.constant 1 : i32
      %dma_wait3A_182 = arith.constant 0 : i32
      %dma_wait3A_183 = arith.constant 0 : i32
      %dma_wait3A_184 = tpu.memref_slice %arg9[%dma_wait3A_181, %dma_wait3A_182, %dma_wait3A_183] : memref<4x128x16xf32, #tpu.memory_space<vmem>> -> memref<1x128x16xf32, #tpu.memory_space<vmem>>
      %dma_wait3A_185 = tpu.memref_squeeze %dma_wait3A_184 : memref<1x128x16xf32, #tpu.memory_space<vmem>> -> memref<128x16xf32, #tpu.memory_space<vmem>>
      %dma_wait3A_186 = arith.constant 0 : i32
      %dma_wait3A_187 = tpu.memref_slice %arg7[%add3A_159, %dma_wait3A_186] : memref<80x128xi32, #tpu.memory_space<vmem>> -> memref<1x128xi32, #tpu.memory_space<vmem>>
      %dma_wait3A_188 = tpu.memref_squeeze %dma_wait3A_187 : memref<1x128xi32, #tpu.memory_space<vmem>> -> memref<128xi32, #tpu.memory_space<vmem>>
      %dma_wait3A_189 = arith.constant 0 : i32
      %dma_wait3A_190 = arith.constant 0 : i32
      %dma_wait3A_191 = tpu.memref_slice %arg10[%dma_wait3A_189, %dma_wait3A_190] : memref<10112x16xf32, #tpu.memory_space<vmem_shared>> -> memref<10112x16xf32, #tpu.memory_space<vmem_shared>>
      tpu.wait_indirect_dma semaphore(%arg12 : memref<!tpu.dma_semaphore, #tpu.memory_space<semaphore_mem>>) src(%dma_wait3A_191 : memref<10112x16xf32, #tpu.memory_space<vmem_shared>>) dst(%dma_wait3A_185 : memref<128x16xf32, #tpu.memory_space<vmem>>)
      %dma_start3A_192 = arith.constant 1 : i32
      %dma_start3A_193 = arith.constant 1 : i32
      %dma_start3A_194 = arith.constant 0 : i32
      %dma_start3A_195 = arith.constant 0 : i32
      %dma_start3A_196 = tpu.memref_slice %arg9[%dma_start3A_192, %dma_start3A_194, %dma_start3A_195] : memref<4x128x16xf32, #tpu.memory_space<vmem>> -> memref<1x128x16xf32, #tpu.memory_space<vmem>>
      %dma_start3A_197 = tpu.memref_squeeze %dma_start3A_196 : memref<1x128x16xf32, #tpu.memory_space<vmem>> -> memref<128x16xf32, #tpu.memory_space<vmem>>
      %dma_start3A_198 = arith.constant 0 : i32
      %dma_start3A_199 = tpu.memref_slice %arg8[%dma_start3A_193, %dma_start3A_198] : memref<4x128xi32, #tpu.memory_space<vmem>> -> memref<1x128xi32, #tpu.memory_space<vmem>>
      %dma_start3A_200 = tpu.memref_squeeze %dma_start3A_199 : memref<1x128xi32, #tpu.memory_space<vmem>> -> memref<128xi32, #tpu.memory_space<vmem>>
      %dma_start3A_201 = arith.constant 0 : i32
      %dma_start3A_202 = arith.constant 0 : i32
      %dma_start3A_203 = tpu.memref_slice %arg11[%dma_start3A_201, %dma_start3A_202] : memref<10112x16xf32, #tpu.memory_space<vmem_shared>> -> memref<10112x16xf32, #tpu.memory_space<vmem_shared>>
      tpu.enqueue_indirect_dma source(%dma_start3A_197 : memref<128x16xf32, #tpu.memory_space<vmem>>) target(%dma_start3A_203 : memref<10112x16xf32, #tpu.memory_space<vmem_shared>>) offsets(%dma_start3A_200 : memref<128xi32, #tpu.memory_space<vmem>>) semaphore(%arg13 : memref<!tpu.dma_semaphore, #tpu.memory_space<semaphore_mem>>) {add = true}
      %ge3A_204 = arith.constant 2 : i32
      %ge3A_205 = arith.cmpi sge, %add3A_159, %ge3A_204 : i32
      %convert_element_type3A_206 = arith.extui %ge3A_205 : i1 to i32
      %cond3A_207 = arith.constant 0 : i32
      %cond3A_208 = arith.cmpi ne, %convert_element_type3A_206, %cond3A_207 : i32
      scf.if %cond3A_208 {
        %dma_wait3A_336 = arith.constant 3 : i32
        %dma_wait3A_337 = arith.constant 3 : i32
        %dma_wait3A_338 = arith.constant 0 : i32
        %dma_wait3A_339 = arith.constant 0 : i32
        %dma_wait3A_340 = tpu.memref_slice %arg9[%dma_wait3A_336, %dma_wait3A_338, %dma_wait3A_339] : memref<4x128x16xf32, #tpu.memory_space<vmem>> -> memref<1x128x16xf32, #tpu.memory_space<vmem>>
        %dma_wait3A_341 = tpu.memref_squeeze %dma_wait3A_340 : memref<1x128x16xf32, #tpu.memory_space<vmem>> -> memref<128x16xf32, #tpu.memory_space<vmem>>
        %dma_wait3A_342 = arith.constant 0 : i32
        %dma_wait3A_343 = tpu.memref_slice %arg8[%dma_wait3A_337, %dma_wait3A_342] : memref<4x128xi32, #tpu.memory_space<vmem>> -> memref<1x128xi32, #tpu.memory_space<vmem>>
        %dma_wait3A_344 = tpu.memref_squeeze %dma_wait3A_343 : memref<1x128xi32, #tpu.memory_space<vmem>> -> memref<128xi32, #tpu.memory_space<vmem>>
        %dma_wait3A_345 = arith.constant 0 : i32
        %dma_wait3A_346 = arith.constant 0 : i32
        %dma_wait3A_347 = tpu.memref_slice %arg11[%dma_wait3A_345, %dma_wait3A_346] : memref<10112x16xf32, #tpu.memory_space<vmem_shared>> -> memref<10112x16xf32, #tpu.memory_space<vmem_shared>>
        tpu.wait_indirect_dma semaphore(%arg13 : memref<!tpu.dma_semaphore, #tpu.memory_space<semaphore_mem>>) src(%dma_wait3A_341 : memref<128x16xf32, #tpu.memory_space<vmem>>) dst(%dma_wait3A_347 : memref<10112x16xf32, #tpu.memory_space<vmem_shared>>)
      } else {
      }
      %add3A_209 = arith.constant 2 : i32
      %add3A_210 = arith.addi %add3A_159, %add3A_209 : i32
      %lt3A_211 = arith.constant 80 : i32
      %lt3A_212 = arith.cmpi slt, %add3A_210, %lt3A_211 : i32
      %convert_element_type3A_213 = arith.extui %lt3A_212 : i1 to i32
      %cond3A_214 = arith.constant 0 : i32
      %cond3A_215 = arith.cmpi ne, %convert_element_type3A_213, %cond3A_214 : i32
      scf.if %cond3A_215 {
        %add3A_336 = arith.constant 2 : i32
        %add3A_337 = arith.addi %add3A_159, %add3A_336 : i32
        %dma_start3A_338 = arith.constant 3 : i32
        %dma_start3A_339 = arith.constant 0 : i32
        %dma_start3A_340 = tpu.memref_slice %arg8[%dma_start3A_338, %dma_start3A_339] : memref<4x128xi32, #tpu.memory_space<vmem>> -> memref<1x128xi32, #tpu.memory_space<vmem>>
        %dma_start3A_341 = tpu.memref_squeeze %dma_start3A_340 : memref<1x128xi32, #tpu.memory_space<vmem>> -> memref<128xi32, #tpu.memory_space<vmem>>
        %dma_start3A_342 = arith.constant 0 : i32
        %dma_start3A_343 = arith.constant 0 : i32
        %dma_start3A_344 = tpu.memref_slice %arg4[%add3A, %dma_start3A_342, %dma_start3A_343] : memref<32x80x128xi32, #tpu.memory_space<hbm>> -> memref<1x80x128xi32, #tpu.memory_space<hbm>>
        %dma_start3A_345 = tpu.memref_squeeze %dma_start3A_344 : memref<1x80x128xi32, #tpu.memory_space<hbm>> -> memref<80x128xi32, #tpu.memory_space<hbm>>
        %dma_start3A_346 = arith.constant 0 : i32
        %dma_start3A_347 = tpu.memref_slice %dma_start3A_345[%add3A_337, %dma_start3A_346] : memref<80x128xi32, #tpu.memory_space<hbm>> -> memref<1x128xi32, #tpu.memory_space<hbm>>
        %dma_start3A_348 = tpu.memref_squeeze %dma_start3A_347 : memref<1x128xi32, #tpu.memory_space<hbm>> -> memref<128xi32, #tpu.memory_space<hbm>>
        %dma_start3A_349 = arith.constant 0 : i32
        %dma_start3A_350 = tpu.memref_slice %arg8[%dma_start3A_338, %dma_start3A_349] : memref<4x128xi32, #tpu.memory_space<vmem>> -> memref<1x128xi32, #tpu.memory_space<vmem>>
        %dma_start3A_351 = tpu.memref_squeeze %dma_start3A_350 : memref<1x128xi32, #tpu.memory_space<vmem>> -> memref<128xi32, #tpu.memory_space<vmem>>
        %dma_start3A_352 = arith.constant 0 : i32
        %dma_start3A_353 = arith.constant 0 : i32
        %dma_start3A_354 = tpu.memref_slice %arg4[%add3A, %dma_start3A_352, %dma_start3A_353] : memref<32x80x128xi32, #tpu.memory_space<hbm>> -> memref<1x80x128xi32, #tpu.memory_space<hbm>>
        %dma_start3A_355 = tpu.memref_squeeze %dma_start3A_354 : memref<1x80x128xi32, #tpu.memory_space<hbm>> -> memref<80x128xi32, #tpu.memory_space<hbm>>
        %dma_start3A_356 = arith.constant 0 : i32
        %dma_start3A_357 = tpu.memref_slice %dma_start3A_355[%add3A_337, %dma_start3A_356] : memref<80x128xi32, #tpu.memory_space<hbm>> -> memref<1x128xi32, #tpu.memory_space<hbm>>
        %dma_start3A_358 = tpu.memref_squeeze %dma_start3A_357 : memref<1x128xi32, #tpu.memory_space<hbm>> -> memref<128xi32, #tpu.memory_space<hbm>>
        tpu.enqueue_dma source(%dma_start3A_358 : memref<128xi32, #tpu.memory_space<hbm>>) target(%dma_start3A_351 : memref<128xi32, #tpu.memory_space<vmem>>) target_semaphore(%arg14 : memref<!tpu.dma_semaphore, #tpu.memory_space<semaphore_mem>>)
        %dma_start3A_359 = arith.constant 3 : i32
        %dma_start3A_360 = arith.constant 0 : i32
        %dma_start3A_361 = arith.constant 0 : i32
        %dma_start3A_362 = tpu.memref_slice %arg9[%dma_start3A_359, %dma_start3A_360, %dma_start3A_361] : memref<4x128x16xf32, #tpu.memory_space<vmem>> -> memref<1x128x16xf32, #tpu.memory_space<vmem>>
        %dma_start3A_363 = tpu.memref_squeeze %dma_start3A_362 : memref<1x128x16xf32, #tpu.memory_space<vmem>> -> memref<128x16xf32, #tpu.memory_space<vmem>>
        %dma_start3A_364 = arith.constant 0 : i32
        %dma_start3A_365 = tpu.memref_slice %arg7[%add3A_337, %dma_start3A_364] : memref<80x128xi32, #tpu.memory_space<vmem>> -> memref<1x128xi32, #tpu.memory_space<vmem>>
        %dma_start3A_366 = tpu.memref_squeeze %dma_start3A_365 : memref<1x128xi32, #tpu.memory_space<vmem>> -> memref<128xi32, #tpu.memory_space<vmem>>
        %dma_start3A_367 = arith.constant 0 : i32
        %dma_start3A_368 = arith.constant 0 : i32
        %dma_start3A_369 = tpu.memref_slice %arg10[%dma_start3A_367, %dma_start3A_368] : memref<10112x16xf32, #tpu.memory_space<vmem_shared>> -> memref<10112x16xf32, #tpu.memory_space<vmem_shared>>
        tpu.enqueue_indirect_dma source(%dma_start3A_369 : memref<10112x16xf32, #tpu.memory_space<vmem_shared>>) target(%dma_start3A_363 : memref<128x16xf32, #tpu.memory_space<vmem>>) offsets(%dma_start3A_366 : memref<128xi32, #tpu.memory_space<vmem>>) semaphore(%arg12 : memref<!tpu.dma_semaphore, #tpu.memory_space<semaphore_mem>>)
      } else {
      }
      %mul3A_216 = arith.constant 4 : i32
      %mul3A_217 = arith.muli %scan3A_99, %mul3A_216 : i32
      %add3A_218 = arith.constant 2 : i32
      %add3A_219 = arith.addi %mul3A_217, %add3A_218 : i32
      %dma_wait3A_220 = arith.constant 2 : i32
      %dma_wait3A_221 = arith.constant 0 : i32
      %dma_wait3A_222 = tpu.memref_slice %arg8[%dma_wait3A_220, %dma_wait3A_221] : memref<4x128xi32, #tpu.memory_space<vmem>> -> memref<1x128xi32, #tpu.memory_space<vmem>>
      %dma_wait3A_223 = tpu.memref_squeeze %dma_wait3A_222 : memref<1x128xi32, #tpu.memory_space<vmem>> -> memref<128xi32, #tpu.memory_space<vmem>>
      %dma_wait3A_224 = arith.constant 0 : i32
      %dma_wait3A_225 = arith.constant 0 : i32
      %dma_wait3A_226 = tpu.memref_slice %arg4[%add3A, %dma_wait3A_224, %dma_wait3A_225] : memref<32x80x128xi32, #tpu.memory_space<hbm>> -> memref<1x80x128xi32, #tpu.memory_space<hbm>>
      %dma_wait3A_227 = tpu.memref_squeeze %dma_wait3A_226 : memref<1x80x128xi32, #tpu.memory_space<hbm>> -> memref<80x128xi32, #tpu.memory_space<hbm>>
      %dma_wait3A_228 = arith.constant 0 : i32
      %dma_wait3A_229 = tpu.memref_slice %dma_wait3A_227[%add3A_219, %dma_wait3A_228] : memref<80x128xi32, #tpu.memory_space<hbm>> -> memref<1x128xi32, #tpu.memory_space<hbm>>
      %dma_wait3A_230 = tpu.memref_squeeze %dma_wait3A_229 : memref<1x128xi32, #tpu.memory_space<hbm>> -> memref<128xi32, #tpu.memory_space<hbm>>
      %dma_wait3A_231 = arith.constant 0 : i32
      %dma_wait3A_232 = tpu.memref_slice %arg8[%dma_wait3A_220, %dma_wait3A_231] : memref<4x128xi32, #tpu.memory_space<vmem>> -> memref<1x128xi32, #tpu.memory_space<vmem>>
      %dma_wait3A_233 = tpu.memref_squeeze %dma_wait3A_232 : memref<1x128xi32, #tpu.memory_space<vmem>> -> memref<128xi32, #tpu.memory_space<vmem>>
      %dma_wait3A_234 = arith.constant 0 : i32
      %dma_wait3A_235 = arith.constant 0 : i32
      %dma_wait3A_236 = tpu.memref_slice %arg4[%add3A, %dma_wait3A_234, %dma_wait3A_235] : memref<32x80x128xi32, #tpu.memory_space<hbm>> -> memref<1x80x128xi32, #tpu.memory_space<hbm>>
      %dma_wait3A_237 = tpu.memref_squeeze %dma_wait3A_236 : memref<1x80x128xi32, #tpu.memory_space<hbm>> -> memref<80x128xi32, #tpu.memory_space<hbm>>
      %dma_wait3A_238 = arith.constant 0 : i32
      %dma_wait3A_239 = tpu.memref_slice %dma_wait3A_237[%add3A_219, %dma_wait3A_238] : memref<80x128xi32, #tpu.memory_space<hbm>> -> memref<1x128xi32, #tpu.memory_space<hbm>>
      %dma_wait3A_240 = tpu.memref_squeeze %dma_wait3A_239 : memref<1x128xi32, #tpu.memory_space<hbm>> -> memref<128xi32, #tpu.memory_space<hbm>>
      tpu.wait_dma2 semaphore(%arg14 : memref<!tpu.dma_semaphore, #tpu.memory_space<semaphore_mem>>) src(%dma_wait3A_240 : memref<128xi32, #tpu.memory_space<hbm>>) dst(%dma_wait3A_233 : memref<128xi32, #tpu.memory_space<vmem>>)
      %dma_wait3A_241 = arith.constant 2 : i32
      %dma_wait3A_242 = arith.constant 0 : i32
      %dma_wait3A_243 = arith.constant 0 : i32
      %dma_wait3A_244 = tpu.memref_slice %arg9[%dma_wait3A_241, %dma_wait3A_242, %dma_wait3A_243] : memref<4x128x16xf32, #tpu.memory_space<vmem>> -> memref<1x128x16xf32, #tpu.memory_space<vmem>>
      %dma_wait3A_245 = tpu.memref_squeeze %dma_wait3A_244 : memref<1x128x16xf32, #tpu.memory_space<vmem>> -> memref<128x16xf32, #tpu.memory_space<vmem>>
      %dma_wait3A_246 = arith.constant 0 : i32
      %dma_wait3A_247 = tpu.memref_slice %arg7[%add3A_219, %dma_wait3A_246] : memref<80x128xi32, #tpu.memory_space<vmem>> -> memref<1x128xi32, #tpu.memory_space<vmem>>
      %dma_wait3A_248 = tpu.memref_squeeze %dma_wait3A_247 : memref<1x128xi32, #tpu.memory_space<vmem>> -> memref<128xi32, #tpu.memory_space<vmem>>
      %dma_wait3A_249 = arith.constant 0 : i32
      %dma_wait3A_250 = arith.constant 0 : i32
      %dma_wait3A_251 = tpu.memref_slice %arg10[%dma_wait3A_249, %dma_wait3A_250] : memref<10112x16xf32, #tpu.memory_space<vmem_shared>> -> memref<10112x16xf32, #tpu.memory_space<vmem_shared>>
      tpu.wait_indirect_dma semaphore(%arg12 : memref<!tpu.dma_semaphore, #tpu.memory_space<semaphore_mem>>) src(%dma_wait3A_251 : memref<10112x16xf32, #tpu.memory_space<vmem_shared>>) dst(%dma_wait3A_245 : memref<128x16xf32, #tpu.memory_space<vmem>>)
      %dma_start3A_252 = arith.constant 2 : i32
      %dma_start3A_253 = arith.constant 2 : i32
      %dma_start3A_254 = arith.constant 0 : i32
      %dma_start3A_255 = arith.constant 0 : i32
      %dma_start3A_256 = tpu.memref_slice %arg9[%dma_start3A_252, %dma_start3A_254, %dma_start3A_255] : memref<4x128x16xf32, #tpu.memory_space<vmem>> -> memref<1x128x16xf32, #tpu.memory_space<vmem>>
      %dma_start3A_257 = tpu.memref_squeeze %dma_start3A_256 : memref<1x128x16xf32, #tpu.memory_space<vmem>> -> memref<128x16xf32, #tpu.memory_space<vmem>>
      %dma_start3A_258 = arith.constant 0 : i32
      %dma_start3A_259 = tpu.memref_slice %arg8[%dma_start3A_253, %dma_start3A_258] : memref<4x128xi32, #tpu.memory_space<vmem>> -> memref<1x128xi32, #tpu.memory_space<vmem>>
      %dma_start3A_260 = tpu.memref_squeeze %dma_start3A_259 : memref<1x128xi32, #tpu.memory_space<vmem>> -> memref<128xi32, #tpu.memory_space<vmem>>
      %dma_start3A_261 = arith.constant 0 : i32
      %dma_start3A_262 = arith.constant 0 : i32
      %dma_start3A_263 = tpu.memref_slice %arg11[%dma_start3A_261, %dma_start3A_262] : memref<10112x16xf32, #tpu.memory_space<vmem_shared>> -> memref<10112x16xf32, #tpu.memory_space<vmem_shared>>
      tpu.enqueue_indirect_dma source(%dma_start3A_257 : memref<128x16xf32, #tpu.memory_space<vmem>>) target(%dma_start3A_263 : memref<10112x16xf32, #tpu.memory_space<vmem_shared>>) offsets(%dma_start3A_260 : memref<128xi32, #tpu.memory_space<vmem>>) semaphore(%arg13 : memref<!tpu.dma_semaphore, #tpu.memory_space<semaphore_mem>>) {add = true}
      %ge3A_264 = arith.constant 2 : i32
      %ge3A_265 = arith.cmpi sge, %add3A_219, %ge3A_264 : i32
      %convert_element_type3A_266 = arith.extui %ge3A_265 : i1 to i32
      %cond3A_267 = arith.constant 0 : i32
      %cond3A_268 = arith.cmpi ne, %convert_element_type3A_266, %cond3A_267 : i32
      scf.if %cond3A_268 {
        %dma_wait3A_336 = arith.constant 0 : i32
        %dma_wait3A_337 = arith.constant 0 : i32
        %dma_wait3A_338 = arith.constant 0 : i32
        %dma_wait3A_339 = arith.constant 0 : i32
        %dma_wait3A_340 = tpu.memref_slice %arg9[%dma_wait3A_336, %dma_wait3A_338, %dma_wait3A_339] : memref<4x128x16xf32, #tpu.memory_space<vmem>> -> memref<1x128x16xf32, #tpu.memory_space<vmem>>
        %dma_wait3A_341 = tpu.memref_squeeze %dma_wait3A_340 : memref<1x128x16xf32, #tpu.memory_space<vmem>> -> memref<128x16xf32, #tpu.memory_space<vmem>>
        %dma_wait3A_342 = arith.constant 0 : i32
        %dma_wait3A_343 = tpu.memref_slice %arg8[%dma_wait3A_337, %dma_wait3A_342] : memref<4x128xi32, #tpu.memory_space<vmem>> -> memref<1x128xi32, #tpu.memory_space<vmem>>
        %dma_wait3A_344 = tpu.memref_squeeze %dma_wait3A_343 : memref<1x128xi32, #tpu.memory_space<vmem>> -> memref<128xi32, #tpu.memory_space<vmem>>
        %dma_wait3A_345 = arith.constant 0 : i32
        %dma_wait3A_346 = arith.constant 0 : i32
        %dma_wait3A_347 = tpu.memref_slice %arg11[%dma_wait3A_345, %dma_wait3A_346] : memref<10112x16xf32, #tpu.memory_space<vmem_shared>> -> memref<10112x16xf32, #tpu.memory_space<vmem_shared>>
        tpu.wait_indirect_dma semaphore(%arg13 : memref<!tpu.dma_semaphore, #tpu.memory_space<semaphore_mem>>) src(%dma_wait3A_341 : memref<128x16xf32, #tpu.memory_space<vmem>>) dst(%dma_wait3A_347 : memref<10112x16xf32, #tpu.memory_space<vmem_shared>>)
      } else {
      }
      %add3A_269 = arith.constant 2 : i32
      %add3A_270 = arith.addi %add3A_219, %add3A_269 : i32
      %lt3A_271 = arith.constant 80 : i32
      %lt3A_272 = arith.cmpi slt, %add3A_270, %lt3A_271 : i32
      %convert_element_type3A_273 = arith.extui %lt3A_272 : i1 to i32
      %cond3A_274 = arith.constant 0 : i32
      %cond3A_275 = arith.cmpi ne, %convert_element_type3A_273, %cond3A_274 : i32
      scf.if %cond3A_275 {
        %add3A_336 = arith.constant 2 : i32
        %add3A_337 = arith.addi %add3A_219, %add3A_336 : i32
        %dma_start3A_338 = arith.constant 0 : i32
        %dma_start3A_339 = arith.constant 0 : i32
        %dma_start3A_340 = tpu.memref_slice %arg8[%dma_start3A_338, %dma_start3A_339] : memref<4x128xi32, #tpu.memory_space<vmem>> -> memref<1x128xi32, #tpu.memory_space<vmem>>
        %dma_start3A_341 = tpu.memref_squeeze %dma_start3A_340 : memref<1x128xi32, #tpu.memory_space<vmem>> -> memref<128xi32, #tpu.memory_space<vmem>>
        %dma_start3A_342 = arith.constant 0 : i32
        %dma_start3A_343 = arith.constant 0 : i32
        %dma_start3A_344 = tpu.memref_slice %arg4[%add3A, %dma_start3A_342, %dma_start3A_343] : memref<32x80x128xi32, #tpu.memory_space<hbm>> -> memref<1x80x128xi32, #tpu.memory_space<hbm>>
        %dma_start3A_345 = tpu.memref_squeeze %dma_start3A_344 : memref<1x80x128xi32, #tpu.memory_space<hbm>> -> memref<80x128xi32, #tpu.memory_space<hbm>>
        %dma_start3A_346 = arith.constant 0 : i32
        %dma_start3A_347 = tpu.memref_slice %dma_start3A_345[%add3A_337, %dma_start3A_346] : memref<80x128xi32, #tpu.memory_space<hbm>> -> memref<1x128xi32, #tpu.memory_space<hbm>>
        %dma_start3A_348 = tpu.memref_squeeze %dma_start3A_347 : memref<1x128xi32, #tpu.memory_space<hbm>> -> memref<128xi32, #tpu.memory_space<hbm>>
        %dma_start3A_349 = arith.constant 0 : i32
        %dma_start3A_350 = tpu.memref_slice %arg8[%dma_start3A_338, %dma_start3A_349] : memref<4x128xi32, #tpu.memory_space<vmem>> -> memref<1x128xi32, #tpu.memory_space<vmem>>
        %dma_start3A_351 = tpu.memref_squeeze %dma_start3A_350 : memref<1x128xi32, #tpu.memory_space<vmem>> -> memref<128xi32, #tpu.memory_space<vmem>>
        %dma_start3A_352 = arith.constant 0 : i32
        %dma_start3A_353 = arith.constant 0 : i32
        %dma_start3A_354 = tpu.memref_slice %arg4[%add3A, %dma_start3A_352, %dma_start3A_353] : memref<32x80x128xi32, #tpu.memory_space<hbm>> -> memref<1x80x128xi32, #tpu.memory_space<hbm>>
        %dma_start3A_355 = tpu.memref_squeeze %dma_start3A_354 : memref<1x80x128xi32, #tpu.memory_space<hbm>> -> memref<80x128xi32, #tpu.memory_space<hbm>>
        %dma_start3A_356 = arith.constant 0 : i32
        %dma_start3A_357 = tpu.memref_slice %dma_start3A_355[%add3A_337, %dma_start3A_356] : memref<80x128xi32, #tpu.memory_space<hbm>> -> memref<1x128xi32, #tpu.memory_space<hbm>>
        %dma_start3A_358 = tpu.memref_squeeze %dma_start3A_357 : memref<1x128xi32, #tpu.memory_space<hbm>> -> memref<128xi32, #tpu.memory_space<hbm>>
        tpu.enqueue_dma source(%dma_start3A_358 : memref<128xi32, #tpu.memory_space<hbm>>) target(%dma_start3A_351 : memref<128xi32, #tpu.memory_space<vmem>>) target_semaphore(%arg14 : memref<!tpu.dma_semaphore, #tpu.memory_space<semaphore_mem>>)
        %dma_start3A_359 = arith.constant 0 : i32
        %dma_start3A_360 = arith.constant 0 : i32
        %dma_start3A_361 = arith.constant 0 : i32
        %dma_start3A_362 = tpu.memref_slice %arg9[%dma_start3A_359, %dma_start3A_360, %dma_start3A_361] : memref<4x128x16xf32, #tpu.memory_space<vmem>> -> memref<1x128x16xf32, #tpu.memory_space<vmem>>
        %dma_start3A_363 = tpu.memref_squeeze %dma_start3A_362 : memref<1x128x16xf32, #tpu.memory_space<vmem>> -> memref<128x16xf32, #tpu.memory_space<vmem>>
        %dma_start3A_364 = arith.constant 0 : i32
        %dma_start3A_365 = tpu.memref_slice %arg7[%add3A_337, %dma_start3A_364] : memref<80x128xi32, #tpu.memory_space<vmem>> -> memref<1x128xi32, #tpu.memory_space<vmem>>
        %dma_start3A_366 = tpu.memref_squeeze %dma_start3A_365 : memref<1x128xi32, #tpu.memory_space<vmem>> -> memref<128xi32, #tpu.memory_space<vmem>>
        %dma_start3A_367 = arith.constant 0 : i32
        %dma_start3A_368 = arith.constant 0 : i32
        %dma_start3A_369 = tpu.memref_slice %arg10[%dma_start3A_367, %dma_start3A_368] : memref<10112x16xf32, #tpu.memory_space<vmem_shared>> -> memref<10112x16xf32, #tpu.memory_space<vmem_shared>>
        tpu.enqueue_indirect_dma source(%dma_start3A_369 : memref<10112x16xf32, #tpu.memory_space<vmem_shared>>) target(%dma_start3A_363 : memref<128x16xf32, #tpu.memory_space<vmem>>) offsets(%dma_start3A_366 : memref<128xi32, #tpu.memory_space<vmem>>) semaphore(%arg12 : memref<!tpu.dma_semaphore, #tpu.memory_space<semaphore_mem>>)
      } else {
      }
      %mul3A_276 = arith.constant 4 : i32
      %mul3A_277 = arith.muli %scan3A_99, %mul3A_276 : i32
      %add3A_278 = arith.constant 3 : i32
      %add3A_279 = arith.addi %mul3A_277, %add3A_278 : i32
      %dma_wait3A_280 = arith.constant 3 : i32
      %dma_wait3A_281 = arith.constant 0 : i32
      %dma_wait3A_282 = tpu.memref_slice %arg8[%dma_wait3A_280, %dma_wait3A_281] : memref<4x128xi32, #tpu.memory_space<vmem>> -> memref<1x128xi32, #tpu.memory_space<vmem>>
      %dma_wait3A_283 = tpu.memref_squeeze %dma_wait3A_282 : memref<1x128xi32, #tpu.memory_space<vmem>> -> memref<128xi32, #tpu.memory_space<vmem>>
      %dma_wait3A_284 = arith.constant 0 : i32
      %dma_wait3A_285 = arith.constant 0 : i32
      %dma_wait3A_286 = tpu.memref_slice %arg4[%add3A, %dma_wait3A_284, %dma_wait3A_285] : memref<32x80x128xi32, #tpu.memory_space<hbm>> -> memref<1x80x128xi32, #tpu.memory_space<hbm>>
      %dma_wait3A_287 = tpu.memref_squeeze %dma_wait3A_286 : memref<1x80x128xi32, #tpu.memory_space<hbm>> -> memref<80x128xi32, #tpu.memory_space<hbm>>
      %dma_wait3A_288 = arith.constant 0 : i32
      %dma_wait3A_289 = tpu.memref_slice %dma_wait3A_287[%add3A_279, %dma_wait3A_288] : memref<80x128xi32, #tpu.memory_space<hbm>> -> memref<1x128xi32, #tpu.memory_space<hbm>>
      %dma_wait3A_290 = tpu.memref_squeeze %dma_wait3A_289 : memref<1x128xi32, #tpu.memory_space<hbm>> -> memref<128xi32, #tpu.memory_space<hbm>>
      %dma_wait3A_291 = arith.constant 0 : i32
      %dma_wait3A_292 = tpu.memref_slice %arg8[%dma_wait3A_280, %dma_wait3A_291] : memref<4x128xi32, #tpu.memory_space<vmem>> -> memref<1x128xi32, #tpu.memory_space<vmem>>
      %dma_wait3A_293 = tpu.memref_squeeze %dma_wait3A_292 : memref<1x128xi32, #tpu.memory_space<vmem>> -> memref<128xi32, #tpu.memory_space<vmem>>
      %dma_wait3A_294 = arith.constant 0 : i32
      %dma_wait3A_295 = arith.constant 0 : i32
      %dma_wait3A_296 = tpu.memref_slice %arg4[%add3A, %dma_wait3A_294, %dma_wait3A_295] : memref<32x80x128xi32, #tpu.memory_space<hbm>> -> memref<1x80x128xi32, #tpu.memory_space<hbm>>
      %dma_wait3A_297 = tpu.memref_squeeze %dma_wait3A_296 : memref<1x80x128xi32, #tpu.memory_space<hbm>> -> memref<80x128xi32, #tpu.memory_space<hbm>>
      %dma_wait3A_298 = arith.constant 0 : i32
      %dma_wait3A_299 = tpu.memref_slice %dma_wait3A_297[%add3A_279, %dma_wait3A_298] : memref<80x128xi32, #tpu.memory_space<hbm>> -> memref<1x128xi32, #tpu.memory_space<hbm>>
      %dma_wait3A_300 = tpu.memref_squeeze %dma_wait3A_299 : memref<1x128xi32, #tpu.memory_space<hbm>> -> memref<128xi32, #tpu.memory_space<hbm>>
      tpu.wait_dma2 semaphore(%arg14 : memref<!tpu.dma_semaphore, #tpu.memory_space<semaphore_mem>>) src(%dma_wait3A_300 : memref<128xi32, #tpu.memory_space<hbm>>) dst(%dma_wait3A_293 : memref<128xi32, #tpu.memory_space<vmem>>)
      %dma_wait3A_301 = arith.constant 3 : i32
      %dma_wait3A_302 = arith.constant 0 : i32
      %dma_wait3A_303 = arith.constant 0 : i32
      %dma_wait3A_304 = tpu.memref_slice %arg9[%dma_wait3A_301, %dma_wait3A_302, %dma_wait3A_303] : memref<4x128x16xf32, #tpu.memory_space<vmem>> -> memref<1x128x16xf32, #tpu.memory_space<vmem>>
      %dma_wait3A_305 = tpu.memref_squeeze %dma_wait3A_304 : memref<1x128x16xf32, #tpu.memory_space<vmem>> -> memref<128x16xf32, #tpu.memory_space<vmem>>
      %dma_wait3A_306 = arith.constant 0 : i32
      %dma_wait3A_307 = tpu.memref_slice %arg7[%add3A_279, %dma_wait3A_306] : memref<80x128xi32, #tpu.memory_space<vmem>> -> memref<1x128xi32, #tpu.memory_space<vmem>>
      %dma_wait3A_308 = tpu.memref_squeeze %dma_wait3A_307 : memref<1x128xi32, #tpu.memory_space<vmem>> -> memref<128xi32, #tpu.memory_space<vmem>>
      %dma_wait3A_309 = arith.constant 0 : i32
      %dma_wait3A_310 = arith.constant 0 : i32
      %dma_wait3A_311 = tpu.memref_slice %arg10[%dma_wait3A_309, %dma_wait3A_310] : memref<10112x16xf32, #tpu.memory_space<vmem_shared>> -> memref<10112x16xf32, #tpu.memory_space<vmem_shared>>
      tpu.wait_indirect_dma semaphore(%arg12 : memref<!tpu.dma_semaphore, #tpu.memory_space<semaphore_mem>>) src(%dma_wait3A_311 : memref<10112x16xf32, #tpu.memory_space<vmem_shared>>) dst(%dma_wait3A_305 : memref<128x16xf32, #tpu.memory_space<vmem>>)
      %dma_start3A_312 = arith.constant 3 : i32
      %dma_start3A_313 = arith.constant 3 : i32
      %dma_start3A_314 = arith.constant 0 : i32
      %dma_start3A_315 = arith.constant 0 : i32
      %dma_start3A_316 = tpu.memref_slice %arg9[%dma_start3A_312, %dma_start3A_314, %dma_start3A_315] : memref<4x128x16xf32, #tpu.memory_space<vmem>> -> memref<1x128x16xf32, #tpu.memory_space<vmem>>
      %dma_start3A_317 = tpu.memref_squeeze %dma_start3A_316 : memref<1x128x16xf32, #tpu.memory_space<vmem>> -> memref<128x16xf32, #tpu.memory_space<vmem>>
      %dma_start3A_318 = arith.constant 0 : i32
      %dma_start3A_319 = tpu.memref_slice %arg8[%dma_start3A_313, %dma_start3A_318] : memref<4x128xi32, #tpu.memory_space<vmem>> -> memref<1x128xi32, #tpu.memory_space<vmem>>
      %dma_start3A_320 = tpu.memref_squeeze %dma_start3A_319 : memref<1x128xi32, #tpu.memory_space<vmem>> -> memref<128xi32, #tpu.memory_space<vmem>>
      %dma_start3A_321 = arith.constant 0 : i32
      %dma_start3A_322 = arith.constant 0 : i32
      %dma_start3A_323 = tpu.memref_slice %arg11[%dma_start3A_321, %dma_start3A_322] : memref<10112x16xf32, #tpu.memory_space<vmem_shared>> -> memref<10112x16xf32, #tpu.memory_space<vmem_shared>>
      tpu.enqueue_indirect_dma source(%dma_start3A_317 : memref<128x16xf32, #tpu.memory_space<vmem>>) target(%dma_start3A_323 : memref<10112x16xf32, #tpu.memory_space<vmem_shared>>) offsets(%dma_start3A_320 : memref<128xi32, #tpu.memory_space<vmem>>) semaphore(%arg13 : memref<!tpu.dma_semaphore, #tpu.memory_space<semaphore_mem>>) {add = true}
      %ge3A_324 = arith.constant 2 : i32
      %ge3A_325 = arith.cmpi sge, %add3A_279, %ge3A_324 : i32
      %convert_element_type3A_326 = arith.extui %ge3A_325 : i1 to i32
      %cond3A_327 = arith.constant 0 : i32
      %cond3A_328 = arith.cmpi ne, %convert_element_type3A_326, %cond3A_327 : i32
      scf.if %cond3A_328 {
        %dma_wait3A_336 = arith.constant 1 : i32
        %dma_wait3A_337 = arith.constant 1 : i32
        %dma_wait3A_338 = arith.constant 0 : i32
        %dma_wait3A_339 = arith.constant 0 : i32
        %dma_wait3A_340 = tpu.memref_slice %arg9[%dma_wait3A_336, %dma_wait3A_338, %dma_wait3A_339] : memref<4x128x16xf32, #tpu.memory_space<vmem>> -> memref<1x128x16xf32, #tpu.memory_space<vmem>>
        %dma_wait3A_341 = tpu.memref_squeeze %dma_wait3A_340 : memref<1x128x16xf32, #tpu.memory_space<vmem>> -> memref<128x16xf32, #tpu.memory_space<vmem>>
        %dma_wait3A_342 = arith.constant 0 : i32
        %dma_wait3A_343 = tpu.memref_slice %arg8[%dma_wait3A_337, %dma_wait3A_342] : memref<4x128xi32, #tpu.memory_space<vmem>> -> memref<1x128xi32, #tpu.memory_space<vmem>>
        %dma_wait3A_344 = tpu.memref_squeeze %dma_wait3A_343 : memref<1x128xi32, #tpu.memory_space<vmem>> -> memref<128xi32, #tpu.memory_space<vmem>>
        %dma_wait3A_345 = arith.constant 0 : i32
        %dma_wait3A_346 = arith.constant 0 : i32
        %dma_wait3A_347 = tpu.memref_slice %arg11[%dma_wait3A_345, %dma_wait3A_346] : memref<10112x16xf32, #tpu.memory_space<vmem_shared>> -> memref<10112x16xf32, #tpu.memory_space<vmem_shared>>
        tpu.wait_indirect_dma semaphore(%arg13 : memref<!tpu.dma_semaphore, #tpu.memory_space<semaphore_mem>>) src(%dma_wait3A_341 : memref<128x16xf32, #tpu.memory_space<vmem>>) dst(%dma_wait3A_347 : memref<10112x16xf32, #tpu.memory_space<vmem_shared>>)
      } else {
      }
      %add3A_329 = arith.constant 2 : i32
      %add3A_330 = arith.addi %add3A_279, %add3A_329 : i32
      %lt3A_331 = arith.constant 80 : i32
      %lt3A_332 = arith.cmpi slt, %add3A_330, %lt3A_331 : i32
      %convert_element_type3A_333 = arith.extui %lt3A_332 : i1 to i32
      %cond3A_334 = arith.constant 0 : i32
      %cond3A_335 = arith.cmpi ne, %convert_element_type3A_333, %cond3A_334 : i32
      scf.if %cond3A_335 {
        %add3A_336 = arith.constant 2 : i32
        %add3A_337 = arith.addi %add3A_279, %add3A_336 : i32
        %dma_start3A_338 = arith.constant 1 : i32
        %dma_start3A_339 = arith.constant 0 : i32
        %dma_start3A_340 = tpu.memref_slice %arg8[%dma_start3A_338, %dma_start3A_339] : memref<4x128xi32, #tpu.memory_space<vmem>> -> memref<1x128xi32, #tpu.memory_space<vmem>>
        %dma_start3A_341 = tpu.memref_squeeze %dma_start3A_340 : memref<1x128xi32, #tpu.memory_space<vmem>> -> memref<128xi32, #tpu.memory_space<vmem>>
        %dma_start3A_342 = arith.constant 0 : i32
        %dma_start3A_343 = arith.constant 0 : i32
        %dma_start3A_344 = tpu.memref_slice %arg4[%add3A, %dma_start3A_342, %dma_start3A_343] : memref<32x80x128xi32, #tpu.memory_space<hbm>> -> memref<1x80x128xi32, #tpu.memory_space<hbm>>
        %dma_start3A_345 = tpu.memref_squeeze %dma_start3A_344 : memref<1x80x128xi32, #tpu.memory_space<hbm>> -> memref<80x128xi32, #tpu.memory_space<hbm>>
        %dma_start3A_346 = arith.constant 0 : i32
        %dma_start3A_347 = tpu.memref_slice %dma_start3A_345[%add3A_337, %dma_start3A_346] : memref<80x128xi32, #tpu.memory_space<hbm>> -> memref<1x128xi32, #tpu.memory_space<hbm>>
        %dma_start3A_348 = tpu.memref_squeeze %dma_start3A_347 : memref<1x128xi32, #tpu.memory_space<hbm>> -> memref<128xi32, #tpu.memory_space<hbm>>
        %dma_start3A_349 = arith.constant 0 : i32
        %dma_start3A_350 = tpu.memref_slice %arg8[%dma_start3A_338, %dma_start3A_349] : memref<4x128xi32, #tpu.memory_space<vmem>> -> memref<1x128xi32, #tpu.memory_space<vmem>>
        %dma_start3A_351 = tpu.memref_squeeze %dma_start3A_350 : memref<1x128xi32, #tpu.memory_space<vmem>> -> memref<128xi32, #tpu.memory_space<vmem>>
        %dma_start3A_352 = arith.constant 0 : i32
        %dma_start3A_353 = arith.constant 0 : i32
        %dma_start3A_354 = tpu.memref_slice %arg4[%add3A, %dma_start3A_352, %dma_start3A_353] : memref<32x80x128xi32, #tpu.memory_space<hbm>> -> memref<1x80x128xi32, #tpu.memory_space<hbm>>
        %dma_start3A_355 = tpu.memref_squeeze %dma_start3A_354 : memref<1x80x128xi32, #tpu.memory_space<hbm>> -> memref<80x128xi32, #tpu.memory_space<hbm>>
        %dma_start3A_356 = arith.constant 0 : i32
        %dma_start3A_357 = tpu.memref_slice %dma_start3A_355[%add3A_337, %dma_start3A_356] : memref<80x128xi32, #tpu.memory_space<hbm>> -> memref<1x128xi32, #tpu.memory_space<hbm>>
        %dma_start3A_358 = tpu.memref_squeeze %dma_start3A_357 : memref<1x128xi32, #tpu.memory_space<hbm>> -> memref<128xi32, #tpu.memory_space<hbm>>
        tpu.enqueue_dma source(%dma_start3A_358 : memref<128xi32, #tpu.memory_space<hbm>>) target(%dma_start3A_351 : memref<128xi32, #tpu.memory_space<vmem>>) target_semaphore(%arg14 : memref<!tpu.dma_semaphore, #tpu.memory_space<semaphore_mem>>)
        %dma_start3A_359 = arith.constant 1 : i32
        %dma_start3A_360 = arith.constant 0 : i32
        %dma_start3A_361 = arith.constant 0 : i32
        %dma_start3A_362 = tpu.memref_slice %arg9[%dma_start3A_359, %dma_start3A_360, %dma_start3A_361] : memref<4x128x16xf32, #tpu.memory_space<vmem>> -> memref<1x128x16xf32, #tpu.memory_space<vmem>>
        %dma_start3A_363 = tpu.memref_squeeze %dma_start3A_362 : memref<1x128x16xf32, #tpu.memory_space<vmem>> -> memref<128x16xf32, #tpu.memory_space<vmem>>
        %dma_start3A_364 = arith.constant 0 : i32
        %dma_start3A_365 = tpu.memref_slice %arg7[%add3A_337, %dma_start3A_364] : memref<80x128xi32, #tpu.memory_space<vmem>> -> memref<1x128xi32, #tpu.memory_space<vmem>>
        %dma_start3A_366 = tpu.memref_squeeze %dma_start3A_365 : memref<1x128xi32, #tpu.memory_space<vmem>> -> memref<128xi32, #tpu.memory_space<vmem>>
        %dma_start3A_367 = arith.constant 0 : i32
        %dma_start3A_368 = arith.constant 0 : i32
        %dma_start3A_369 = tpu.memref_slice %arg10[%dma_start3A_367, %dma_start3A_368] : memref<10112x16xf32, #tpu.memory_space<vmem_shared>> -> memref<10112x16xf32, #tpu.memory_space<vmem_shared>>
        tpu.enqueue_indirect_dma source(%dma_start3A_369 : memref<10112x16xf32, #tpu.memory_space<vmem_shared>>) target(%dma_start3A_363 : memref<128x16xf32, #tpu.memory_space<vmem>>) offsets(%dma_start3A_366 : memref<128xi32, #tpu.memory_space<vmem>>) semaphore(%arg12 : memref<!tpu.dma_semaphore, #tpu.memory_space<semaphore_mem>>)
      } else {
      }
    }
    %scan3A_74 = arith.constant 20 : i32
    %dma_wait3A = arith.constant 2 : i32
    %dma_wait3A_75 = arith.constant 2 : i32
    %dma_wait3A_76 = arith.constant 0 : i32
    %dma_wait3A_77 = arith.constant 0 : i32
    %dma_wait3A_78 = tpu.memref_slice %arg9[%dma_wait3A, %dma_wait3A_76, %dma_wait3A_77] : memref<4x128x16xf32, #tpu.memory_space<vmem>> -> memref<1x128x16xf32, #tpu.memory_space<vmem>>
    %dma_wait3A_79 = tpu.memref_squeeze %dma_wait3A_78 : memref<1x128x16xf32, #tpu.memory_space<vmem>> -> memref<128x16xf32, #tpu.memory_space<vmem>>
    %dma_wait3A_80 = arith.constant 0 : i32
    %dma_wait3A_81 = tpu.memref_slice %arg8[%dma_wait3A_75, %dma_wait3A_80] : memref<4x128xi32, #tpu.memory_space<vmem>> -> memref<1x128xi32, #tpu.memory_space<vmem>>
    %dma_wait3A_82 = tpu.memref_squeeze %dma_wait3A_81 : memref<1x128xi32, #tpu.memory_space<vmem>> -> memref<128xi32, #tpu.memory_space<vmem>>
    %dma_wait3A_83 = arith.constant 0 : i32
    %dma_wait3A_84 = arith.constant 0 : i32
    %dma_wait3A_85 = tpu.memref_slice %arg11[%dma_wait3A_83, %dma_wait3A_84] : memref<10112x16xf32, #tpu.memory_space<vmem_shared>> -> memref<10112x16xf32, #tpu.memory_space<vmem_shared>>
    tpu.wait_indirect_dma semaphore(%arg13 : memref<!tpu.dma_semaphore, #tpu.memory_space<semaphore_mem>>) src(%dma_wait3A_79 : memref<128x16xf32, #tpu.memory_space<vmem>>) dst(%dma_wait3A_85 : memref<10112x16xf32, #tpu.memory_space<vmem_shared>>)
    %dma_wait3A_86 = arith.constant 3 : i32
    %dma_wait3A_87 = arith.constant 3 : i32
    %dma_wait3A_88 = arith.constant 0 : i32
    %dma_wait3A_89 = arith.constant 0 : i32
    %dma_wait3A_90 = tpu.memref_slice %arg9[%dma_wait3A_86, %dma_wait3A_88, %dma_wait3A_89] : memref<4x128x16xf32, #tpu.memory_space<vmem>> -> memref<1x128x16xf32, #tpu.memory_space<vmem>>
    %dma_wait3A_91 = tpu.memref_squeeze %dma_wait3A_90 : memref<1x128x16xf32, #tpu.memory_space<vmem>> -> memref<128x16xf32, #tpu.memory_space<vmem>>
    %dma_wait3A_92 = arith.constant 0 : i32
    %dma_wait3A_93 = tpu.memref_slice %arg8[%dma_wait3A_87, %dma_wait3A_92] : memref<4x128xi32, #tpu.memory_space<vmem>> -> memref<1x128xi32, #tpu.memory_space<vmem>>
    %dma_wait3A_94 = tpu.memref_squeeze %dma_wait3A_93 : memref<1x128xi32, #tpu.memory_space<vmem>> -> memref<128xi32, #tpu.memory_space<vmem>>
    %dma_wait3A_95 = arith.constant 0 : i32
    %dma_wait3A_96 = arith.constant 0 : i32
    %dma_wait3A_97 = tpu.memref_slice %arg11[%dma_wait3A_95, %dma_wait3A_96] : memref<10112x16xf32, #tpu.memory_space<vmem_shared>> -> memref<10112x16xf32, #tpu.memory_space<vmem_shared>>
    tpu.wait_indirect_dma semaphore(%arg13 : memref<!tpu.dma_semaphore, #tpu.memory_space<semaphore_mem>>) src(%dma_wait3A_91 : memref<128x16xf32, #tpu.memory_space<vmem>>) dst(%dma_wait3A_97 : memref<10112x16xf32, #tpu.memory_space<vmem_shared>>)
    %barrier3A_98 = arith.constant 0 : index
    tpu.barrier barrier_id(%barrier3A_98)
    "tpu.region"() ({
      %run_scoped3A = tpu.sem_alloc : memref<!tpu.dma_semaphore, #tpu.memory_space<semaphore_mem>>
      %dma_start3A_99 = arith.constant 0 : i32
      %dma_start3A_100 = arith.constant 0 : i32
      %dma_start3A_101 = tpu.memref_slice %arg6[%arg0, %dma_start3A_99, %dma_start3A_100] : memref<2x10112x16xf32, #tpu.memory_space<hbm>> -> memref<1x10112x16xf32, #tpu.memory_space<hbm>>
      %dma_start3A_102 = tpu.memref_squeeze %dma_start3A_101 : memref<1x10112x16xf32, #tpu.memory_space<hbm>> -> memref<10112x16xf32, #tpu.memory_space<hbm>>
      %dma_start3A_103 = arith.constant 0 : i32
      %dma_start3A_104 = tpu.memref_slice %dma_start3A_102[%mul3A_2, %dma_start3A_103] : memref<10112x16xf32, #tpu.memory_space<hbm>> -> memref<632x16xf32, #tpu.memory_space<hbm>>
      %dma_start3A_105 = arith.constant 0 : i32
      %dma_start3A_106 = tpu.memref_slice %arg11[%mul3A_2, %dma_start3A_105] : memref<10112x16xf32, #tpu.memory_space<vmem_shared>> -> memref<632x16xf32, #tpu.memory_space<vmem_shared>>
      tpu.enqueue_dma source(%dma_start3A_106 : memref<632x16xf32, #tpu.memory_space<vmem_shared>>) target(%dma_start3A_104 : memref<632x16xf32, #tpu.memory_space<hbm>>) target_semaphore(%run_scoped3A : memref<!tpu.dma_semaphore, #tpu.memory_space<semaphore_mem>>)
      %dma_wait3A_107 = arith.constant 0 : i32
      %dma_wait3A_108 = arith.constant 0 : i32
      %dma_wait3A_109 = tpu.memref_slice %arg6[%arg0, %dma_wait3A_107, %dma_wait3A_108] : memref<2x10112x16xf32, #tpu.memory_space<hbm>> -> memref<1x10112x16xf32, #tpu.memory_space<hbm>>
      %dma_wait3A_110 = tpu.memref_squeeze %dma_wait3A_109 : memref<1x10112x16xf32, #tpu.memory_space<hbm>> -> memref<10112x16xf32, #tpu.memory_space<hbm>>
      %dma_wait3A_111 = arith.constant 0 : i32
      %dma_wait3A_112 = tpu.memref_slice %dma_wait3A_110[%mul3A_2, %dma_wait3A_111] : memref<10112x16xf32, #tpu.memory_space<hbm>> -> memref<632x16xf32, #tpu.memory_space<hbm>>
      %dma_wait3A_113 = arith.constant 0 : i32
      %dma_wait3A_114 = tpu.memref_slice %arg11[%mul3A_2, %dma_wait3A_113] : memref<10112x16xf32, #tpu.memory_space<vmem_shared>> -> memref<632x16xf32, #tpu.memory_space<vmem_shared>>
      tpu.wait_dma2 semaphore(%run_scoped3A : memref<!tpu.dma_semaphore, #tpu.memory_space<semaphore_mem>>) src(%dma_wait3A_114 : memref<632x16xf32, #tpu.memory_space<vmem_shared>>) dst(%dma_wait3A_112 : memref<632x16xf32, #tpu.memory_space<hbm>>)
      tpu.yield
    }) : () -> ()
    return
  }
}

#map = affine_map<(d0, d1) -> (0, 0)>
#map1 = affine_map<(d0, d1) -> (0, 0, 0)>
module attributes {stable_mosaic.version = 14 : i64} {
  func.func @agg(%arg0: i32, %arg1: i32, %arg2: memref<10112x64xf32, #tpu.memory_space<hbm>>, %arg3: memref<32x80x128xi32, #tpu.memory_space<hbm>>, %arg4: memref<32x80x128xi32, #tpu.memory_space<hbm>>, %arg5: memref<632x64xf32, #tpu.memory_space<hbm>>, %arg6: memref<2x10112x64xf32, #tpu.memory_space<hbm>>, %arg7: memref<80x128xi32, #tpu.memory_space<vmem>>, %arg8: memref<4x128xi32, #tpu.memory_space<vmem>>, %arg9: memref<4x128x64xf32, #tpu.memory_space<vmem>>, %arg10: memref<10112x64xf32, #tpu.memory_space<vmem_shared>>, %arg11: memref<10112x64xf32, #tpu.memory_space<vmem_shared>>, %arg12: memref<!tpu.dma_semaphore, #tpu.memory_space<semaphore_mem>>, %arg13: memref<!tpu.dma_semaphore, #tpu.memory_space<semaphore_mem>>, %arg14: memref<!tpu.dma_semaphore, #tpu.memory_space<semaphore_mem>>) attributes {dimension_semantics = [#tpu.dimension_semantics<core_parallel>, #tpu.dimension_semantics<subcore_parallel>], iteration_bounds = array<i64: 2, 16>, scalar_prefetch = 0 : i64, scratch_operands = 8 : i64, tpu.core_type = #tpu.core_type<sc_vector_subcore>, window_params = [{transform_indices = #map}, {transform_indices = #map1}, {transform_indices = #map1}, {transform_indices = #map}, {transform_indices = #map1}]} {
    %mul3A = arith.constant 16 : i32
    %mul3A_0 = arith.muli %arg0, %mul3A : i32
    %add3A = arith.addi %mul3A_0, %arg1 : i32
    %mul3A_1 = arith.constant 632 : i32
    %mul3A_2 = arith.muli %arg1, %mul3A_1 : i32
    "tpu.region"() ({
      %run_scoped3A = tpu.sem_alloc : memref<!tpu.dma_semaphore, #tpu.memory_space<semaphore_mem>>
      %dma_start3A_99 = arith.constant 0 : i32
      %dma_start3A_100 = tpu.memref_slice %arg10[%mul3A_2, %dma_start3A_99] : memref<10112x64xf32, #tpu.memory_space<vmem_shared>> -> memref<632x64xf32, #tpu.memory_space<vmem_shared>>
      %dma_start3A_101 = arith.constant 0 : i32
      %dma_start3A_102 = tpu.memref_slice %arg2[%mul3A_2, %dma_start3A_101] : memref<10112x64xf32, #tpu.memory_space<hbm>> -> memref<632x64xf32, #tpu.memory_space<hbm>>
      tpu.enqueue_dma source(%dma_start3A_102 : memref<632x64xf32, #tpu.memory_space<hbm>>) target(%dma_start3A_100 : memref<632x64xf32, #tpu.memory_space<vmem_shared>>) target_semaphore(%run_scoped3A : memref<!tpu.dma_semaphore, #tpu.memory_space<semaphore_mem>>)
      %dma_wait3A_103 = arith.constant 0 : i32
      %dma_wait3A_104 = tpu.memref_slice %arg10[%mul3A_2, %dma_wait3A_103] : memref<10112x64xf32, #tpu.memory_space<vmem_shared>> -> memref<632x64xf32, #tpu.memory_space<vmem_shared>>
      %dma_wait3A_105 = arith.constant 0 : i32
      %dma_wait3A_106 = tpu.memref_slice %arg2[%mul3A_2, %dma_wait3A_105] : memref<10112x64xf32, #tpu.memory_space<hbm>> -> memref<632x64xf32, #tpu.memory_space<hbm>>
      tpu.wait_dma2 semaphore(%run_scoped3A : memref<!tpu.dma_semaphore, #tpu.memory_space<semaphore_mem>>) src(%dma_wait3A_106 : memref<632x64xf32, #tpu.memory_space<hbm>>) dst(%dma_wait3A_104 : memref<632x64xf32, #tpu.memory_space<vmem_shared>>)
      tpu.yield
    }) : () -> ()
    "tpu.region"() ({
      %run_scoped3A = tpu.sem_alloc : memref<!tpu.dma_semaphore, #tpu.memory_space<semaphore_mem>>
      %dma_start3A_99 = arith.constant 0 : i32
      %dma_start3A_100 = tpu.memref_slice %arg11[%mul3A_2, %dma_start3A_99] : memref<10112x64xf32, #tpu.memory_space<vmem_shared>> -> memref<632x64xf32, #tpu.memory_space<vmem_shared>>
      tpu.enqueue_dma source(%arg5 : memref<632x64xf32, #tpu.memory_space<hbm>>) target(%dma_start3A_100 : memref<632x64xf32, #tpu.memory_space<vmem_shared>>) target_semaphore(%run_scoped3A : memref<!tpu.dma_semaphore, #tpu.memory_space<semaphore_mem>>)
      %dma_wait3A_101 = arith.constant 0 : i32
      %dma_wait3A_102 = tpu.memref_slice %arg11[%mul3A_2, %dma_wait3A_101] : memref<10112x64xf32, #tpu.memory_space<vmem_shared>> -> memref<632x64xf32, #tpu.memory_space<vmem_shared>>
      tpu.wait_dma2 semaphore(%run_scoped3A : memref<!tpu.dma_semaphore, #tpu.memory_space<semaphore_mem>>) src(%arg5 : memref<632x64xf32, #tpu.memory_space<hbm>>) dst(%dma_wait3A_102 : memref<632x64xf32, #tpu.memory_space<vmem_shared>>)
      tpu.yield
    }) : () -> ()
    "tpu.region"() ({
      %run_scoped3A = tpu.sem_alloc : memref<!tpu.dma_semaphore, #tpu.memory_space<semaphore_mem>>
      %dma_start3A_99 = arith.constant 0 : i32
      %dma_start3A_100 = arith.constant 0 : i32
      %dma_start3A_101 = tpu.memref_slice %arg3[%add3A, %dma_start3A_99, %dma_start3A_100] : memref<32x80x128xi32, #tpu.memory_space<hbm>> -> memref<1x80x128xi32, #tpu.memory_space<hbm>>
      %dma_start3A_102 = tpu.memref_squeeze %dma_start3A_101 : memref<1x80x128xi32, #tpu.memory_space<hbm>> -> memref<80x128xi32, #tpu.memory_space<hbm>>
      %dma_start3A_103 = arith.constant 0 : i32
      %dma_start3A_104 = arith.constant 0 : i32
      %dma_start3A_105 = tpu.memref_slice %arg3[%add3A, %dma_start3A_103, %dma_start3A_104] : memref<32x80x128xi32, #tpu.memory_space<hbm>> -> memref<1x80x128xi32, #tpu.memory_space<hbm>>
      %dma_start3A_106 = tpu.memref_squeeze %dma_start3A_105 : memref<1x80x128xi32, #tpu.memory_space<hbm>> -> memref<80x128xi32, #tpu.memory_space<hbm>>
      tpu.enqueue_dma source(%dma_start3A_106 : memref<80x128xi32, #tpu.memory_space<hbm>>) target(%arg7 : memref<80x128xi32, #tpu.memory_space<vmem>>) target_semaphore(%run_scoped3A : memref<!tpu.dma_semaphore, #tpu.memory_space<semaphore_mem>>)
      %dma_wait3A_107 = arith.constant 0 : i32
      %dma_wait3A_108 = arith.constant 0 : i32
      %dma_wait3A_109 = tpu.memref_slice %arg3[%add3A, %dma_wait3A_107, %dma_wait3A_108] : memref<32x80x128xi32, #tpu.memory_space<hbm>> -> memref<1x80x128xi32, #tpu.memory_space<hbm>>
      %dma_wait3A_110 = tpu.memref_squeeze %dma_wait3A_109 : memref<1x80x128xi32, #tpu.memory_space<hbm>> -> memref<80x128xi32, #tpu.memory_space<hbm>>
      %dma_wait3A_111 = arith.constant 0 : i32
      %dma_wait3A_112 = arith.constant 0 : i32
      %dma_wait3A_113 = tpu.memref_slice %arg3[%add3A, %dma_wait3A_111, %dma_wait3A_112] : memref<32x80x128xi32, #tpu.memory_space<hbm>> -> memref<1x80x128xi32, #tpu.memory_space<hbm>>
      %dma_wait3A_114 = tpu.memref_squeeze %dma_wait3A_113 : memref<1x80x128xi32, #tpu.memory_space<hbm>> -> memref<80x128xi32, #tpu.memory_space<hbm>>
      tpu.wait_dma2 semaphore(%run_scoped3A : memref<!tpu.dma_semaphore, #tpu.memory_space<semaphore_mem>>) src(%dma_wait3A_114 : memref<80x128xi32, #tpu.memory_space<hbm>>) dst(%arg7 : memref<80x128xi32, #tpu.memory_space<vmem>>)
      tpu.yield
    }) : () -> ()
    %barrier3A = arith.constant 0 : index
    tpu.barrier barrier_id(%barrier3A)
    %dma_start3A = arith.constant 0 : i32
    %dma_start3A_3 = arith.constant 0 : i32
    %dma_start3A_4 = arith.constant 0 : i32
    %dma_start3A_5 = tpu.memref_slice %arg8[%dma_start3A_3, %dma_start3A_4] : memref<4x128xi32, #tpu.memory_space<vmem>> -> memref<1x128xi32, #tpu.memory_space<vmem>>
    %dma_start3A_6 = tpu.memref_squeeze %dma_start3A_5 : memref<1x128xi32, #tpu.memory_space<vmem>> -> memref<128xi32, #tpu.memory_space<vmem>>
    %dma_start3A_7 = arith.constant 0 : i32
    %dma_start3A_8 = arith.constant 0 : i32
    %dma_start3A_9 = tpu.memref_slice %arg4[%add3A, %dma_start3A_7, %dma_start3A_8] : memref<32x80x128xi32, #tpu.memory_space<hbm>> -> memref<1x80x128xi32, #tpu.memory_space<hbm>>
    %dma_start3A_10 = tpu.memref_squeeze %dma_start3A_9 : memref<1x80x128xi32, #tpu.memory_space<hbm>> -> memref<80x128xi32, #tpu.memory_space<hbm>>
    %dma_start3A_11 = arith.constant 0 : i32
    %dma_start3A_12 = tpu.memref_slice %dma_start3A_10[%dma_start3A, %dma_start3A_11] : memref<80x128xi32, #tpu.memory_space<hbm>> -> memref<1x128xi32, #tpu.memory_space<hbm>>
    %dma_start3A_13 = tpu.memref_squeeze %dma_start3A_12 : memref<1x128xi32, #tpu.memory_space<hbm>> -> memref<128xi32, #tpu.memory_space<hbm>>
    %dma_start3A_14 = arith.constant 0 : i32
    %dma_start3A_15 = tpu.memref_slice %arg8[%dma_start3A_3, %dma_start3A_14] : memref<4x128xi32, #tpu.memory_space<vmem>> -> memref<1x128xi32, #tpu.memory_space<vmem>>
    %dma_start3A_16 = tpu.memref_squeeze %dma_start3A_15 : memref<1x128xi32, #tpu.memory_space<vmem>> -> memref<128xi32, #tpu.memory_space<vmem>>
    %dma_start3A_17 = arith.constant 0 : i32
    %dma_start3A_18 = arith.constant 0 : i32
    %dma_start3A_19 = tpu.memref_slice %arg4[%add3A, %dma_start3A_17, %dma_start3A_18] : memref<32x80x128xi32, #tpu.memory_space<hbm>> -> memref<1x80x128xi32, #tpu.memory_space<hbm>>
    %dma_start3A_20 = tpu.memref_squeeze %dma_start3A_19 : memref<1x80x128xi32, #tpu.memory_space<hbm>> -> memref<80x128xi32, #tpu.memory_space<hbm>>
    %dma_start3A_21 = arith.constant 0 : i32
    %dma_start3A_22 = tpu.memref_slice %dma_start3A_20[%dma_start3A, %dma_start3A_21] : memref<80x128xi32, #tpu.memory_space<hbm>> -> memref<1x128xi32, #tpu.memory_space<hbm>>
    %dma_start3A_23 = tpu.memref_squeeze %dma_start3A_22 : memref<1x128xi32, #tpu.memory_space<hbm>> -> memref<128xi32, #tpu.memory_space<hbm>>
    tpu.enqueue_dma source(%dma_start3A_23 : memref<128xi32, #tpu.memory_space<hbm>>) target(%dma_start3A_16 : memref<128xi32, #tpu.memory_space<vmem>>) target_semaphore(%arg14 : memref<!tpu.dma_semaphore, #tpu.memory_space<semaphore_mem>>)
    %dma_start3A_24 = arith.constant 0 : i32
    %dma_start3A_25 = arith.constant 0 : i32
    %dma_start3A_26 = arith.constant 0 : i32
    %dma_start3A_27 = arith.constant 0 : i32
    %dma_start3A_28 = tpu.memref_slice %arg9[%dma_start3A_25, %dma_start3A_26, %dma_start3A_27] : memref<4x128x64xf32, #tpu.memory_space<vmem>> -> memref<1x128x64xf32, #tpu.memory_space<vmem>>
    %dma_start3A_29 = tpu.memref_squeeze %dma_start3A_28 : memref<1x128x64xf32, #tpu.memory_space<vmem>> -> memref<128x64xf32, #tpu.memory_space<vmem>>
    %dma_start3A_30 = arith.constant 0 : i32
    %dma_start3A_31 = tpu.memref_slice %arg7[%dma_start3A_24, %dma_start3A_30] : memref<80x128xi32, #tpu.memory_space<vmem>> -> memref<1x128xi32, #tpu.memory_space<vmem>>
    %dma_start3A_32 = tpu.memref_squeeze %dma_start3A_31 : memref<1x128xi32, #tpu.memory_space<vmem>> -> memref<128xi32, #tpu.memory_space<vmem>>
    %dma_start3A_33 = arith.constant 0 : i32
    %dma_start3A_34 = arith.constant 0 : i32
    %dma_start3A_35 = tpu.memref_slice %arg10[%dma_start3A_33, %dma_start3A_34] : memref<10112x64xf32, #tpu.memory_space<vmem_shared>> -> memref<10112x64xf32, #tpu.memory_space<vmem_shared>>
    tpu.enqueue_indirect_dma source(%dma_start3A_35 : memref<10112x64xf32, #tpu.memory_space<vmem_shared>>) target(%dma_start3A_29 : memref<128x64xf32, #tpu.memory_space<vmem>>) offsets(%dma_start3A_32 : memref<128xi32, #tpu.memory_space<vmem>>) semaphore(%arg12 : memref<!tpu.dma_semaphore, #tpu.memory_space<semaphore_mem>>)
    %dma_start3A_36 = arith.constant 1 : i32
    %dma_start3A_37 = arith.constant 1 : i32
    %dma_start3A_38 = arith.constant 0 : i32
    %dma_start3A_39 = tpu.memref_slice %arg8[%dma_start3A_37, %dma_start3A_38] : memref<4x128xi32, #tpu.memory_space<vmem>> -> memref<1x128xi32, #tpu.memory_space<vmem>>
    %dma_start3A_40 = tpu.memref_squeeze %dma_start3A_39 : memref<1x128xi32, #tpu.memory_space<vmem>> -> memref<128xi32, #tpu.memory_space<vmem>>
    %dma_start3A_41 = arith.constant 0 : i32
    %dma_start3A_42 = arith.constant 0 : i32
    %dma_start3A_43 = tpu.memref_slice %arg4[%add3A, %dma_start3A_41, %dma_start3A_42] : memref<32x80x128xi32, #tpu.memory_space<hbm>> -> memref<1x80x128xi32, #tpu.memory_space<hbm>>
    %dma_start3A_44 = tpu.memref_squeeze %dma_start3A_43 : memref<1x80x128xi32, #tpu.memory_space<hbm>> -> memref<80x128xi32, #tpu.memory_space<hbm>>
    %dma_start3A_45 = arith.constant 0 : i32
    %dma_start3A_46 = tpu.memref_slice %dma_start3A_44[%dma_start3A_36, %dma_start3A_45] : memref<80x128xi32, #tpu.memory_space<hbm>> -> memref<1x128xi32, #tpu.memory_space<hbm>>
    %dma_start3A_47 = tpu.memref_squeeze %dma_start3A_46 : memref<1x128xi32, #tpu.memory_space<hbm>> -> memref<128xi32, #tpu.memory_space<hbm>>
    %dma_start3A_48 = arith.constant 0 : i32
    %dma_start3A_49 = tpu.memref_slice %arg8[%dma_start3A_37, %dma_start3A_48] : memref<4x128xi32, #tpu.memory_space<vmem>> -> memref<1x128xi32, #tpu.memory_space<vmem>>
    %dma_start3A_50 = tpu.memref_squeeze %dma_start3A_49 : memref<1x128xi32, #tpu.memory_space<vmem>> -> memref<128xi32, #tpu.memory_space<vmem>>
    %dma_start3A_51 = arith.constant 0 : i32
    %dma_start3A_52 = arith.constant 0 : i32
    %dma_start3A_53 = tpu.memref_slice %arg4[%add3A, %dma_start3A_51, %dma_start3A_52] : memref<32x80x128xi32, #tpu.memory_space<hbm>> -> memref<1x80x128xi32, #tpu.memory_space<hbm>>
    %dma_start3A_54 = tpu.memref_squeeze %dma_start3A_53 : memref<1x80x128xi32, #tpu.memory_space<hbm>> -> memref<80x128xi32, #tpu.memory_space<hbm>>
    %dma_start3A_55 = arith.constant 0 : i32
    %dma_start3A_56 = tpu.memref_slice %dma_start3A_54[%dma_start3A_36, %dma_start3A_55] : memref<80x128xi32, #tpu.memory_space<hbm>> -> memref<1x128xi32, #tpu.memory_space<hbm>>
    %dma_start3A_57 = tpu.memref_squeeze %dma_start3A_56 : memref<1x128xi32, #tpu.memory_space<hbm>> -> memref<128xi32, #tpu.memory_space<hbm>>
    tpu.enqueue_dma source(%dma_start3A_57 : memref<128xi32, #tpu.memory_space<hbm>>) target(%dma_start3A_50 : memref<128xi32, #tpu.memory_space<vmem>>) target_semaphore(%arg14 : memref<!tpu.dma_semaphore, #tpu.memory_space<semaphore_mem>>)
    %dma_start3A_58 = arith.constant 1 : i32
    %dma_start3A_59 = arith.constant 1 : i32
    %dma_start3A_60 = arith.constant 0 : i32
    %dma_start3A_61 = arith.constant 0 : i32
    %dma_start3A_62 = tpu.memref_slice %arg9[%dma_start3A_59, %dma_start3A_60, %dma_start3A_61] : memref<4x128x64xf32, #tpu.memory_space<vmem>> -> memref<1x128x64xf32, #tpu.memory_space<vmem>>
    %dma_start3A_63 = tpu.memref_squeeze %dma_start3A_62 : memref<1x128x64xf32, #tpu.memory_space<vmem>> -> memref<128x64xf32, #tpu.memory_space<vmem>>
    %dma_start3A_64 = arith.constant 0 : i32
    %dma_start3A_65 = tpu.memref_slice %arg7[%dma_start3A_58, %dma_start3A_64] : memref<80x128xi32, #tpu.memory_space<vmem>> -> memref<1x128xi32, #tpu.memory_space<vmem>>
    %dma_start3A_66 = tpu.memref_squeeze %dma_start3A_65 : memref<1x128xi32, #tpu.memory_space<vmem>> -> memref<128xi32, #tpu.memory_space<vmem>>
    %dma_start3A_67 = arith.constant 0 : i32
    %dma_start3A_68 = arith.constant 0 : i32
    %dma_start3A_69 = tpu.memref_slice %arg10[%dma_start3A_67, %dma_start3A_68] : memref<10112x64xf32, #tpu.memory_space<vmem_shared>> -> memref<10112x64xf32, #tpu.memory_space<vmem_shared>>
    tpu.enqueue_indirect_dma source(%dma_start3A_69 : memref<10112x64xf32, #tpu.memory_space<vmem_shared>>) target(%dma_start3A_63 : memref<128x64xf32, #tpu.memory_space<vmem>>) offsets(%dma_start3A_66 : memref<128xi32, #tpu.memory_space<vmem>>) semaphore(%arg12 : memref<!tpu.dma_semaphore, #tpu.memory_space<semaphore_mem>>)
    %scan3A = arith.constant 0 : i32
    %scan3A_70 = arith.constant 0 : i32
    %scan3A_71 = arith.constant 20 : i32
    %scan3A_72 = arith.addi %scan3A_70, %scan3A_71 : i32
    %scan3A_73 = arith.constant 1 : i32
    scf.for %scan3A_99 = %scan3A_70 to %scan3A_72 step %scan3A_73  : i32 {
      %mul3A_100 = arith.constant 4 : i32
      %mul3A_101 = arith.muli %scan3A_99, %mul3A_100 : i32
      %add3A_102 = arith.constant 0 : i32
      %add3A_103 = arith.addi %mul3A_101, %add3A_102 : i32
      %dma_wait3A_104 = arith.constant 0 : i32
      %dma_wait3A_105 = arith.constant 0 : i32
      %dma_wait3A_106 = tpu.memref_slice %arg8[%dma_wait3A_104, %dma_wait3A_105] : memref<4x128xi32, #tpu.memory_space<vmem>> -> memref<1x128xi32, #tpu.memory_space<vmem>>
      %dma_wait3A_107 = tpu.memref_squeeze %dma_wait3A_106 : memref<1x128xi32, #tpu.memory_space<vmem>> -> memref<128xi32, #tpu.memory_space<vmem>>
      %dma_wait3A_108 = arith.constant 0 : i32
      %dma_wait3A_109 = arith.constant 0 : i32
      %dma_wait3A_110 = tpu.memref_slice %arg4[%add3A, %dma_wait3A_108, %dma_wait3A_109] : memref<32x80x128xi32, #tpu.memory_space<hbm>> -> memref<1x80x128xi32, #tpu.memory_space<hbm>>
      %dma_wait3A_111 = tpu.memref_squeeze %dma_wait3A_110 : memref<1x80x128xi32, #tpu.memory_space<hbm>> -> memref<80x128xi32, #tpu.memory_space<hbm>>
      %dma_wait3A_112 = arith.constant 0 : i32
      %dma_wait3A_113 = tpu.memref_slice %dma_wait3A_111[%add3A_103, %dma_wait3A_112] : memref<80x128xi32, #tpu.memory_space<hbm>> -> memref<1x128xi32, #tpu.memory_space<hbm>>
      %dma_wait3A_114 = tpu.memref_squeeze %dma_wait3A_113 : memref<1x128xi32, #tpu.memory_space<hbm>> -> memref<128xi32, #tpu.memory_space<hbm>>
      %dma_wait3A_115 = arith.constant 0 : i32
      %dma_wait3A_116 = tpu.memref_slice %arg8[%dma_wait3A_104, %dma_wait3A_115] : memref<4x128xi32, #tpu.memory_space<vmem>> -> memref<1x128xi32, #tpu.memory_space<vmem>>
      %dma_wait3A_117 = tpu.memref_squeeze %dma_wait3A_116 : memref<1x128xi32, #tpu.memory_space<vmem>> -> memref<128xi32, #tpu.memory_space<vmem>>
      %dma_wait3A_118 = arith.constant 0 : i32
      %dma_wait3A_119 = arith.constant 0 : i32
      %dma_wait3A_120 = tpu.memref_slice %arg4[%add3A, %dma_wait3A_118, %dma_wait3A_119] : memref<32x80x128xi32, #tpu.memory_space<hbm>> -> memref<1x80x128xi32, #tpu.memory_space<hbm>>
      %dma_wait3A_121 = tpu.memref_squeeze %dma_wait3A_120 : memref<1x80x128xi32, #tpu.memory_space<hbm>> -> memref<80x128xi32, #tpu.memory_space<hbm>>
      %dma_wait3A_122 = arith.constant 0 : i32
      %dma_wait3A_123 = tpu.memref_slice %dma_wait3A_121[%add3A_103, %dma_wait3A_122] : memref<80x128xi32, #tpu.memory_space<hbm>> -> memref<1x128xi32, #tpu.memory_space<hbm>>
      %dma_wait3A_124 = tpu.memref_squeeze %dma_wait3A_123 : memref<1x128xi32, #tpu.memory_space<hbm>> -> memref<128xi32, #tpu.memory_space<hbm>>
      tpu.wait_dma2 semaphore(%arg14 : memref<!tpu.dma_semaphore, #tpu.memory_space<semaphore_mem>>) src(%dma_wait3A_124 : memref<128xi32, #tpu.memory_space<hbm>>) dst(%dma_wait3A_117 : memref<128xi32, #tpu.memory_space<vmem>>)
      %dma_wait3A_125 = arith.constant 0 : i32
      %dma_wait3A_126 = arith.constant 0 : i32
      %dma_wait3A_127 = arith.constant 0 : i32
      %dma_wait3A_128 = tpu.memref_slice %arg9[%dma_wait3A_125, %dma_wait3A_126, %dma_wait3A_127] : memref<4x128x64xf32, #tpu.memory_space<vmem>> -> memref<1x128x64xf32, #tpu.memory_space<vmem>>
      %dma_wait3A_129 = tpu.memref_squeeze %dma_wait3A_128 : memref<1x128x64xf32, #tpu.memory_space<vmem>> -> memref<128x64xf32, #tpu.memory_space<vmem>>
      %dma_wait3A_130 = arith.constant 0 : i32
      %dma_wait3A_131 = tpu.memref_slice %arg7[%add3A_103, %dma_wait3A_130] : memref<80x128xi32, #tpu.memory_space<vmem>> -> memref<1x128xi32, #tpu.memory_space<vmem>>
      %dma_wait3A_132 = tpu.memref_squeeze %dma_wait3A_131 : memref<1x128xi32, #tpu.memory_space<vmem>> -> memref<128xi32, #tpu.memory_space<vmem>>
      %dma_wait3A_133 = arith.constant 0 : i32
      %dma_wait3A_134 = arith.constant 0 : i32
      %dma_wait3A_135 = tpu.memref_slice %arg10[%dma_wait3A_133, %dma_wait3A_134] : memref<10112x64xf32, #tpu.memory_space<vmem_shared>> -> memref<10112x64xf32, #tpu.memory_space<vmem_shared>>
      tpu.wait_indirect_dma semaphore(%arg12 : memref<!tpu.dma_semaphore, #tpu.memory_space<semaphore_mem>>) src(%dma_wait3A_135 : memref<10112x64xf32, #tpu.memory_space<vmem_shared>>) dst(%dma_wait3A_129 : memref<128x64xf32, #tpu.memory_space<vmem>>)
      %dma_start3A_136 = arith.constant 0 : i32
      %dma_start3A_137 = arith.constant 0 : i32
      %dma_start3A_138 = arith.constant 0 : i32
      %dma_start3A_139 = arith.constant 0 : i32
      %dma_start3A_140 = tpu.memref_slice %arg9[%dma_start3A_136, %dma_start3A_138, %dma_start3A_139] : memref<4x128x64xf32, #tpu.memory_space<vmem>> -> memref<1x128x64xf32, #tpu.memory_space<vmem>>
      %dma_start3A_141 = tpu.memref_squeeze %dma_start3A_140 : memref<1x128x64xf32, #tpu.memory_space<vmem>> -> memref<128x64xf32, #tpu.memory_space<vmem>>
      %dma_start3A_142 = arith.constant 0 : i32
      %dma_start3A_143 = tpu.memref_slice %arg8[%dma_start3A_137, %dma_start3A_142] : memref<4x128xi32, #tpu.memory_space<vmem>> -> memref<1x128xi32, #tpu.memory_space<vmem>>
      %dma_start3A_144 = tpu.memref_squeeze %dma_start3A_143 : memref<1x128xi32, #tpu.memory_space<vmem>> -> memref<128xi32, #tpu.memory_space<vmem>>
      %dma_start3A_145 = arith.constant 0 : i32
      %dma_start3A_146 = arith.constant 0 : i32
      %dma_start3A_147 = tpu.memref_slice %arg11[%dma_start3A_145, %dma_start3A_146] : memref<10112x64xf32, #tpu.memory_space<vmem_shared>> -> memref<10112x64xf32, #tpu.memory_space<vmem_shared>>
      tpu.enqueue_indirect_dma source(%dma_start3A_141 : memref<128x64xf32, #tpu.memory_space<vmem>>) target(%dma_start3A_147 : memref<10112x64xf32, #tpu.memory_space<vmem_shared>>) offsets(%dma_start3A_144 : memref<128xi32, #tpu.memory_space<vmem>>) semaphore(%arg13 : memref<!tpu.dma_semaphore, #tpu.memory_space<semaphore_mem>>) {add = true}
      %ge3A = arith.constant 2 : i32
      %ge3A_148 = arith.cmpi sge, %add3A_103, %ge3A : i32
      %convert_element_type3A = arith.extui %ge3A_148 : i1 to i32
      %cond3A = arith.constant 0 : i32
      %cond3A_149 = arith.cmpi ne, %convert_element_type3A, %cond3A : i32
      scf.if %cond3A_149 {
        %dma_wait3A_336 = arith.constant 2 : i32
        %dma_wait3A_337 = arith.constant 2 : i32
        %dma_wait3A_338 = arith.constant 0 : i32
        %dma_wait3A_339 = arith.constant 0 : i32
        %dma_wait3A_340 = tpu.memref_slice %arg9[%dma_wait3A_336, %dma_wait3A_338, %dma_wait3A_339] : memref<4x128x64xf32, #tpu.memory_space<vmem>> -> memref<1x128x64xf32, #tpu.memory_space<vmem>>
        %dma_wait3A_341 = tpu.memref_squeeze %dma_wait3A_340 : memref<1x128x64xf32, #tpu.memory_space<vmem>> -> memref<128x64xf32, #tpu.memory_space<vmem>>
        %dma_wait3A_342 = arith.constant 0 : i32
        %dma_wait3A_343 = tpu.memref_slice %arg8[%dma_wait3A_337, %dma_wait3A_342] : memref<4x128xi32, #tpu.memory_space<vmem>> -> memref<1x128xi32, #tpu.memory_space<vmem>>
        %dma_wait3A_344 = tpu.memref_squeeze %dma_wait3A_343 : memref<1x128xi32, #tpu.memory_space<vmem>> -> memref<128xi32, #tpu.memory_space<vmem>>
        %dma_wait3A_345 = arith.constant 0 : i32
        %dma_wait3A_346 = arith.constant 0 : i32
        %dma_wait3A_347 = tpu.memref_slice %arg11[%dma_wait3A_345, %dma_wait3A_346] : memref<10112x64xf32, #tpu.memory_space<vmem_shared>> -> memref<10112x64xf32, #tpu.memory_space<vmem_shared>>
        tpu.wait_indirect_dma semaphore(%arg13 : memref<!tpu.dma_semaphore, #tpu.memory_space<semaphore_mem>>) src(%dma_wait3A_341 : memref<128x64xf32, #tpu.memory_space<vmem>>) dst(%dma_wait3A_347 : memref<10112x64xf32, #tpu.memory_space<vmem_shared>>)
      } else {
      }
      %add3A_150 = arith.constant 2 : i32
      %add3A_151 = arith.addi %add3A_103, %add3A_150 : i32
      %lt3A = arith.constant 80 : i32
      %lt3A_152 = arith.cmpi slt, %add3A_151, %lt3A : i32
      %convert_element_type3A_153 = arith.extui %lt3A_152 : i1 to i32
      %cond3A_154 = arith.constant 0 : i32
      %cond3A_155 = arith.cmpi ne, %convert_element_type3A_153, %cond3A_154 : i32
      scf.if %cond3A_155 {
        %add3A_336 = arith.constant 2 : i32
        %add3A_337 = arith.addi %add3A_103, %add3A_336 : i32
        %dma_start3A_338 = arith.constant 2 : i32
        %dma_start3A_339 = arith.constant 0 : i32
        %dma_start3A_340 = tpu.memref_slice %arg8[%dma_start3A_338, %dma_start3A_339] : memref<4x128xi32, #tpu.memory_space<vmem>> -> memref<1x128xi32, #tpu.memory_space<vmem>>
        %dma_start3A_341 = tpu.memref_squeeze %dma_start3A_340 : memref<1x128xi32, #tpu.memory_space<vmem>> -> memref<128xi32, #tpu.memory_space<vmem>>
        %dma_start3A_342 = arith.constant 0 : i32
        %dma_start3A_343 = arith.constant 0 : i32
        %dma_start3A_344 = tpu.memref_slice %arg4[%add3A, %dma_start3A_342, %dma_start3A_343] : memref<32x80x128xi32, #tpu.memory_space<hbm>> -> memref<1x80x128xi32, #tpu.memory_space<hbm>>
        %dma_start3A_345 = tpu.memref_squeeze %dma_start3A_344 : memref<1x80x128xi32, #tpu.memory_space<hbm>> -> memref<80x128xi32, #tpu.memory_space<hbm>>
        %dma_start3A_346 = arith.constant 0 : i32
        %dma_start3A_347 = tpu.memref_slice %dma_start3A_345[%add3A_337, %dma_start3A_346] : memref<80x128xi32, #tpu.memory_space<hbm>> -> memref<1x128xi32, #tpu.memory_space<hbm>>
        %dma_start3A_348 = tpu.memref_squeeze %dma_start3A_347 : memref<1x128xi32, #tpu.memory_space<hbm>> -> memref<128xi32, #tpu.memory_space<hbm>>
        %dma_start3A_349 = arith.constant 0 : i32
        %dma_start3A_350 = tpu.memref_slice %arg8[%dma_start3A_338, %dma_start3A_349] : memref<4x128xi32, #tpu.memory_space<vmem>> -> memref<1x128xi32, #tpu.memory_space<vmem>>
        %dma_start3A_351 = tpu.memref_squeeze %dma_start3A_350 : memref<1x128xi32, #tpu.memory_space<vmem>> -> memref<128xi32, #tpu.memory_space<vmem>>
        %dma_start3A_352 = arith.constant 0 : i32
        %dma_start3A_353 = arith.constant 0 : i32
        %dma_start3A_354 = tpu.memref_slice %arg4[%add3A, %dma_start3A_352, %dma_start3A_353] : memref<32x80x128xi32, #tpu.memory_space<hbm>> -> memref<1x80x128xi32, #tpu.memory_space<hbm>>
        %dma_start3A_355 = tpu.memref_squeeze %dma_start3A_354 : memref<1x80x128xi32, #tpu.memory_space<hbm>> -> memref<80x128xi32, #tpu.memory_space<hbm>>
        %dma_start3A_356 = arith.constant 0 : i32
        %dma_start3A_357 = tpu.memref_slice %dma_start3A_355[%add3A_337, %dma_start3A_356] : memref<80x128xi32, #tpu.memory_space<hbm>> -> memref<1x128xi32, #tpu.memory_space<hbm>>
        %dma_start3A_358 = tpu.memref_squeeze %dma_start3A_357 : memref<1x128xi32, #tpu.memory_space<hbm>> -> memref<128xi32, #tpu.memory_space<hbm>>
        tpu.enqueue_dma source(%dma_start3A_358 : memref<128xi32, #tpu.memory_space<hbm>>) target(%dma_start3A_351 : memref<128xi32, #tpu.memory_space<vmem>>) target_semaphore(%arg14 : memref<!tpu.dma_semaphore, #tpu.memory_space<semaphore_mem>>)
        %dma_start3A_359 = arith.constant 2 : i32
        %dma_start3A_360 = arith.constant 0 : i32
        %dma_start3A_361 = arith.constant 0 : i32
        %dma_start3A_362 = tpu.memref_slice %arg9[%dma_start3A_359, %dma_start3A_360, %dma_start3A_361] : memref<4x128x64xf32, #tpu.memory_space<vmem>> -> memref<1x128x64xf32, #tpu.memory_space<vmem>>
        %dma_start3A_363 = tpu.memref_squeeze %dma_start3A_362 : memref<1x128x64xf32, #tpu.memory_space<vmem>> -> memref<128x64xf32, #tpu.memory_space<vmem>>
        %dma_start3A_364 = arith.constant 0 : i32
        %dma_start3A_365 = tpu.memref_slice %arg7[%add3A_337, %dma_start3A_364] : memref<80x128xi32, #tpu.memory_space<vmem>> -> memref<1x128xi32, #tpu.memory_space<vmem>>
        %dma_start3A_366 = tpu.memref_squeeze %dma_start3A_365 : memref<1x128xi32, #tpu.memory_space<vmem>> -> memref<128xi32, #tpu.memory_space<vmem>>
        %dma_start3A_367 = arith.constant 0 : i32
        %dma_start3A_368 = arith.constant 0 : i32
        %dma_start3A_369 = tpu.memref_slice %arg10[%dma_start3A_367, %dma_start3A_368] : memref<10112x64xf32, #tpu.memory_space<vmem_shared>> -> memref<10112x64xf32, #tpu.memory_space<vmem_shared>>
        tpu.enqueue_indirect_dma source(%dma_start3A_369 : memref<10112x64xf32, #tpu.memory_space<vmem_shared>>) target(%dma_start3A_363 : memref<128x64xf32, #tpu.memory_space<vmem>>) offsets(%dma_start3A_366 : memref<128xi32, #tpu.memory_space<vmem>>) semaphore(%arg12 : memref<!tpu.dma_semaphore, #tpu.memory_space<semaphore_mem>>)
      } else {
      }
      %mul3A_156 = arith.constant 4 : i32
      %mul3A_157 = arith.muli %scan3A_99, %mul3A_156 : i32
      %add3A_158 = arith.constant 1 : i32
      %add3A_159 = arith.addi %mul3A_157, %add3A_158 : i32
      %dma_wait3A_160 = arith.constant 1 : i32
      %dma_wait3A_161 = arith.constant 0 : i32
      %dma_wait3A_162 = tpu.memref_slice %arg8[%dma_wait3A_160, %dma_wait3A_161] : memref<4x128xi32, #tpu.memory_space<vmem>> -> memref<1x128xi32, #tpu.memory_space<vmem>>
      %dma_wait3A_163 = tpu.memref_squeeze %dma_wait3A_162 : memref<1x128xi32, #tpu.memory_space<vmem>> -> memref<128xi32, #tpu.memory_space<vmem>>
      %dma_wait3A_164 = arith.constant 0 : i32
      %dma_wait3A_165 = arith.constant 0 : i32
      %dma_wait3A_166 = tpu.memref_slice %arg4[%add3A, %dma_wait3A_164, %dma_wait3A_165] : memref<32x80x128xi32, #tpu.memory_space<hbm>> -> memref<1x80x128xi32, #tpu.memory_space<hbm>>
      %dma_wait3A_167 = tpu.memref_squeeze %dma_wait3A_166 : memref<1x80x128xi32, #tpu.memory_space<hbm>> -> memref<80x128xi32, #tpu.memory_space<hbm>>
      %dma_wait3A_168 = arith.constant 0 : i32
      %dma_wait3A_169 = tpu.memref_slice %dma_wait3A_167[%add3A_159, %dma_wait3A_168] : memref<80x128xi32, #tpu.memory_space<hbm>> -> memref<1x128xi32, #tpu.memory_space<hbm>>
      %dma_wait3A_170 = tpu.memref_squeeze %dma_wait3A_169 : memref<1x128xi32, #tpu.memory_space<hbm>> -> memref<128xi32, #tpu.memory_space<hbm>>
      %dma_wait3A_171 = arith.constant 0 : i32
      %dma_wait3A_172 = tpu.memref_slice %arg8[%dma_wait3A_160, %dma_wait3A_171] : memref<4x128xi32, #tpu.memory_space<vmem>> -> memref<1x128xi32, #tpu.memory_space<vmem>>
      %dma_wait3A_173 = tpu.memref_squeeze %dma_wait3A_172 : memref<1x128xi32, #tpu.memory_space<vmem>> -> memref<128xi32, #tpu.memory_space<vmem>>
      %dma_wait3A_174 = arith.constant 0 : i32
      %dma_wait3A_175 = arith.constant 0 : i32
      %dma_wait3A_176 = tpu.memref_slice %arg4[%add3A, %dma_wait3A_174, %dma_wait3A_175] : memref<32x80x128xi32, #tpu.memory_space<hbm>> -> memref<1x80x128xi32, #tpu.memory_space<hbm>>
      %dma_wait3A_177 = tpu.memref_squeeze %dma_wait3A_176 : memref<1x80x128xi32, #tpu.memory_space<hbm>> -> memref<80x128xi32, #tpu.memory_space<hbm>>
      %dma_wait3A_178 = arith.constant 0 : i32
      %dma_wait3A_179 = tpu.memref_slice %dma_wait3A_177[%add3A_159, %dma_wait3A_178] : memref<80x128xi32, #tpu.memory_space<hbm>> -> memref<1x128xi32, #tpu.memory_space<hbm>>
      %dma_wait3A_180 = tpu.memref_squeeze %dma_wait3A_179 : memref<1x128xi32, #tpu.memory_space<hbm>> -> memref<128xi32, #tpu.memory_space<hbm>>
      tpu.wait_dma2 semaphore(%arg14 : memref<!tpu.dma_semaphore, #tpu.memory_space<semaphore_mem>>) src(%dma_wait3A_180 : memref<128xi32, #tpu.memory_space<hbm>>) dst(%dma_wait3A_173 : memref<128xi32, #tpu.memory_space<vmem>>)
      %dma_wait3A_181 = arith.constant 1 : i32
      %dma_wait3A_182 = arith.constant 0 : i32
      %dma_wait3A_183 = arith.constant 0 : i32
      %dma_wait3A_184 = tpu.memref_slice %arg9[%dma_wait3A_181, %dma_wait3A_182, %dma_wait3A_183] : memref<4x128x64xf32, #tpu.memory_space<vmem>> -> memref<1x128x64xf32, #tpu.memory_space<vmem>>
      %dma_wait3A_185 = tpu.memref_squeeze %dma_wait3A_184 : memref<1x128x64xf32, #tpu.memory_space<vmem>> -> memref<128x64xf32, #tpu.memory_space<vmem>>
      %dma_wait3A_186 = arith.constant 0 : i32
      %dma_wait3A_187 = tpu.memref_slice %arg7[%add3A_159, %dma_wait3A_186] : memref<80x128xi32, #tpu.memory_space<vmem>> -> memref<1x128xi32, #tpu.memory_space<vmem>>
      %dma_wait3A_188 = tpu.memref_squeeze %dma_wait3A_187 : memref<1x128xi32, #tpu.memory_space<vmem>> -> memref<128xi32, #tpu.memory_space<vmem>>
      %dma_wait3A_189 = arith.constant 0 : i32
      %dma_wait3A_190 = arith.constant 0 : i32
      %dma_wait3A_191 = tpu.memref_slice %arg10[%dma_wait3A_189, %dma_wait3A_190] : memref<10112x64xf32, #tpu.memory_space<vmem_shared>> -> memref<10112x64xf32, #tpu.memory_space<vmem_shared>>
      tpu.wait_indirect_dma semaphore(%arg12 : memref<!tpu.dma_semaphore, #tpu.memory_space<semaphore_mem>>) src(%dma_wait3A_191 : memref<10112x64xf32, #tpu.memory_space<vmem_shared>>) dst(%dma_wait3A_185 : memref<128x64xf32, #tpu.memory_space<vmem>>)
      %dma_start3A_192 = arith.constant 1 : i32
      %dma_start3A_193 = arith.constant 1 : i32
      %dma_start3A_194 = arith.constant 0 : i32
      %dma_start3A_195 = arith.constant 0 : i32
      %dma_start3A_196 = tpu.memref_slice %arg9[%dma_start3A_192, %dma_start3A_194, %dma_start3A_195] : memref<4x128x64xf32, #tpu.memory_space<vmem>> -> memref<1x128x64xf32, #tpu.memory_space<vmem>>
      %dma_start3A_197 = tpu.memref_squeeze %dma_start3A_196 : memref<1x128x64xf32, #tpu.memory_space<vmem>> -> memref<128x64xf32, #tpu.memory_space<vmem>>
      %dma_start3A_198 = arith.constant 0 : i32
      %dma_start3A_199 = tpu.memref_slice %arg8[%dma_start3A_193, %dma_start3A_198] : memref<4x128xi32, #tpu.memory_space<vmem>> -> memref<1x128xi32, #tpu.memory_space<vmem>>
      %dma_start3A_200 = tpu.memref_squeeze %dma_start3A_199 : memref<1x128xi32, #tpu.memory_space<vmem>> -> memref<128xi32, #tpu.memory_space<vmem>>
      %dma_start3A_201 = arith.constant 0 : i32
      %dma_start3A_202 = arith.constant 0 : i32
      %dma_start3A_203 = tpu.memref_slice %arg11[%dma_start3A_201, %dma_start3A_202] : memref<10112x64xf32, #tpu.memory_space<vmem_shared>> -> memref<10112x64xf32, #tpu.memory_space<vmem_shared>>
      tpu.enqueue_indirect_dma source(%dma_start3A_197 : memref<128x64xf32, #tpu.memory_space<vmem>>) target(%dma_start3A_203 : memref<10112x64xf32, #tpu.memory_space<vmem_shared>>) offsets(%dma_start3A_200 : memref<128xi32, #tpu.memory_space<vmem>>) semaphore(%arg13 : memref<!tpu.dma_semaphore, #tpu.memory_space<semaphore_mem>>) {add = true}
      %ge3A_204 = arith.constant 2 : i32
      %ge3A_205 = arith.cmpi sge, %add3A_159, %ge3A_204 : i32
      %convert_element_type3A_206 = arith.extui %ge3A_205 : i1 to i32
      %cond3A_207 = arith.constant 0 : i32
      %cond3A_208 = arith.cmpi ne, %convert_element_type3A_206, %cond3A_207 : i32
      scf.if %cond3A_208 {
        %dma_wait3A_336 = arith.constant 3 : i32
        %dma_wait3A_337 = arith.constant 3 : i32
        %dma_wait3A_338 = arith.constant 0 : i32
        %dma_wait3A_339 = arith.constant 0 : i32
        %dma_wait3A_340 = tpu.memref_slice %arg9[%dma_wait3A_336, %dma_wait3A_338, %dma_wait3A_339] : memref<4x128x64xf32, #tpu.memory_space<vmem>> -> memref<1x128x64xf32, #tpu.memory_space<vmem>>
        %dma_wait3A_341 = tpu.memref_squeeze %dma_wait3A_340 : memref<1x128x64xf32, #tpu.memory_space<vmem>> -> memref<128x64xf32, #tpu.memory_space<vmem>>
        %dma_wait3A_342 = arith.constant 0 : i32
        %dma_wait3A_343 = tpu.memref_slice %arg8[%dma_wait3A_337, %dma_wait3A_342] : memref<4x128xi32, #tpu.memory_space<vmem>> -> memref<1x128xi32, #tpu.memory_space<vmem>>
        %dma_wait3A_344 = tpu.memref_squeeze %dma_wait3A_343 : memref<1x128xi32, #tpu.memory_space<vmem>> -> memref<128xi32, #tpu.memory_space<vmem>>
        %dma_wait3A_345 = arith.constant 0 : i32
        %dma_wait3A_346 = arith.constant 0 : i32
        %dma_wait3A_347 = tpu.memref_slice %arg11[%dma_wait3A_345, %dma_wait3A_346] : memref<10112x64xf32, #tpu.memory_space<vmem_shared>> -> memref<10112x64xf32, #tpu.memory_space<vmem_shared>>
        tpu.wait_indirect_dma semaphore(%arg13 : memref<!tpu.dma_semaphore, #tpu.memory_space<semaphore_mem>>) src(%dma_wait3A_341 : memref<128x64xf32, #tpu.memory_space<vmem>>) dst(%dma_wait3A_347 : memref<10112x64xf32, #tpu.memory_space<vmem_shared>>)
      } else {
      }
      %add3A_209 = arith.constant 2 : i32
      %add3A_210 = arith.addi %add3A_159, %add3A_209 : i32
      %lt3A_211 = arith.constant 80 : i32
      %lt3A_212 = arith.cmpi slt, %add3A_210, %lt3A_211 : i32
      %convert_element_type3A_213 = arith.extui %lt3A_212 : i1 to i32
      %cond3A_214 = arith.constant 0 : i32
      %cond3A_215 = arith.cmpi ne, %convert_element_type3A_213, %cond3A_214 : i32
      scf.if %cond3A_215 {
        %add3A_336 = arith.constant 2 : i32
        %add3A_337 = arith.addi %add3A_159, %add3A_336 : i32
        %dma_start3A_338 = arith.constant 3 : i32
        %dma_start3A_339 = arith.constant 0 : i32
        %dma_start3A_340 = tpu.memref_slice %arg8[%dma_start3A_338, %dma_start3A_339] : memref<4x128xi32, #tpu.memory_space<vmem>> -> memref<1x128xi32, #tpu.memory_space<vmem>>
        %dma_start3A_341 = tpu.memref_squeeze %dma_start3A_340 : memref<1x128xi32, #tpu.memory_space<vmem>> -> memref<128xi32, #tpu.memory_space<vmem>>
        %dma_start3A_342 = arith.constant 0 : i32
        %dma_start3A_343 = arith.constant 0 : i32
        %dma_start3A_344 = tpu.memref_slice %arg4[%add3A, %dma_start3A_342, %dma_start3A_343] : memref<32x80x128xi32, #tpu.memory_space<hbm>> -> memref<1x80x128xi32, #tpu.memory_space<hbm>>
        %dma_start3A_345 = tpu.memref_squeeze %dma_start3A_344 : memref<1x80x128xi32, #tpu.memory_space<hbm>> -> memref<80x128xi32, #tpu.memory_space<hbm>>
        %dma_start3A_346 = arith.constant 0 : i32
        %dma_start3A_347 = tpu.memref_slice %dma_start3A_345[%add3A_337, %dma_start3A_346] : memref<80x128xi32, #tpu.memory_space<hbm>> -> memref<1x128xi32, #tpu.memory_space<hbm>>
        %dma_start3A_348 = tpu.memref_squeeze %dma_start3A_347 : memref<1x128xi32, #tpu.memory_space<hbm>> -> memref<128xi32, #tpu.memory_space<hbm>>
        %dma_start3A_349 = arith.constant 0 : i32
        %dma_start3A_350 = tpu.memref_slice %arg8[%dma_start3A_338, %dma_start3A_349] : memref<4x128xi32, #tpu.memory_space<vmem>> -> memref<1x128xi32, #tpu.memory_space<vmem>>
        %dma_start3A_351 = tpu.memref_squeeze %dma_start3A_350 : memref<1x128xi32, #tpu.memory_space<vmem>> -> memref<128xi32, #tpu.memory_space<vmem>>
        %dma_start3A_352 = arith.constant 0 : i32
        %dma_start3A_353 = arith.constant 0 : i32
        %dma_start3A_354 = tpu.memref_slice %arg4[%add3A, %dma_start3A_352, %dma_start3A_353] : memref<32x80x128xi32, #tpu.memory_space<hbm>> -> memref<1x80x128xi32, #tpu.memory_space<hbm>>
        %dma_start3A_355 = tpu.memref_squeeze %dma_start3A_354 : memref<1x80x128xi32, #tpu.memory_space<hbm>> -> memref<80x128xi32, #tpu.memory_space<hbm>>
        %dma_start3A_356 = arith.constant 0 : i32
        %dma_start3A_357 = tpu.memref_slice %dma_start3A_355[%add3A_337, %dma_start3A_356] : memref<80x128xi32, #tpu.memory_space<hbm>> -> memref<1x128xi32, #tpu.memory_space<hbm>>
        %dma_start3A_358 = tpu.memref_squeeze %dma_start3A_357 : memref<1x128xi32, #tpu.memory_space<hbm>> -> memref<128xi32, #tpu.memory_space<hbm>>
        tpu.enqueue_dma source(%dma_start3A_358 : memref<128xi32, #tpu.memory_space<hbm>>) target(%dma_start3A_351 : memref<128xi32, #tpu.memory_space<vmem>>) target_semaphore(%arg14 : memref<!tpu.dma_semaphore, #tpu.memory_space<semaphore_mem>>)
        %dma_start3A_359 = arith.constant 3 : i32
        %dma_start3A_360 = arith.constant 0 : i32
        %dma_start3A_361 = arith.constant 0 : i32
        %dma_start3A_362 = tpu.memref_slice %arg9[%dma_start3A_359, %dma_start3A_360, %dma_start3A_361] : memref<4x128x64xf32, #tpu.memory_space<vmem>> -> memref<1x128x64xf32, #tpu.memory_space<vmem>>
        %dma_start3A_363 = tpu.memref_squeeze %dma_start3A_362 : memref<1x128x64xf32, #tpu.memory_space<vmem>> -> memref<128x64xf32, #tpu.memory_space<vmem>>
        %dma_start3A_364 = arith.constant 0 : i32
        %dma_start3A_365 = tpu.memref_slice %arg7[%add3A_337, %dma_start3A_364] : memref<80x128xi32, #tpu.memory_space<vmem>> -> memref<1x128xi32, #tpu.memory_space<vmem>>
        %dma_start3A_366 = tpu.memref_squeeze %dma_start3A_365 : memref<1x128xi32, #tpu.memory_space<vmem>> -> memref<128xi32, #tpu.memory_space<vmem>>
        %dma_start3A_367 = arith.constant 0 : i32
        %dma_start3A_368 = arith.constant 0 : i32
        %dma_start3A_369 = tpu.memref_slice %arg10[%dma_start3A_367, %dma_start3A_368] : memref<10112x64xf32, #tpu.memory_space<vmem_shared>> -> memref<10112x64xf32, #tpu.memory_space<vmem_shared>>
        tpu.enqueue_indirect_dma source(%dma_start3A_369 : memref<10112x64xf32, #tpu.memory_space<vmem_shared>>) target(%dma_start3A_363 : memref<128x64xf32, #tpu.memory_space<vmem>>) offsets(%dma_start3A_366 : memref<128xi32, #tpu.memory_space<vmem>>) semaphore(%arg12 : memref<!tpu.dma_semaphore, #tpu.memory_space<semaphore_mem>>)
      } else {
      }
      %mul3A_216 = arith.constant 4 : i32
      %mul3A_217 = arith.muli %scan3A_99, %mul3A_216 : i32
      %add3A_218 = arith.constant 2 : i32
      %add3A_219 = arith.addi %mul3A_217, %add3A_218 : i32
      %dma_wait3A_220 = arith.constant 2 : i32
      %dma_wait3A_221 = arith.constant 0 : i32
      %dma_wait3A_222 = tpu.memref_slice %arg8[%dma_wait3A_220, %dma_wait3A_221] : memref<4x128xi32, #tpu.memory_space<vmem>> -> memref<1x128xi32, #tpu.memory_space<vmem>>
      %dma_wait3A_223 = tpu.memref_squeeze %dma_wait3A_222 : memref<1x128xi32, #tpu.memory_space<vmem>> -> memref<128xi32, #tpu.memory_space<vmem>>
      %dma_wait3A_224 = arith.constant 0 : i32
      %dma_wait3A_225 = arith.constant 0 : i32
      %dma_wait3A_226 = tpu.memref_slice %arg4[%add3A, %dma_wait3A_224, %dma_wait3A_225] : memref<32x80x128xi32, #tpu.memory_space<hbm>> -> memref<1x80x128xi32, #tpu.memory_space<hbm>>
      %dma_wait3A_227 = tpu.memref_squeeze %dma_wait3A_226 : memref<1x80x128xi32, #tpu.memory_space<hbm>> -> memref<80x128xi32, #tpu.memory_space<hbm>>
      %dma_wait3A_228 = arith.constant 0 : i32
      %dma_wait3A_229 = tpu.memref_slice %dma_wait3A_227[%add3A_219, %dma_wait3A_228] : memref<80x128xi32, #tpu.memory_space<hbm>> -> memref<1x128xi32, #tpu.memory_space<hbm>>
      %dma_wait3A_230 = tpu.memref_squeeze %dma_wait3A_229 : memref<1x128xi32, #tpu.memory_space<hbm>> -> memref<128xi32, #tpu.memory_space<hbm>>
      %dma_wait3A_231 = arith.constant 0 : i32
      %dma_wait3A_232 = tpu.memref_slice %arg8[%dma_wait3A_220, %dma_wait3A_231] : memref<4x128xi32, #tpu.memory_space<vmem>> -> memref<1x128xi32, #tpu.memory_space<vmem>>
      %dma_wait3A_233 = tpu.memref_squeeze %dma_wait3A_232 : memref<1x128xi32, #tpu.memory_space<vmem>> -> memref<128xi32, #tpu.memory_space<vmem>>
      %dma_wait3A_234 = arith.constant 0 : i32
      %dma_wait3A_235 = arith.constant 0 : i32
      %dma_wait3A_236 = tpu.memref_slice %arg4[%add3A, %dma_wait3A_234, %dma_wait3A_235] : memref<32x80x128xi32, #tpu.memory_space<hbm>> -> memref<1x80x128xi32, #tpu.memory_space<hbm>>
      %dma_wait3A_237 = tpu.memref_squeeze %dma_wait3A_236 : memref<1x80x128xi32, #tpu.memory_space<hbm>> -> memref<80x128xi32, #tpu.memory_space<hbm>>
      %dma_wait3A_238 = arith.constant 0 : i32
      %dma_wait3A_239 = tpu.memref_slice %dma_wait3A_237[%add3A_219, %dma_wait3A_238] : memref<80x128xi32, #tpu.memory_space<hbm>> -> memref<1x128xi32, #tpu.memory_space<hbm>>
      %dma_wait3A_240 = tpu.memref_squeeze %dma_wait3A_239 : memref<1x128xi32, #tpu.memory_space<hbm>> -> memref<128xi32, #tpu.memory_space<hbm>>
      tpu.wait_dma2 semaphore(%arg14 : memref<!tpu.dma_semaphore, #tpu.memory_space<semaphore_mem>>) src(%dma_wait3A_240 : memref<128xi32, #tpu.memory_space<hbm>>) dst(%dma_wait3A_233 : memref<128xi32, #tpu.memory_space<vmem>>)
      %dma_wait3A_241 = arith.constant 2 : i32
      %dma_wait3A_242 = arith.constant 0 : i32
      %dma_wait3A_243 = arith.constant 0 : i32
      %dma_wait3A_244 = tpu.memref_slice %arg9[%dma_wait3A_241, %dma_wait3A_242, %dma_wait3A_243] : memref<4x128x64xf32, #tpu.memory_space<vmem>> -> memref<1x128x64xf32, #tpu.memory_space<vmem>>
      %dma_wait3A_245 = tpu.memref_squeeze %dma_wait3A_244 : memref<1x128x64xf32, #tpu.memory_space<vmem>> -> memref<128x64xf32, #tpu.memory_space<vmem>>
      %dma_wait3A_246 = arith.constant 0 : i32
      %dma_wait3A_247 = tpu.memref_slice %arg7[%add3A_219, %dma_wait3A_246] : memref<80x128xi32, #tpu.memory_space<vmem>> -> memref<1x128xi32, #tpu.memory_space<vmem>>
      %dma_wait3A_248 = tpu.memref_squeeze %dma_wait3A_247 : memref<1x128xi32, #tpu.memory_space<vmem>> -> memref<128xi32, #tpu.memory_space<vmem>>
      %dma_wait3A_249 = arith.constant 0 : i32
      %dma_wait3A_250 = arith.constant 0 : i32
      %dma_wait3A_251 = tpu.memref_slice %arg10[%dma_wait3A_249, %dma_wait3A_250] : memref<10112x64xf32, #tpu.memory_space<vmem_shared>> -> memref<10112x64xf32, #tpu.memory_space<vmem_shared>>
      tpu.wait_indirect_dma semaphore(%arg12 : memref<!tpu.dma_semaphore, #tpu.memory_space<semaphore_mem>>) src(%dma_wait3A_251 : memref<10112x64xf32, #tpu.memory_space<vmem_shared>>) dst(%dma_wait3A_245 : memref<128x64xf32, #tpu.memory_space<vmem>>)
      %dma_start3A_252 = arith.constant 2 : i32
      %dma_start3A_253 = arith.constant 2 : i32
      %dma_start3A_254 = arith.constant 0 : i32
      %dma_start3A_255 = arith.constant 0 : i32
      %dma_start3A_256 = tpu.memref_slice %arg9[%dma_start3A_252, %dma_start3A_254, %dma_start3A_255] : memref<4x128x64xf32, #tpu.memory_space<vmem>> -> memref<1x128x64xf32, #tpu.memory_space<vmem>>
      %dma_start3A_257 = tpu.memref_squeeze %dma_start3A_256 : memref<1x128x64xf32, #tpu.memory_space<vmem>> -> memref<128x64xf32, #tpu.memory_space<vmem>>
      %dma_start3A_258 = arith.constant 0 : i32
      %dma_start3A_259 = tpu.memref_slice %arg8[%dma_start3A_253, %dma_start3A_258] : memref<4x128xi32, #tpu.memory_space<vmem>> -> memref<1x128xi32, #tpu.memory_space<vmem>>
      %dma_start3A_260 = tpu.memref_squeeze %dma_start3A_259 : memref<1x128xi32, #tpu.memory_space<vmem>> -> memref<128xi32, #tpu.memory_space<vmem>>
      %dma_start3A_261 = arith.constant 0 : i32
      %dma_start3A_262 = arith.constant 0 : i32
      %dma_start3A_263 = tpu.memref_slice %arg11[%dma_start3A_261, %dma_start3A_262] : memref<10112x64xf32, #tpu.memory_space<vmem_shared>> -> memref<10112x64xf32, #tpu.memory_space<vmem_shared>>
      tpu.enqueue_indirect_dma source(%dma_start3A_257 : memref<128x64xf32, #tpu.memory_space<vmem>>) target(%dma_start3A_263 : memref<10112x64xf32, #tpu.memory_space<vmem_shared>>) offsets(%dma_start3A_260 : memref<128xi32, #tpu.memory_space<vmem>>) semaphore(%arg13 : memref<!tpu.dma_semaphore, #tpu.memory_space<semaphore_mem>>) {add = true}
      %ge3A_264 = arith.constant 2 : i32
      %ge3A_265 = arith.cmpi sge, %add3A_219, %ge3A_264 : i32
      %convert_element_type3A_266 = arith.extui %ge3A_265 : i1 to i32
      %cond3A_267 = arith.constant 0 : i32
      %cond3A_268 = arith.cmpi ne, %convert_element_type3A_266, %cond3A_267 : i32
      scf.if %cond3A_268 {
        %dma_wait3A_336 = arith.constant 0 : i32
        %dma_wait3A_337 = arith.constant 0 : i32
        %dma_wait3A_338 = arith.constant 0 : i32
        %dma_wait3A_339 = arith.constant 0 : i32
        %dma_wait3A_340 = tpu.memref_slice %arg9[%dma_wait3A_336, %dma_wait3A_338, %dma_wait3A_339] : memref<4x128x64xf32, #tpu.memory_space<vmem>> -> memref<1x128x64xf32, #tpu.memory_space<vmem>>
        %dma_wait3A_341 = tpu.memref_squeeze %dma_wait3A_340 : memref<1x128x64xf32, #tpu.memory_space<vmem>> -> memref<128x64xf32, #tpu.memory_space<vmem>>
        %dma_wait3A_342 = arith.constant 0 : i32
        %dma_wait3A_343 = tpu.memref_slice %arg8[%dma_wait3A_337, %dma_wait3A_342] : memref<4x128xi32, #tpu.memory_space<vmem>> -> memref<1x128xi32, #tpu.memory_space<vmem>>
        %dma_wait3A_344 = tpu.memref_squeeze %dma_wait3A_343 : memref<1x128xi32, #tpu.memory_space<vmem>> -> memref<128xi32, #tpu.memory_space<vmem>>
        %dma_wait3A_345 = arith.constant 0 : i32
        %dma_wait3A_346 = arith.constant 0 : i32
        %dma_wait3A_347 = tpu.memref_slice %arg11[%dma_wait3A_345, %dma_wait3A_346] : memref<10112x64xf32, #tpu.memory_space<vmem_shared>> -> memref<10112x64xf32, #tpu.memory_space<vmem_shared>>
        tpu.wait_indirect_dma semaphore(%arg13 : memref<!tpu.dma_semaphore, #tpu.memory_space<semaphore_mem>>) src(%dma_wait3A_341 : memref<128x64xf32, #tpu.memory_space<vmem>>) dst(%dma_wait3A_347 : memref<10112x64xf32, #tpu.memory_space<vmem_shared>>)
      } else {
      }
      %add3A_269 = arith.constant 2 : i32
      %add3A_270 = arith.addi %add3A_219, %add3A_269 : i32
      %lt3A_271 = arith.constant 80 : i32
      %lt3A_272 = arith.cmpi slt, %add3A_270, %lt3A_271 : i32
      %convert_element_type3A_273 = arith.extui %lt3A_272 : i1 to i32
      %cond3A_274 = arith.constant 0 : i32
      %cond3A_275 = arith.cmpi ne, %convert_element_type3A_273, %cond3A_274 : i32
      scf.if %cond3A_275 {
        %add3A_336 = arith.constant 2 : i32
        %add3A_337 = arith.addi %add3A_219, %add3A_336 : i32
        %dma_start3A_338 = arith.constant 0 : i32
        %dma_start3A_339 = arith.constant 0 : i32
        %dma_start3A_340 = tpu.memref_slice %arg8[%dma_start3A_338, %dma_start3A_339] : memref<4x128xi32, #tpu.memory_space<vmem>> -> memref<1x128xi32, #tpu.memory_space<vmem>>
        %dma_start3A_341 = tpu.memref_squeeze %dma_start3A_340 : memref<1x128xi32, #tpu.memory_space<vmem>> -> memref<128xi32, #tpu.memory_space<vmem>>
        %dma_start3A_342 = arith.constant 0 : i32
        %dma_start3A_343 = arith.constant 0 : i32
        %dma_start3A_344 = tpu.memref_slice %arg4[%add3A, %dma_start3A_342, %dma_start3A_343] : memref<32x80x128xi32, #tpu.memory_space<hbm>> -> memref<1x80x128xi32, #tpu.memory_space<hbm>>
        %dma_start3A_345 = tpu.memref_squeeze %dma_start3A_344 : memref<1x80x128xi32, #tpu.memory_space<hbm>> -> memref<80x128xi32, #tpu.memory_space<hbm>>
        %dma_start3A_346 = arith.constant 0 : i32
        %dma_start3A_347 = tpu.memref_slice %dma_start3A_345[%add3A_337, %dma_start3A_346] : memref<80x128xi32, #tpu.memory_space<hbm>> -> memref<1x128xi32, #tpu.memory_space<hbm>>
        %dma_start3A_348 = tpu.memref_squeeze %dma_start3A_347 : memref<1x128xi32, #tpu.memory_space<hbm>> -> memref<128xi32, #tpu.memory_space<hbm>>
        %dma_start3A_349 = arith.constant 0 : i32
        %dma_start3A_350 = tpu.memref_slice %arg8[%dma_start3A_338, %dma_start3A_349] : memref<4x128xi32, #tpu.memory_space<vmem>> -> memref<1x128xi32, #tpu.memory_space<vmem>>
        %dma_start3A_351 = tpu.memref_squeeze %dma_start3A_350 : memref<1x128xi32, #tpu.memory_space<vmem>> -> memref<128xi32, #tpu.memory_space<vmem>>
        %dma_start3A_352 = arith.constant 0 : i32
        %dma_start3A_353 = arith.constant 0 : i32
        %dma_start3A_354 = tpu.memref_slice %arg4[%add3A, %dma_start3A_352, %dma_start3A_353] : memref<32x80x128xi32, #tpu.memory_space<hbm>> -> memref<1x80x128xi32, #tpu.memory_space<hbm>>
        %dma_start3A_355 = tpu.memref_squeeze %dma_start3A_354 : memref<1x80x128xi32, #tpu.memory_space<hbm>> -> memref<80x128xi32, #tpu.memory_space<hbm>>
        %dma_start3A_356 = arith.constant 0 : i32
        %dma_start3A_357 = tpu.memref_slice %dma_start3A_355[%add3A_337, %dma_start3A_356] : memref<80x128xi32, #tpu.memory_space<hbm>> -> memref<1x128xi32, #tpu.memory_space<hbm>>
        %dma_start3A_358 = tpu.memref_squeeze %dma_start3A_357 : memref<1x128xi32, #tpu.memory_space<hbm>> -> memref<128xi32, #tpu.memory_space<hbm>>
        tpu.enqueue_dma source(%dma_start3A_358 : memref<128xi32, #tpu.memory_space<hbm>>) target(%dma_start3A_351 : memref<128xi32, #tpu.memory_space<vmem>>) target_semaphore(%arg14 : memref<!tpu.dma_semaphore, #tpu.memory_space<semaphore_mem>>)
        %dma_start3A_359 = arith.constant 0 : i32
        %dma_start3A_360 = arith.constant 0 : i32
        %dma_start3A_361 = arith.constant 0 : i32
        %dma_start3A_362 = tpu.memref_slice %arg9[%dma_start3A_359, %dma_start3A_360, %dma_start3A_361] : memref<4x128x64xf32, #tpu.memory_space<vmem>> -> memref<1x128x64xf32, #tpu.memory_space<vmem>>
        %dma_start3A_363 = tpu.memref_squeeze %dma_start3A_362 : memref<1x128x64xf32, #tpu.memory_space<vmem>> -> memref<128x64xf32, #tpu.memory_space<vmem>>
        %dma_start3A_364 = arith.constant 0 : i32
        %dma_start3A_365 = tpu.memref_slice %arg7[%add3A_337, %dma_start3A_364] : memref<80x128xi32, #tpu.memory_space<vmem>> -> memref<1x128xi32, #tpu.memory_space<vmem>>
        %dma_start3A_366 = tpu.memref_squeeze %dma_start3A_365 : memref<1x128xi32, #tpu.memory_space<vmem>> -> memref<128xi32, #tpu.memory_space<vmem>>
        %dma_start3A_367 = arith.constant 0 : i32
        %dma_start3A_368 = arith.constant 0 : i32
        %dma_start3A_369 = tpu.memref_slice %arg10[%dma_start3A_367, %dma_start3A_368] : memref<10112x64xf32, #tpu.memory_space<vmem_shared>> -> memref<10112x64xf32, #tpu.memory_space<vmem_shared>>
        tpu.enqueue_indirect_dma source(%dma_start3A_369 : memref<10112x64xf32, #tpu.memory_space<vmem_shared>>) target(%dma_start3A_363 : memref<128x64xf32, #tpu.memory_space<vmem>>) offsets(%dma_start3A_366 : memref<128xi32, #tpu.memory_space<vmem>>) semaphore(%arg12 : memref<!tpu.dma_semaphore, #tpu.memory_space<semaphore_mem>>)
      } else {
      }
      %mul3A_276 = arith.constant 4 : i32
      %mul3A_277 = arith.muli %scan3A_99, %mul3A_276 : i32
      %add3A_278 = arith.constant 3 : i32
      %add3A_279 = arith.addi %mul3A_277, %add3A_278 : i32
      %dma_wait3A_280 = arith.constant 3 : i32
      %dma_wait3A_281 = arith.constant 0 : i32
      %dma_wait3A_282 = tpu.memref_slice %arg8[%dma_wait3A_280, %dma_wait3A_281] : memref<4x128xi32, #tpu.memory_space<vmem>> -> memref<1x128xi32, #tpu.memory_space<vmem>>
      %dma_wait3A_283 = tpu.memref_squeeze %dma_wait3A_282 : memref<1x128xi32, #tpu.memory_space<vmem>> -> memref<128xi32, #tpu.memory_space<vmem>>
      %dma_wait3A_284 = arith.constant 0 : i32
      %dma_wait3A_285 = arith.constant 0 : i32
      %dma_wait3A_286 = tpu.memref_slice %arg4[%add3A, %dma_wait3A_284, %dma_wait3A_285] : memref<32x80x128xi32, #tpu.memory_space<hbm>> -> memref<1x80x128xi32, #tpu.memory_space<hbm>>
      %dma_wait3A_287 = tpu.memref_squeeze %dma_wait3A_286 : memref<1x80x128xi32, #tpu.memory_space<hbm>> -> memref<80x128xi32, #tpu.memory_space<hbm>>
      %dma_wait3A_288 = arith.constant 0 : i32
      %dma_wait3A_289 = tpu.memref_slice %dma_wait3A_287[%add3A_279, %dma_wait3A_288] : memref<80x128xi32, #tpu.memory_space<hbm>> -> memref<1x128xi32, #tpu.memory_space<hbm>>
      %dma_wait3A_290 = tpu.memref_squeeze %dma_wait3A_289 : memref<1x128xi32, #tpu.memory_space<hbm>> -> memref<128xi32, #tpu.memory_space<hbm>>
      %dma_wait3A_291 = arith.constant 0 : i32
      %dma_wait3A_292 = tpu.memref_slice %arg8[%dma_wait3A_280, %dma_wait3A_291] : memref<4x128xi32, #tpu.memory_space<vmem>> -> memref<1x128xi32, #tpu.memory_space<vmem>>
      %dma_wait3A_293 = tpu.memref_squeeze %dma_wait3A_292 : memref<1x128xi32, #tpu.memory_space<vmem>> -> memref<128xi32, #tpu.memory_space<vmem>>
      %dma_wait3A_294 = arith.constant 0 : i32
      %dma_wait3A_295 = arith.constant 0 : i32
      %dma_wait3A_296 = tpu.memref_slice %arg4[%add3A, %dma_wait3A_294, %dma_wait3A_295] : memref<32x80x128xi32, #tpu.memory_space<hbm>> -> memref<1x80x128xi32, #tpu.memory_space<hbm>>
      %dma_wait3A_297 = tpu.memref_squeeze %dma_wait3A_296 : memref<1x80x128xi32, #tpu.memory_space<hbm>> -> memref<80x128xi32, #tpu.memory_space<hbm>>
      %dma_wait3A_298 = arith.constant 0 : i32
      %dma_wait3A_299 = tpu.memref_slice %dma_wait3A_297[%add3A_279, %dma_wait3A_298] : memref<80x128xi32, #tpu.memory_space<hbm>> -> memref<1x128xi32, #tpu.memory_space<hbm>>
      %dma_wait3A_300 = tpu.memref_squeeze %dma_wait3A_299 : memref<1x128xi32, #tpu.memory_space<hbm>> -> memref<128xi32, #tpu.memory_space<hbm>>
      tpu.wait_dma2 semaphore(%arg14 : memref<!tpu.dma_semaphore, #tpu.memory_space<semaphore_mem>>) src(%dma_wait3A_300 : memref<128xi32, #tpu.memory_space<hbm>>) dst(%dma_wait3A_293 : memref<128xi32, #tpu.memory_space<vmem>>)
      %dma_wait3A_301 = arith.constant 3 : i32
      %dma_wait3A_302 = arith.constant 0 : i32
      %dma_wait3A_303 = arith.constant 0 : i32
      %dma_wait3A_304 = tpu.memref_slice %arg9[%dma_wait3A_301, %dma_wait3A_302, %dma_wait3A_303] : memref<4x128x64xf32, #tpu.memory_space<vmem>> -> memref<1x128x64xf32, #tpu.memory_space<vmem>>
      %dma_wait3A_305 = tpu.memref_squeeze %dma_wait3A_304 : memref<1x128x64xf32, #tpu.memory_space<vmem>> -> memref<128x64xf32, #tpu.memory_space<vmem>>
      %dma_wait3A_306 = arith.constant 0 : i32
      %dma_wait3A_307 = tpu.memref_slice %arg7[%add3A_279, %dma_wait3A_306] : memref<80x128xi32, #tpu.memory_space<vmem>> -> memref<1x128xi32, #tpu.memory_space<vmem>>
      %dma_wait3A_308 = tpu.memref_squeeze %dma_wait3A_307 : memref<1x128xi32, #tpu.memory_space<vmem>> -> memref<128xi32, #tpu.memory_space<vmem>>
      %dma_wait3A_309 = arith.constant 0 : i32
      %dma_wait3A_310 = arith.constant 0 : i32
      %dma_wait3A_311 = tpu.memref_slice %arg10[%dma_wait3A_309, %dma_wait3A_310] : memref<10112x64xf32, #tpu.memory_space<vmem_shared>> -> memref<10112x64xf32, #tpu.memory_space<vmem_shared>>
      tpu.wait_indirect_dma semaphore(%arg12 : memref<!tpu.dma_semaphore, #tpu.memory_space<semaphore_mem>>) src(%dma_wait3A_311 : memref<10112x64xf32, #tpu.memory_space<vmem_shared>>) dst(%dma_wait3A_305 : memref<128x64xf32, #tpu.memory_space<vmem>>)
      %dma_start3A_312 = arith.constant 3 : i32
      %dma_start3A_313 = arith.constant 3 : i32
      %dma_start3A_314 = arith.constant 0 : i32
      %dma_start3A_315 = arith.constant 0 : i32
      %dma_start3A_316 = tpu.memref_slice %arg9[%dma_start3A_312, %dma_start3A_314, %dma_start3A_315] : memref<4x128x64xf32, #tpu.memory_space<vmem>> -> memref<1x128x64xf32, #tpu.memory_space<vmem>>
      %dma_start3A_317 = tpu.memref_squeeze %dma_start3A_316 : memref<1x128x64xf32, #tpu.memory_space<vmem>> -> memref<128x64xf32, #tpu.memory_space<vmem>>
      %dma_start3A_318 = arith.constant 0 : i32
      %dma_start3A_319 = tpu.memref_slice %arg8[%dma_start3A_313, %dma_start3A_318] : memref<4x128xi32, #tpu.memory_space<vmem>> -> memref<1x128xi32, #tpu.memory_space<vmem>>
      %dma_start3A_320 = tpu.memref_squeeze %dma_start3A_319 : memref<1x128xi32, #tpu.memory_space<vmem>> -> memref<128xi32, #tpu.memory_space<vmem>>
      %dma_start3A_321 = arith.constant 0 : i32
      %dma_start3A_322 = arith.constant 0 : i32
      %dma_start3A_323 = tpu.memref_slice %arg11[%dma_start3A_321, %dma_start3A_322] : memref<10112x64xf32, #tpu.memory_space<vmem_shared>> -> memref<10112x64xf32, #tpu.memory_space<vmem_shared>>
      tpu.enqueue_indirect_dma source(%dma_start3A_317 : memref<128x64xf32, #tpu.memory_space<vmem>>) target(%dma_start3A_323 : memref<10112x64xf32, #tpu.memory_space<vmem_shared>>) offsets(%dma_start3A_320 : memref<128xi32, #tpu.memory_space<vmem>>) semaphore(%arg13 : memref<!tpu.dma_semaphore, #tpu.memory_space<semaphore_mem>>) {add = true}
      %ge3A_324 = arith.constant 2 : i32
      %ge3A_325 = arith.cmpi sge, %add3A_279, %ge3A_324 : i32
      %convert_element_type3A_326 = arith.extui %ge3A_325 : i1 to i32
      %cond3A_327 = arith.constant 0 : i32
      %cond3A_328 = arith.cmpi ne, %convert_element_type3A_326, %cond3A_327 : i32
      scf.if %cond3A_328 {
        %dma_wait3A_336 = arith.constant 1 : i32
        %dma_wait3A_337 = arith.constant 1 : i32
        %dma_wait3A_338 = arith.constant 0 : i32
        %dma_wait3A_339 = arith.constant 0 : i32
        %dma_wait3A_340 = tpu.memref_slice %arg9[%dma_wait3A_336, %dma_wait3A_338, %dma_wait3A_339] : memref<4x128x64xf32, #tpu.memory_space<vmem>> -> memref<1x128x64xf32, #tpu.memory_space<vmem>>
        %dma_wait3A_341 = tpu.memref_squeeze %dma_wait3A_340 : memref<1x128x64xf32, #tpu.memory_space<vmem>> -> memref<128x64xf32, #tpu.memory_space<vmem>>
        %dma_wait3A_342 = arith.constant 0 : i32
        %dma_wait3A_343 = tpu.memref_slice %arg8[%dma_wait3A_337, %dma_wait3A_342] : memref<4x128xi32, #tpu.memory_space<vmem>> -> memref<1x128xi32, #tpu.memory_space<vmem>>
        %dma_wait3A_344 = tpu.memref_squeeze %dma_wait3A_343 : memref<1x128xi32, #tpu.memory_space<vmem>> -> memref<128xi32, #tpu.memory_space<vmem>>
        %dma_wait3A_345 = arith.constant 0 : i32
        %dma_wait3A_346 = arith.constant 0 : i32
        %dma_wait3A_347 = tpu.memref_slice %arg11[%dma_wait3A_345, %dma_wait3A_346] : memref<10112x64xf32, #tpu.memory_space<vmem_shared>> -> memref<10112x64xf32, #tpu.memory_space<vmem_shared>>
        tpu.wait_indirect_dma semaphore(%arg13 : memref<!tpu.dma_semaphore, #tpu.memory_space<semaphore_mem>>) src(%dma_wait3A_341 : memref<128x64xf32, #tpu.memory_space<vmem>>) dst(%dma_wait3A_347 : memref<10112x64xf32, #tpu.memory_space<vmem_shared>>)
      } else {
      }
      %add3A_329 = arith.constant 2 : i32
      %add3A_330 = arith.addi %add3A_279, %add3A_329 : i32
      %lt3A_331 = arith.constant 80 : i32
      %lt3A_332 = arith.cmpi slt, %add3A_330, %lt3A_331 : i32
      %convert_element_type3A_333 = arith.extui %lt3A_332 : i1 to i32
      %cond3A_334 = arith.constant 0 : i32
      %cond3A_335 = arith.cmpi ne, %convert_element_type3A_333, %cond3A_334 : i32
      scf.if %cond3A_335 {
        %add3A_336 = arith.constant 2 : i32
        %add3A_337 = arith.addi %add3A_279, %add3A_336 : i32
        %dma_start3A_338 = arith.constant 1 : i32
        %dma_start3A_339 = arith.constant 0 : i32
        %dma_start3A_340 = tpu.memref_slice %arg8[%dma_start3A_338, %dma_start3A_339] : memref<4x128xi32, #tpu.memory_space<vmem>> -> memref<1x128xi32, #tpu.memory_space<vmem>>
        %dma_start3A_341 = tpu.memref_squeeze %dma_start3A_340 : memref<1x128xi32, #tpu.memory_space<vmem>> -> memref<128xi32, #tpu.memory_space<vmem>>
        %dma_start3A_342 = arith.constant 0 : i32
        %dma_start3A_343 = arith.constant 0 : i32
        %dma_start3A_344 = tpu.memref_slice %arg4[%add3A, %dma_start3A_342, %dma_start3A_343] : memref<32x80x128xi32, #tpu.memory_space<hbm>> -> memref<1x80x128xi32, #tpu.memory_space<hbm>>
        %dma_start3A_345 = tpu.memref_squeeze %dma_start3A_344 : memref<1x80x128xi32, #tpu.memory_space<hbm>> -> memref<80x128xi32, #tpu.memory_space<hbm>>
        %dma_start3A_346 = arith.constant 0 : i32
        %dma_start3A_347 = tpu.memref_slice %dma_start3A_345[%add3A_337, %dma_start3A_346] : memref<80x128xi32, #tpu.memory_space<hbm>> -> memref<1x128xi32, #tpu.memory_space<hbm>>
        %dma_start3A_348 = tpu.memref_squeeze %dma_start3A_347 : memref<1x128xi32, #tpu.memory_space<hbm>> -> memref<128xi32, #tpu.memory_space<hbm>>
        %dma_start3A_349 = arith.constant 0 : i32
        %dma_start3A_350 = tpu.memref_slice %arg8[%dma_start3A_338, %dma_start3A_349] : memref<4x128xi32, #tpu.memory_space<vmem>> -> memref<1x128xi32, #tpu.memory_space<vmem>>
        %dma_start3A_351 = tpu.memref_squeeze %dma_start3A_350 : memref<1x128xi32, #tpu.memory_space<vmem>> -> memref<128xi32, #tpu.memory_space<vmem>>
        %dma_start3A_352 = arith.constant 0 : i32
        %dma_start3A_353 = arith.constant 0 : i32
        %dma_start3A_354 = tpu.memref_slice %arg4[%add3A, %dma_start3A_352, %dma_start3A_353] : memref<32x80x128xi32, #tpu.memory_space<hbm>> -> memref<1x80x128xi32, #tpu.memory_space<hbm>>
        %dma_start3A_355 = tpu.memref_squeeze %dma_start3A_354 : memref<1x80x128xi32, #tpu.memory_space<hbm>> -> memref<80x128xi32, #tpu.memory_space<hbm>>
        %dma_start3A_356 = arith.constant 0 : i32
        %dma_start3A_357 = tpu.memref_slice %dma_start3A_355[%add3A_337, %dma_start3A_356] : memref<80x128xi32, #tpu.memory_space<hbm>> -> memref<1x128xi32, #tpu.memory_space<hbm>>
        %dma_start3A_358 = tpu.memref_squeeze %dma_start3A_357 : memref<1x128xi32, #tpu.memory_space<hbm>> -> memref<128xi32, #tpu.memory_space<hbm>>
        tpu.enqueue_dma source(%dma_start3A_358 : memref<128xi32, #tpu.memory_space<hbm>>) target(%dma_start3A_351 : memref<128xi32, #tpu.memory_space<vmem>>) target_semaphore(%arg14 : memref<!tpu.dma_semaphore, #tpu.memory_space<semaphore_mem>>)
        %dma_start3A_359 = arith.constant 1 : i32
        %dma_start3A_360 = arith.constant 0 : i32
        %dma_start3A_361 = arith.constant 0 : i32
        %dma_start3A_362 = tpu.memref_slice %arg9[%dma_start3A_359, %dma_start3A_360, %dma_start3A_361] : memref<4x128x64xf32, #tpu.memory_space<vmem>> -> memref<1x128x64xf32, #tpu.memory_space<vmem>>
        %dma_start3A_363 = tpu.memref_squeeze %dma_start3A_362 : memref<1x128x64xf32, #tpu.memory_space<vmem>> -> memref<128x64xf32, #tpu.memory_space<vmem>>
        %dma_start3A_364 = arith.constant 0 : i32
        %dma_start3A_365 = tpu.memref_slice %arg7[%add3A_337, %dma_start3A_364] : memref<80x128xi32, #tpu.memory_space<vmem>> -> memref<1x128xi32, #tpu.memory_space<vmem>>
        %dma_start3A_366 = tpu.memref_squeeze %dma_start3A_365 : memref<1x128xi32, #tpu.memory_space<vmem>> -> memref<128xi32, #tpu.memory_space<vmem>>
        %dma_start3A_367 = arith.constant 0 : i32
        %dma_start3A_368 = arith.constant 0 : i32
        %dma_start3A_369 = tpu.memref_slice %arg10[%dma_start3A_367, %dma_start3A_368] : memref<10112x64xf32, #tpu.memory_space<vmem_shared>> -> memref<10112x64xf32, #tpu.memory_space<vmem_shared>>
        tpu.enqueue_indirect_dma source(%dma_start3A_369 : memref<10112x64xf32, #tpu.memory_space<vmem_shared>>) target(%dma_start3A_363 : memref<128x64xf32, #tpu.memory_space<vmem>>) offsets(%dma_start3A_366 : memref<128xi32, #tpu.memory_space<vmem>>) semaphore(%arg12 : memref<!tpu.dma_semaphore, #tpu.memory_space<semaphore_mem>>)
      } else {
      }
    }
    %scan3A_74 = arith.constant 20 : i32
    %dma_wait3A = arith.constant 2 : i32
    %dma_wait3A_75 = arith.constant 2 : i32
    %dma_wait3A_76 = arith.constant 0 : i32
    %dma_wait3A_77 = arith.constant 0 : i32
    %dma_wait3A_78 = tpu.memref_slice %arg9[%dma_wait3A, %dma_wait3A_76, %dma_wait3A_77] : memref<4x128x64xf32, #tpu.memory_space<vmem>> -> memref<1x128x64xf32, #tpu.memory_space<vmem>>
    %dma_wait3A_79 = tpu.memref_squeeze %dma_wait3A_78 : memref<1x128x64xf32, #tpu.memory_space<vmem>> -> memref<128x64xf32, #tpu.memory_space<vmem>>
    %dma_wait3A_80 = arith.constant 0 : i32
    %dma_wait3A_81 = tpu.memref_slice %arg8[%dma_wait3A_75, %dma_wait3A_80] : memref<4x128xi32, #tpu.memory_space<vmem>> -> memref<1x128xi32, #tpu.memory_space<vmem>>
    %dma_wait3A_82 = tpu.memref_squeeze %dma_wait3A_81 : memref<1x128xi32, #tpu.memory_space<vmem>> -> memref<128xi32, #tpu.memory_space<vmem>>
    %dma_wait3A_83 = arith.constant 0 : i32
    %dma_wait3A_84 = arith.constant 0 : i32
    %dma_wait3A_85 = tpu.memref_slice %arg11[%dma_wait3A_83, %dma_wait3A_84] : memref<10112x64xf32, #tpu.memory_space<vmem_shared>> -> memref<10112x64xf32, #tpu.memory_space<vmem_shared>>
    tpu.wait_indirect_dma semaphore(%arg13 : memref<!tpu.dma_semaphore, #tpu.memory_space<semaphore_mem>>) src(%dma_wait3A_79 : memref<128x64xf32, #tpu.memory_space<vmem>>) dst(%dma_wait3A_85 : memref<10112x64xf32, #tpu.memory_space<vmem_shared>>)
    %dma_wait3A_86 = arith.constant 3 : i32
    %dma_wait3A_87 = arith.constant 3 : i32
    %dma_wait3A_88 = arith.constant 0 : i32
    %dma_wait3A_89 = arith.constant 0 : i32
    %dma_wait3A_90 = tpu.memref_slice %arg9[%dma_wait3A_86, %dma_wait3A_88, %dma_wait3A_89] : memref<4x128x64xf32, #tpu.memory_space<vmem>> -> memref<1x128x64xf32, #tpu.memory_space<vmem>>
    %dma_wait3A_91 = tpu.memref_squeeze %dma_wait3A_90 : memref<1x128x64xf32, #tpu.memory_space<vmem>> -> memref<128x64xf32, #tpu.memory_space<vmem>>
    %dma_wait3A_92 = arith.constant 0 : i32
    %dma_wait3A_93 = tpu.memref_slice %arg8[%dma_wait3A_87, %dma_wait3A_92] : memref<4x128xi32, #tpu.memory_space<vmem>> -> memref<1x128xi32, #tpu.memory_space<vmem>>
    %dma_wait3A_94 = tpu.memref_squeeze %dma_wait3A_93 : memref<1x128xi32, #tpu.memory_space<vmem>> -> memref<128xi32, #tpu.memory_space<vmem>>
    %dma_wait3A_95 = arith.constant 0 : i32
    %dma_wait3A_96 = arith.constant 0 : i32
    %dma_wait3A_97 = tpu.memref_slice %arg11[%dma_wait3A_95, %dma_wait3A_96] : memref<10112x64xf32, #tpu.memory_space<vmem_shared>> -> memref<10112x64xf32, #tpu.memory_space<vmem_shared>>
    tpu.wait_indirect_dma semaphore(%arg13 : memref<!tpu.dma_semaphore, #tpu.memory_space<semaphore_mem>>) src(%dma_wait3A_91 : memref<128x64xf32, #tpu.memory_space<vmem>>) dst(%dma_wait3A_97 : memref<10112x64xf32, #tpu.memory_space<vmem_shared>>)
    %barrier3A_98 = arith.constant 0 : index
    tpu.barrier barrier_id(%barrier3A_98)
    "tpu.region"() ({
      %run_scoped3A = tpu.sem_alloc : memref<!tpu.dma_semaphore, #tpu.memory_space<semaphore_mem>>
      %dma_start3A_99 = arith.constant 0 : i32
      %dma_start3A_100 = arith.constant 0 : i32
      %dma_start3A_101 = tpu.memref_slice %arg6[%arg0, %dma_start3A_99, %dma_start3A_100] : memref<2x10112x64xf32, #tpu.memory_space<hbm>> -> memref<1x10112x64xf32, #tpu.memory_space<hbm>>
      %dma_start3A_102 = tpu.memref_squeeze %dma_start3A_101 : memref<1x10112x64xf32, #tpu.memory_space<hbm>> -> memref<10112x64xf32, #tpu.memory_space<hbm>>
      %dma_start3A_103 = arith.constant 0 : i32
      %dma_start3A_104 = tpu.memref_slice %dma_start3A_102[%mul3A_2, %dma_start3A_103] : memref<10112x64xf32, #tpu.memory_space<hbm>> -> memref<632x64xf32, #tpu.memory_space<hbm>>
      %dma_start3A_105 = arith.constant 0 : i32
      %dma_start3A_106 = tpu.memref_slice %arg11[%mul3A_2, %dma_start3A_105] : memref<10112x64xf32, #tpu.memory_space<vmem_shared>> -> memref<632x64xf32, #tpu.memory_space<vmem_shared>>
      tpu.enqueue_dma source(%dma_start3A_106 : memref<632x64xf32, #tpu.memory_space<vmem_shared>>) target(%dma_start3A_104 : memref<632x64xf32, #tpu.memory_space<hbm>>) target_semaphore(%run_scoped3A : memref<!tpu.dma_semaphore, #tpu.memory_space<semaphore_mem>>)
      %dma_wait3A_107 = arith.constant 0 : i32
      %dma_wait3A_108 = arith.constant 0 : i32
      %dma_wait3A_109 = tpu.memref_slice %arg6[%arg0, %dma_wait3A_107, %dma_wait3A_108] : memref<2x10112x64xf32, #tpu.memory_space<hbm>> -> memref<1x10112x64xf32, #tpu.memory_space<hbm>>
      %dma_wait3A_110 = tpu.memref_squeeze %dma_wait3A_109 : memref<1x10112x64xf32, #tpu.memory_space<hbm>> -> memref<10112x64xf32, #tpu.memory_space<hbm>>
      %dma_wait3A_111 = arith.constant 0 : i32
      %dma_wait3A_112 = tpu.memref_slice %dma_wait3A_110[%mul3A_2, %dma_wait3A_111] : memref<10112x64xf32, #tpu.memory_space<hbm>> -> memref<632x64xf32, #tpu.memory_space<hbm>>
      %dma_wait3A_113 = arith.constant 0 : i32
      %dma_wait3A_114 = tpu.memref_slice %arg11[%mul3A_2, %dma_wait3A_113] : memref<10112x64xf32, #tpu.memory_space<vmem_shared>> -> memref<632x64xf32, #tpu.memory_space<vmem_shared>>
      tpu.wait_dma2 semaphore(%run_scoped3A : memref<!tpu.dma_semaphore, #tpu.memory_space<semaphore_mem>>) src(%dma_wait3A_114 : memref<632x64xf32, #tpu.memory_space<vmem_shared>>) dst(%dma_wait3A_112 : memref<632x64xf32, #tpu.memory_space<hbm>>)
      tpu.yield
    }) : () -> ()
    return
  }
}

module attributes {stable_mosaic.version = 14 : i64} {
  func.func @_mm1_body(%arg0: memref<10000x128xf32, #tpu.memory_space<vmem>>, %arg1: memref<128x64xf32, #tpu.memory_space<vmem>>, %arg2: memref<10000x64xf32, #tpu.memory_space<vmem>>) attributes {dimension_semantics = [], scalar_prefetch = 0 : i64, scratch_operands = 0 : i64, tpu.core_type = #tpu.core_type<tc>} {
    %get3A = arith.constant 0 : index
    %get3A_0 = arith.constant 0 : index
    %get3A_1 = vector.load %arg0[%get3A, %get3A_0] : memref<10000x128xf32, #tpu.memory_space<vmem>>, vector<10000x128xf32>
    %get3A_2 = arith.constant 0 : index
    %get3A_3 = arith.constant 0 : index
    %get3A_4 = vector.load %arg1[%get3A_2, %get3A_3] : memref<128x64xf32, #tpu.memory_space<vmem>>, vector<128x64xf32>
    %dot_general3A = arith.constant dense<0.000000e+00> : vector<10000x64xf32>
    %dot_general3A_5 = tpu.matmul %get3A_1, %get3A_4, %dot_general3A {dimension_numbers = #tpu.dot_dimension_numbers<[1], [0], [0], [1], [0, 0, 1, 1], [], []>, transpose_lhs_hint = false} : vector<10000x128xf32>, vector<128x64xf32>, vector<10000x64xf32> -> vector<10000x64xf32>
    %swap3A = arith.constant 0 : index
    %swap3A_6 = arith.constant 0 : index
    %swap3A_7 = vector.load %arg2[%swap3A, %swap3A_6] : memref<10000x64xf32, #tpu.memory_space<vmem>>, vector<10000x64xf32>
    tpu.vector_store %arg2[%swap3A, %swap3A_6], %dot_general3A_5 {strides = array<i32>} : memref<10000x64xf32, #tpu.memory_space<vmem>>, vector<10000x64xf32>,
    return
  }
}

module attributes {stable_mosaic.version = 14 : i64} {
  func.func @_scale_body(%arg0: memref<2x10112x8xf32, #tpu.memory_space<vmem>>, %arg1: memref<10000x64xf32, #tpu.memory_space<vmem>>, %arg2: memref<10000x1xf32, #tpu.memory_space<vmem>>, %arg3: memref<10112x64xf32, #tpu.memory_space<vmem>>) attributes {dimension_semantics = [], scalar_prefetch = 0 : i64, scratch_operands = 0 : i64, tpu.core_type = #tpu.core_type<tc>} {
    %get3A = arith.constant 0 : index
    %get3A_0 = arith.constant 0 : index
    %get3A_1 = arith.constant 0 : index
    %get3A_2 = vector.load %arg0[%get3A, %get3A_0, %get3A_1] : memref<2x10112x8xf32, #tpu.memory_space<vmem>>, vector<1x10000x8xf32>
    %get3A_3 = vector.shape_cast %get3A_2 : vector<1x10000x8xf32> to vector<10000x8xf32>
    %get3A_4 = arith.constant 1 : index
    %get3A_5 = arith.constant 0 : index
    %get3A_6 = arith.constant 0 : index
    %get3A_7 = vector.load %arg0[%get3A_4, %get3A_5, %get3A_6] : memref<2x10112x8xf32, #tpu.memory_space<vmem>>, vector<1x10000x8xf32>
    %get3A_8 = vector.shape_cast %get3A_7 : vector<1x10000x8xf32> to vector<10000x8xf32>
    %add3A = arith.addf %get3A_3, %get3A_8 : vector<10000x8xf32>
    %add3A_9 = arith.constant 1.000000e+00 : f32
    %add3A_10 = vector.broadcast %add3A_9 : f32 to vector<10000x8xf32>
    %add3A_11 = arith.addf %add3A, %add3A_10 : vector<10000x8xf32>
    %rsqrt3A = math.rsqrt %add3A_11 : vector<10000x8xf32>
    %reduce_max3A = arith.constant dense<0xFF800000> : vector<10000xf32>
    %reduce_max3A_12 = vector.multi_reduction <maximumf>, %rsqrt3A, %reduce_max3A [1] : vector<10000x8xf32> to vector<10000xf32>
    %broadcast_in_dim3A = vector.shape_cast %reduce_max3A_12 : vector<10000xf32> to vector<10000x1xf32>
    %swap3A = arith.constant 0 : index
    %swap3A_13 = arith.constant 0 : index
    %swap3A_14 = vector.load %arg2[%swap3A, %swap3A_13] : memref<10000x1xf32, #tpu.memory_space<vmem>>, vector<10000x1xf32>
    tpu.vector_store %arg2[%swap3A, %swap3A_13], %broadcast_in_dim3A {strides = array<i32>} : memref<10000x1xf32, #tpu.memory_space<vmem>>, vector<10000x1xf32>,
    %get3A_15 = arith.constant 0 : index
    %get3A_16 = arith.constant 0 : index
    %get3A_17 = vector.load %arg1[%get3A_15, %get3A_16] : memref<10000x64xf32, #tpu.memory_space<vmem>>, vector<10000x64xf32>
    %mul3A = vector.broadcast %broadcast_in_dim3A : vector<10000x1xf32> to vector<10000x64xf32>
    %mul3A_18 = arith.mulf %get3A_17, %mul3A : vector<10000x64xf32>
    %swap3A_19 = arith.constant 0 : index
    %swap3A_20 = arith.constant 0 : index
    %swap3A_21 = vector.load %arg3[%swap3A_19, %swap3A_20] : memref<10112x64xf32, #tpu.memory_space<vmem>>, vector<10000x64xf32>
    tpu.vector_store %arg3[%swap3A_19, %swap3A_20], %mul3A_18 {strides = array<i32>} : memref<10112x64xf32, #tpu.memory_space<vmem>>, vector<10000x64xf32>,
    %broadcast_in_dim3A_22 = arith.constant 0.000000e+00 : f32
    %broadcast_in_dim3A_23 = vector.broadcast %broadcast_in_dim3A_22 : f32 to vector<112x64xf32>
    %swap3A_24 = arith.constant 10000 : index
    %swap3A_25 = arith.constant 0 : index
    %swap3A_26 = vector.load %arg3[%swap3A_24, %swap3A_25] : memref<10112x64xf32, #tpu.memory_space<vmem>>, vector<112x64xf32>
    tpu.vector_store %arg3[%swap3A_24, %swap3A_25], %broadcast_in_dim3A_23 {strides = array<i32>} : memref<10112x64xf32, #tpu.memory_space<vmem>>, vector<112x64xf32>,
    return
  }
}

module attributes {stable_mosaic.version = 14 : i64} {
  func.func @_layer_body(%arg0: memref<2x10112x64xf32, #tpu.memory_space<vmem>>, %arg1: memref<10000x64xf32, #tpu.memory_space<vmem>>, %arg2: memref<10000x1xf32, #tpu.memory_space<vmem>>, %arg3: memref<1x64xf32, #tpu.memory_space<vmem>>, %arg4: memref<64x64xf32, #tpu.memory_space<vmem>>, %arg5: memref<10000x64xf32, #tpu.memory_space<vmem>>, %arg6: memref<10112x64xf32, #tpu.memory_space<vmem>>) attributes {dimension_semantics = [], scalar_prefetch = 0 : i64, scratch_operands = 0 : i64, tpu.core_type = #tpu.core_type<tc>} {
    %get3A = arith.constant 0 : index
    %get3A_0 = arith.constant 0 : index
    %get3A_1 = vector.load %arg2[%get3A, %get3A_0] : memref<10000x1xf32, #tpu.memory_space<vmem>>, vector<10000x1xf32>
    %get3A_2 = arith.constant 0 : index
    %get3A_3 = arith.constant 0 : index
    %get3A_4 = arith.constant 0 : index
    %get3A_5 = vector.load %arg0[%get3A_2, %get3A_3, %get3A_4] : memref<2x10112x64xf32, #tpu.memory_space<vmem>>, vector<1x10000x64xf32>
    %get3A_6 = vector.shape_cast %get3A_5 : vector<1x10000x64xf32> to vector<10000x64xf32>
    %get3A_7 = arith.constant 1 : index
    %get3A_8 = arith.constant 0 : index
    %get3A_9 = arith.constant 0 : index
    %get3A_10 = vector.load %arg0[%get3A_7, %get3A_8, %get3A_9] : memref<2x10112x64xf32, #tpu.memory_space<vmem>>, vector<1x10000x64xf32>
    %get3A_11 = vector.shape_cast %get3A_10 : vector<1x10000x64xf32> to vector<10000x64xf32>
    %add3A = arith.addf %get3A_6, %get3A_11 : vector<10000x64xf32>
    %mul3A = vector.broadcast %get3A_1 : vector<10000x1xf32> to vector<10000x64xf32>
    %mul3A_12 = arith.mulf %mul3A, %add3A : vector<10000x64xf32>
    %mul3A_13 = arith.mulf %get3A_1, %get3A_1 : vector<10000x1xf32>
    %get3A_14 = arith.constant 0 : index
    %get3A_15 = arith.constant 0 : index
    %get3A_16 = vector.load %arg1[%get3A_14, %get3A_15] : memref<10000x64xf32, #tpu.memory_space<vmem>>, vector<10000x64xf32>
    %mul3A_17 = vector.broadcast %mul3A_13 : vector<10000x1xf32> to vector<10000x64xf32>
    %mul3A_18 = arith.mulf %mul3A_17, %get3A_16 : vector<10000x64xf32>
    %add3A_19 = arith.addf %mul3A_12, %mul3A_18 : vector<10000x64xf32>
    %get3A_20 = arith.constant 0 : index
    %get3A_21 = arith.constant 0 : index
    %get3A_22 = vector.load %arg3[%get3A_20, %get3A_21] : memref<1x64xf32, #tpu.memory_space<vmem>>, vector<1x64xf32>
    %add3A_23 = vector.broadcast %get3A_22 : vector<1x64xf32> to vector<10000x64xf32>
    %add3A_24 = arith.addf %add3A_19, %add3A_23 : vector<10000x64xf32>
    %max3A = arith.constant 0.000000e+00 : f32
    %max3A_25 = vector.broadcast %max3A : f32 to vector<10000x64xf32>
    %max3A_26 = arith.maximumf %add3A_24, %max3A_25 : vector<10000x64xf32>
    %get3A_27 = arith.constant 0 : index
    %get3A_28 = arith.constant 0 : index
    %get3A_29 = vector.load %arg4[%get3A_27, %get3A_28] : memref<64x64xf32, #tpu.memory_space<vmem>>, vector<64x64xf32>
    %dot_general3A = arith.constant dense<0.000000e+00> : vector<10000x64xf32>
    %dot_general3A_30 = tpu.matmul %max3A_26, %get3A_29, %dot_general3A {dimension_numbers = #tpu.dot_dimension_numbers<[1], [0], [0], [1], [0, 0, 1, 1], [], []>, transpose_lhs_hint = false} : vector<10000x64xf32>, vector<64x64xf32>, vector<10000x64xf32> -> vector<10000x64xf32>
    %swap3A = arith.constant 0 : index
    %swap3A_31 = arith.constant 0 : index
    %swap3A_32 = vector.load %arg5[%swap3A, %swap3A_31] : memref<10000x64xf32, #tpu.memory_space<vmem>>, vector<10000x64xf32>
    tpu.vector_store %arg5[%swap3A, %swap3A_31], %dot_general3A_30 {strides = array<i32>} : memref<10000x64xf32, #tpu.memory_space<vmem>>, vector<10000x64xf32>,
    %mul3A_33 = vector.broadcast %get3A_1 : vector<10000x1xf32> to vector<10000x64xf32>
    %mul3A_34 = arith.mulf %dot_general3A_30, %mul3A_33 : vector<10000x64xf32>
    %swap3A_35 = arith.constant 0 : index
    %swap3A_36 = arith.constant 0 : index
    %swap3A_37 = vector.load %arg6[%swap3A_35, %swap3A_36] : memref<10112x64xf32, #tpu.memory_space<vmem>>, vector<10000x64xf32>
    tpu.vector_store %arg6[%swap3A_35, %swap3A_36], %mul3A_34 {strides = array<i32>} : memref<10112x64xf32, #tpu.memory_space<vmem>>, vector<10000x64xf32>,
    %broadcast_in_dim3A = arith.constant 0.000000e+00 : f32
    %broadcast_in_dim3A_38 = vector.broadcast %broadcast_in_dim3A : f32 to vector<112x64xf32>
    %swap3A_39 = arith.constant 10000 : index
    %swap3A_40 = arith.constant 0 : index
    %swap3A_41 = vector.load %arg6[%swap3A_39, %swap3A_40] : memref<10112x64xf32, #tpu.memory_space<vmem>>, vector<112x64xf32>
    tpu.vector_store %arg6[%swap3A_39, %swap3A_40], %broadcast_in_dim3A_38 {strides = array<i32>} : memref<10112x64xf32, #tpu.memory_space<vmem>>, vector<112x64xf32>,
    return
  }
}

module attributes {stable_mosaic.version = 14 : i64} {
  func.func @_layer_body(%arg0: memref<2x10112x64xf32, #tpu.memory_space<vmem>>, %arg1: memref<10000x64xf32, #tpu.memory_space<vmem>>, %arg2: memref<10000x1xf32, #tpu.memory_space<vmem>>, %arg3: memref<1x64xf32, #tpu.memory_space<vmem>>, %arg4: memref<64x16xf32, #tpu.memory_space<vmem>>, %arg5: memref<10000x16xf32, #tpu.memory_space<vmem>>, %arg6: memref<10112x16xf32, #tpu.memory_space<vmem>>) attributes {dimension_semantics = [], scalar_prefetch = 0 : i64, scratch_operands = 0 : i64, tpu.core_type = #tpu.core_type<tc>} {
    %get3A = arith.constant 0 : index
    %get3A_0 = arith.constant 0 : index
    %get3A_1 = vector.load %arg2[%get3A, %get3A_0] : memref<10000x1xf32, #tpu.memory_space<vmem>>, vector<10000x1xf32>
    %get3A_2 = arith.constant 0 : index
    %get3A_3 = arith.constant 0 : index
    %get3A_4 = arith.constant 0 : index
    %get3A_5 = vector.load %arg0[%get3A_2, %get3A_3, %get3A_4] : memref<2x10112x64xf32, #tpu.memory_space<vmem>>, vector<1x10000x64xf32>
    %get3A_6 = vector.shape_cast %get3A_5 : vector<1x10000x64xf32> to vector<10000x64xf32>
    %get3A_7 = arith.constant 1 : index
    %get3A_8 = arith.constant 0 : index
    %get3A_9 = arith.constant 0 : index
    %get3A_10 = vector.load %arg0[%get3A_7, %get3A_8, %get3A_9] : memref<2x10112x64xf32, #tpu.memory_space<vmem>>, vector<1x10000x64xf32>
    %get3A_11 = vector.shape_cast %get3A_10 : vector<1x10000x64xf32> to vector<10000x64xf32>
    %add3A = arith.addf %get3A_6, %get3A_11 : vector<10000x64xf32>
    %mul3A = vector.broadcast %get3A_1 : vector<10000x1xf32> to vector<10000x64xf32>
    %mul3A_12 = arith.mulf %mul3A, %add3A : vector<10000x64xf32>
    %mul3A_13 = arith.mulf %get3A_1, %get3A_1 : vector<10000x1xf32>
    %get3A_14 = arith.constant 0 : index
    %get3A_15 = arith.constant 0 : index
    %get3A_16 = vector.load %arg1[%get3A_14, %get3A_15] : memref<10000x64xf32, #tpu.memory_space<vmem>>, vector<10000x64xf32>
    %mul3A_17 = vector.broadcast %mul3A_13 : vector<10000x1xf32> to vector<10000x64xf32>
    %mul3A_18 = arith.mulf %mul3A_17, %get3A_16 : vector<10000x64xf32>
    %add3A_19 = arith.addf %mul3A_12, %mul3A_18 : vector<10000x64xf32>
    %get3A_20 = arith.constant 0 : index
    %get3A_21 = arith.constant 0 : index
    %get3A_22 = vector.load %arg3[%get3A_20, %get3A_21] : memref<1x64xf32, #tpu.memory_space<vmem>>, vector<1x64xf32>
    %add3A_23 = vector.broadcast %get3A_22 : vector<1x64xf32> to vector<10000x64xf32>
    %add3A_24 = arith.addf %add3A_19, %add3A_23 : vector<10000x64xf32>
    %max3A = arith.constant 0.000000e+00 : f32
    %max3A_25 = vector.broadcast %max3A : f32 to vector<10000x64xf32>
    %max3A_26 = arith.maximumf %add3A_24, %max3A_25 : vector<10000x64xf32>
    %get3A_27 = arith.constant 0 : index
    %get3A_28 = arith.constant 0 : index
    %get3A_29 = vector.load %arg4[%get3A_27, %get3A_28] : memref<64x16xf32, #tpu.memory_space<vmem>>, vector<64x16xf32>
    %dot_general3A = arith.constant dense<0.000000e+00> : vector<10000x16xf32>
    %dot_general3A_30 = tpu.matmul %max3A_26, %get3A_29, %dot_general3A {dimension_numbers = #tpu.dot_dimension_numbers<[1], [0], [0], [1], [0, 0, 1, 1], [], []>, transpose_lhs_hint = false} : vector<10000x64xf32>, vector<64x16xf32>, vector<10000x16xf32> -> vector<10000x16xf32>
    %swap3A = arith.constant 0 : index
    %swap3A_31 = arith.constant 0 : index
    %swap3A_32 = vector.load %arg5[%swap3A, %swap3A_31] : memref<10000x16xf32, #tpu.memory_space<vmem>>, vector<10000x16xf32>
    tpu.vector_store %arg5[%swap3A, %swap3A_31], %dot_general3A_30 {strides = array<i32>} : memref<10000x16xf32, #tpu.memory_space<vmem>>, vector<10000x16xf32>,
    %mul3A_33 = vector.broadcast %get3A_1 : vector<10000x1xf32> to vector<10000x16xf32>
    %mul3A_34 = arith.mulf %dot_general3A_30, %mul3A_33 : vector<10000x16xf32>
    %swap3A_35 = arith.constant 0 : index
    %swap3A_36 = arith.constant 0 : index
    %swap3A_37 = vector.load %arg6[%swap3A_35, %swap3A_36] : memref<10112x16xf32, #tpu.memory_space<vmem>>, vector<10000x16xf32>
    tpu.vector_store %arg6[%swap3A_35, %swap3A_36], %mul3A_34 {strides = array<i32>} : memref<10112x16xf32, #tpu.memory_space<vmem>>, vector<10000x16xf32>,
    %broadcast_in_dim3A = arith.constant 0.000000e+00 : f32
    %broadcast_in_dim3A_38 = vector.broadcast %broadcast_in_dim3A : f32 to vector<112x16xf32>
    %swap3A_39 = arith.constant 10000 : index
    %swap3A_40 = arith.constant 0 : index
    %swap3A_41 = vector.load %arg6[%swap3A_39, %swap3A_40] : memref<10112x16xf32, #tpu.memory_space<vmem>>, vector<112x16xf32>
    tpu.vector_store %arg6[%swap3A_39, %swap3A_40], %broadcast_in_dim3A_38 {strides = array<i32>} : memref<10112x16xf32, #tpu.memory_space<vmem>>, vector<112x16xf32>,
    return
  }
}

module attributes {stable_mosaic.version = 14 : i64} {
  func.func @_final_body(%arg0: memref<2x10112x16xf32, #tpu.memory_space<vmem>>, %arg1: memref<10000x16xf32, #tpu.memory_space<vmem>>, %arg2: memref<10000x1xf32, #tpu.memory_space<vmem>>, %arg3: memref<1x16xf32, #tpu.memory_space<vmem>>, %arg4: memref<10000x6xf32, #tpu.memory_space<vmem>>) attributes {dimension_semantics = [], scalar_prefetch = 0 : i64, scratch_operands = 0 : i64, tpu.core_type = #tpu.core_type<tc>} {
    %get3A = arith.constant 0 : index
    %get3A_0 = arith.constant 0 : index
    %get3A_1 = vector.load %arg2[%get3A, %get3A_0] : memref<10000x1xf32, #tpu.memory_space<vmem>>, vector<10000x1xf32>
    %get3A_2 = arith.constant 0 : index
    %get3A_3 = arith.constant 0 : index
    %get3A_4 = arith.constant 0 : index
    %get3A_5 = vector.load %arg0[%get3A_2, %get3A_3, %get3A_4] : memref<2x10112x16xf32, #tpu.memory_space<vmem>>, vector<1x10000x16xf32>
    %get3A_6 = vector.shape_cast %get3A_5 : vector<1x10000x16xf32> to vector<10000x16xf32>
    %get3A_7 = arith.constant 1 : index
    %get3A_8 = arith.constant 0 : index
    %get3A_9 = arith.constant 0 : index
    %get3A_10 = vector.load %arg0[%get3A_7, %get3A_8, %get3A_9] : memref<2x10112x16xf32, #tpu.memory_space<vmem>>, vector<1x10000x16xf32>
    %get3A_11 = vector.shape_cast %get3A_10 : vector<1x10000x16xf32> to vector<10000x16xf32>
    %add3A = arith.addf %get3A_6, %get3A_11 : vector<10000x16xf32>
    %mul3A = vector.broadcast %get3A_1 : vector<10000x1xf32> to vector<10000x16xf32>
    %mul3A_12 = arith.mulf %mul3A, %add3A : vector<10000x16xf32>
    %mul3A_13 = arith.mulf %get3A_1, %get3A_1 : vector<10000x1xf32>
    %get3A_14 = arith.constant 0 : index
    %get3A_15 = arith.constant 0 : index
    %get3A_16 = vector.load %arg1[%get3A_14, %get3A_15] : memref<10000x16xf32, #tpu.memory_space<vmem>>, vector<10000x16xf32>
    %mul3A_17 = vector.broadcast %mul3A_13 : vector<10000x1xf32> to vector<10000x16xf32>
    %mul3A_18 = arith.mulf %mul3A_17, %get3A_16 : vector<10000x16xf32>
    %add3A_19 = arith.addf %mul3A_12, %mul3A_18 : vector<10000x16xf32>
    %get3A_20 = arith.constant 0 : index
    %get3A_21 = arith.constant 0 : index
    %get3A_22 = vector.load %arg3[%get3A_20, %get3A_21] : memref<1x16xf32, #tpu.memory_space<vmem>>, vector<1x16xf32>
    %add3A_23 = vector.broadcast %get3A_22 : vector<1x16xf32> to vector<10000x16xf32>
    %add3A_24 = arith.addf %add3A_19, %add3A_23 : vector<10000x16xf32>
    %iota3A = tpu.iota {dimensions = array<i32: 1>} : vector<10000x16xi32>
    %lt3A = arith.constant 6 : i32
    %lt3A_25 = vector.broadcast %lt3A : i32 to vector<10000x16xi32>
    %lt3A_26 = arith.cmpi slt, %iota3A, %lt3A_25 : vector<10000x16xi32>
    %jit3A = arith.constant -1.000000e+30 : f32
    %broadcast_in_dim3A = vector.broadcast %jit3A : f32 to vector<10000x16xf32>
    %select_n3A = arith.select %lt3A_26, %add3A_24, %broadcast_in_dim3A : vector<10000x16xi1>, vector<10000x16xf32>
    %reduce_max3A = arith.constant dense<0xFF800000> : vector<10000xf32>
    %reduce_max3A_27 = vector.multi_reduction <maximumf>, %select_n3A, %reduce_max3A [1] : vector<10000x16xf32> to vector<10000xf32>
    %broadcast_in_dim3A_28 = vector.shape_cast %reduce_max3A_27 : vector<10000xf32> to vector<10000x1xf32>
    %sub3A = vector.broadcast %broadcast_in_dim3A_28 : vector<10000x1xf32> to vector<10000x16xf32>
    %sub3A_29 = arith.subf %add3A_24, %sub3A : vector<10000x16xf32>
    %exp3A = math.exp %sub3A_29 : vector<10000x16xf32>
    %jit3A_30 = arith.constant 0.000000e+00 : f32
    %broadcast_in_dim3A_31 = vector.broadcast %jit3A_30 : f32 to vector<10000x16xf32>
    %select_n3A_32 = arith.select %lt3A_26, %exp3A, %broadcast_in_dim3A_31 : vector<10000x16xi1>, vector<10000x16xf32>
    %reduce_sum3A = arith.constant dense<0.000000e+00> : vector<10000xf32>
    %reduce_sum3A_33 = vector.multi_reduction <add>, %select_n3A_32, %reduce_sum3A [1] : vector<10000x16xf32> to vector<10000xf32>
    %broadcast_in_dim3A_34 = vector.shape_cast %reduce_sum3A_33 : vector<10000xf32> to vector<10000x1xf32>
    %log3A = math.log %broadcast_in_dim3A_34 : vector<10000x1xf32>
    %add3A_35 = arith.addf %broadcast_in_dim3A_28, %log3A : vector<10000x1xf32>
    %sub3A_36 = vector.broadcast %add3A_35 : vector<10000x1xf32> to vector<10000x16xf32>
    %sub3A_37 = arith.subf %add3A_24, %sub3A_36 : vector<10000x16xf32>
    %slice3A = vector.extract_strided_slice %sub3A_37 {offsets = [0, 0], sizes = [10000, 6], strides = [1, 1]} : vector<10000x16xf32> to vector<10000x6xf32>
    %swap3A = arith.constant 0 : index
    %swap3A_38 = arith.constant 0 : index
    %swap3A_39 = vector.load %arg4[%swap3A, %swap3A_38] : memref<10000x6xf32, #tpu.memory_space<vmem>>, vector<10000x6xf32>
    tpu.vector_store %arg4[%swap3A, %swap3A_38], %slice3A {strides = array<i32>} : memref<10000x6xf32, #tpu.memory_space<vmem>>, vector<10000x6xf32>,
    return
  }
}

</mosaic_0001>

<sc_bundles>
// kernel: kernel.11.cloned.1.call-start
scs
__scs_entry_jumppad:
0x0: {  	(pc) =	sbr.rel $0x88, $3  }
0x1: {  	(tag) =	ssettag $0x0;
	lr =	simm.s32 $0x1  }
0x2: {  	[smem:$0x3F99] =	sst lr;
	_ =	strace $0xD0000000  }
0x3: {  	_ = 	snop  }
0x4: {  	_ = 	snop  }
0x5: {  	_ = 	snop  }
0x6: {  	_ = 	snop  }
0x7: {  	_ = 	snop  }
__scs_overlays_trampoline_lowered:
0x8: {  	[smem:$0x3FA8] =	sst s0  }
0x9: {  	[smem:$0x3FA9] =	sst s1  }
0xa: {  	[smem:$0x3FAA] =	sst s2  }
0xb: {  	[smem:$0x3FAB] =	sst s3  }
0xc: {  	[smem:$0x3FAC] =	sst s4  }
0xd: {  	[smem:$0x3FAD] =	sst s5  }
0xe: {  	[smem:$0x3FAE] =	sst s6  }
0xf: {  	[smem:$0x3FAF] =	sst s7  }
0x10: {  	[smem:$0x3FB0] =	sst s8  }
0x11: {  	[smem:$0x3FB1] =	sst s9;
	s0 =	simm.s32 @!p0 $0x0  }
0x12: {  	s1 =	sld [smem:$0x3F97];
	s0 =	simm.s32 @p0 $0x1  }
0x13: {  	[smem:$0x3FB2] =	sst s0;
	s0 =	simm.s32 @!p1 $0x0  }
0x14: {  	s2 =	sld [smem:$0x3F96];
	s0 =	simm.s32 @p1 $0x1  }
0x15: {  	[smem:$0x3FB3] =	sst s0;
	s0 =	simm.s32 @!p2 $0x0  }
0x16: {  	s3 =	sld [smem:$0x3FDB];
	s0 =	simm.s32 @p2 $0x1  }
0x17: {  	s4 =	simm.s32 $0x1BF5;
	[smem:$0x3FB5] =	sst s0  }
0x18: {  	s0 =	sld [smem:$0x3F98];
	_ =	swait.ge [sflag:s4], $0x0  }
0x19: {  	s7 =	sld [smem:$0x3F99]  }
0x1a: {  	s8 =	sadd.s32 $0xFFFFE003, lr  }
0x1b: {  	s9 =	sadd.s32 $0xFFFFFEF7, lr;
	s5 =	simm.s32 $0xFFFFFFFF;
	p2 =	slt.u32 s8, $0xFFFFF086  }
0x1c: {  	p1 =	slt.u32 s9, $0xF7A;
	s5 =	simm.s32 @!p2 $0x0  }
0x1d: {  	s5 =	simm.s32 @p1 $0x1;
	p0 =	seq.s32 s7, s2  }
0x1e: {  	s7 =	smul.u32 @!p0 $0xF7A, s2;
	p2 =	seq.s32 @!p0 s5, $0x0  }
0x1f: {  	s9 =	smul.u32 $0xF7A, s1;
	s8 =	simm.s32 @!p0 $0x1BF5;
	p2 =	por !p2, p0  }
0x20: {  	[sflag:s8] =	ssyncset.s32 @!p0 $0xFFFFF086;
	s6 =	sadd.s32 @!p0 s3, s7;
	s7 =	simm.s32 @!p0 $0x108  }
0x21: {  	s3 =	sadd.s32 s3, s9;
	s6 =	sadd.s32 @!p0 $0x88, s6;
	s7 =	simm.s32 @p2 $0x1082  }
0x22: {  	[simem:s7], [sflag:s8] =	dma.local @!p0 [hbm:s6], $0xF7A  }
0x23: {  	s9 =	sor.u32 $0xD0000000, s2;
	s6 =	simm.s32 $0x108;
	_ =	swait.ge @!p0 [sflag:s8], $0x0  }
0x24: {  	s3 =	sadd.s32 $0x88, s3;
	s6 =	simm.s32 @!p1 $0x1082;
	[sflag:s4] =	ssyncset.s32 $0xFFFFF086  }
0x25: {  	[simem:s6], [sflag:s4] =	dma.local [hbm:s3], $0xF7A  }
0x26: {  	[smem:$0x3F99] =	sst s1;
	(tag) =	ssettag s2;
	_ =	strace s9  }
0x27: {  	s1 =	sld [smem:$0x3FA9]  }
0x28: {  	s2 =	sld [smem:$0x3FAA]  }
0x29: {  	s4 =	sld [smem:$0x3FAC]  }
0x2a: {  	p0 =	seq.s32 s5, $0x0;
	s5 =	sld [smem:$0x3FAD]  }
0x2b: {  	s6 =	sld [smem:$0x3FAE]  }
0x2c: {  	s7 =	sld [smem:$0x3FAF]  }
0x2d: {  	s3 =	simm.s32 $0x108;
	s8 =	sld [smem:$0x3FB0]  }
0x2e: {  	s3 =	simm.s32 @!p0 $0x1082;
	s9 =	sld [smem:$0x3FB1]  }
0x2f: {  	lr =	sadd.s32 s0, s3;
	s0 =	sld [smem:$0x3FA8]  }
0x30: {  	s3 =	sld [smem:$0x3FAB]  }
0x31: {  	[smem:$0x3FB4] =	sst s10  }
0x32: {  	s10 =	sld [smem:$0x3FB2];
	_ =	sdelay $0x3  }
0x33: {  	p0 =	seq.s32 s10, $0x1;
	s10 =	sld [smem:$0x3FB4];
	_ =	sdelay $0x3  }
0x34: {  	[smem:$0x3FB4] =	sst s10  }
0x35: {  	s10 =	sld [smem:$0x3FB3];
	_ =	sdelay $0x3  }
0x36: {  	p1 =	seq.s32 s10, $0x1;
	s10 =	sld [smem:$0x3FB4];
	_ =	sdelay $0x3  }
0x37: {  	[smem:$0x3FB4] =	sst s10  }
0x38: {  	s10 =	sld [smem:$0x3FB5]  }
0x39: {  	_ = 	snop;
	(pc) =	sbr.ind lr, $3  }
0x3a: {  	_ = 	snop  }
0x3b: {  	_ = 	snop  }
0x3c: {  	p2 =	seq.s32 s10, $0x1;
	s10 =	sld [smem:$0x3FB4]  }
0x3d: {  	_ =	shalt  }
0x3e: {  	_ =	shalt  }
0x3f: {  	_ =	shalt  }
0x40: {  	_ =	shalt  }
0x41: {  	_ =	shalt  }
0x42: {  	_ =	shalt  }
0x43: {  	_ =	shalt  }
0x44: {  	_ =	shalt  }
0x45: {  	_ =	shalt  }
0x46: {  	_ =	shalt  }
0x47: {  	_ =	shalt  }
0x48: {  	_ =	shalt  }
0x49: {  	_ =	shalt  }
0x4a: {  	_ =	shalt  }
0x4b: {  	_ =	shalt  }
0x4c: {  	_ =	shalt  }
0x4d: {  	_ =	shalt  }
0x4e: {  	_ =	shalt  }
0x4f: {  	_ =	shalt  }
0x50: {  	_ =	shalt  }
0x51: {  	_ =	shalt  }
0x52: {  	_ =	shalt  }
0x53: {  	_ =	shalt  }
0x54: {  	_ =	shalt  }
0x55: {  	_ =	shalt  }
0x56: {  	_ =	shalt  }
0x57: {  	_ =	shalt  }
0x58: {  	_ =	shalt  }
0x59: {  	_ =	shalt  }
0x5a: {  	_ =	shalt  }
0x5b: {  	_ =	shalt  }
0x5c: {  	_ =	shalt  }
0x5d: {  	_ =	shalt  }
0x5e: {  	_ =	shalt  }
0x5f: {  	_ =	shalt  }
0x60: {  	_ =	shalt  }
0x61: {  	_ =	shalt  }
0x62: {  	_ =	shalt  }
0x63: {  	_ =	shalt  }
0x64: {  	_ =	shalt  }
0x65: {  	_ =	shalt  }
0x66: {  	_ =	shalt  }
0x67: {  	_ =	shalt  }
0x68: {  	_ =	shalt  }
0x69: {  	_ =	shalt  }
0x6a: {  	_ =	shalt  }
0x6b: {  	_ =	shalt  }
0x6c: {  	_ =	shalt  }
0x6d: {  	_ =	shalt  }
0x6e: {  	_ =	shalt  }
0x6f: {  	_ =	shalt  }
0x70: {  	_ =	shalt  }
0x71: {  	_ =	shalt  }
0x72: {  	_ =	shalt  }
0x73: {  	_ =	shalt  }
0x74: {  	_ =	shalt  }
0x75: {  	_ =	shalt  }
0x76: {  	_ =	shalt  }
0x77: {  	_ =	shalt  }
0x78: {  	_ =	shalt  }
0x79: {  	_ =	shalt  }
0x7a: {  	_ =	shalt  }
0x7b: {  	_ =	shalt  }
0x7c: {  	_ =	shalt  }
0x7d: {  	_ =	shalt  }
0x7e: {  	_ =	shalt  }
0x7f: {  	_ =	shalt  }
0x80: {  	_ =	shalt  }
0x81: {  	_ =	shalt  }
0x82: {  	_ =	shalt  }
0x83: {  	_ =	shalt  }
0x84: {  	_ =	shalt  }
0x85: {  	_ =	shalt  }
0x86: {  	_ =	shalt  }
0x87: {  	_ =	shalt  }
.Lfunc_end0:
.L_simem_size_0:
called_computation_lowered:
.L_overlay_start_0:
0x88: {  	s2 =	sld [smem:$0x3FD9]  }
0x89: {  	s3 =	sld [smem:$0x3FFE];
	_ =	sdelay $0x1  }
0x8a: {  	s1 =	srdreg.scid  }
0x8b: {  	s0 =	sand.u32 $0x1, s1  }
0x8c: {  	s17 =	sshll.u32 s0, $0xA;
	s2 =	sadd.s32 s3, s2  }
0x8d: {  	s2 =	sadd.s32 s2, s17  }
0x8e: {  	[smem:$0x3FC0] =	sst s2  }
0x8f: {  	_ = 	snop  }
0x90: {  	s2 =	sld [smem:$0x3FD0];
	(tm) =	ssettm $0x1  }
0x91: {  	s18 =	sld [smem:$0x3FFB];
	_ =	sdelay $0x3  }
0x92: {  	_ =	strace s18  }
0x93: {  	s3 =	sld [smem:$0x3FFC];
	_ =	sdelay $0x3  }
0x94: {  	_ =	strace s3  }
0x95: {  	s3 =	sld [smem:$0x3FFD];
	_ =	sdelay $0x3  }
0x96: {  	_ =	strace s3  }
0x97: {  	_ =	strace $0x8FFFFFFF  }
0x98: {  	s19 =	sld [smem:$0x3FDB];
	_ =	sdelay $0x1  }
0x99: {  	s4 =	simm.s32 $_scs_section_size  }
0x9a: {  	s5 =	simm.s32 $_size__tile_overlayer_lowered;
	s6 =	simm.s32 $_tile_overlayer_lowered  }
0x9b: {  	s22 =	simm.s32 $0x1BFF;
	s21 =	sshll.u32 s6, $0x1;
	s3 =	sadd.s32 s4, s19  }
0x9c: {  	s7 =	simm.s32 $0x0;
	s20 =	sshll.u32 s5, $0x1;
	s5 =	sadd.s32 s21, s3  }
0x9d: {  	[timem:s7], [sflag:s22] =	dma.local [hbm:s5], s20  }
0x9e: {  	_ =	swait.ge [sflag:s22], s20  }
0x9f: {  	s4 =	ssub.s32 $0x0, s20;
	[sflag:s22] =	ssyncset.done $0x0  }
0xa0: {  	[sflag:s22] =	ssyncadd.s32 s4;
	_ =	sdelay $0x1  }
0xa1: {  	s23 =	simm.s32 $0x1B8B  }
0xa2: {  	_ =	swait.ge [sflag:s23], $0x1  }
0xa3: {  	[sflag:s23] =	ssyncset.done $0x0  }
0xa4: {  	s25 =	simm.s32 $0x1B8E;
	s24 =	sld [smem:$0x3FFE];
	[sflag:s23] =	ssyncadd.s32 $0xFFFFFFFF  }
0xa5: {  	s26 =	simm.s32 $execute0_lowered;
	[smem:$0x3FD2] =	sst s25  }
0xa6: {  	s5 =	sshll.u32 s26, $0x1;
	_ =	strace $0x80000046;
	[dreg:$0x1] =	wrdreg $0xFFFFFFFF  }
0xa7: {  	s28 =	simm.s32 $_size_execute0_lowered;
	s3 =	sadd.s32 s3, s5;
	[dreg:$0x0] =	wrdreg $0x0  }
0xa8: {  	s5 =	sshll.u32 s28, $0x1;
	[dreg:$0x2] =	wrdreg s3  }
0xa9: {  	[dreg:$0x3] =	wrdreg s5  }
0xaa: {  	[dreg:$0x4] =	wrdreg $0xC0  }
0xab: {  	_ =	task [dreg:s7], $0x5FFFF  }
0xac: {  	[dreg:$0x1] =	wrdreg $0xFFFFFFFF  }
0xad: {  	[dreg:$0x0] =	wrdreg $0x60  }
0xae: {  	[dreg:$0x2] =	wrdreg s24  }
0xaf: {  	[dreg:$0x3] =	wrdreg s2  }
0xb0: {  	[dreg:$0x4] =	wrdreg $0x2C000  }
0xb1: {  	[dreg:$0x5] =	wrdreg $0x9  }
0xb2: {  	_ =	task.clear_ibuf [dreg:s7], $0x6FFFF;
	_ =	strace $0x90000046  }
0xb3: {  	s29 =	simm.s32 $0x9;
	_ =	strace $0x80000048  }
0xb4: {  	_ =	swait.ge [sflag:s29], $0x1  }
0xb5: {  	[sflag:s29] =	ssyncadd.s32 $0xFFFFFFFF  }
0xb6: {  	_ =	strace $0x90000048  }
0xb7: {  	_ =	sfence  }
0xb8: {  	s30 =	sld [smem:$0x0];
	_ =	sdelay $0x2  }
0xb9: {  	s31 =	sshll.u32 s1, $0xD;
	s1 =	sshrl.u32 s1, $0x2  }
0xba: {  	s3 =	sand.u32 $0x4000, s31;
	s1 =	sadd.s32 s1, s30  }
0xbb: {  	s0 =	sor.u32 s3, s0;
	s1 =	sshll.u32 s1, $0x11  }
0xbc: {  	s0 =	sor.u32 s1, s0  }
0xbd: {  	s0 =	sadd.s32 $0x8F2B, s0  }
0xbe: {  	[sflag:s0] =	ssyncadd.remote.s32 $0x1  }
0xbf: {  	_ =	sfence.sel $0xFFFF  }
0xc0: {  	[dreg:$0x0] =	wrdreg $0xFFFFFFFF;
	(pc) =	sbr.abs _section_cstart, $3  }
0xc1: {  	[dreg:$0x1] =	wrdreg $0xFFFFFFFF  }
0xc2: {  	_ =	task.clear_ibuf [dreg:s7], $0x2FFFF;
	_ =	strace $0x9FFFFFFF  }
0xc3: {  	(tm) =	ssettm $0x7FFFFFFF  }
tec
execute0_lowered:
.L_overlay_start_1:
0x0: {  	(tag) =	ssettag $0x1  }
0x1: {  	s6 =	rddreg [dreg:$0x0]  }
0x2: {  	s0 =	srdreg.scid;
	s2 =	rddreg [dreg:$0x1]  }
0x3: {  	s3 =	rddreg [dreg:$0x2];
	s1 =	stileid.u32  }
0x4: {  	s4 =	simm.s32 $0x0;
	s5 =	sand.u32 $0x1, s0;
	s0 =	rddreg [dreg:$0x3]  }
0x5: {  	s12 =	simm.s32 $0x80;
	s13 =	simm.s32 $0x1;
	[smem:$0x7FF] =	sst s4  }
0x6: {  	s10 =	smul.u32 $0x13C0, s1;
	s31 =	sshll.u32 s1, $0x6;
	s7 =	sshll.u32 s5, $0x4  }
0x7: {  	_ =	strace $0x80000047;
	s8 =	smul.u32 $0x2780, s5;
	s9 =	ssub.s32 $0x2, s5  }
0x8: {  	s5 =	sadd.s32 $0xC200, s6;
	s7 =	sor.u32 s1, s7;
	s30 =	sshrl.u32 s9, $0x1  }
0x9: {  	s11 =	sadd.s32 s10, s3;
	s15 =	sshrl.u32 s10, $0x3;
	s10 =	simm.s32 $0x2  }
0xa: {  	s7 =	smul.u32 $0x500, s7;
	s8 =	sadd.s32 s8, s6;
	s9 =	ssub.s32 s9, s30  }
0xb: {  	s14 =	sadd.s32 $0xC400, s8;
	s8 =	smax.u32 s9, $0x1;
	s9 =	sshrl.u32 s11, $0x3  }
0xc: {  	s11 =	simm.s32 $0x2800;
	s7 =	sadd.s32 s7, s6;
	s6 =	sor.u32 $0x1C02, s31  }
0xd: {  	s14 =	sadd.s32 s15, s14;
	s15 =	simm.s32 $0x0;
	s7 =	sadd.s32 $0x2200, s7  }
.LBB2_1:
0xe: {  	[spmem:s9], [sflag:s6] =	dma.local [hbm:s2], $0x278  }
0xf: {  	_ =	swait.ge [sflag:s10], $0x278  }
0x10: {  	[sflag:s10] =	ssyncset.done $0x0  }
0x11: {  	[sflag:s10] =	ssyncadd.s32 $0xFFFFFD88  }
0x12: {  	[tilespmem:s4], [sflag:$0x2] =	stream.linear.gather [hbm4b:s7+s4], $0x2800, $0x38;
	[tilespmem:$0x3FC0] =	vst v63  }
0x13: {  	_ =	swait.ge [sflag:s10], $0x2800  }
0x14: {  	[sflag:s10] =	ssyncset.done $0x0  }
0x15: {  	[sflag:s10] =	ssyncadd.s32 $0xFFFFD800  }
0x16: {  	[tilespmem:s11], [sflag:$0x2] =	stream.linear.gather [hbm4b:s5+s4], $0x400, $0x38;
	[tilespmem:$0x3FC0] =	vst v63  }
0x17: {  	_ =	swait.ge [sflag:s10], $0x400  }
0x18: {  	[sflag:s10] =	ssyncset.done $0x0  }
0x19: {  	p0 =	por $0x1, $0x1;
	[sflag:s10] =	ssyncadd.s32 $0xFFFFFC00  }
0x1a: {  	s18 =	simm.s32 @!p0 $0x1;
	[bflag:$0x0] =	sbarrier.arrive $0xFFFF  }
0x1b: {  	[spmem:s3] =	stream.indirect.scatter.add.f32 [tilespmem:s11], [sflag:$0x1], $0x8, s4, s12, $0xb8;
	[tilespmem:$0x3FC0] =	vst v63  }
0x1c: {  	_ =	swait.ge @!p0 [sflag:s18], $0x400  }
0x1d: {  	s16 =	simm.s32 $0x1;
	s17 =	simm.s32 $0x0;
	[sflag:s18] =	ssyncset.done @!p0 $0x0  }
.LBB2_2:
0x1e: {  	[sflag:s18] =	ssyncadd.s32 @!p0 $0xFFFFFC00  }
0x1f: {  	s17 =	sadd.s32 $0x80, s17;
	s18 =	smov.u32 s16;
	s16 =	sadd.s32 $0x1, s16  }
0x20: {  	p1 =	sne.s32 s16, $0x50  }
0x21: {  	[spmem:s3] =	stream.indirect.scatter.add.f32 [tilespmem:s11], [sflag:$0x1], $0x8, s17, s12, $0xb8;
	[tilespmem:$0x3FC0] =	vst v63  }
.Ltmp0:
0x22: {  	_ = 	snop;
	(pc) =	sbr.rel @p1 .LBB2_2-.Ltmp0, $4  }
0x23: {  	p0 =	slt.u32 s18, $0x8  }
0x24: {  	s18 =	simm.s32 @!p0 $0x1  }
0x25: {  	_ =	swait.ge @!p0 [sflag:s18], $0x400  }
0x26: {  	[sflag:s18] =	ssyncset.done @!p0 $0x0  }
0x27: {  	[sflag:s18] =	ssyncadd.s32 @!p0 $0xFFFFFC00  }
0x28: {  	_ =	swait.ge [sflag:s13], $0x400  }
0x29: {  	[sflag:s13] =	ssyncset.done $0x0  }
0x2a: {  	[sflag:s13] =	ssyncadd.s32 $0xFFFFFC00  }
0x2b: {  	_ =	swait.ge [sflag:s13], $0x400  }
0x2c: {  	[sflag:s13] =	ssyncset.done $0x0  }
0x2d: {  	[sflag:s13] =	ssyncadd.s32 $0xFFFFFC00  }
0x2e: {  	_ =	swait.ge [sflag:s13], $0x400  }
0x2f: {  	[sflag:s13] =	ssyncset.done $0x0  }
0x30: {  	[sflag:s13] =	ssyncadd.s32 $0xFFFFFC00  }
0x31: {  	_ =	swait.ge [sflag:s13], $0x400  }
0x32: {  	[sflag:s13] =	ssyncset.done $0x0  }
0x33: {  	[sflag:s13] =	ssyncadd.s32 $0xFFFFFC00  }
0x34: {  	_ =	swait.ge [sflag:s13], $0x400  }
0x35: {  	[sflag:s13] =	ssyncset.done $0x0  }
0x36: {  	[sflag:s13] =	ssyncadd.s32 $0xFFFFFC00  }
0x37: {  	_ =	swait.ge [sflag:s13], $0x400  }
0x38: {  	[sflag:s13] =	ssyncset.done $0x0  }
0x39: {  	[sflag:s13] =	ssyncadd.s32 $0xFFFFFC00  }
0x3a: {  	_ =	swait.ge [sflag:s13], $0x400  }
0x3b: {  	[sflag:s13] =	ssyncset.done $0x0  }
0x3c: {  	[sflag:s13] =	ssyncadd.s32 $0xFFFFFC00  }
0x3d: {  	_ =	swait.ge [sflag:s13], $0x400  }
0x3e: {  	s15 =	sadd.s32 $0x1, s15;
	[sflag:s13] =	ssyncset.done $0x0  }
0x3f: {  	p0 =	sne.s32 s15, s8;
	[sflag:s13] =	ssyncadd.s32 $0xFFFFFC00  }
.Ltmp1:
0x40: {  	[bflag:$0x0] =	sbarrier.arrive $0xFFFF;
	(pc) =	sbr.rel @p0 .LBB2_1-.Ltmp1, $4  }
0x41: {  	[hbm:s14], [sflag:s6] =	dma.local [spmem:s9], $0x278  }
0x42: {  	_ =	swait.ge [sflag:s10], $0x278  }
0x43: {  	[sflag:s10] =	ssyncset.done $0x0  }
0x44: {  	[sflag:s10] =	ssyncadd.s32 $0xFFFFFD88  }
0x45: {  	_ =	sfence.sel $0x180000  }
0x46: {  	[bflag:$0x0] =	sbarrier.arrive $0xFFFF  }
0x47: {  	p0 =	sne.s32 s1, $0x0;
	_ =	strace $0x90000047  }
0x48: {  	s0 =	sadd.s32 @!p0 $0x100000, s0;
	[bflag:$0x2] =	sbarrier.arrive $0xFFFF  }
0x49: {  	[sflag:s0] =	ssyncadd.tile.s32 @!p0 $0x1;
	_ =	shalt  }
.Lfunc_end2:
_tile_overlayer_lowered:
.L_overlay_start_2:
0x4a: {  	(tag) =	ssettag $0x2  }
0x4b: {  	s0 =	rddreg [dreg:$0x0];
	s2 =	stileid.u32  }
0x4c: {  	s1 =	rddreg [dreg:$0x1];
	p0 =	sne.s32 s2, $0x0  }
0x4d: {  	s3 =	rddreg [dreg:$0x2];
	[bflag:$0x3] =	sbarrier.arrive $0xFFFF;
	s2 =	simm.s32 @!p0 $0x1C02  }
0x4e: {  	[timem:s3], [sflag:s2] =	dma.local @!p0 [hbm:s0], s1  }
0x4f: {  	s0 =	simm.s32 @!p0 $0x2  }
0x50: {  	_ =	swait.ge @!p0 [sflag:s0], s1  }
0x51: {  	s1 =	ssub.s32 @!p0 $0x0, s1;
	[sflag:s0] =	ssyncset.done @!p0 $0x0  }
0x52: {  	[sflag:s0] =	ssyncadd.s32 @!p0 s1  }
0x53: {  	[bflag:$0x3] =	sbarrier.arrive $0xFFFF  }
0x54: {  	_ =	shalt  }

// kernel: kernel.14.cloned.1.call-start
scs
__scs_entry_jumppad:
0x0: {  	(pc) =	sbr.rel $0x88, $3  }
0x1: {  	(tag) =	ssettag $0x0;
	lr =	simm.s32 $0x1  }
0x2: {  	[smem:$0x3F99] =	sst lr;
	_ =	strace $0xD0000000  }
0x3: {  	_ = 	snop  }
0x4: {  	_ = 	snop  }
0x5: {  	_ = 	snop  }
0x6: {  	_ = 	snop  }
0x7: {  	_ = 	snop  }
__scs_overlays_trampoline_lowered:
0x8: {  	[smem:$0x3FA8] =	sst s0  }
0x9: {  	[smem:$0x3FA9] =	sst s1  }
0xa: {  	[smem:$0x3FAA] =	sst s2  }
0xb: {  	[smem:$0x3FAB] =	sst s3  }
0xc: {  	[smem:$0x3FAC] =	sst s4  }
0xd: {  	[smem:$0x3FAD] =	sst s5  }
0xe: {  	[smem:$0x3FAE] =	sst s6  }
0xf: {  	[smem:$0x3FAF] =	sst s7  }
0x10: {  	[smem:$0x3FB0] =	sst s8  }
0x11: {  	[smem:$0x3FB1] =	sst s9;
	s0 =	simm.s32 @!p0 $0x0  }
0x12: {  	s1 =	sld [smem:$0x3F97];
	s0 =	simm.s32 @p0 $0x1  }
0x13: {  	[smem:$0x3FB2] =	sst s0;
	s0 =	simm.s32 @!p1 $0x0  }
0x14: {  	s2 =	sld [smem:$0x3F96];
	s0 =	simm.s32 @p1 $0x1  }
0x15: {  	[smem:$0x3FB3] =	sst s0;
	s0 =	simm.s32 @!p2 $0x0  }
0x16: {  	s3 =	sld [smem:$0x3FDB];
	s0 =	simm.s32 @p2 $0x1  }
0x17: {  	s4 =	simm.s32 $0x1BF5;
	[smem:$0x3FB5] =	sst s0  }
0x18: {  	s0 =	sld [smem:$0x3F98];
	_ =	swait.ge [sflag:s4], $0x0  }
0x19: {  	s7 =	sld [smem:$0x3F99]  }
0x1a: {  	s8 =	sadd.s32 $0xFFFFE003, lr  }
0x1b: {  	s9 =	sadd.s32 $0xFFFFFEF7, lr;
	s5 =	simm.s32 $0xFFFFFFFF;
	p2 =	slt.u32 s8, $0xFFFFF086  }
0x1c: {  	p1 =	slt.u32 s9, $0xF7A;
	s5 =	simm.s32 @!p2 $0x0  }
0x1d: {  	s5 =	simm.s32 @p1 $0x1;
	p0 =	seq.s32 s7, s2  }
0x1e: {  	s7 =	smul.u32 @!p0 $0xF7A, s2;
	p2 =	seq.s32 @!p0 s5, $0x0  }
0x1f: {  	s9 =	smul.u32 $0xF7A, s1;
	s8 =	simm.s32 @!p0 $0x1BF5;
	p2 =	por !p2, p0  }
0x20: {  	[sflag:s8] =	ssyncset.s32 @!p0 $0xFFFFF086;
	s6 =	sadd.s32 @!p0 s3, s7;
	s7 =	simm.s32 @!p0 $0x108  }
0x21: {  	s3 =	sadd.s32 s3, s9;
	s6 =	sadd.s32 @!p0 $0x88, s6;
	s7 =	simm.s32 @p2 $0x1082  }
0x22: {  	[simem:s7], [sflag:s8] =	dma.local @!p0 [hbm:s6], $0xF7A  }
0x23: {  	s9 =	sor.u32 $0xD0000000, s2;
	s6 =	simm.s32 $0x108;
	_ =	swait.ge @!p0 [sflag:s8], $0x0  }
0x24: {  	s3 =	sadd.s32 $0x88, s3;
	s6 =	simm.s32 @!p1 $0x1082;
	[sflag:s4] =	ssyncset.s32 $0xFFFFF086  }
0x25: {  	[simem:s6], [sflag:s4] =	dma.local [hbm:s3], $0xF7A  }
0x26: {  	[smem:$0x3F99] =	sst s1;
	(tag) =	ssettag s2;
	_ =	strace s9  }
0x27: {  	s1 =	sld [smem:$0x3FA9]  }
0x28: {  	s2 =	sld [smem:$0x3FAA]  }
0x29: {  	s4 =	sld [smem:$0x3FAC]  }
0x2a: {  	p0 =	seq.s32 s5, $0x0;
	s5 =	sld [smem:$0x3FAD]  }
0x2b: {  	s6 =	sld [smem:$0x3FAE]  }
0x2c: {  	s7 =	sld [smem:$0x3FAF]  }
0x2d: {  	s3 =	simm.s32 $0x108;
	s8 =	sld [smem:$0x3FB0]  }
0x2e: {  	s3 =	simm.s32 @!p0 $0x1082;
	s9 =	sld [smem:$0x3FB1]  }
0x2f: {  	lr =	sadd.s32 s0, s3;
	s0 =	sld [smem:$0x3FA8]  }
0x30: {  	s3 =	sld [smem:$0x3FAB]  }
0x31: {  	[smem:$0x3FB4] =	sst s10  }
0x32: {  	s10 =	sld [smem:$0x3FB2];
	_ =	sdelay $0x3  }
0x33: {  	p0 =	seq.s32 s10, $0x1;
	s10 =	sld [smem:$0x3FB4];
	_ =	sdelay $0x3  }
0x34: {  	[smem:$0x3FB4] =	sst s10  }
0x35: {  	s10 =	sld [smem:$0x3FB3];
	_ =	sdelay $0x3  }
0x36: {  	p1 =	seq.s32 s10, $0x1;
	s10 =	sld [smem:$0x3FB4];
	_ =	sdelay $0x3  }
0x37: {  	[smem:$0x3FB4] =	sst s10  }
0x38: {  	s10 =	sld [smem:$0x3FB5]  }
0x39: {  	_ = 	snop;
	(pc) =	sbr.ind lr, $3  }
0x3a: {  	_ = 	snop  }
0x3b: {  	_ = 	snop  }
0x3c: {  	p2 =	seq.s32 s10, $0x1;
	s10 =	sld [smem:$0x3FB4]  }
0x3d: {  	_ =	shalt  }
0x3e: {  	_ =	shalt  }
0x3f: {  	_ =	shalt  }
0x40: {  	_ =	shalt  }
0x41: {  	_ =	shalt  }
0x42: {  	_ =	shalt  }
0x43: {  	_ =	shalt  }
0x44: {  	_ =	shalt  }
0x45: {  	_ =	shalt  }
0x46: {  	_ =	shalt  }
0x47: {  	_ =	shalt  }
0x48: {  	_ =	shalt  }
0x49: {  	_ =	shalt  }
0x4a: {  	_ =	shalt  }
0x4b: {  	_ =	shalt  }
0x4c: {  	_ =	shalt  }
0x4d: {  	_ =	shalt  }
0x4e: {  	_ =	shalt  }
0x4f: {  	_ =	shalt  }
0x50: {  	_ =	shalt  }
0x51: {  	_ =	shalt  }
0x52: {  	_ =	shalt  }
0x53: {  	_ =	shalt  }
0x54: {  	_ =	shalt  }
0x55: {  	_ =	shalt  }
0x56: {  	_ =	shalt  }
0x57: {  	_ =	shalt  }
0x58: {  	_ =	shalt  }
0x59: {  	_ =	shalt  }
0x5a: {  	_ =	shalt  }
0x5b: {  	_ =	shalt  }
0x5c: {  	_ =	shalt  }
0x5d: {  	_ =	shalt  }
0x5e: {  	_ =	shalt  }
0x5f: {  	_ =	shalt  }
0x60: {  	_ =	shalt  }
0x61: {  	_ =	shalt  }
0x62: {  	_ =	shalt  }
0x63: {  	_ =	shalt  }
0x64: {  	_ =	shalt  }
0x65: {  	_ =	shalt  }
0x66: {  	_ =	shalt  }
0x67: {  	_ =	shalt  }
0x68: {  	_ =	shalt  }
0x69: {  	_ =	shalt  }
0x6a: {  	_ =	shalt  }
0x6b: {  	_ =	shalt  }
0x6c: {  	_ =	shalt  }
0x6d: {  	_ =	shalt  }
0x6e: {  	_ =	shalt  }
0x6f: {  	_ =	shalt  }
0x70: {  	_ =	shalt  }
0x71: {  	_ =	shalt  }
0x72: {  	_ =	shalt  }
0x73: {  	_ =	shalt  }
0x74: {  	_ =	shalt  }
0x75: {  	_ =	shalt  }
0x76: {  	_ =	shalt  }
0x77: {  	_ =	shalt  }
0x78: {  	_ =	shalt  }
0x79: {  	_ =	shalt  }
0x7a: {  	_ =	shalt  }
0x7b: {  	_ =	shalt  }
0x7c: {  	_ =	shalt  }
0x7d: {  	_ =	shalt  }
0x7e: {  	_ =	shalt  }
0x7f: {  	_ =	shalt  }
0x80: {  	_ =	shalt  }
0x81: {  	_ =	shalt  }
0x82: {  	_ =	shalt  }
0x83: {  	_ =	shalt  }
0x84: {  	_ =	shalt  }
0x85: {  	_ =	shalt  }
0x86: {  	_ =	shalt  }
0x87: {  	_ =	shalt  }
.Lfunc_end0:
.L_simem_size_0:
called_computation.1_lowered:
.L_overlay_start_0:
0x88: {  	s2 =	sld [smem:$0x3FD9]  }
0x89: {  	s3 =	sld [smem:$0x3FFE];
	_ =	sdelay $0x1  }
0x8a: {  	s1 =	srdreg.scid  }
0x8b: {  	s0 =	sand.u32 $0x1, s1  }
0x8c: {  	s17 =	sshll.u32 s0, $0xA;
	s2 =	sadd.s32 s3, s2  }
0x8d: {  	s2 =	sadd.s32 s2, s17  }
0x8e: {  	[smem:$0x3FC0] =	sst s2  }
0x8f: {  	_ = 	snop  }
0x90: {  	s2 =	sld [smem:$0x3FD0];
	(tm) =	ssettm $0x1  }
0x91: {  	s18 =	sld [smem:$0x3FFB];
	_ =	sdelay $0x3  }
0x92: {  	_ =	strace s18  }
0x93: {  	s3 =	sld [smem:$0x3FFC];
	_ =	sdelay $0x3  }
0x94: {  	_ =	strace s3  }
0x95: {  	s3 =	sld [smem:$0x3FFD];
	_ =	sdelay $0x3  }
0x96: {  	_ =	strace s3  }
0x97: {  	_ =	strace $0x8FFFFFFF  }
0x98: {  	s19 =	sld [smem:$0x3FDB];
	_ =	sdelay $0x1  }
0x99: {  	s4 =	simm.s32 $_scs_section_size  }
0x9a: {  	s5 =	simm.s32 $_size__tile_overlayer_lowered;
	s6 =	simm.s32 $_tile_overlayer_lowered  }
0x9b: {  	s22 =	simm.s32 $0x1BFF;
	s21 =	sshll.u32 s6, $0x1;
	s3 =	sadd.s32 s4, s19  }
0x9c: {  	s7 =	simm.s32 $0x0;
	s20 =	sshll.u32 s5, $0x1;
	s5 =	sadd.s32 s21, s3  }
0x9d: {  	[timem:s7], [sflag:s22] =	dma.local [hbm:s5], s20  }
0x9e: {  	_ =	swait.ge [sflag:s22], s20  }
0x9f: {  	s4 =	ssub.s32 $0x0, s20;
	[sflag:s22] =	ssyncset.done $0x0  }
0xa0: {  	[sflag:s22] =	ssyncadd.s32 s4;
	_ =	sdelay $0x1  }
0xa1: {  	s23 =	simm.s32 $0x1B8B  }
0xa2: {  	_ =	swait.ge [sflag:s23], $0x1  }
0xa3: {  	[sflag:s23] =	ssyncset.done $0x0  }
0xa4: {  	s25 =	simm.s32 $0x1B8E;
	s24 =	sld [smem:$0x3FFE];
	[sflag:s23] =	ssyncadd.s32 $0xFFFFFFFF  }
0xa5: {  	s26 =	simm.s32 $execute0_lowered;
	[smem:$0x3FD2] =	sst s25  }
0xa6: {  	s5 =	sshll.u32 s26, $0x1;
	_ =	strace $0x80000049;
	[dreg:$0x1] =	wrdreg $0xFFFFFFFF  }
0xa7: {  	s28 =	simm.s32 $_size_execute0_lowered;
	s3 =	sadd.s32 s3, s5;
	[dreg:$0x0] =	wrdreg $0x0  }
0xa8: {  	s5 =	sshll.u32 s28, $0x1;
	[dreg:$0x2] =	wrdreg s3  }
0xa9: {  	[dreg:$0x3] =	wrdreg s5  }
0xaa: {  	[dreg:$0x4] =	wrdreg $0xC0  }
0xab: {  	_ =	task [dreg:s7], $0x5FFFF  }
0xac: {  	[dreg:$0x1] =	wrdreg $0xFFFFFFFF  }
0xad: {  	[dreg:$0x0] =	wrdreg $0x60  }
0xae: {  	[dreg:$0x2] =	wrdreg s24  }
0xaf: {  	[dreg:$0x3] =	wrdreg s2  }
0xb0: {  	[dreg:$0x4] =	wrdreg $0xAA000  }
0xb1: {  	[dreg:$0x5] =	wrdreg $0x148000  }
0xb2: {  	[dreg:$0x6] =	wrdreg $0x9  }
0xb3: {  	_ =	task.clear_ibuf [dreg:s7], $0x7FFFF;
	_ =	strace $0x90000049  }
0xb4: {  	s29 =	simm.s32 $0x9;
	_ =	strace $0x8000004B  }
0xb5: {  	_ =	swait.ge [sflag:s29], $0x1  }
0xb6: {  	[sflag:s29] =	ssyncadd.s32 $0xFFFFFFFF  }
0xb7: {  	_ =	strace $0x9000004B  }
0xb8: {  	_ =	sfence  }
0xb9: {  	s30 =	sld [smem:$0x0];
	_ =	sdelay $0x2  }
0xba: {  	s31 =	sshll.u32 s1, $0xD;
	s1 =	sshrl.u32 s1, $0x2  }
0xbb: {  	s3 =	sand.u32 $0x4000, s31;
	s1 =	sadd.s32 s1, s30  }
0xbc: {  	s0 =	sor.u32 s3, s0;
	s1 =	sshll.u32 s1, $0x11  }
0xbd: {  	s0 =	sor.u32 s1, s0  }
0xbe: {  	s0 =	sadd.s32 $0x8F2B, s0  }
0xbf: {  	[sflag:s0] =	ssyncadd.remote.s32 $0x1  }
0xc0: {  	_ =	sfence.sel $0xFFFF  }
0xc1: {  	[dreg:$0x0] =	wrdreg $0xFFFFFFFF;
	(pc) =	sbr.abs _section_cstart, $3  }
0xc2: {  	[dreg:$0x1] =	wrdreg $0xFFFFFFFF  }
0xc3: {  	_ =	task.clear_ibuf [dreg:s7], $0x2FFFF;
	_ =	strace $0x9FFFFFFF  }
0xc4: {  	(tm) =	ssettm $0x7FFFFFFF  }
0xc5: {  	_ =	shalt  }
tec
execute0_lowered:
.L_overlay_start_1:
0x0: {  	(tag) =	ssettag $0x1  }
0x1: {  	s0 =	rddreg [dreg:$0x0]  }
0x2: {  	s2 =	rddreg [dreg:$0x2]  }
0x3: {  	s3 =	rddreg [dreg:$0x3]  }
0x4: {  	s4 =	srdreg.scid;
	s5 =	simm.s32 $0x0;
	s1 =	stileid.u32  }
0x5: {  	s12 =	simm.s32 $0x4;
	s14 =	simm.s32 $0x2800;
	s15 =	simm.s32 $0x80  }
0x6: {  	s16 =	simm.s32 $0x2A00;
	s18 =	simm.s32 $0x2880;
	s19 =	simm.s32 $0x4A00  }
0x7: {  	s21 =	simm.s32 $0x3;
	s22 =	simm.s32 $0x1;
	s23 =	simm.s32 $0x2900  }
0x8: {  	s28 =	simm.s32 $0x8A00;
	s29 =	simm.s32 $0x2;
	s30 =	simm.s32 $0x0  }
0x9: {  	s4 =	sand.u32 $0x1, s4;
	[smem:$0x7FF] =	sst s5;
	s8 =	smul.u32 $0x9E00, s1  }
0xa: {  	s26 =	sshll.u32 s1, $0x6;
	s6 =	sshll.u32 s4, $0x4;
	_ =	strace $0x8000004A  }
0xb: {  	s7 =	smul.u32 $0x13C00, s4;
	s4 =	ssub.s32 $0x2, s4;
	s6 =	sor.u32 s1, s6  }
0xc: {  	s24 =	sshrl.u32 s8, $0x3;
	s25 =	sshrl.u32 s4, $0x1;
	s11 =	sadd.s32 s8, s2  }
0xd: {  	s13 =	sadd.s32 s8, s3;
	s6 =	smul.u32 $0x500, s6;
	s9 =	sadd.s32 s24, s0  }
0xe: {  	s4 =	ssub.s32 s4, s25;
	s11 =	sshrl.u32 s11, $0x3;
	s13 =	sshrl.u32 s13, $0x3  }
.Ltmp0:
0xf: {  	s25 =	simm.s32 $0x6A00;
	s31 =	sadd.s32 $0x1B400, s9;
	(pc) =	sbr.rel .LBB2_1-.Ltmp0, $4  }
0x10: {  	s10 =	sadd.s32 s6, s0;
	s0 =	sadd.s32 s7, s0;
	[dreg:$0x5] =	wrdreg s31  }
0x11: {  	s7 =	sor.u32 $0x1C04, s26;
	s26 =	simm.s32 $0x2980;
	s8 =	sadd.s32 $0x11400, s10  }
0x12: {  	s9 =	sadd.s32 $0x2200, s10;
	s0 =	sadd.s32 $0x2F000, s0;
	s10 =	smax.u32 s4, $0x1  }
0x13: {  	s17 =	sadd.s32 $0x10, s9;
	s20 =	sadd.s32 $0x50, s9;
	s24 =	sadd.s32 s24, s0  }
.LBB2_4:
0x14: {  	_ =	swait.ge [sflag:s21], $0x80  }
0x15: {  	[sflag:s21] =	ssyncset.done $0x0  }
0x16: {  	[sflag:s21] =	ssyncadd.s32 $0xFFFFFF80  }
0x17: {  	_ =	swait.ge [sflag:s22], $0x2000  }
0x18: {  	[sflag:s22] =	ssyncset.done $0x0  }
0x19: {  	[sflag:s22] =	ssyncadd.s32 $0xFFFFE000  }
0x1a: {  	[spmem:s3] =	stream.indirect.scatter.add.f32 [tilespmem:s28], [sflag:$0x2], $0x40, s26, s15, $0xb8;
	[tilespmem:$0x1E600] =	vst v63  }
0x1b: {  	_ =	swait.ge [sflag:s29], $0x2000  }
0x1c: {  	[sflag:s29] =	ssyncset.done $0x0  }
0x1d: {  	[sflag:s29] =	ssyncadd.s32 $0xFFFFE000  }
0x1e: {  	_ =	swait.ge [sflag:s29], $0x2000  }
0x1f: {  	[sflag:s29] =	ssyncset.done $0x0  }
0x20: {  	[sflag:s29] =	ssyncadd.s32 $0xFFFFE000  }
0x21: {  	_ =	swait.ge [sflag:s29], $0x2000  }
0x22: {  	s30 =	sadd.s32 $0x1, s30;
	[sflag:s29] =	ssyncset.done $0x0  }
0x23: {  	p0 =	sne.s32 s30, s10;
	[sflag:s29] =	ssyncadd.s32 $0xFFFFE000  }
.Ltmp1:
0x24: {  	[bflag:$0x0] =	sbarrier.arrive $0xFFFF;
	(pc) =	sbr.rel @!p0 .LBB2_5-.Ltmp1, $4  }
0x25: {  	[hbm:s24], [sflag:s7] =	dma.local [spmem:s13], $0x13C0  }
0x26: {  	_ =	swait.ge [sflag:s12], $0x13C0  }
0x27: {  	[sflag:s12] =	ssyncset.done $0x0  }
0x28: {  	[sflag:s12] =	ssyncadd.s32 $0xFFFFEC40  }
.LBB2_1:
0x29: {  	s0 =	rddreg [dreg:$0x5]  }
0x2a: {  	[spmem:s11], [sflag:s7] =	dma.local [hbm:s0], $0x13C0  }
0x2b: {  	_ =	swait.ge [sflag:s12], $0x13C0  }
0x2c: {  	[sflag:s12] =	ssyncset.done $0x0  }
0x2d: {  	[sflag:s12] =	ssyncadd.s32 $0xFFFFEC40  }
0x2e: {  	s6 =	rddreg [dreg:$0x1]  }
0x2f: {  	[spmem:s13], [sflag:s7] =	dma.local [hbm:s6], $0x13C0  }
0x30: {  	_ =	swait.ge [sflag:s12], $0x13C0  }
0x31: {  	[sflag:s12] =	ssyncset.done $0x0  }
0x32: {  	[sflag:s12] =	ssyncadd.s32 $0xFFFFEC40  }
0x33: {  	[tilespmem:s5], [sflag:$0x4] =	stream.linear.gather [hbm4b:s8+s5], $0x2800, $0x38;
	[tilespmem:$0x1E600] =	vst v63  }
0x34: {  	_ =	swait.ge [sflag:s12], $0x2800  }
0x35: {  	[sflag:s12] =	ssyncset.done $0x0  }
0x36: {  	[sflag:s12] =	ssyncadd.s32 $0xFFFFD800  }
0x37: {  	[bflag:$0x0] =	sbarrier.arrive $0xFFFF  }
0x38: {  	[tilespmem:s14], [sflag:$0x3] =	stream.linear.gather [hbm4b:s9+s5], $0x80, $0x38;
	[tilespmem:$0x1E600] =	vst v63  }
0x39: {  	_ = 	snop  }
0x3a: {  	[tilespmem:s16], [sflag:$0x1] =	stream.indirect.gather [spmem:s2], $0x40, s5, s15, $0xb8;
	[tilespmem:$0x1E600] =	vst v63  }
0x3b: {  	_ = 	snop  }
0x3c: {  	[tilespmem:s18], [sflag:$0x3] =	stream.linear.gather [hbm4b:s17+s5], $0x80, $0x38;
	[tilespmem:$0x1E600] =	vst v63  }
0x3d: {  	s31 =	smov.u32 s20;
	s0 =	simm.s32 $0x0  }
0x3e: {  	[tilespmem:s19], [sflag:$0x1] =	stream.indirect.gather [spmem:s2], $0x40, s15, s15, $0xb8;
	[tilespmem:$0x1E600] =	vst v63  }
.LBB2_2:
0x3f: {  	_ =	swait.ge [sflag:s21], $0x80  }
0x40: {  	[sflag:s21] =	ssyncset.done $0x0  }
0x41: {  	[sflag:s21] =	ssyncadd.s32 $0xFFFFFF80  }
0x42: {  	_ =	swait.ge [sflag:s22], $0x2000  }
0x43: {  	p0 =	seq.s32 s0, $0x0;
	[sflag:s22] =	ssyncset.done $0x0  }
0x44: {  	s1 =	simm.s32 @!p0 $0x2;
	[sflag:s22] =	ssyncadd.s32 $0xFFFFE000  }
0x45: {  	[spmem:s3] =	stream.indirect.scatter.add.f32 [tilespmem:s16], [sflag:$0x2], $0x40, s14, s15, $0xb8;
	[tilespmem:$0x1E600] =	vst v63  }
0x46: {  	_ =	swait.ge @!p0 [sflag:s1], $0x2000  }
0x47: {  	[sflag:s1] =	ssyncset.done @!p0 $0x0  }
0x48: {  	s4 =	sadd.s32 $0xFFFFFFD0, s31;
	[sflag:s1] =	ssyncadd.s32 @!p0 $0xFFFFE000  }
0x49: {  	[tilespmem:s23], [sflag:$0x3] =	stream.linear.gather [hbm4b:s4+s5], $0x80, $0x38;
	[tilespmem:$0x1E600] =	vst v63  }
0x4a: {  	s4 =	sshra.s32 s0, $0x2  }
0x4b: {  	s6 =	sadd.s32 $0x100, s4  }
0x4c: {  	[tilespmem:s25], [sflag:$0x1] =	stream.indirect.gather [spmem:s2], $0x40, s6, s15, $0xb8;
	[tilespmem:$0x1E600] =	vst v63  }
0x4d: {  	_ =	swait.ge [sflag:s21], $0x80  }
0x4e: {  	[sflag:s21] =	ssyncset.done $0x0  }
0x4f: {  	[sflag:s21] =	ssyncadd.s32 $0xFFFFFF80  }
0x50: {  	_ =	swait.ge [sflag:s22], $0x2000  }
0x51: {  	[sflag:s22] =	ssyncset.done $0x0  }
0x52: {  	[sflag:s22] =	ssyncadd.s32 $0xFFFFE000  }
0x53: {  	[spmem:s3] =	stream.indirect.scatter.add.f32 [tilespmem:s19], [sflag:$0x2], $0x40, s18, s15, $0xb8;
	[tilespmem:$0x1E600] =	vst v63  }
0x54: {  	_ =	swait.ge @!p0 [sflag:s1], $0x2000  }
0x55: {  	[sflag:s1] =	ssyncset.done @!p0 $0x0  }
0x56: {  	s6 =	sadd.s32 $0xFFFFFFE0, s31;
	[sflag:s1] =	ssyncadd.s32 @!p0 $0xFFFFE000  }
0x57: {  	[tilespmem:s26], [sflag:$0x3] =	stream.linear.gather [hbm4b:s6+s5], $0x80, $0x38;
	[tilespmem:$0x1E600] =	vst v63  }
0x58: {  	s6 =	sadd.s32 $0x180, s4  }
0x59: {  	[tilespmem:s28], [sflag:$0x1] =	stream.indirect.gather [spmem:s2], $0x40, s6, s15, $0xb8;
	[tilespmem:$0x1E600] =	vst v63  }
0x5a: {  	_ =	swait.ge [sflag:s21], $0x80  }
0x5b: {  	[sflag:s21] =	ssyncset.done $0x0  }
0x5c: {  	[sflag:s21] =	ssyncadd.s32 $0xFFFFFF80  }
0x5d: {  	_ =	swait.ge [sflag:s22], $0x2000  }
0x5e: {  	p0 =	seq.s32 s0, $0x9800;
	[sflag:s22] =	ssyncset.done $0x0  }
.Ltmp2:
0x5f: {  	[sflag:s22] =	ssyncadd.s32 $0xFFFFE000;
	(pc) =	sbr.rel @p0 .LBB2_4-.Ltmp2, $4  }
0x60: {  	[spmem:s3] =	stream.indirect.scatter.add.f32 [tilespmem:s25], [sflag:$0x2], $0x40, s23, s15, $0xb8;
	[tilespmem:$0x1E600] =	vst v63  }
0x61: {  	_ =	swait.ge [sflag:s29], $0x2000  }
0x62: {  	[sflag:s29] =	ssyncset.done $0x0  }
0x63: {  	[sflag:s29] =	ssyncadd.s32 $0xFFFFE000  }
0x64: {  	s1 =	sadd.s32 $0xFFFFFFF0, s31  }
0x65: {  	[tilespmem:s14], [sflag:$0x3] =	stream.linear.gather [hbm4b:s1+s5], $0x80, $0x38;
	[tilespmem:$0x1E600] =	vst v63  }
0x66: {  	s6 =	sadd.s32 $0x200, s4  }
0x67: {  	[tilespmem:s16], [sflag:$0x1] =	stream.indirect.gather [spmem:s2], $0x40, s6, s15, $0xb8;
	[tilespmem:$0x1E600] =	vst v63  }
0x68: {  	_ =	swait.ge [sflag:s21], $0x80  }
0x69: {  	[sflag:s21] =	ssyncset.done $0x0  }
0x6a: {  	[sflag:s21] =	ssyncadd.s32 $0xFFFFFF80  }
0x6b: {  	_ =	swait.ge [sflag:s22], $0x2000  }
0x6c: {  	[sflag:s22] =	ssyncset.done $0x0  }
0x6d: {  	[sflag:s22] =	ssyncadd.s32 $0xFFFFE000  }
0x6e: {  	[spmem:s3] =	stream.indirect.scatter.add.f32 [tilespmem:s28], [sflag:$0x2], $0x40, s26, s15, $0xb8;
	[tilespmem:$0x1E600] =	vst v63  }
0x6f: {  	_ =	swait.ge [sflag:s29], $0x2000  }
.Ltmp3:
0x70: {  	[sflag:s29] =	ssyncset.done $0x0;
	(pc) =	sbr.rel .LBB2_2-.Ltmp3, $4  }
0x71: {  	[sflag:s29] =	ssyncadd.s32 $0xFFFFE000  }
0x72: {  	[tilespmem:s18], [sflag:$0x3] =	stream.linear.gather [hbm4b:s31+s5], $0x80, $0x38;
	[tilespmem:$0x1E600] =	vst v63  }
0x73: {  	s0 =	sadd.s32 $0x800, s0;
	s6 =	sadd.s32 $0x280, s4;
	s31 =	sadd.s32 $0x40, s31  }
0x74: {  	[tilespmem:s19], [sflag:$0x1] =	stream.indirect.gather [spmem:s2], $0x40, s6, s15, $0xb8;
	[tilespmem:$0x1E600] =	vst v63  }
.LBB2_5:
0x75: {  	_ =	sfence.sel $0x180000  }
0x76: {  	[bflag:$0x0] =	sbarrier.arrive $0xFFFF  }
0x77: {  	_ =	strace $0x9000004A  }
0x78: {  	s0 =	stileid.u32;
	[bflag:$0x2] =	sbarrier.arrive $0xFFFF  }
0x79: {  	p0 =	sne.s32 s0, $0x0;
	s0 =	rddreg [dreg:$0x4]  }
0x7a: {  	s0 =	sadd.s32 @!p0 $0x100000, s0  }
0x7b: {  	[sflag:s0] =	ssyncadd.tile.s32 @!p0 $0x1;
	_ =	shalt  }
.Lfunc_end2:
_tile_overlayer_lowered:
.L_overlay_start_2:
0x7c: {  	(tag) =	ssettag $0x2  }
0x7d: {  	s0 =	rddreg [dreg:$0x0];
	s2 =	stileid.u32  }
0x7e: {  	s1 =	rddreg [dreg:$0x1];
	p0 =	sne.s32 s2, $0x0  }
0x7f: {  	s3 =	rddreg [dreg:$0x2];
	[bflag:$0x3] =	sbarrier.arrive $0xFFFF;
	s2 =	simm.s32 @!p0 $0x1C04  }
0x80: {  	[timem:s3], [sflag:s2] =	dma.local @!p0 [hbm:s0], s1  }
0x81: {  	s0 =	simm.s32 @!p0 $0x4  }
0x82: {  	_ =	swait.ge @!p0 [sflag:s0], s1  }
0x83: {  	s1 =	ssub.s32 @!p0 $0x0, s1;
	[sflag:s0] =	ssyncset.done @!p0 $0x0  }
0x84: {  	[sflag:s0] =	ssyncadd.s32 @!p0 s1  }
0x85: {  	[bflag:$0x3] =	sbarrier.arrive $0xFFFF  }
0x86: {  	_ =	shalt  }

// kernel: kernel.17.cloned.1.call-start
scs
__scs_entry_jumppad:
0x0: {  	(pc) =	sbr.rel $0x88, $3  }
0x1: {  	(tag) =	ssettag $0x0;
	lr =	simm.s32 $0x1  }
0x2: {  	[smem:$0x3F99] =	sst lr;
	_ =	strace $0xD0000000  }
0x3: {  	_ = 	snop  }
0x4: {  	_ = 	snop  }
0x5: {  	_ = 	snop  }
0x6: {  	_ = 	snop  }
0x7: {  	_ = 	snop  }
__scs_overlays_trampoline_lowered:
0x8: {  	[smem:$0x3FA8] =	sst s0  }
0x9: {  	[smem:$0x3FA9] =	sst s1  }
0xa: {  	[smem:$0x3FAA] =	sst s2  }
0xb: {  	[smem:$0x3FAB] =	sst s3  }
0xc: {  	[smem:$0x3FAC] =	sst s4  }
0xd: {  	[smem:$0x3FAD] =	sst s5  }
0xe: {  	[smem:$0x3FAE] =	sst s6  }
0xf: {  	[smem:$0x3FAF] =	sst s7  }
0x10: {  	[smem:$0x3FB0] =	sst s8  }
0x11: {  	[smem:$0x3FB1] =	sst s9;
	s0 =	simm.s32 @!p0 $0x0  }
0x12: {  	s1 =	sld [smem:$0x3F97];
	s0 =	simm.s32 @p0 $0x1  }
0x13: {  	[smem:$0x3FB2] =	sst s0;
	s0 =	simm.s32 @!p1 $0x0  }
0x14: {  	s2 =	sld [smem:$0x3F96];
	s0 =	simm.s32 @p1 $0x1  }
0x15: {  	[smem:$0x3FB3] =	sst s0;
	s0 =	simm.s32 @!p2 $0x0  }
0x16: {  	s3 =	sld [smem:$0x3FDB];
	s0 =	simm.s32 @p2 $0x1  }
0x17: {  	s4 =	simm.s32 $0x1BF5;
	[smem:$0x3FB5] =	sst s0  }
0x18: {  	s0 =	sld [smem:$0x3F98];
	_ =	swait.ge [sflag:s4], $0x0  }
0x19: {  	s7 =	sld [smem:$0x3F99]  }
0x1a: {  	s8 =	sadd.s32 $0xFFFFE003, lr  }
0x1b: {  	s9 =	sadd.s32 $0xFFFFFEF7, lr;
	s5 =	simm.s32 $0xFFFFFFFF;
	p2 =	slt.u32 s8, $0xFFFFF086  }
0x1c: {  	p1 =	slt.u32 s9, $0xF7A;
	s5 =	simm.s32 @!p2 $0x0  }
0x1d: {  	s5 =	simm.s32 @p1 $0x1;
	p0 =	seq.s32 s7, s2  }
0x1e: {  	s7 =	smul.u32 @!p0 $0xF7A, s2;
	p2 =	seq.s32 @!p0 s5, $0x0  }
0x1f: {  	s9 =	smul.u32 $0xF7A, s1;
	s8 =	simm.s32 @!p0 $0x1BF5;
	p2 =	por !p2, p0  }
0x20: {  	[sflag:s8] =	ssyncset.s32 @!p0 $0xFFFFF086;
	s6 =	sadd.s32 @!p0 s3, s7;
	s7 =	simm.s32 @!p0 $0x108  }
0x21: {  	s3 =	sadd.s32 s3, s9;
	s6 =	sadd.s32 @!p0 $0x88, s6;
	s7 =	simm.s32 @p2 $0x1082  }
0x22: {  	[simem:s7], [sflag:s8] =	dma.local @!p0 [hbm:s6], $0xF7A  }
0x23: {  	s9 =	sor.u32 $0xD0000000, s2;
	s6 =	simm.s32 $0x108;
	_ =	swait.ge @!p0 [sflag:s8], $0x0  }
0x24: {  	s3 =	sadd.s32 $0x88, s3;
	s6 =	simm.s32 @!p1 $0x1082;
	[sflag:s4] =	ssyncset.s32 $0xFFFFF086  }
0x25: {  	[simem:s6], [sflag:s4] =	dma.local [hbm:s3], $0xF7A  }
0x26: {  	[smem:$0x3F99] =	sst s1;
	(tag) =	ssettag s2;
	_ =	strace s9  }
0x27: {  	s1 =	sld [smem:$0x3FA9]  }
0x28: {  	s2 =	sld [smem:$0x3FAA]  }
0x29: {  	s4 =	sld [smem:$0x3FAC]  }
0x2a: {  	p0 =	seq.s32 s5, $0x0;
	s5 =	sld [smem:$0x3FAD]  }
0x2b: {  	s6 =	sld [smem:$0x3FAE]  }
0x2c: {  	s7 =	sld [smem:$0x3FAF]  }
0x2d: {  	s3 =	simm.s32 $0x108;
	s8 =	sld [smem:$0x3FB0]  }
0x2e: {  	s3 =	simm.s32 @!p0 $0x1082;
	s9 =	sld [smem:$0x3FB1]  }
0x2f: {  	lr =	sadd.s32 s0, s3;
	s0 =	sld [smem:$0x3FA8]  }
0x30: {  	s3 =	sld [smem:$0x3FAB]  }
0x31: {  	[smem:$0x3FB4] =	sst s10  }
0x32: {  	s10 =	sld [smem:$0x3FB2];
	_ =	sdelay $0x3  }
0x33: {  	p0 =	seq.s32 s10, $0x1;
	s10 =	sld [smem:$0x3FB4];
	_ =	sdelay $0x3  }
0x34: {  	[smem:$0x3FB4] =	sst s10  }
0x35: {  	s10 =	sld [smem:$0x3FB3];
	_ =	sdelay $0x3  }
0x36: {  	p1 =	seq.s32 s10, $0x1;
	s10 =	sld [smem:$0x3FB4];
	_ =	sdelay $0x3  }
0x37: {  	[smem:$0x3FB4] =	sst s10  }
0x38: {  	s10 =	sld [smem:$0x3FB5]  }
0x39: {  	_ = 	snop;
	(pc) =	sbr.ind lr, $3  }
0x3a: {  	_ = 	snop  }
0x3b: {  	_ = 	snop  }
0x3c: {  	p2 =	seq.s32 s10, $0x1;
	s10 =	sld [smem:$0x3FB4]  }
0x3d: {  	_ =	shalt  }
0x3e: {  	_ =	shalt  }
0x3f: {  	_ =	shalt  }
0x40: {  	_ =	shalt  }
0x41: {  	_ =	shalt  }
0x42: {  	_ =	shalt  }
0x43: {  	_ =	shalt  }
0x44: {  	_ =	shalt  }
0x45: {  	_ =	shalt  }
0x46: {  	_ =	shalt  }
0x47: {  	_ =	shalt  }
0x48: {  	_ =	shalt  }
0x49: {  	_ =	shalt  }
0x4a: {  	_ =	shalt  }
0x4b: {  	_ =	shalt  }
0x4c: {  	_ =	shalt  }
0x4d: {  	_ =	shalt  }
0x4e: {  	_ =	shalt  }
0x4f: {  	_ =	shalt  }
0x50: {  	_ =	shalt  }
0x51: {  	_ =	shalt  }
0x52: {  	_ =	shalt  }
0x53: {  	_ =	shalt  }
0x54: {  	_ =	shalt  }
0x55: {  	_ =	shalt  }
0x56: {  	_ =	shalt  }
0x57: {  	_ =	shalt  }
0x58: {  	_ =	shalt  }
0x59: {  	_ =	shalt  }
0x5a: {  	_ =	shalt  }
0x5b: {  	_ =	shalt  }
0x5c: {  	_ =	shalt  }
0x5d: {  	_ =	shalt  }
0x5e: {  	_ =	shalt  }
0x5f: {  	_ =	shalt  }
0x60: {  	_ =	shalt  }
0x61: {  	_ =	shalt  }
0x62: {  	_ =	shalt  }
0x63: {  	_ =	shalt  }
0x64: {  	_ =	shalt  }
0x65: {  	_ =	shalt  }
0x66: {  	_ =	shalt  }
0x67: {  	_ =	shalt  }
0x68: {  	_ =	shalt  }
0x69: {  	_ =	shalt  }
0x6a: {  	_ =	shalt  }
0x6b: {  	_ =	shalt  }
0x6c: {  	_ =	shalt  }
0x6d: {  	_ =	shalt  }
0x6e: {  	_ =	shalt  }
0x6f: {  	_ =	shalt  }
0x70: {  	_ =	shalt  }
0x71: {  	_ =	shalt  }
0x72: {  	_ =	shalt  }
0x73: {  	_ =	shalt  }
0x74: {  	_ =	shalt  }
0x75: {  	_ =	shalt  }
0x76: {  	_ =	shalt  }
0x77: {  	_ =	shalt  }
0x78: {  	_ =	shalt  }
0x79: {  	_ =	shalt  }
0x7a: {  	_ =	shalt  }
0x7b: {  	_ =	shalt  }
0x7c: {  	_ =	shalt  }
0x7d: {  	_ =	shalt  }
0x7e: {  	_ =	shalt  }
0x7f: {  	_ =	shalt  }
0x80: {  	_ =	shalt  }
0x81: {  	_ =	shalt  }
0x82: {  	_ =	shalt  }
0x83: {  	_ =	shalt  }
0x84: {  	_ =	shalt  }
0x85: {  	_ =	shalt  }
0x86: {  	_ =	shalt  }
0x87: {  	_ =	shalt  }
.Lfunc_end0:
.L_simem_size_0:
called_computation.2_lowered:
.L_overlay_start_0:
0x88: {  	s2 =	sld [smem:$0x3FD9]  }
0x89: {  	s3 =	sld [smem:$0x3FFE];
	_ =	sdelay $0x1  }
0x8a: {  	s1 =	srdreg.scid  }
0x8b: {  	s0 =	sand.u32 $0x1, s1  }
0x8c: {  	s17 =	sshll.u32 s0, $0xA;
	s2 =	sadd.s32 s3, s2  }
0x8d: {  	s2 =	sadd.s32 s2, s17  }
0x8e: {  	[smem:$0x3FC0] =	sst s2  }
0x8f: {  	_ = 	snop  }
0x90: {  	s2 =	sld [smem:$0x3FD0];
	(tm) =	ssettm $0x1  }
0x91: {  	s18 =	sld [smem:$0x3FFB];
	_ =	sdelay $0x3  }
0x92: {  	_ =	strace s18  }
0x93: {  	s3 =	sld [smem:$0x3FFC];
	_ =	sdelay $0x3  }
0x94: {  	_ =	strace s3  }
0x95: {  	s3 =	sld [smem:$0x3FFD];
	_ =	sdelay $0x3  }
0x96: {  	_ =	strace s3  }
0x97: {  	_ =	strace $0x8FFFFFFF  }
0x98: {  	s19 =	sld [smem:$0x3FDB];
	_ =	sdelay $0x1  }
0x99: {  	s4 =	simm.s32 $_scs_section_size  }
0x9a: {  	s5 =	simm.s32 $_size__tile_overlayer_lowered;
	s6 =	simm.s32 $_tile_overlayer_lowered  }
0x9b: {  	s22 =	simm.s32 $0x1BFF;
	s21 =	sshll.u32 s6, $0x1;
	s3 =	sadd.s32 s4, s19  }
0x9c: {  	s7 =	simm.s32 $0x0;
	s20 =	sshll.u32 s5, $0x1;
	s5 =	sadd.s32 s21, s3  }
0x9d: {  	[timem:s7], [sflag:s22] =	dma.local [hbm:s5], s20  }
0x9e: {  	_ =	swait.ge [sflag:s22], s20  }
0x9f: {  	s4 =	ssub.s32 $0x0, s20;
	[sflag:s22] =	ssyncset.done $0x0  }
0xa0: {  	[sflag:s22] =	ssyncadd.s32 s4;
	_ =	sdelay $0x1  }
0xa1: {  	s23 =	simm.s32 $0x1B8B  }
0xa2: {  	_ =	swait.ge [sflag:s23], $0x1  }
0xa3: {  	[sflag:s23] =	ssyncset.done $0x0  }
0xa4: {  	s25 =	simm.s32 $0x1B8E;
	s24 =	sld [smem:$0x3FFE];
	[sflag:s23] =	ssyncadd.s32 $0xFFFFFFFF  }
0xa5: {  	s26 =	simm.s32 $execute0_lowered;
	[smem:$0x3FD2] =	sst s25  }
0xa6: {  	s5 =	sshll.u32 s26, $0x1;
	_ =	strace $0x8000004C;
	[dreg:$0x1] =	wrdreg $0xFFFFFFFF  }
0xa7: {  	s28 =	simm.s32 $_size_execute0_lowered;
	s3 =	sadd.s32 s3, s5;
	[dreg:$0x0] =	wrdreg $0x0  }
0xa8: {  	s5 =	sshll.u32 s28, $0x1;
	[dreg:$0x2] =	wrdreg s3  }
0xa9: {  	[dreg:$0x3] =	wrdreg s5  }
0xaa: {  	[dreg:$0x4] =	wrdreg $0xC0  }
0xab: {  	_ =	task [dreg:s7], $0x5FFFF  }
0xac: {  	[dreg:$0x1] =	wrdreg $0xFFFFFFFF  }
0xad: {  	[dreg:$0x0] =	wrdreg $0x60  }
0xae: {  	[dreg:$0x2] =	wrdreg s24  }
0xaf: {  	[dreg:$0x3] =	wrdreg s2  }
0xb0: {  	[dreg:$0x4] =	wrdreg $0xAA000  }
0xb1: {  	[dreg:$0x5] =	wrdreg $0x148000  }
0xb2: {  	[dreg:$0x6] =	wrdreg $0x9  }
0xb3: {  	_ =	task.clear_ibuf [dreg:s7], $0x7FFFF;
	_ =	strace $0x9000004C  }
0xb4: {  	s29 =	simm.s32 $0x9;
	_ =	strace $0x8000004E  }
0xb5: {  	_ =	swait.ge [sflag:s29], $0x1  }
0xb6: {  	[sflag:s29] =	ssyncadd.s32 $0xFFFFFFFF  }
0xb7: {  	_ =	strace $0x9000004E  }
0xb8: {  	_ =	sfence  }
0xb9: {  	s30 =	sld [smem:$0x0];
	_ =	sdelay $0x2  }
0xba: {  	s31 =	sshll.u32 s1, $0xD;
	s1 =	sshrl.u32 s1, $0x2  }
0xbb: {  	s3 =	sand.u32 $0x4000, s31;
	s1 =	sadd.s32 s1, s30  }
0xbc: {  	s0 =	sor.u32 s3, s0;
	s1 =	sshll.u32 s1, $0x11  }
0xbd: {  	s0 =	sor.u32 s1, s0  }
0xbe: {  	s0 =	sadd.s32 $0x8F2B, s0  }
0xbf: {  	[sflag:s0] =	ssyncadd.remote.s32 $0x1  }
0xc0: {  	_ =	sfence.sel $0xFFFF  }
0xc1: {  	[dreg:$0x0] =	wrdreg $0xFFFFFFFF;
	(pc) =	sbr.abs _section_cstart, $3  }
0xc2: {  	[dreg:$0x1] =	wrdreg $0xFFFFFFFF  }
0xc3: {  	_ =	task.clear_ibuf [dreg:s7], $0x2FFFF;
	_ =	strace $0x9FFFFFFF  }
0xc4: {  	(tm) =	ssettm $0x7FFFFFFF  }
0xc5: {  	_ =	shalt  }
tec
execute0_lowered:
.L_overlay_start_1:
0x0: {  	(tag) =	ssettag $0x1  }
0x1: {  	s0 =	rddreg [dreg:$0x0]  }
0x2: {  	s2 =	rddreg [dreg:$0x2]  }
0x3: {  	s3 =	rddreg [dreg:$0x3]  }
0x4: {  	s4 =	srdreg.scid;
	s5 =	simm.s32 $0x0;
	s1 =	stileid.u32  }
0x5: {  	s12 =	simm.s32 $0x4;
	s14 =	simm.s32 $0x2800;
	s15 =	simm.s32 $0x80  }
0x6: {  	s16 =	simm.s32 $0x2A00;
	s18 =	simm.s32 $0x2880;
	s19 =	simm.s32 $0x4A00  }
0x7: {  	s21 =	simm.s32 $0x3;
	s22 =	simm.s32 $0x1;
	s23 =	simm.s32 $0x2900  }
0x8: {  	s28 =	simm.s32 $0x8A00;
	s29 =	simm.s32 $0x2;
	s30 =	simm.s32 $0x0  }
0x9: {  	s4 =	sand.u32 $0x1, s4;
	[smem:$0x7FF] =	sst s5;
	s8 =	smul.u32 $0x9E00, s1  }
0xa: {  	s26 =	sshll.u32 s1, $0x6;
	s6 =	sshll.u32 s4, $0x4;
	_ =	strace $0x8000004D  }
0xb: {  	s7 =	smul.u32 $0x13C00, s4;
	s4 =	ssub.s32 $0x2, s4;
	s6 =	sor.u32 s1, s6  }
0xc: {  	s24 =	sshrl.u32 s8, $0x3;
	s25 =	sshrl.u32 s4, $0x1;
	s11 =	sadd.s32 s8, s2  }
0xd: {  	s13 =	sadd.s32 s8, s3;
	s6 =	smul.u32 $0x500, s6;
	s9 =	sadd.s32 s24, s0  }
0xe: {  	s4 =	ssub.s32 s4, s25;
	s11 =	sshrl.u32 s11, $0x3;
	s13 =	sshrl.u32 s13, $0x3  }
.Ltmp0:
0xf: {  	s25 =	simm.s32 $0x6A00;
	s31 =	sadd.s32 $0x1B400, s9;
	(pc) =	sbr.rel .LBB2_1-.Ltmp0, $4  }
0x10: {  	s10 =	sadd.s32 s6, s0;
	s0 =	sadd.s32 s7, s0;
	[dreg:$0x5] =	wrdreg s31  }
0x11: {  	s7 =	sor.u32 $0x1C04, s26;
	s26 =	simm.s32 $0x2980;
	s8 =	sadd.s32 $0x11400, s10  }
0x12: {  	s9 =	sadd.s32 $0x2200, s10;
	s0 =	sadd.s32 $0x2F000, s0;
	s10 =	smax.u32 s4, $0x1  }
0x13: {  	s17 =	sadd.s32 $0x10, s9;
	s20 =	sadd.s32 $0x50, s9;
	s24 =	sadd.s32 s24, s0  }
.LBB2_4:
0x14: {  	_ =	swait.ge [sflag:s21], $0x80  }
0x15: {  	[sflag:s21] =	ssyncset.done $0x0  }
0x16: {  	[sflag:s21] =	ssyncadd.s32 $0xFFFFFF80  }
0x17: {  	_ =	swait.ge [sflag:s22], $0x2000  }
0x18: {  	[sflag:s22] =	ssyncset.done $0x0  }
0x19: {  	[sflag:s22] =	ssyncadd.s32 $0xFFFFE000  }
0x1a: {  	[spmem:s3] =	stream.indirect.scatter.add.f32 [tilespmem:s28], [sflag:$0x2], $0x40, s26, s15, $0xb8;
	[tilespmem:$0x1E600] =	vst v63  }
0x1b: {  	_ =	swait.ge [sflag:s29], $0x2000  }
0x1c: {  	[sflag:s29] =	ssyncset.done $0x0  }
0x1d: {  	[sflag:s29] =	ssyncadd.s32 $0xFFFFE000  }
0x1e: {  	_ =	swait.ge [sflag:s29], $0x2000  }
0x1f: {  	[sflag:s29] =	ssyncset.done $0x0  }
0x20: {  	[sflag:s29] =	ssyncadd.s32 $0xFFFFE000  }
0x21: {  	_ =	swait.ge [sflag:s29], $0x2000  }
0x22: {  	s30 =	sadd.s32 $0x1, s30;
	[sflag:s29] =	ssyncset.done $0x0  }
0x23: {  	p0 =	sne.s32 s30, s10;
	[sflag:s29] =	ssyncadd.s32 $0xFFFFE000  }
.Ltmp1:
0x24: {  	[bflag:$0x0] =	sbarrier.arrive $0xFFFF;
	(pc) =	sbr.rel @!p0 .LBB2_5-.Ltmp1, $4  }
0x25: {  	[hbm:s24], [sflag:s7] =	dma.local [spmem:s13], $0x13C0  }
0x26: {  	_ =	swait.ge [sflag:s12], $0x13C0  }
0x27: {  	[sflag:s12] =	ssyncset.done $0x0  }
0x28: {  	[sflag:s12] =	ssyncadd.s32 $0xFFFFEC40  }
.LBB2_1:
0x29: {  	s0 =	rddreg [dreg:$0x5]  }
0x2a: {  	[spmem:s11], [sflag:s7] =	dma.local [hbm:s0], $0x13C0  }
0x2b: {  	_ =	swait.ge [sflag:s12], $0x13C0  }
0x2c: {  	[sflag:s12] =	ssyncset.done $0x0  }
0x2d: {  	[sflag:s12] =	ssyncadd.s32 $0xFFFFEC40  }
0x2e: {  	s6 =	rddreg [dreg:$0x1]  }
0x2f: {  	[spmem:s13], [sflag:s7] =	dma.local [hbm:s6], $0x13C0  }
0x30: {  	_ =	swait.ge [sflag:s12], $0x13C0  }
0x31: {  	[sflag:s12] =	ssyncset.done $0x0  }
0x32: {  	[sflag:s12] =	ssyncadd.s32 $0xFFFFEC40  }
0x33: {  	[tilespmem:s5], [sflag:$0x4] =	stream.linear.gather [hbm4b:s8+s5], $0x2800, $0x38;
	[tilespmem:$0x1E600] =	vst v63  }
0x34: {  	_ =	swait.ge [sflag:s12], $0x2800  }
0x35: {  	[sflag:s12] =	ssyncset.done $0x0  }
0x36: {  	[sflag:s12] =	ssyncadd.s32 $0xFFFFD800  }
0x37: {  	[bflag:$0x0] =	sbarrier.arrive $0xFFFF  }
0x38: {  	[tilespmem:s14], [sflag:$0x3] =	stream.linear.gather [hbm4b:s9+s5], $0x80, $0x38;
	[tilespmem:$0x1E600] =	vst v63  }
0x39: {  	_ = 	snop  }
0x3a: {  	[tilespmem:s16], [sflag:$0x1] =	stream.indirect.gather [spmem:s2], $0x40, s5, s15, $0xb8;
	[tilespmem:$0x1E600] =	vst v63  }
0x3b: {  	_ = 	snop  }
0x3c: {  	[tilespmem:s18], [sflag:$0x3] =	stream.linear.gather [hbm4b:s17+s5], $0x80, $0x38;
	[tilespmem:$0x1E600] =	vst v63  }
0x3d: {  	s31 =	smov.u32 s20;
	s0 =	simm.s32 $0x0  }
0x3e: {  	[tilespmem:s19], [sflag:$0x1] =	stream.indirect.gather [spmem:s2], $0x40, s15, s15, $0xb8;
	[tilespmem:$0x1E600] =	vst v63  }
.LBB2_2:
0x3f: {  	_ =	swait.ge [sflag:s21], $0x80  }
0x40: {  	[sflag:s21] =	ssyncset.done $0x0  }
0x41: {  	[sflag:s21] =	ssyncadd.s32 $0xFFFFFF80  }
0x42: {  	_ =	swait.ge [sflag:s22], $0x2000  }
0x43: {  	p0 =	seq.s32 s0, $0x0;
	[sflag:s22] =	ssyncset.done $0x0  }
0x44: {  	s1 =	simm.s32 @!p0 $0x2;
	[sflag:s22] =	ssyncadd.s32 $0xFFFFE000  }
0x45: {  	[spmem:s3] =	stream.indirect.scatter.add.f32 [tilespmem:s16], [sflag:$0x2], $0x40, s14, s15, $0xb8;
	[tilespmem:$0x1E600] =	vst v63  }
0x46: {  	_ =	swait.ge @!p0 [sflag:s1], $0x2000  }
0x47: {  	[sflag:s1] =	ssyncset.done @!p0 $0x0  }
0x48: {  	s4 =	sadd.s32 $0xFFFFFFD0, s31;
	[sflag:s1] =	ssyncadd.s32 @!p0 $0xFFFFE000  }
0x49: {  	[tilespmem:s23], [sflag:$0x3] =	stream.linear.gather [hbm4b:s4+s5], $0x80, $0x38;
	[tilespmem:$0x1E600] =	vst v63  }
0x4a: {  	s4 =	sshra.s32 s0, $0x2  }
0x4b: {  	s6 =	sadd.s32 $0x100, s4  }
0x4c: {  	[tilespmem:s25], [sflag:$0x1] =	stream.indirect.gather [spmem:s2], $0x40, s6, s15, $0xb8;
	[tilespmem:$0x1E600] =	vst v63  }
0x4d: {  	_ =	swait.ge [sflag:s21], $0x80  }
0x4e: {  	[sflag:s21] =	ssyncset.done $0x0  }
0x4f: {  	[sflag:s21] =	ssyncadd.s32 $0xFFFFFF80  }
0x50: {  	_ =	swait.ge [sflag:s22], $0x2000  }
0x51: {  	[sflag:s22] =	ssyncset.done $0x0  }
0x52: {  	[sflag:s22] =	ssyncadd.s32 $0xFFFFE000  }
0x53: {  	[spmem:s3] =	stream.indirect.scatter.add.f32 [tilespmem:s19], [sflag:$0x2], $0x40, s18, s15, $0xb8;
	[tilespmem:$0x1E600] =	vst v63  }
0x54: {  	_ =	swait.ge @!p0 [sflag:s1], $0x2000  }
0x55: {  	[sflag:s1] =	ssyncset.done @!p0 $0x0  }
0x56: {  	s6 =	sadd.s32 $0xFFFFFFE0, s31;
	[sflag:s1] =	ssyncadd.s32 @!p0 $0xFFFFE000  }
0x57: {  	[tilespmem:s26], [sflag:$0x3] =	stream.linear.gather [hbm4b:s6+s5], $0x80, $0x38;
	[tilespmem:$0x1E600] =	vst v63  }
0x58: {  	s6 =	sadd.s32 $0x180, s4  }
0x59: {  	[tilespmem:s28], [sflag:$0x1] =	stream.indirect.gather [spmem:s2], $0x40, s6, s15, $0xb8;
	[tilespmem:$0x1E600] =	vst v63  }
0x5a: {  	_ =	swait.ge [sflag:s21], $0x80  }
0x5b: {  	[sflag:s21] =	ssyncset.done $0x0  }
0x5c: {  	[sflag:s21] =	ssyncadd.s32 $0xFFFFFF80  }
0x5d: {  	_ =	swait.ge [sflag:s22], $0x2000  }
0x5e: {  	p0 =	seq.s32 s0, $0x9800;
	[sflag:s22] =	ssyncset.done $0x0  }
.Ltmp2:
0x5f: {  	[sflag:s22] =	ssyncadd.s32 $0xFFFFE000;
	(pc) =	sbr.rel @p0 .LBB2_4-.Ltmp2, $4  }
0x60: {  	[spmem:s3] =	stream.indirect.scatter.add.f32 [tilespmem:s25], [sflag:$0x2], $0x40, s23, s15, $0xb8;
	[tilespmem:$0x1E600] =	vst v63  }
0x61: {  	_ =	swait.ge [sflag:s29], $0x2000  }
0x62: {  	[sflag:s29] =	ssyncset.done $0x0  }
0x63: {  	[sflag:s29] =	ssyncadd.s32 $0xFFFFE000  }
0x64: {  	s1 =	sadd.s32 $0xFFFFFFF0, s31  }
0x65: {  	[tilespmem:s14], [sflag:$0x3] =	stream.linear.gather [hbm4b:s1+s5], $0x80, $0x38;
	[tilespmem:$0x1E600] =	vst v63  }
0x66: {  	s6 =	sadd.s32 $0x200, s4  }
0x67: {  	[tilespmem:s16], [sflag:$0x1] =	stream.indirect.gather [spmem:s2], $0x40, s6, s15, $0xb8;
	[tilespmem:$0x1E600] =	vst v63  }
0x68: {  	_ =	swait.ge [sflag:s21], $0x80  }
0x69: {  	[sflag:s21] =	ssyncset.done $0x0  }
0x6a: {  	[sflag:s21] =	ssyncadd.s32 $0xFFFFFF80  }
0x6b: {  	_ =	swait.ge [sflag:s22], $0x2000  }
0x6c: {  	[sflag:s22] =	ssyncset.done $0x0  }
0x6d: {  	[sflag:s22] =	ssyncadd.s32 $0xFFFFE000  }
0x6e: {  	[spmem:s3] =	stream.indirect.scatter.add.f32 [tilespmem:s28], [sflag:$0x2], $0x40, s26, s15, $0xb8;
	[tilespmem:$0x1E600] =	vst v63  }
0x6f: {  	_ =	swait.ge [sflag:s29], $0x2000  }
.Ltmp3:
0x70: {  	[sflag:s29] =	ssyncset.done $0x0;
	(pc) =	sbr.rel .LBB2_2-.Ltmp3, $4  }
0x71: {  	[sflag:s29] =	ssyncadd.s32 $0xFFFFE000  }
0x72: {  	[tilespmem:s18], [sflag:$0x3] =	stream.linear.gather [hbm4b:s31+s5], $0x80, $0x38;
	[tilespmem:$0x1E600] =	vst v63  }
0x73: {  	s0 =	sadd.s32 $0x800, s0;
	s6 =	sadd.s32 $0x280, s4;
	s31 =	sadd.s32 $0x40, s31  }
0x74: {  	[tilespmem:s19], [sflag:$0x1] =	stream.indirect.gather [spmem:s2], $0x40, s6, s15, $0xb8;
	[tilespmem:$0x1E600] =	vst v63  }
.LBB2_5:
0x75: {  	_ =	sfence.sel $0x180000  }
0x76: {  	[bflag:$0x0] =	sbarrier.arrive $0xFFFF  }
0x77: {  	_ =	strace $0x9000004D  }
0x78: {  	s0 =	stileid.u32;
	[bflag:$0x2] =	sbarrier.arrive $0xFFFF  }
0x79: {  	p0 =	sne.s32 s0, $0x0;
	s0 =	rddreg [dreg:$0x4]  }
0x7a: {  	s0 =	sadd.s32 @!p0 $0x100000, s0  }
0x7b: {  	[sflag:s0] =	ssyncadd.tile.s32 @!p0 $0x1;
	_ =	shalt  }
.Lfunc_end2:
_tile_overlayer_lowered:
.L_overlay_start_2:
0x7c: {  	(tag) =	ssettag $0x2  }
0x7d: {  	s0 =	rddreg [dreg:$0x0];
	s2 =	stileid.u32  }
0x7e: {  	s1 =	rddreg [dreg:$0x1];
	p0 =	sne.s32 s2, $0x0  }
0x7f: {  	s3 =	rddreg [dreg:$0x2];
	[bflag:$0x3] =	sbarrier.arrive $0xFFFF;
	s2 =	simm.s32 @!p0 $0x1C04  }
0x80: {  	[timem:s3], [sflag:s2] =	dma.local @!p0 [hbm:s0], s1  }
0x81: {  	s0 =	simm.s32 @!p0 $0x4  }
0x82: {  	_ =	swait.ge @!p0 [sflag:s0], s1  }
0x83: {  	s1 =	ssub.s32 @!p0 $0x0, s1;
	[sflag:s0] =	ssyncset.done @!p0 $0x0  }
0x84: {  	[sflag:s0] =	ssyncadd.s32 @!p0 s1  }
0x85: {  	[bflag:$0x3] =	sbarrier.arrive $0xFFFF  }
0x86: {  	_ =	shalt  }

// kernel: kernel.20.cloned.1.call-start
scs
__scs_entry_jumppad:
0x0: {  	(pc) =	sbr.rel $0x88, $3  }
0x1: {  	(tag) =	ssettag $0x0;
	lr =	simm.s32 $0x1  }
0x2: {  	[smem:$0x3F99] =	sst lr;
	_ =	strace $0xD0000000  }
0x3: {  	_ = 	snop  }
0x4: {  	_ = 	snop  }
0x5: {  	_ = 	snop  }
0x6: {  	_ = 	snop  }
0x7: {  	_ = 	snop  }
__scs_overlays_trampoline_lowered:
0x8: {  	[smem:$0x3FA8] =	sst s0  }
0x9: {  	[smem:$0x3FA9] =	sst s1  }
0xa: {  	[smem:$0x3FAA] =	sst s2  }
0xb: {  	[smem:$0x3FAB] =	sst s3  }
0xc: {  	[smem:$0x3FAC] =	sst s4  }
0xd: {  	[smem:$0x3FAD] =	sst s5  }
0xe: {  	[smem:$0x3FAE] =	sst s6  }
0xf: {  	[smem:$0x3FAF] =	sst s7  }
0x10: {  	[smem:$0x3FB0] =	sst s8  }
0x11: {  	[smem:$0x3FB1] =	sst s9;
	s0 =	simm.s32 @!p0 $0x0  }
0x12: {  	s1 =	sld [smem:$0x3F97];
	s0 =	simm.s32 @p0 $0x1  }
0x13: {  	[smem:$0x3FB2] =	sst s0;
	s0 =	simm.s32 @!p1 $0x0  }
0x14: {  	s2 =	sld [smem:$0x3F96];
	s0 =	simm.s32 @p1 $0x1  }
0x15: {  	[smem:$0x3FB3] =	sst s0;
	s0 =	simm.s32 @!p2 $0x0  }
0x16: {  	s3 =	sld [smem:$0x3FDB];
	s0 =	simm.s32 @p2 $0x1  }
0x17: {  	s4 =	simm.s32 $0x1BF5;
	[smem:$0x3FB5] =	sst s0  }
0x18: {  	s0 =	sld [smem:$0x3F98];
	_ =	swait.ge [sflag:s4], $0x0  }
0x19: {  	s7 =	sld [smem:$0x3F99]  }
0x1a: {  	s8 =	sadd.s32 $0xFFFFE003, lr  }
0x1b: {  	s9 =	sadd.s32 $0xFFFFFEF7, lr;
	s5 =	simm.s32 $0xFFFFFFFF;
	p2 =	slt.u32 s8, $0xFFFFF086  }
0x1c: {  	p1 =	slt.u32 s9, $0xF7A;
	s5 =	simm.s32 @!p2 $0x0  }
0x1d: {  	s5 =	simm.s32 @p1 $0x1;
	p0 =	seq.s32 s7, s2  }
0x1e: {  	s7 =	smul.u32 @!p0 $0xF7A, s2;
	p2 =	seq.s32 @!p0 s5, $0x0  }
0x1f: {  	s9 =	smul.u32 $0xF7A, s1;
	s8 =	simm.s32 @!p0 $0x1BF5;
	p2 =	por !p2, p0  }
0x20: {  	[sflag:s8] =	ssyncset.s32 @!p0 $0xFFFFF086;
	s6 =	sadd.s32 @!p0 s3, s7;
	s7 =	simm.s32 @!p0 $0x108  }
0x21: {  	s3 =	sadd.s32 s3, s9;
	s6 =	sadd.s32 @!p0 $0x88, s6;
	s7 =	simm.s32 @p2 $0x1082  }
0x22: {  	[simem:s7], [sflag:s8] =	dma.local @!p0 [hbm:s6], $0xF7A  }
0x23: {  	s9 =	sor.u32 $0xD0000000, s2;
	s6 =	simm.s32 $0x108;
	_ =	swait.ge @!p0 [sflag:s8], $0x0  }
0x24: {  	s3 =	sadd.s32 $0x88, s3;
	s6 =	simm.s32 @!p1 $0x1082;
	[sflag:s4] =	ssyncset.s32 $0xFFFFF086  }
0x25: {  	[simem:s6], [sflag:s4] =	dma.local [hbm:s3], $0xF7A  }
0x26: {  	[smem:$0x3F99] =	sst s1;
	(tag) =	ssettag s2;
	_ =	strace s9  }
0x27: {  	s1 =	sld [smem:$0x3FA9]  }
0x28: {  	s2 =	sld [smem:$0x3FAA]  }
0x29: {  	s4 =	sld [smem:$0x3FAC]  }
0x2a: {  	p0 =	seq.s32 s5, $0x0;
	s5 =	sld [smem:$0x3FAD]  }
0x2b: {  	s6 =	sld [smem:$0x3FAE]  }
0x2c: {  	s7 =	sld [smem:$0x3FAF]  }
0x2d: {  	s3 =	simm.s32 $0x108;
	s8 =	sld [smem:$0x3FB0]  }
0x2e: {  	s3 =	simm.s32 @!p0 $0x1082;
	s9 =	sld [smem:$0x3FB1]  }
0x2f: {  	lr =	sadd.s32 s0, s3;
	s0 =	sld [smem:$0x3FA8]  }
0x30: {  	s3 =	sld [smem:$0x3FAB]  }
0x31: {  	[smem:$0x3FB4] =	sst s10  }
0x32: {  	s10 =	sld [smem:$0x3FB2];
	_ =	sdelay $0x3  }
0x33: {  	p0 =	seq.s32 s10, $0x1;
	s10 =	sld [smem:$0x3FB4];
	_ =	sdelay $0x3  }
0x34: {  	[smem:$0x3FB4] =	sst s10  }
0x35: {  	s10 =	sld [smem:$0x3FB3];
	_ =	sdelay $0x3  }
0x36: {  	p1 =	seq.s32 s10, $0x1;
	s10 =	sld [smem:$0x3FB4];
	_ =	sdelay $0x3  }
0x37: {  	[smem:$0x3FB4] =	sst s10  }
0x38: {  	s10 =	sld [smem:$0x3FB5]  }
0x39: {  	_ = 	snop;
	(pc) =	sbr.ind lr, $3  }
0x3a: {  	_ = 	snop  }
0x3b: {  	_ = 	snop  }
0x3c: {  	p2 =	seq.s32 s10, $0x1;
	s10 =	sld [smem:$0x3FB4]  }
0x3d: {  	_ =	shalt  }
0x3e: {  	_ =	shalt  }
0x3f: {  	_ =	shalt  }
0x40: {  	_ =	shalt  }
0x41: {  	_ =	shalt  }
0x42: {  	_ =	shalt  }
0x43: {  	_ =	shalt  }
0x44: {  	_ =	shalt  }
0x45: {  	_ =	shalt  }
0x46: {  	_ =	shalt  }
0x47: {  	_ =	shalt  }
0x48: {  	_ =	shalt  }
0x49: {  	_ =	shalt  }
0x4a: {  	_ =	shalt  }
0x4b: {  	_ =	shalt  }
0x4c: {  	_ =	shalt  }
0x4d: {  	_ =	shalt  }
0x4e: {  	_ =	shalt  }
0x4f: {  	_ =	shalt  }
0x50: {  	_ =	shalt  }
0x51: {  	_ =	shalt  }
0x52: {  	_ =	shalt  }
0x53: {  	_ =	shalt  }
0x54: {  	_ =	shalt  }
0x55: {  	_ =	shalt  }
0x56: {  	_ =	shalt  }
0x57: {  	_ =	shalt  }
0x58: {  	_ =	shalt  }
0x59: {  	_ =	shalt  }
0x5a: {  	_ =	shalt  }
0x5b: {  	_ =	shalt  }
0x5c: {  	_ =	shalt  }
0x5d: {  	_ =	shalt  }
0x5e: {  	_ =	shalt  }
0x5f: {  	_ =	shalt  }
0x60: {  	_ =	shalt  }
0x61: {  	_ =	shalt  }
0x62: {  	_ =	shalt  }
0x63: {  	_ =	shalt  }
0x64: {  	_ =	shalt  }
0x65: {  	_ =	shalt  }
0x66: {  	_ =	shalt  }
0x67: {  	_ =	shalt  }
0x68: {  	_ =	shalt  }
0x69: {  	_ =	shalt  }
0x6a: {  	_ =	shalt  }
0x6b: {  	_ =	shalt  }
0x6c: {  	_ =	shalt  }
0x6d: {  	_ =	shalt  }
0x6e: {  	_ =	shalt  }
0x6f: {  	_ =	shalt  }
0x70: {  	_ =	shalt  }
0x71: {  	_ =	shalt  }
0x72: {  	_ =	shalt  }
0x73: {  	_ =	shalt  }
0x74: {  	_ =	shalt  }
0x75: {  	_ =	shalt  }
0x76: {  	_ =	shalt  }
0x77: {  	_ =	shalt  }
0x78: {  	_ =	shalt  }
0x79: {  	_ =	shalt  }
0x7a: {  	_ =	shalt  }
0x7b: {  	_ =	shalt  }
0x7c: {  	_ =	shalt  }
0x7d: {  	_ =	shalt  }
0x7e: {  	_ =	shalt  }
0x7f: {  	_ =	shalt  }
0x80: {  	_ =	shalt  }
0x81: {  	_ =	shalt  }
0x82: {  	_ =	shalt  }
0x83: {  	_ =	shalt  }
0x84: {  	_ =	shalt  }
0x85: {  	_ =	shalt  }
0x86: {  	_ =	shalt  }
0x87: {  	_ =	shalt  }
.Lfunc_end0:
.L_simem_size_0:
called_computation.3_lowered:
.L_overlay_start_0:
0x88: {  	s2 =	sld [smem:$0x3FD9]  }
0x89: {  	s3 =	sld [smem:$0x3FFE];
	_ =	sdelay $0x1  }
0x8a: {  	s1 =	srdreg.scid  }
0x8b: {  	s0 =	sand.u32 $0x1, s1  }
0x8c: {  	s17 =	sshll.u32 s0, $0xA;
	s2 =	sadd.s32 s3, s2  }
0x8d: {  	s2 =	sadd.s32 s2, s17  }
0x8e: {  	[smem:$0x3FC0] =	sst s2  }
0x8f: {  	_ = 	snop  }
0x90: {  	s2 =	sld [smem:$0x3FD0];
	(tm) =	ssettm $0x1  }
0x91: {  	s18 =	sld [smem:$0x3FFB];
	_ =	sdelay $0x3  }
0x92: {  	_ =	strace s18  }
0x93: {  	s3 =	sld [smem:$0x3FFC];
	_ =	sdelay $0x3  }
0x94: {  	_ =	strace s3  }
0x95: {  	s3 =	sld [smem:$0x3FFD];
	_ =	sdelay $0x3  }
0x96: {  	_ =	strace s3  }
0x97: {  	_ =	strace $0x8FFFFFFF  }
0x98: {  	s19 =	sld [smem:$0x3FDB];
	_ =	sdelay $0x1  }
0x99: {  	s4 =	simm.s32 $_scs_section_size  }
0x9a: {  	s5 =	simm.s32 $_size__tile_overlayer_lowered;
	s6 =	simm.s32 $_tile_overlayer_lowered  }
0x9b: {  	s22 =	simm.s32 $0x1BFF;
	s21 =	sshll.u32 s6, $0x1;
	s3 =	sadd.s32 s4, s19  }
0x9c: {  	s7 =	simm.s32 $0x0;
	s20 =	sshll.u32 s5, $0x1;
	s5 =	sadd.s32 s21, s3  }
0x9d: {  	[timem:s7], [sflag:s22] =	dma.local [hbm:s5], s20  }
0x9e: {  	_ =	swait.ge [sflag:s22], s20  }
0x9f: {  	s4 =	ssub.s32 $0x0, s20;
	[sflag:s22] =	ssyncset.done $0x0  }
0xa0: {  	[sflag:s22] =	ssyncadd.s32 s4;
	_ =	sdelay $0x1  }
0xa1: {  	s23 =	simm.s32 $0x1B8B  }
0xa2: {  	_ =	swait.ge [sflag:s23], $0x1  }
0xa3: {  	[sflag:s23] =	ssyncset.done $0x0  }
0xa4: {  	s25 =	simm.s32 $0x1B8E;
	s24 =	sld [smem:$0x3FFE];
	[sflag:s23] =	ssyncadd.s32 $0xFFFFFFFF  }
0xa5: {  	s26 =	simm.s32 $execute0_lowered;
	[smem:$0x3FD2] =	sst s25  }
0xa6: {  	s5 =	sshll.u32 s26, $0x1;
	_ =	strace $0x8000004F;
	[dreg:$0x1] =	wrdreg $0xFFFFFFFF  }
0xa7: {  	s28 =	simm.s32 $_size_execute0_lowered;
	s3 =	sadd.s32 s3, s5;
	[dreg:$0x0] =	wrdreg $0x0  }
0xa8: {  	s5 =	sshll.u32 s28, $0x1;
	[dreg:$0x2] =	wrdreg s3  }
0xa9: {  	[dreg:$0x3] =	wrdreg s5  }
0xaa: {  	[dreg:$0x4] =	wrdreg $0xC0  }
0xab: {  	_ =	task [dreg:s7], $0x5FFFF  }
0xac: {  	[dreg:$0x1] =	wrdreg $0xFFFFFFFF  }
0xad: {  	[dreg:$0x0] =	wrdreg $0x60  }
0xae: {  	[dreg:$0x2] =	wrdreg s24  }
0xaf: {  	[dreg:$0x3] =	wrdreg s2  }
0xb0: {  	[dreg:$0x4] =	wrdreg $0x4A000  }
0xb1: {  	[dreg:$0x5] =	wrdreg $0x71800  }
0xb2: {  	[dreg:$0x6] =	wrdreg $0x9  }
0xb3: {  	_ =	task.clear_ibuf [dreg:s7], $0x7FFFF;
	_ =	strace $0x9000004F  }
0xb4: {  	s29 =	simm.s32 $0x9;
	_ =	strace $0x80000051  }
0xb5: {  	_ =	swait.ge [sflag:s29], $0x1  }
0xb6: {  	[sflag:s29] =	ssyncadd.s32 $0xFFFFFFFF  }
0xb7: {  	_ =	strace $0x90000051  }
0xb8: {  	_ =	sfence  }
0xb9: {  	s30 =	sld [smem:$0x0];
	_ =	sdelay $0x2  }
0xba: {  	s31 =	sshll.u32 s1, $0xD;
	s1 =	sshrl.u32 s1, $0x2  }
0xbb: {  	s3 =	sand.u32 $0x4000, s31;
	s1 =	sadd.s32 s1, s30  }
0xbc: {  	s0 =	sor.u32 s3, s0;
	s1 =	sshll.u32 s1, $0x11  }
0xbd: {  	s0 =	sor.u32 s1, s0  }
0xbe: {  	s0 =	sadd.s32 $0x8F2B, s0  }
0xbf: {  	[sflag:s0] =	ssyncadd.remote.s32 $0x1  }
0xc0: {  	_ =	sfence.sel $0xFFFF  }
0xc1: {  	[dreg:$0x0] =	wrdreg $0xFFFFFFFF;
	(pc) =	sbr.abs _section_cstart, $3  }
0xc2: {  	[dreg:$0x1] =	wrdreg $0xFFFFFFFF  }
0xc3: {  	_ =	task.clear_ibuf [dreg:s7], $0x2FFFF;
	_ =	strace $0x9FFFFFFF  }
0xc4: {  	(tm) =	ssettm $0x7FFFFFFF  }
0xc5: {  	_ =	shalt  }
tec
execute0_lowered:
.L_overlay_start_1:
0x0: {  	(tag) =	ssettag $0x1  }
0x1: {  	s0 =	rddreg [dreg:$0x0]  }
0x2: {  	s2 =	rddreg [dreg:$0x2]  }
0x3: {  	s3 =	rddreg [dreg:$0x3]  }
0x4: {  	s4 =	srdreg.scid;
	s5 =	simm.s32 $0x0;
	s1 =	stileid.u32  }
0x5: {  	s12 =	simm.s32 $0x4;
	s14 =	simm.s32 $0x2800;
	s15 =	simm.s32 $0x80  }
0x6: {  	s16 =	simm.s32 $0x2A00;
	s18 =	simm.s32 $0x2880;
	s19 =	simm.s32 $0x3200  }
0x7: {  	s21 =	simm.s32 $0x3;
	s22 =	simm.s32 $0x1;
	s23 =	simm.s32 $0x2900  }
0x8: {  	s28 =	simm.s32 $0x4200;
	s29 =	simm.s32 $0x2;
	s30 =	simm.s32 $0x0  }
0x9: {  	s4 =	sand.u32 $0x1, s4;
	[smem:$0x7FF] =	sst s5;
	s8 =	smul.u32 $0x2780, s1  }
0xa: {  	s26 =	sshll.u32 s1, $0x6;
	s6 =	sshll.u32 s4, $0x4;
	_ =	strace $0x80000050  }
0xb: {  	s7 =	smul.u32 $0x4F00, s4;
	s4 =	ssub.s32 $0x2, s4;
	s6 =	sor.u32 s1, s6  }
0xc: {  	s24 =	sshrl.u32 s8, $0x3;
	s25 =	sshrl.u32 s4, $0x1;
	s11 =	sadd.s32 s8, s2  }
0xd: {  	s13 =	sadd.s32 s8, s3;
	s6 =	smul.u32 $0x500, s6;
	s9 =	sadd.s32 s24, s0  }
0xe: {  	s4 =	ssub.s32 s4, s25;
	s11 =	sshrl.u32 s11, $0x3;
	s13 =	sshrl.u32 s13, $0x3  }
.Ltmp0:
0xf: {  	s25 =	simm.s32 $0x3A00;
	s31 =	sadd.s32 $0xC200, s9;
	(pc) =	sbr.rel .LBB2_1-.Ltmp0, $4  }
0x10: {  	s10 =	sadd.s32 s6, s0;
	s0 =	sadd.s32 s7, s0;
	[dreg:$0x5] =	wrdreg s31  }
0x11: {  	s7 =	sor.u32 $0x1C04, s26;
	s26 =	simm.s32 $0x2980;
	s8 =	sadd.s32 $0x11400, s10  }
0x12: {  	s9 =	sadd.s32 $0x2200, s10;
	s0 =	sadd.s32 $0x1B400, s0;
	s10 =	smax.u32 s4, $0x1  }
0x13: {  	s17 =	sadd.s32 $0x10, s9;
	s20 =	sadd.s32 $0x50, s9;
	s24 =	sadd.s32 s24, s0  }
.LBB2_4:
0x14: {  	_ =	swait.ge [sflag:s21], $0x80  }
0x15: {  	[sflag:s21] =	ssyncset.done $0x0  }
0x16: {  	[sflag:s21] =	ssyncadd.s32 $0xFFFFFF80  }
0x17: {  	_ =	swait.ge [sflag:s22], $0x800  }
0x18: {  	[sflag:s22] =	ssyncset.done $0x0  }
0x19: {  	[sflag:s22] =	ssyncadd.s32 $0xFFFFF800  }
0x1a: {  	[spmem:s3] =	stream.indirect.scatter.add.f32 [tilespmem:s28], [sflag:$0x2], $0x10, s26, s15, $0xb8;
	[tilespmem:$0x9900] =	vst v63  }
0x1b: {  	_ =	swait.ge [sflag:s29], $0x800  }
0x1c: {  	[sflag:s29] =	ssyncset.done $0x0  }
0x1d: {  	[sflag:s29] =	ssyncadd.s32 $0xFFFFF800  }
0x1e: {  	_ =	swait.ge [sflag:s29], $0x800  }
0x1f: {  	[sflag:s29] =	ssyncset.done $0x0  }
0x20: {  	[sflag:s29] =	ssyncadd.s32 $0xFFFFF800  }
0x21: {  	_ =	swait.ge [sflag:s29], $0x800  }
0x22: {  	s30 =	sadd.s32 $0x1, s30;
	[sflag:s29] =	ssyncset.done $0x0  }
0x23: {  	p0 =	sne.s32 s30, s10;
	[sflag:s29] =	ssyncadd.s32 $0xFFFFF800  }
.Ltmp1:
0x24: {  	[bflag:$0x0] =	sbarrier.arrive $0xFFFF;
	(pc) =	sbr.rel @!p0 .LBB2_5-.Ltmp1, $4  }
0x25: {  	[hbm:s24], [sflag:s7] =	dma.local [spmem:s13], $0x4F0  }
0x26: {  	_ =	swait.ge [sflag:s12], $0x4F0  }
0x27: {  	[sflag:s12] =	ssyncset.done $0x0  }
0x28: {  	[sflag:s12] =	ssyncadd.s32 $0xFFFFFB10  }
.LBB2_1:
0x29: {  	s0 =	rddreg [dreg:$0x5]  }
0x2a: {  	[spmem:s11], [sflag:s7] =	dma.local [hbm:s0], $0x4F0  }
0x2b: {  	_ =	swait.ge [sflag:s12], $0x4F0  }
0x2c: {  	[sflag:s12] =	ssyncset.done $0x0  }
0x2d: {  	[sflag:s12] =	ssyncadd.s32 $0xFFFFFB10  }
0x2e: {  	s6 =	rddreg [dreg:$0x1]  }
0x2f: {  	[spmem:s13], [sflag:s7] =	dma.local [hbm:s6], $0x4F0  }
0x30: {  	_ =	swait.ge [sflag:s12], $0x4F0  }
0x31: {  	[sflag:s12] =	ssyncset.done $0x0  }
0x32: {  	[sflag:s12] =	ssyncadd.s32 $0xFFFFFB10  }
0x33: {  	[tilespmem:s5], [sflag:$0x4] =	stream.linear.gather [hbm4b:s8+s5], $0x2800, $0x38;
	[tilespmem:$0x9900] =	vst v63  }
0x34: {  	_ =	swait.ge [sflag:s12], $0x2800  }
0x35: {  	[sflag:s12] =	ssyncset.done $0x0  }
0x36: {  	[sflag:s12] =	ssyncadd.s32 $0xFFFFD800  }
0x37: {  	[bflag:$0x0] =	sbarrier.arrive $0xFFFF  }
0x38: {  	[tilespmem:s14], [sflag:$0x3] =	stream.linear.gather [hbm4b:s9+s5], $0x80, $0x38;
	[tilespmem:$0x9900] =	vst v63  }
0x39: {  	_ = 	snop  }
0x3a: {  	[tilespmem:s16], [sflag:$0x1] =	stream.indirect.gather [spmem:s2], $0x10, s5, s15, $0xb8;
	[tilespmem:$0x9900] =	vst v63  }
0x3b: {  	_ = 	snop  }
0x3c: {  	[tilespmem:s18], [sflag:$0x3] =	stream.linear.gather [hbm4b:s17+s5], $0x80, $0x38;
	[tilespmem:$0x9900] =	vst v63  }
0x3d: {  	s31 =	smov.u32 s20;
	s0 =	simm.s32 $0x0  }
0x3e: {  	[tilespmem:s19], [sflag:$0x1] =	stream.indirect.gather [spmem:s2], $0x10, s15, s15, $0xb8;
	[tilespmem:$0x9900] =	vst v63  }
.LBB2_2:
0x3f: {  	_ =	swait.ge [sflag:s21], $0x80  }
0x40: {  	[sflag:s21] =	ssyncset.done $0x0  }
0x41: {  	[sflag:s21] =	ssyncadd.s32 $0xFFFFFF80  }
0x42: {  	_ =	swait.ge [sflag:s22], $0x800  }
0x43: {  	p0 =	seq.s32 s0, $0x0;
	[sflag:s22] =	ssyncset.done $0x0  }
0x44: {  	s1 =	simm.s32 @!p0 $0x2;
	[sflag:s22] =	ssyncadd.s32 $0xFFFFF800  }
0x45: {  	[spmem:s3] =	stream.indirect.scatter.add.f32 [tilespmem:s16], [sflag:$0x2], $0x10, s14, s15, $0xb8;
	[tilespmem:$0x9900] =	vst v63  }
0x46: {  	_ =	swait.ge @!p0 [sflag:s1], $0x800  }
0x47: {  	[sflag:s1] =	ssyncset.done @!p0 $0x0  }
0x48: {  	s4 =	sadd.s32 $0xFFFFFFD0, s31;
	[sflag:s1] =	ssyncadd.s32 @!p0 $0xFFFFF800  }
0x49: {  	[tilespmem:s23], [sflag:$0x3] =	stream.linear.gather [hbm4b:s4+s5], $0x80, $0x38;
	[tilespmem:$0x9900] =	vst v63  }
0x4a: {  	s4 =	sshra.s32 s0, $0x2  }
0x4b: {  	s6 =	sadd.s32 $0x100, s4  }
0x4c: {  	[tilespmem:s25], [sflag:$0x1] =	stream.indirect.gather [spmem:s2], $0x10, s6, s15, $0xb8;
	[tilespmem:$0x9900] =	vst v63  }
0x4d: {  	_ =	swait.ge [sflag:s21], $0x80  }
0x4e: {  	[sflag:s21] =	ssyncset.done $0x0  }
0x4f: {  	[sflag:s21] =	ssyncadd.s32 $0xFFFFFF80  }
0x50: {  	_ =	swait.ge [sflag:s22], $0x800  }
0x51: {  	[sflag:s22] =	ssyncset.done $0x0  }
0x52: {  	[sflag:s22] =	ssyncadd.s32 $0xFFFFF800  }
0x53: {  	[spmem:s3] =	stream.indirect.scatter.add.f32 [tilespmem:s19], [sflag:$0x2], $0x10, s18, s15, $0xb8;
	[tilespmem:$0x9900] =	vst v63  }
0x54: {  	_ =	swait.ge @!p0 [sflag:s1], $0x800  }
0x55: {  	[sflag:s1] =	ssyncset.done @!p0 $0x0  }
0x56: {  	s6 =	sadd.s32 $0xFFFFFFE0, s31;
	[sflag:s1] =	ssyncadd.s32 @!p0 $0xFFFFF800  }
0x57: {  	[tilespmem:s26], [sflag:$0x3] =	stream.linear.gather [hbm4b:s6+s5], $0x80, $0x38;
	[tilespmem:$0x9900] =	vst v63  }
0x58: {  	s6 =	sadd.s32 $0x180, s4  }
0x59: {  	[tilespmem:s28], [sflag:$0x1] =	stream.indirect.gather [spmem:s2], $0x10, s6, s15, $0xb8;
	[tilespmem:$0x9900] =	vst v63  }
0x5a: {  	_ =	swait.ge [sflag:s21], $0x80  }
0x5b: {  	[sflag:s21] =	ssyncset.done $0x0  }
0x5c: {  	[sflag:s21] =	ssyncadd.s32 $0xFFFFFF80  }
0x5d: {  	_ =	swait.ge [sflag:s22], $0x800  }
0x5e: {  	p0 =	seq.s32 s0, $0x9800;
	[sflag:s22] =	ssyncset.done $0x0  }
.Ltmp2:
0x5f: {  	[sflag:s22] =	ssyncadd.s32 $0xFFFFF800;
	(pc) =	sbr.rel @p0 .LBB2_4-.Ltmp2, $4  }
0x60: {  	[spmem:s3] =	stream.indirect.scatter.add.f32 [tilespmem:s25], [sflag:$0x2], $0x10, s23, s15, $0xb8;
	[tilespmem:$0x9900] =	vst v63  }
0x61: {  	_ =	swait.ge [sflag:s29], $0x800  }
0x62: {  	[sflag:s29] =	ssyncset.done $0x0  }
0x63: {  	[sflag:s29] =	ssyncadd.s32 $0xFFFFF800  }
0x64: {  	s1 =	sadd.s32 $0xFFFFFFF0, s31  }
0x65: {  	[tilespmem:s14], [sflag:$0x3] =	stream.linear.gather [hbm4b:s1+s5], $0x80, $0x38;
	[tilespmem:$0x9900] =	vst v63  }
0x66: {  	s6 =	sadd.s32 $0x200, s4  }
0x67: {  	[tilespmem:s16], [sflag:$0x1] =	stream.indirect.gather [spmem:s2], $0x10, s6, s15, $0xb8;
	[tilespmem:$0x9900] =	vst v63  }
0x68: {  	_ =	swait.ge [sflag:s21], $0x80  }
0x69: {  	[sflag:s21] =	ssyncset.done $0x0  }
0x6a: {  	[sflag:s21] =	ssyncadd.s32 $0xFFFFFF80  }
0x6b: {  	_ =	swait.ge [sflag:s22], $0x800  }
0x6c: {  	[sflag:s22] =	ssyncset.done $0x0  }
0x6d: {  	[sflag:s22] =	ssyncadd.s32 $0xFFFFF800  }
0x6e: {  	[spmem:s3] =	stream.indirect.scatter.add.f32 [tilespmem:s28], [sflag:$0x2], $0x10, s26, s15, $0xb8;
	[tilespmem:$0x9900] =	vst v63  }
0x6f: {  	_ =	swait.ge [sflag:s29], $0x800  }
.Ltmp3:
0x70: {  	[sflag:s29] =	ssyncset.done $0x0;
	(pc) =	sbr.rel .LBB2_2-.Ltmp3, $4  }
0x71: {  	[sflag:s29] =	ssyncadd.s32 $0xFFFFF800  }
0x72: {  	[tilespmem:s18], [sflag:$0x3] =	stream.linear.gather [hbm4b:s31+s5], $0x80, $0x38;
	[tilespmem:$0x9900] =	vst v63  }
0x73: {  	s0 =	sadd.s32 $0x800, s0;
	s6 =	sadd.s32 $0x280, s4;
	s31 =	sadd.s32 $0x40, s31  }
0x74: {  	[tilespmem:s19], [sflag:$0x1] =	stream.indirect.gather [spmem:s2], $0x10, s6, s15, $0xb8;
	[tilespmem:$0x9900] =	vst v63  }
.LBB2_5:
0x75: {  	_ =	sfence.sel $0x180000  }
0x76: {  	[bflag:$0x0] =	sbarrier.arrive $0xFFFF  }
0x77: {  	_ =	strace $0x90000050  }
0x78: {  	s0 =	stileid.u32;
	[bflag:$0x2] =	sbarrier.arrive $0xFFFF  }
0x79: {  	p0 =	sne.s32 s0, $0x0;
	s0 =	rddreg [dreg:$0x4]  }
0x7a: {  	s0 =	sadd.s32 @!p0 $0x100000, s0  }
0x7b: {  	[sflag:s0] =	ssyncadd.tile.s32 @!p0 $0x1;
	_ =	shalt  }
.Lfunc_end2:
_tile_overlayer_lowered:
.L_overlay_start_2:
0x7c: {  	(tag) =	ssettag $0x2  }
0x7d: {  	s0 =	rddreg [dreg:$0x0];
	s2 =	stileid.u32  }
0x7e: {  	s1 =	rddreg [dreg:$0x1];
	p0 =	sne.s32 s2, $0x0  }
0x7f: {  	s3 =	rddreg [dreg:$0x2];
	[bflag:$0x3] =	sbarrier.arrive $0xFFFF;
	s2 =	simm.s32 @!p0 $0x1C04  }
0x80: {  	[timem:s3], [sflag:s2] =	dma.local @!p0 [hbm:s0], s1  }
0x81: {  	s0 =	simm.s32 @!p0 $0x4  }
0x82: {  	_ =	swait.ge @!p0 [sflag:s0], s1  }
0x83: {  	s1 =	ssub.s32 @!p0 $0x0, s1;
	[sflag:s0] =	ssyncset.done @!p0 $0x0  }
0x84: {  	[sflag:s0] =	ssyncadd.s32 @!p0 s1  }
0x85: {  	[bflag:$0x3] =	sbarrier.arrive $0xFFFF  }
0x86: {  	_ =	shalt  }

</sc_bundles>
